<compile_context>
chip_gen: v7x
topology: tpu7x:2x2x1
jax: 0.10.2.dev20260603
libtpu: 0.0.44.dev20260713+nightly
codegen_flags: <defaults>
</compile_context>

<pallas_src>
import functools

import jax
import jax.numpy as jnp
from jax import lax
from jax.experimental import pallas as pl
from jax.experimental.pallas import tpu as pltpu
from jax.experimental.pallas import tpu_sc as plsc

N = 10000
E = 640000
B = 50
NPG = 200
R = 2000
NB = N // R
NC = 2
NS = 16
NW = NC * NS
K = 128
ITERS = 160
EPW = K * ITERS
EPAD = NW * EPW
NPAD = 10240
RPT = NPAD // NS


def _mesh():
    return plsc.VectorSubcoreMesh(core_axis_name="c", subcore_axis_name="s",
                                  num_cores=NC, num_subcores=NS)


@functools.cache
def _sc_degree():
    @functools.partial(
        pl.kernel,
        out_type=jax.ShapeDtypeStruct((NW, NPAD), jnp.float32),
        mesh=_mesh(),
        compiler_params=pltpu.CompilerParams(needs_layout_passes=False),
        scratch_types=[
            pltpu.VMEM((NPAD,), jnp.float32),
            pltpu.VMEM((EPW,), jnp.int32),
        ],
    )
    def deg_kernel(col_hbm, out_hbm, deg_v, cols_v):
        c = lax.axis_index("c")
        s = lax.axis_index("s")
        wid = c * NS + s

        def zero(i, carry):
            deg_v[pl.ds(i * 16, 16)] = jnp.zeros((16,), jnp.float32)
            return carry

        lax.fori_loop(0, NPAD // 16, zero, 0)
        st = pl.multiple_of(wid * EPW, 8)
        pltpu.sync_copy(col_hbm.at[pl.ds(st, EPW)], cols_v)

        def it(j, carry):
            idx = cols_v[pl.ds(j * 16, 16)]
            cnt, last = plsc.scan_count(idx)
            plsc.addupdate_scatter(deg_v, [idx], cnt.astype(jnp.float32),
                                   mask=last)
            return carry

        lax.fori_loop(0, EPW // 16, it, 0)
        pltpu.sync_copy(deg_v, out_hbm.at[wid])

    return deg_kernel


CNT0 = 224
CNT1 = 96
GBUF = 4
IBUF = 8
GLOOK = 2
ILOOK = 4


@functools.cache
def _sc_layer(w):
    @functools.partial(
        pl.kernel,
        out_type=jax.ShapeDtypeStruct((NC, NPAD, w), jnp.float32),
        mesh=_mesh(),
        compiler_params=pltpu.CompilerParams(needs_layout_passes=False,
                                             use_tc_tiling_on_sc=False),
        scratch_types=[
            pltpu.VMEM_SHARED((NPAD, w), jnp.float32),
            pltpu.VMEM((IBUF, 2, K), jnp.int32),
        ] + [pltpu.VMEM((K, w), jnp.float32) for _ in range(GBUF)]
          + [pltpu.SemaphoreType.DMA for _ in range(2 * GBUF + 4)],
    )
    def layer_kernel(rcm_hbm, table_hbm, zeros_hbm, out_hbm,
                     acc, iring, *bufs_sems):
        bufs = bufs_sems[:GBUF]
        gsem = bufs_sems[GBUF:2 * GBUF]
        ssem = bufs_sems[2 * GBUF:3 * GBUF]
        isem = bufs_sems[3 * GBUF:]
        c = lax.axis_index("c")
        s = lax.axis_index("s")
        r0 = s * RPT
        cnt = lax.select(c == 0, CNT0, CNT1)

        def wait_rows(sem, b):
            pltpu.make_async_copy(
                table_hbm.at[iring.at[0, 0]], bufs[b], sem).wait()

        pltpu.sync_copy(zeros_hbm, acc.at[pl.ds(r0, RPT)])
        cb = pl.multiple_of(s * 2 * ITERS + lax.select(c == 0, 0, CNT0), 8)
        pltpu.sync_copy(rcm_hbm.at[pl.ds(cb, IBUF)], iring)
        plsc.subcore_barrier()
        for b in range(GLOOK):
            pltpu.async_copy(table_hbm.at[iring.at[b, 0]], bufs[b], gsem[b])

        def group(g, carry):
            for b8 in range(IBUF):
                i = g * IBUF + b8
                b = b8 % GBUF
                wait_rows(gsem[b], b)
                pltpu.async_copy(bufs[b], acc.at[iring.at[b8, 1]], ssem[b],
                                 add=True)

                @pl.when(jnp.logical_and(i + ILOOK < cnt,
                                         i + ILOOK >= IBUF))
                def _prefetch_idx():
                    pltpu.async_copy(
                        rcm_hbm.at[pl.ds(cb + i + ILOOK, 1)],
                        iring.at[pl.ds((b8 + ILOOK) % IBUF, 1)],
                        isem[(b8 + ILOOK) % 4])

                nxt = i + GLOOK
                bn = (b8 + GLOOK) % GBUF
                nb8 = (b8 + GLOOK) % IBUF

                @pl.when(nxt < cnt)
                def _next_gather():
                    @pl.when(i >= GLOOK)
                    def _wait_scatter():
                        wait_rows(ssem[bn], bn)

                    @pl.when(nxt >= IBUF)
                    def _wait_idx():
                        pltpu.make_async_copy(
                            rcm_hbm.at[pl.ds(cb, 1)],
                            iring.at[pl.ds(nb8, 1)], isem[nb8 % 4]).wait()
                    pltpu.async_copy(
                        table_hbm.at[iring.at[nb8, 0]], bufs[bn], gsem[bn])
            return carry

        lax.fori_loop(0, cnt // IBUF, group, 0)
        for b in range(GBUF):
            wait_rows(ssem[b], b)
        plsc.subcore_barrier()
        pltpu.sync_copy(acc.at[pl.ds(r0, RPT)], out_hbm.at[c, pl.ds(r0, RPT)])

    return layer_kernel


def _dot(a, b):
    return lax.dot_general(a, b, (((1,), (0,)), ((), ())),
                           preferred_element_type=jnp.float32)


def _elu(v):
    return jnp.where(v > 0, v, jnp.exp(v) - 1.0)


def _dot_hi(a, b):
    return lax.dot_general(a, b, (((1,), (0,)), ((), ())),
                           preferred_element_type=jnp.float32,
                           precision=lax.Precision.HIGHEST)


def _combine(w, agg, heads, hd):
    oc = heads * hd
    ie = lax.broadcasted_iota(jnp.int32, (heads * 4, oc), 0)
    je = lax.broadcasted_iota(jnp.int32, (heads * 4, oc), 1)
    it = lax.broadcasted_iota(jnp.int32, (4 * hd, oc), 0)
    jt = lax.broadcasted_iota(jnp.int32, (4 * hd, oc), 1)
    s = None
    for b in range(4):
        eb = ((je // hd) * 4 + b == ie).astype(jnp.float32)
        tb = (b * hd + jt % hd == it).astype(jnp.float32)
        t = _dot_hi(w, eb) * _dot_hi(agg, tb)
        s = t if s is None else s + t
    return s


def _tc_pre_body(x_r, wn_r, bn_r, wb_r, wc_r, bc_r, degp_r,
                 table1_o, w1_o, dinv8_o):
    deg = _dot(degp_r[...], jnp.ones((NW, 1), jnp.float32)) + 1.0
    dinv = jnp.where(deg > 0, lax.rsqrt(jnp.maximum(deg, 1e-12)), 0.0)
    h0 = _elu(_dot(x_r[...], wn_r[...]) + bn_r[...])
    scaled1 = _dot(h0, wb_r[...]) * dinv
    table1_o[...] = scaled1
    w1_o[...] = _dot(h0, wc_r[...]) + bc_r[...]
    dinv8_o[...] = jnp.broadcast_to(dinv, (R, 8))


def _tc_mid_body(s1_r, table1_r, w1_r, dinv8_r, bias1_r,
                 wb2_r, wc2_r, bc2_r, table2_o, w2_o):
    dinv = dinv8_r[:, 0:1]
    agg = (s1_r[0] + s1_r[1] + table1_r[...]) * dinv
    h1 = _elu(_combine(w1_r[...], agg, 8, 16) + bias1_r[...])
    scaled2 = _dot(h1, wb2_r[...]) * dinv
    table2_o[...] = scaled2
    w2_o[...] = _dot(h1, wc2_r[...]) + bc2_r[...]


def _tc_post_body(s2_r, table2_r, w2_r, dinv8_r, bias2_r, ze_r,
                  wah_r, waz_r, ba_r, wfcg_r, bfcg_r, wfccg_r, bfccg_r,
                  za_o, zc_o, h_o, za_acc, zc_acc):
    i = pl.program_id(0)
    dinv = dinv8_r[:, 0:1]
    agg = (s2_r[0] + s2_r[1] + table2_r[...]) * dinv
    h2 = _elu(_combine(w2_r[...], agg, 8, 8) + bias2_r[...])
    nrm = jnp.sqrt(jnp.sum(h2 * h2, axis=1, keepdims=True))
    h = h2 / jnp.maximum(nrm, 1e-12)
    h_o[...] = h
    gcol = (lax.broadcasted_iota(jnp.int32, (B, R), 1) + i * R) // NPG
    grow = lax.broadcasted_iota(jnp.int32, (B, R), 0)
    sg = (gcol == grow).astype(jnp.float32)
    gnode = (lax.broadcasted_iota(jnp.int32, (R, B), 0) + i * R) // NPG
    gcol2 = lax.broadcasted_iota(jnp.int32, (R, B), 1)
    sgt = (gnode == gcol2).astype(jnp.float32)
    a = _dot(h, wah_r[...]) + _dot(sgt, _dot(ze_r[...], waz_r[...])) \
        + ba_r[...] + 1e-16
    e = jnp.exp(a - jnp.max(a))
    ssum = _dot(sg, e)
    denom = _dot(sgt, ssum)
    attn = e / denom
    za_part = _dot(sg, h)
    zc_part = _dot(sg, attn * h)

    @pl.when(i == 0)
    def _init():
        za_acc[...] = za_part
        zc_acc[...] = zc_part

    @pl.when(i > 0)
    def _accum():
        za_acc[...] += za_part
        zc_acc[...] += zc_part

    @pl.when(i == pl.num_programs(0) - 1)
    def _finalize():
        za_o[...] = _dot(za_acc[...], wfcg_r[...]) + bfcg_r[...]
        zc_o[...] = _dot(zc_acc[...], wfccg_r[...]) + bfccg_r[...]


def _f32(shape):
    return jax.ShapeDtypeStruct(shape, jnp.float32)


def _full(shape):
    return pl.BlockSpec(shape, lambda i: tuple(0 for _ in shape))


def _build_tc_pre(interpret=False):
    return pl.pallas_call(
        _tc_pre_body,
        grid=(NB,),
        in_specs=[
            pl.BlockSpec((R, 128), lambda i: (i, 0)),
            _full((128, 128)), _full((1, 128)),
            _full((128, 64)), _full((128, 32)), _full((1, 32)),
            pl.BlockSpec((R, NW), lambda i: (i, 0)),
        ],
        out_specs=[
            pl.BlockSpec((R, 64), lambda i: (i, 0)),
            pl.BlockSpec((R, 32), lambda i: (i, 0)),
            pl.BlockSpec((R, 8), lambda i: (i, 0)),
        ],
        out_shape=[_f32((N, 64)), _f32((N, 32)), _f32((N, 8))],
        interpret=interpret)


def _build_tc_mid(interpret=False):
    return pl.pallas_call(
        _tc_mid_body,
        grid=(NB,),
        in_specs=[
            pl.BlockSpec((2, R, 64), lambda i: (0, i, 0)),
            pl.BlockSpec((R, 64), lambda i: (i, 0)),
            pl.BlockSpec((R, 32), lambda i: (i, 0)),
            pl.BlockSpec((R, 8), lambda i: (i, 0)),
            _full((1, 128)),
            _full((128, 32)), _full((128, 32)), _full((1, 32)),
        ],
        out_specs=[
            pl.BlockSpec((R, 32), lambda i: (i, 0)),
            pl.BlockSpec((R, 32), lambda i: (i, 0)),
        ],
        out_shape=[_f32((N, 32)), _f32((N, 32))],
        interpret=interpret)


def _build_tc_post(interpret=False):
    return pl.pallas_call(
        _tc_post_body,
        grid=(NB,),
        in_specs=[
            pl.BlockSpec((2, R, 32), lambda i: (0, i, 0)),
            pl.BlockSpec((R, 32), lambda i: (i, 0)),
            pl.BlockSpec((R, 32), lambda i: (i, 0)),
            pl.BlockSpec((R, 8), lambda i: (i, 0)),
            _full((1, 64)),
            _full((B, 16)),
            _full((64, 1)), _full((16, 1)), _full((1, 1)),
            _full((64, 32)), _full((1, 32)),
            _full((64, 32)), _full((1, 32)),
        ],
        out_specs=[
            _full((B, 32)),
            _full((B, 32)),
            pl.BlockSpec((R, 64), lambda i: (i, 0)),
        ],
        out_shape=[_f32((B, 32)), _f32((B, 32)), _f32((N, 64))],
        scratch_shapes=[pltpu.VMEM((B, 64), jnp.float32),
                        pltpu.VMEM((B, 64), jnp.float32)],
        interpret=interpret)


_tc_pre = _build_tc_pre()
_tc_mid = _build_tc_mid()
_tc_post = _build_tc_post()


def kernel(x, edge_index, batch, n_atoms, z_e, W_nfc, b_nfc, W_bases1,
           W_comb1, b_comb1, bias1, W_bases2, W_comb2, b_comb2, bias2,
           W_attn, b_attn, W_fcg, b_fcg, W_fccg, b_fccg):
    pad = EPAD - E
    row = jnp.concatenate([edge_index[0], jnp.zeros((pad,), jnp.int32)])
    col = jnp.concatenate([edge_index[1],
                           jnp.full((pad,), NPAD - 1, jnp.int32)])
    zeros64 = jnp.zeros((RPT, 64), jnp.float32)
    zeros32 = jnp.zeros((RPT, 32), jnp.float32)

    rcm = jnp.stack([row.reshape(NW * ITERS, K),
                     col.reshape(NW * ITERS, K)], axis=1)
    degp = _sc_degree()(col)
    table1, w1, dinv8 = _tc_pre(
        x, W_nfc, b_nfc.reshape(1, -1), W_bases1, W_comb1,
        b_comb1.reshape(1, -1), degp[:, :N].T)

    s1 = _sc_layer(64)(rcm, table1, zeros64)
    table2, w2 = _tc_mid(
        s1[:, :N], table1, w1, dinv8, bias1.reshape(1, -1),
        W_bases2, W_comb2, b_comb2.reshape(1, -1))

    s2 = _sc_layer(32)(rcm, table2, zeros32)
    z_a, z_c, h = _tc_post(
        s2[:, :N], table2, w2, dinv8, bias2.reshape(1, -1),
        z_e, W_attn[:64], W_attn[64:], b_attn.reshape(1, 1),
        W_fcg, b_fcg.reshape(1, -1), W_fccg, b_fccg.reshape(1, -1))
    return (z_a, z_c, h)

# --- scband reference (transcript-rebuilt; emitter-appended) ---
"""Pipeline reference for scband-egc-28991029248649 (READ-ONLY COPY).

The authoritative reference and input builder live on the scoring server;
editing this copy changes nothing except your own understanding.
"""

import jax, jax.numpy as jnp
import numpy as np

N_NODES = 10000
N_EDGES = 640000
N_FEATS = 128
DIM_STATE = 16
DIM_OUT = 32
B = 50
NPG = N_NODES // B
HEADS = 8
NBASES = 4

def _k(i):
    return jax.random.fold_in(jax.random.key(0), i)

def _lin(i, fi, fo):
    W = (jax.random.normal(_k(i), (fi, fo), dtype=jnp.float32) / np.sqrt(fi)).astype(jnp.float32)
    b = jnp.zeros((fo,), dtype=jnp.float32)
    return W, b

def setup_inputs():
    inp = {}
    inp["x"] = jax.random.normal(_k(1), (N_NODES, N_FEATS), dtype=jnp.float32)
    inp["edge_index"] = jax.random.randint(_k(2), (2, N_EDGES), 0, N_NODES, dtype=jnp.int32)
    inp["batch"] = jnp.repeat(jnp.arange(B, dtype=jnp.int32), NPG)
    inp["n_atoms"] = jnp.full((B, 1), NPG, dtype=jnp.int32)
    inp["z_e"] = jax.random.normal(_k(3), (B, DIM_STATE), dtype=jnp.float32)
    inp["W_nfc"], inp["b_nfc"] = _lin(10, N_FEATS, 128)
    inp["W_bases1"] = (jax.random.normal(_k(11), (128, (128 // HEADS) * NBASES), dtype=jnp.float32) / np.sqrt(128)).astype(jnp.float32)
    inp["W_comb1"], inp["b_comb1"] = _lin(12, 128, HEADS * NBASES)
    inp["bias1"] = jnp.zeros((128,), dtype=jnp.float32)
    inp["W_bases2"] = (jax.random.normal(_k(13), (128, (64 // HEADS) * NBASES), dtype=jnp.float32) / np.sqrt(128)).astype(jnp.float32)
    inp["W_comb2"], inp["b_comb2"] = _lin(14, 128, HEADS * NBASES)
    inp["bias2"] = jnp.zeros((64,), dtype=jnp.float32)
    inp["W_attn"], inp["b_attn"] = _lin(15, 64 + DIM_STATE, 1)
    inp["W_fcg"], inp["b_fcg"] = _lin(16, 64, DIM_OUT)
    inp["W_fccg"], inp["b_fccg"] = _lin(17, 64, DIM_OUT)
    return inp

def _egconv(x, edge_index, Wb, Wc, bc, bias, out_ch):
    # PyG EGConv with aggregators=['symnorm'], num_heads=8, num_bases=4, add_self_loops=True
    N = x.shape[0]
    loop = jnp.arange(N, dtype=edge_index.dtype)
    row = jnp.concatenate([edge_index[0], loop])
    col = jnp.concatenate([edge_index[1], loop])
    deg = jnp.zeros((N,), dtype=jnp.float32).at[col].add(1.0)
    dinv = jnp.where(deg > 0, jax.lax.rsqrt(jnp.maximum(deg, 1e-12)), 0.0)
    norm = dinv[row] * dinv[col]
    bases = x @ Wb
    weightings = x @ Wc + bc
    msg = bases[row] * norm[:, None]
    agg = jnp.zeros((N, bases.shape[1]), dtype=jnp.float32).at[col].add(msg)
    agg = agg.reshape(N, NBASES, out_ch // HEADS)
    w = weightings.reshape(N, HEADS, NBASES)
    out = jnp.einsum('nhb,nbd->nhd', w, agg).reshape(N, out_ch)
    return out + bias

def _seg_softmax(a, seg, num_segments):
    m = jax.ops.segment_max(a, seg, num_segments=num_segments)
    e = jnp.exp(a - m[seg])
    s = jax.ops.segment_sum(e, seg, num_segments=num_segments)
    return e / s[seg]

def reference(x, edge_index, batch, n_atoms, z_e, W_nfc, b_nfc, W_bases1, W_comb1, b_comb1, bias1, W_bases2, W_comb2, b_comb2, bias2, W_attn, b_attn, W_fcg, b_fcg, W_fccg, b_fccg):
    h = jax.nn.elu(x @ W_nfc + b_nfc)
    h = jax.nn.elu(_egconv(h, edge_index, W_bases1, W_comb1, b_comb1, bias1, 128))
    h = jax.nn.elu(_egconv(h, edge_index, W_bases2, W_comb2, b_comb2, bias2, 64))
    h = h / jnp.maximum(jnp.linalg.norm(h, axis=1, keepdims=True), 1e-12)
    z_a = jax.ops.segment_sum(h, batch, num_segments=B) @ W_fcg + b_fcg
    # repeat_interleave(z_e, n_atoms) == z_e[batch] since batch ids are contiguous
    h_ec = jnp.concatenate([h, z_e[batch]], axis=1)
    attns = _seg_softmax(h_ec @ W_attn + b_attn + 1e-16, batch, B)
    z_c = jax.ops.segment_sum(attns * h, batch, num_segments=B) @ W_fccg + b_fccg
    return (z_a, z_c, h)

if __name__ == "__main__":
    import jax
    _d = setup_inputs()
    print(jax.jit(kernel)(*tuple(_d.values())))

</pallas_src>

<mosaic_0001>
#map = affine_map<(d0, d1) -> (0)>
#map1 = affine_map<(d0, d1) -> (0, 0)>
module attributes {stable_mosaic.version = 14 : i64} {
  func.func @deg_kernel(%arg0: i32, %arg1: i32, %arg2: memref<655360xi32, #tpu.memory_space<hbm>>, %arg3: memref<32x10240xf32, #tpu.memory_space<hbm>>, %arg4: memref<10240xf32, #tpu.memory_space<vmem>>, %arg5: memref<20480xi32, #tpu.memory_space<vmem>>) attributes {dimension_semantics = [#tpu.dimension_semantics<core_parallel>, #tpu.dimension_semantics<subcore_parallel>], iteration_bounds = array<i64: 2, 16>, scalar_prefetch = 0 : i64, scratch_operands = 2 : i64, tpu.core_type = #tpu.core_type<sc_vector_subcore>, window_params = [{transform_indices = #map}, {transform_indices = #map1}]} {
    %mul3A = arith.constant 16 : i32
    %mul3A_0 = arith.muli %arg0, %mul3A : i32
    %add3A = arith.addi %mul3A_0, %arg1 : i32
    %scan3A = arith.constant 0 : i32
    %scan3A_1 = arith.constant 0 : i32
    %scan3A_2 = arith.constant 640 : i32
    %scan3A_3 = arith.addi %scan3A_1, %scan3A_2 : i32
    %scan3A_4 = arith.constant 1 : i32
    scf.for %scan3A_14 = %scan3A_1 to %scan3A_3 step %scan3A_4  : i32 {
      %broadcast_in_dim3A = arith.constant 0.000000e+00 : f32
      %broadcast_in_dim3A_15 = vector.broadcast %broadcast_in_dim3A : f32 to vector<16xf32>
      %mul3A_16 = arith.constant 16 : i32
      %mul3A_17 = arith.muli %scan3A_14, %mul3A_16 : i32
      %swap3A = arith.index_cast %mul3A_17 : i32 to index
      %swap3A_18 = tpu.vector_load %arg4[%swap3A] {strides = array<i32>} : memref<10240xf32, #tpu.memory_space<vmem>>, vector<16xf32>,
      tpu.vector_store %arg4[%swap3A], %broadcast_in_dim3A_15 {strides = array<i32>} : memref<10240xf32, #tpu.memory_space<vmem>>, vector<16xf32>,
    }
    %scan3A_5 = arith.constant 640 : i32
    %mul3A_6 = arith.constant 20480 : i32
    %mul3A_7 = arith.muli %add3A, %mul3A_6 : i32
    %multiple_of3A = tpu.assume_multiple %mul3A_7, 8 : i32
    "tpu.region"() ({
      %run_scoped3A = tpu.sem_alloc : memref<!tpu.dma_semaphore, #tpu.memory_space<semaphore_mem>>
      %dma_start3A = tpu.memref_slice %arg2[%multiple_of3A] : memref<655360xi32, #tpu.memory_space<hbm>> -> memref<20480xi32, #tpu.memory_space<hbm>>
      %dma_start3A_14 = tpu.memref_slice %arg2[%multiple_of3A] : memref<655360xi32, #tpu.memory_space<hbm>> -> memref<20480xi32, #tpu.memory_space<hbm>>
      tpu.enqueue_dma source(%dma_start3A_14 : memref<20480xi32, #tpu.memory_space<hbm>>) target(%arg5 : memref<20480xi32, #tpu.memory_space<vmem>>) target_semaphore(%run_scoped3A : memref<!tpu.dma_semaphore, #tpu.memory_space<semaphore_mem>>)
      %dma_wait3A = tpu.memref_slice %arg2[%multiple_of3A] : memref<655360xi32, #tpu.memory_space<hbm>> -> memref<20480xi32, #tpu.memory_space<hbm>>
      %dma_wait3A_15 = tpu.memref_slice %arg2[%multiple_of3A] : memref<655360xi32, #tpu.memory_space<hbm>> -> memref<20480xi32, #tpu.memory_space<hbm>>
      tpu.wait_dma2 semaphore(%run_scoped3A : memref<!tpu.dma_semaphore, #tpu.memory_space<semaphore_mem>>) src(%dma_wait3A_15 : memref<20480xi32, #tpu.memory_space<hbm>>) dst(%arg5 : memref<20480xi32, #tpu.memory_space<vmem>>)
      tpu.yield
    }) : () -> ()
    %scan3A_8 = arith.constant 0 : i32
    %scan3A_9 = arith.constant 0 : i32
    %scan3A_10 = arith.constant 1280 : i32
    %scan3A_11 = arith.addi %scan3A_9, %scan3A_10 : i32
    %scan3A_12 = arith.constant 1 : i32
    scf.for %scan3A_14 = %scan3A_9 to %scan3A_11 step %scan3A_12  : i32 {
      %mul3A_15 = arith.constant 16 : i32
      %mul3A_16 = arith.muli %scan3A_14, %mul3A_15 : i32
      %get3A = arith.index_cast %mul3A_16 : i32 to index
      %get3A_17 = tpu.vector_load %arg5[%get3A] {strides = array<i32>} : memref<20480xi32, #tpu.memory_space<vmem>>, vector<16xi32>,
      %broadcast_in_dim3A = arith.constant true
      %broadcast_in_dim3A_18 = vector.broadcast %broadcast_in_dim3A : i1 to vector<16xi1>
      %unique3A, %unique3A_19 = tpu.scan_count mask(%broadcast_in_dim3A_18 : vector<16xi1>) value(%get3A_17 : vector<16xi32>) : vector<16xi1>, vector<16xi32>
      %convert_element_type3A = arith.sitofp %unique3A_19 : vector<16xi32> to vector<16xf32>
      tpu.vector_store_idx %arg4[%get3A_17], %convert_element_type3A masked %unique3A {add = true} : memref<10240xf32, #tpu.memory_space<vmem>>[vector<16xi32>], vector<16xf32>, vector<16xi1>
    }
    %scan3A_13 = arith.constant 1280 : i32
    "tpu.region"() ({
      %run_scoped3A = tpu.sem_alloc : memref<!tpu.dma_semaphore, #tpu.memory_space<semaphore_mem>>
      %dma_start3A = arith.constant 0 : i32
      %dma_start3A_14 = tpu.memref_slice %arg3[%add3A, %dma_start3A] : memref<32x10240xf32, #tpu.memory_space<hbm>> -> memref<1x10240xf32, #tpu.memory_space<hbm>>
      %dma_start3A_15 = tpu.memref_squeeze %dma_start3A_14 : memref<1x10240xf32, #tpu.memory_space<hbm>> -> memref<10240xf32, #tpu.memory_space<hbm>>
      %dma_start3A_16 = arith.constant 0 : i32
      %dma_start3A_17 = tpu.memref_slice %arg3[%add3A, %dma_start3A_16] : memref<32x10240xf32, #tpu.memory_space<hbm>> -> memref<1x10240xf32, #tpu.memory_space<hbm>>
      %dma_start3A_18 = tpu.memref_squeeze %dma_start3A_17 : memref<1x10240xf32, #tpu.memory_space<hbm>> -> memref<10240xf32, #tpu.memory_space<hbm>>
      tpu.enqueue_dma source(%arg4 : memref<10240xf32, #tpu.memory_space<vmem>>) target(%dma_start3A_18 : memref<10240xf32, #tpu.memory_space<hbm>>) target_semaphore(%run_scoped3A : memref<!tpu.dma_semaphore, #tpu.memory_space<semaphore_mem>>)
      %dma_wait3A = arith.constant 0 : i32
      %dma_wait3A_19 = tpu.memref_slice %arg3[%add3A, %dma_wait3A] : memref<32x10240xf32, #tpu.memory_space<hbm>> -> memref<1x10240xf32, #tpu.memory_space<hbm>>
      %dma_wait3A_20 = tpu.memref_squeeze %dma_wait3A_19 : memref<1x10240xf32, #tpu.memory_space<hbm>> -> memref<10240xf32, #tpu.memory_space<hbm>>
      %dma_wait3A_21 = arith.constant 0 : i32
      %dma_wait3A_22 = tpu.memref_slice %arg3[%add3A, %dma_wait3A_21] : memref<32x10240xf32, #tpu.memory_space<hbm>> -> memref<1x10240xf32, #tpu.memory_space<hbm>>
      %dma_wait3A_23 = tpu.memref_squeeze %dma_wait3A_22 : memref<1x10240xf32, #tpu.memory_space<hbm>> -> memref<10240xf32, #tpu.memory_space<hbm>>
      tpu.wait_dma2 semaphore(%run_scoped3A : memref<!tpu.dma_semaphore, #tpu.memory_space<semaphore_mem>>) src(%arg4 : memref<10240xf32, #tpu.memory_space<vmem>>) dst(%dma_wait3A_23 : memref<10240xf32, #tpu.memory_space<hbm>>)
      tpu.yield
    }) : () -> ()
    return
  }
}

#map = affine_map<(d0, d1) -> (0, 0, 0)>
#map1 = affine_map<(d0, d1) -> (0, 0)>
module attributes {stable_mosaic.version = 14 : i64} {
  func.func @layer_kernel(%arg0: i32, %arg1: i32, %arg2: memref<5120x2x128xi32, #tpu.memory_space<hbm>>, %arg3: memref<10000x64xf32, #tpu.memory_space<hbm>>, %arg4: memref<640x64xf32, #tpu.memory_space<hbm>>, %arg5: memref<2x10240x64xf32, #tpu.memory_space<hbm>>, %arg6: memref<10240x64xf32, #tpu.memory_space<vmem_shared>>, %arg7: memref<8x2x128xi32, #tpu.memory_space<vmem>>, %arg8: memref<128x64xf32, #tpu.memory_space<vmem>>, %arg9: memref<128x64xf32, #tpu.memory_space<vmem>>, %arg10: memref<128x64xf32, #tpu.memory_space<vmem>>, %arg11: memref<128x64xf32, #tpu.memory_space<vmem>>, %arg12: memref<!tpu.dma_semaphore, #tpu.memory_space<semaphore_mem>>, %arg13: memref<!tpu.dma_semaphore, #tpu.memory_space<semaphore_mem>>, %arg14: memref<!tpu.dma_semaphore, #tpu.memory_space<semaphore_mem>>, %arg15: memref<!tpu.dma_semaphore, #tpu.memory_space<semaphore_mem>>, %arg16: memref<!tpu.dma_semaphore, #tpu.memory_space<semaphore_mem>>, %arg17: memref<!tpu.dma_semaphore, #tpu.memory_space<semaphore_mem>>, %arg18: memref<!tpu.dma_semaphore, #tpu.memory_space<semaphore_mem>>, %arg19: memref<!tpu.dma_semaphore, #tpu.memory_space<semaphore_mem>>, %arg20: memref<!tpu.dma_semaphore, #tpu.memory_space<semaphore_mem>>, %arg21: memref<!tpu.dma_semaphore, #tpu.memory_space<semaphore_mem>>, %arg22: memref<!tpu.dma_semaphore, #tpu.memory_space<semaphore_mem>>, %arg23: memref<!tpu.dma_semaphore, #tpu.memory_space<semaphore_mem>>) attributes {dimension_semantics = [#tpu.dimension_semantics<core_parallel>, #tpu.dimension_semantics<subcore_parallel>], iteration_bounds = array<i64: 2, 16>, scalar_prefetch = 0 : i64, scratch_operands = 18 : i64, tpu.core_type = #tpu.core_type<sc_vector_subcore>, window_params = [{transform_indices = #map}, {transform_indices = #map1}, {transform_indices = #map1}, {transform_indices = #map}]} {
    %mul3A = arith.constant 640 : i32
    %mul3A_0 = arith.muli %arg1, %mul3A : i32
    %eq3A = arith.constant 0 : i32
    %eq3A_1 = arith.cmpi eq, %arg0, %eq3A : i32
    %select_n3A = arith.constant 96 : i32
    %select_n3A_2 = arith.constant 224 : i32
    %select_n3A_3 = arith.select %eq3A_1, %select_n3A_2, %select_n3A : i32
    "tpu.region"() ({
      %run_scoped3A = tpu.sem_alloc : memref<!tpu.dma_semaphore, #tpu.memory_space<semaphore_mem>>
      %dma_start3A_86 = arith.constant 0 : i32
      %dma_start3A_87 = tpu.memref_slice %arg6[%mul3A_0, %dma_start3A_86] : memref<10240x64xf32, #tpu.memory_space<vmem_shared>> -> memref<640x64xf32, #tpu.memory_space<vmem_shared>>
      tpu.enqueue_dma source(%arg4 : memref<640x64xf32, #tpu.memory_space<hbm>>) target(%dma_start3A_87 : memref<640x64xf32, #tpu.memory_space<vmem_shared>>) target_semaphore(%run_scoped3A : memref<!tpu.dma_semaphore, #tpu.memory_space<semaphore_mem>>)
      %dma_wait3A_88 = arith.constant 0 : i32
      %dma_wait3A_89 = tpu.memref_slice %arg6[%mul3A_0, %dma_wait3A_88] : memref<10240x64xf32, #tpu.memory_space<vmem_shared>> -> memref<640x64xf32, #tpu.memory_space<vmem_shared>>
      tpu.wait_dma2 semaphore(%run_scoped3A : memref<!tpu.dma_semaphore, #tpu.memory_space<semaphore_mem>>) src(%arg4 : memref<640x64xf32, #tpu.memory_space<hbm>>) dst(%dma_wait3A_89 : memref<640x64xf32, #tpu.memory_space<vmem_shared>>)
      tpu.yield
    }) : () -> ()
    %mul3A_4 = arith.constant 2 : i32
    %mul3A_5 = arith.muli %arg1, %mul3A_4 : i32
    %mul3A_6 = arith.constant 160 : i32
    %mul3A_7 = arith.muli %mul3A_5, %mul3A_6 : i32
    %eq3A_8 = arith.constant 0 : i32
    %eq3A_9 = arith.cmpi eq, %arg0, %eq3A_8 : i32
    %select_n3A_10 = arith.constant 224 : i32
    %select_n3A_11 = arith.constant 0 : i32
    %select_n3A_12 = arith.select %eq3A_9, %select_n3A_11, %select_n3A_10 : i32
    %add3A = arith.addi %mul3A_7, %select_n3A_12 : i32
    %multiple_of3A = tpu.assume_multiple %add3A, 8 : i32
    "tpu.region"() ({
      %run_scoped3A = tpu.sem_alloc : memref<!tpu.dma_semaphore, #tpu.memory_space<semaphore_mem>>
      %dma_start3A_86 = arith.constant 0 : i32
      %dma_start3A_87 = arith.constant 0 : i32
      %dma_start3A_88 = tpu.memref_slice %arg2[%multiple_of3A, %dma_start3A_86, %dma_start3A_87] : memref<5120x2x128xi32, #tpu.memory_space<hbm>> -> memref<8x2x128xi32, #tpu.memory_space<hbm>>
      %dma_start3A_89 = arith.constant 0 : i32
      %dma_start3A_90 = arith.constant 0 : i32
      %dma_start3A_91 = tpu.memref_slice %arg2[%multiple_of3A, %dma_start3A_89, %dma_start3A_90] : memref<5120x2x128xi32, #tpu.memory_space<hbm>> -> memref<8x2x128xi32, #tpu.memory_space<hbm>>
      tpu.enqueue_dma source(%dma_start3A_91 : memref<8x2x128xi32, #tpu.memory_space<hbm>>) target(%arg7 : memref<8x2x128xi32, #tpu.memory_space<vmem>>) target_semaphore(%run_scoped3A : memref<!tpu.dma_semaphore, #tpu.memory_space<semaphore_mem>>)
      %dma_wait3A_92 = arith.constant 0 : i32
      %dma_wait3A_93 = arith.constant 0 : i32
      %dma_wait3A_94 = tpu.memref_slice %arg2[%multiple_of3A, %dma_wait3A_92, %dma_wait3A_93] : memref<5120x2x128xi32, #tpu.memory_space<hbm>> -> memref<8x2x128xi32, #tpu.memory_space<hbm>>
      %dma_wait3A_95 = arith.constant 0 : i32
      %dma_wait3A_96 = arith.constant 0 : i32
      %dma_wait3A_97 = tpu.memref_slice %arg2[%multiple_of3A, %dma_wait3A_95, %dma_wait3A_96] : memref<5120x2x128xi32, #tpu.memory_space<hbm>> -> memref<8x2x128xi32, #tpu.memory_space<hbm>>
      tpu.wait_dma2 semaphore(%run_scoped3A : memref<!tpu.dma_semaphore, #tpu.memory_space<semaphore_mem>>) src(%dma_wait3A_97 : memref<8x2x128xi32, #tpu.memory_space<hbm>>) dst(%arg7 : memref<8x2x128xi32, #tpu.memory_space<vmem>>)
      tpu.yield
    }) : () -> ()
    %barrier3A = arith.constant 0 : index
    tpu.barrier barrier_id(%barrier3A)
    %dma_start3A = arith.constant 0 : i32
    %dma_start3A_13 = arith.constant 0 : i32
    %dma_start3A_14 = arith.constant 0 : i32
    %dma_start3A_15 = tpu.memref_slice %arg7[%dma_start3A, %dma_start3A_13, %dma_start3A_14] : memref<8x2x128xi32, #tpu.memory_space<vmem>> -> memref<1x1x128xi32, #tpu.memory_space<vmem>>
    %dma_start3A_16 = tpu.memref_squeeze %dma_start3A_15 : memref<1x1x128xi32, #tpu.memory_space<vmem>> -> memref<128xi32, #tpu.memory_space<vmem>>
    %dma_start3A_17 = arith.constant 0 : i32
    %dma_start3A_18 = arith.constant 0 : i32
    %dma_start3A_19 = tpu.memref_slice %arg3[%dma_start3A_17, %dma_start3A_18] : memref<10000x64xf32, #tpu.memory_space<hbm>> -> memref<10000x64xf32, #tpu.memory_space<hbm>>
    tpu.enqueue_indirect_dma source(%dma_start3A_19 : memref<10000x64xf32, #tpu.memory_space<hbm>>) target(%arg8 : memref<128x64xf32, #tpu.memory_space<vmem>>) offsets(%dma_start3A_16 : memref<128xi32, #tpu.memory_space<vmem>>) semaphore(%arg12 : memref<!tpu.dma_semaphore, #tpu.memory_space<semaphore_mem>>)
    %dma_start3A_20 = arith.constant 1 : i32
    %dma_start3A_21 = arith.constant 0 : i32
    %dma_start3A_22 = arith.constant 0 : i32
    %dma_start3A_23 = tpu.memref_slice %arg7[%dma_start3A_20, %dma_start3A_21, %dma_start3A_22] : memref<8x2x128xi32, #tpu.memory_space<vmem>> -> memref<1x1x128xi32, #tpu.memory_space<vmem>>
    %dma_start3A_24 = tpu.memref_squeeze %dma_start3A_23 : memref<1x1x128xi32, #tpu.memory_space<vmem>> -> memref<128xi32, #tpu.memory_space<vmem>>
    %dma_start3A_25 = arith.constant 0 : i32
    %dma_start3A_26 = arith.constant 0 : i32
    %dma_start3A_27 = tpu.memref_slice %arg3[%dma_start3A_25, %dma_start3A_26] : memref<10000x64xf32, #tpu.memory_space<hbm>> -> memref<10000x64xf32, #tpu.memory_space<hbm>>
    tpu.enqueue_indirect_dma source(%dma_start3A_27 : memref<10000x64xf32, #tpu.memory_space<hbm>>) target(%arg9 : memref<128x64xf32, #tpu.memory_space<vmem>>) offsets(%dma_start3A_24 : memref<128xi32, #tpu.memory_space<vmem>>) semaphore(%arg13 : memref<!tpu.dma_semaphore, #tpu.memory_space<semaphore_mem>>)
    %jit3A = arith.constant 8 : i32
    %div3A = arith.divsi %select_n3A_3, %jit3A : i32
    %sign3A = arith.constant 0 : i32
    %sign3A_28 = arith.cmpi sgt, %select_n3A_3, %sign3A : i32
    %sign3A_29 = arith.extui %sign3A_28 : i1 to i32
    %sign3A_30 = arith.constant 0 : i32
    %sign3A_31 = arith.cmpi slt, %select_n3A_3, %sign3A_30 : i32
    %sign3A_32 = arith.extui %sign3A_31 : i1 to i32
    %sign3A_33 = arith.subi %sign3A_29, %sign3A_32 : i32
    %sign3A_34 = arith.constant 0 : i32
    %sign3A_35 = arith.cmpi sgt, %jit3A, %sign3A_34 : i32
    %sign3A_36 = arith.extui %sign3A_35 : i1 to i32
    %sign3A_37 = arith.constant 0 : i32
    %sign3A_38 = arith.cmpi slt, %jit3A, %sign3A_37 : i32
    %sign3A_39 = arith.extui %sign3A_38 : i1 to i32
    %sign3A_40 = arith.subi %sign3A_36, %sign3A_39 : i32
    %ne3A = arith.cmpi ne, %sign3A_33, %sign3A_40 : i32
    %rem3A = arith.remsi %select_n3A_3, %jit3A : i32
    %ne3A_41 = arith.constant 0 : i32
    %ne3A_42 = arith.cmpi ne, %rem3A, %ne3A_41 : i32
    %and3A = arith.andi %ne3A, %ne3A_42 : i1
    %sub3A = arith.constant 1 : i32
    %sub3A_43 = arith.subi %div3A, %sub3A : i32
    %select_n3A_44 = arith.select %and3A, %sub3A_43, %div3A : i32
    %while3A = arith.constant 0 : i32
    %while3A_45 = arith.constant 0 : i32
    %while3A_46 = arith.subi %select_n3A_44, %while3A_45 : i32
    %while3A_47 = arith.addi %while3A_45, %while3A_46 : i32
    %while3A_48 = arith.constant 1 : i32
    %while3A_49 = arith.divsi %while3A_46, %while3A_48 : i32
    %while3A_50 = arith.muli %while3A_49, %while3A_48 : i32
    %while3A_51 = arith.addi %while3A_45, %while3A_50 : i32
    %while3A_52 = arith.constant 1 : i32
    scf.for %while3A_86 = %while3A_45 to %while3A_51 step %while3A_52  : i32 {
      %mul3A_87 = arith.constant 8 : i32
      %mul3A_88 = arith.muli %while3A_86, %mul3A_87 : i32
      %add3A_89 = arith.constant 0 : i32
      %add3A_90 = arith.addi %mul3A_88, %add3A_89 : i32
      %dma_wait3A_91 = arith.constant 0 : i32
      %dma_wait3A_92 = arith.constant 0 : i32
      %dma_wait3A_93 = arith.constant 0 : i32
      %dma_wait3A_94 = tpu.memref_slice %arg7[%dma_wait3A_91, %dma_wait3A_92, %dma_wait3A_93] : memref<8x2x128xi32, #tpu.memory_space<vmem>> -> memref<1x1x128xi32, #tpu.memory_space<vmem>>
      %dma_wait3A_95 = tpu.memref_squeeze %dma_wait3A_94 : memref<1x1x128xi32, #tpu.memory_space<vmem>> -> memref<128xi32, #tpu.memory_space<vmem>>
      %dma_wait3A_96 = arith.constant 0 : i32
      %dma_wait3A_97 = arith.constant 0 : i32
      %dma_wait3A_98 = tpu.memref_slice %arg3[%dma_wait3A_96, %dma_wait3A_97] : memref<10000x64xf32, #tpu.memory_space<hbm>> -> memref<10000x64xf32, #tpu.memory_space<hbm>>
      tpu.wait_indirect_dma semaphore(%arg12 : memref<!tpu.dma_semaphore, #tpu.memory_space<semaphore_mem>>) src(%dma_wait3A_98 : memref<10000x64xf32, #tpu.memory_space<hbm>>) dst(%arg8 : memref<128x64xf32, #tpu.memory_space<vmem>>)
      %dma_start3A_99 = arith.constant 0 : i32
      %dma_start3A_100 = arith.constant 1 : i32
      %dma_start3A_101 = arith.constant 0 : i32
      %dma_start3A_102 = tpu.memref_slice %arg7[%dma_start3A_99, %dma_start3A_100, %dma_start3A_101] : memref<8x2x128xi32, #tpu.memory_space<vmem>> -> memref<1x1x128xi32, #tpu.memory_space<vmem>>
      %dma_start3A_103 = tpu.memref_squeeze %dma_start3A_102 : memref<1x1x128xi32, #tpu.memory_space<vmem>> -> memref<128xi32, #tpu.memory_space<vmem>>
      %dma_start3A_104 = arith.constant 0 : i32
      %dma_start3A_105 = arith.constant 0 : i32
      %dma_start3A_106 = tpu.memref_slice %arg6[%dma_start3A_104, %dma_start3A_105] : memref<10240x64xf32, #tpu.memory_space<vmem_shared>> -> memref<10240x64xf32, #tpu.memory_space<vmem_shared>>
      tpu.enqueue_indirect_dma source(%arg8 : memref<128x64xf32, #tpu.memory_space<vmem>>) target(%dma_start3A_106 : memref<10240x64xf32, #tpu.memory_space<vmem_shared>>) offsets(%dma_start3A_103 : memref<128xi32, #tpu.memory_space<vmem>>) semaphore(%arg16 : memref<!tpu.dma_semaphore, #tpu.memory_space<semaphore_mem>>) {add = true}
      %add3A_107 = arith.constant 4 : i32
      %add3A_108 = arith.addi %add3A_90, %add3A_107 : i32
      %lt3A = arith.cmpi slt, %add3A_108, %select_n3A_3 : i32
      %add3A_109 = arith.constant 4 : i32
      %add3A_110 = arith.addi %add3A_90, %add3A_109 : i32
      %ge3A = arith.constant 8 : i32
      %ge3A_111 = arith.cmpi sge, %add3A_110, %ge3A : i32
      %and3A_112 = arith.andi %lt3A, %ge3A_111 : i1
      %convert_element_type3A = arith.extui %and3A_112 : i1 to i32
      %cond3A = arith.constant 0 : i32
      %cond3A_113 = arith.cmpi ne, %convert_element_type3A, %cond3A : i32
      scf.if %cond3A_113 {
        %add3A_379 = arith.addi %multiple_of3A, %add3A_90 : i32
        %add3A_380 = arith.constant 4 : i32
        %add3A_381 = arith.addi %add3A_379, %add3A_380 : i32
        %dma_start3A_382 = arith.constant 4 : i32
        %dma_start3A_383 = arith.constant 0 : i32
        %dma_start3A_384 = arith.constant 0 : i32
        %dma_start3A_385 = tpu.memref_slice %arg7[%dma_start3A_382, %dma_start3A_383, %dma_start3A_384] : memref<8x2x128xi32, #tpu.memory_space<vmem>> -> memref<1x2x128xi32, #tpu.memory_space<vmem>>
        %dma_start3A_386 = arith.constant 0 : i32
        %dma_start3A_387 = arith.constant 0 : i32
        %dma_start3A_388 = tpu.memref_slice %arg2[%add3A_381, %dma_start3A_386, %dma_start3A_387] : memref<5120x2x128xi32, #tpu.memory_space<hbm>> -> memref<1x2x128xi32, #tpu.memory_space<hbm>>
        %dma_start3A_389 = arith.constant 4 : i32
        %dma_start3A_390 = arith.constant 0 : i32
        %dma_start3A_391 = arith.constant 0 : i32
        %dma_start3A_392 = tpu.memref_slice %arg7[%dma_start3A_389, %dma_start3A_390, %dma_start3A_391] : memref<8x2x128xi32, #tpu.memory_space<vmem>> -> memref<1x2x128xi32, #tpu.memory_space<vmem>>
        %dma_start3A_393 = arith.constant 0 : i32
        %dma_start3A_394 = arith.constant 0 : i32
        %dma_start3A_395 = tpu.memref_slice %arg2[%add3A_381, %dma_start3A_393, %dma_start3A_394] : memref<5120x2x128xi32, #tpu.memory_space<hbm>> -> memref<1x2x128xi32, #tpu.memory_space<hbm>>
        tpu.enqueue_dma source(%dma_start3A_395 : memref<1x2x128xi32, #tpu.memory_space<hbm>>) target(%dma_start3A_392 : memref<1x2x128xi32, #tpu.memory_space<vmem>>) target_semaphore(%arg20 : memref<!tpu.dma_semaphore, #tpu.memory_space<semaphore_mem>>)
      } else {
      }
      %add3A_114 = arith.constant 2 : i32
      %add3A_115 = arith.addi %add3A_90, %add3A_114 : i32
      %lt3A_116 = arith.cmpi slt, %add3A_115, %select_n3A_3 : i32
      %convert_element_type3A_117 = arith.extui %lt3A_116 : i1 to i32
      %cond3A_118 = arith.constant 0 : i32
      %cond3A_119 = arith.cmpi ne, %convert_element_type3A_117, %cond3A_118 : i32
      scf.if %cond3A_119 {
        %ge3A_379 = arith.constant 2 : i32
        %ge3A_380 = arith.cmpi sge, %add3A_90, %ge3A_379 : i32
        %convert_element_type3A_381 = arith.extui %ge3A_380 : i1 to i32
        %cond3A_382 = arith.constant 0 : i32
        %cond3A_383 = arith.cmpi ne, %convert_element_type3A_381, %cond3A_382 : i32
        scf.if %cond3A_383 {
          %dma_wait3A_397 = arith.constant 0 : i32
          %dma_wait3A_398 = arith.constant 0 : i32
          %dma_wait3A_399 = arith.constant 0 : i32
          %dma_wait3A_400 = tpu.memref_slice %arg7[%dma_wait3A_397, %dma_wait3A_398, %dma_wait3A_399] : memref<8x2x128xi32, #tpu.memory_space<vmem>> -> memref<1x1x128xi32, #tpu.memory_space<vmem>>
          %dma_wait3A_401 = tpu.memref_squeeze %dma_wait3A_400 : memref<1x1x128xi32, #tpu.memory_space<vmem>> -> memref<128xi32, #tpu.memory_space<vmem>>
          %dma_wait3A_402 = arith.constant 0 : i32
          %dma_wait3A_403 = arith.constant 0 : i32
          %dma_wait3A_404 = tpu.memref_slice %arg3[%dma_wait3A_402, %dma_wait3A_403] : memref<10000x64xf32, #tpu.memory_space<hbm>> -> memref<10000x64xf32, #tpu.memory_space<hbm>>
          tpu.wait_indirect_dma semaphore(%arg18 : memref<!tpu.dma_semaphore, #tpu.memory_space<semaphore_mem>>) src(%dma_wait3A_404 : memref<10000x64xf32, #tpu.memory_space<hbm>>) dst(%arg10 : memref<128x64xf32, #tpu.memory_space<vmem>>)
        } else {
        }
        %ge3A_384 = arith.constant 8 : i32
        %ge3A_385 = arith.cmpi sge, %add3A_115, %ge3A_384 : i32
        %convert_element_type3A_386 = arith.extui %ge3A_385 : i1 to i32
        %cond3A_387 = arith.constant 0 : i32
        %cond3A_388 = arith.cmpi ne, %convert_element_type3A_386, %cond3A_387 : i32
        scf.if %cond3A_388 {
          %dma_wait3A_397 = arith.constant 2 : i32
          %dma_wait3A_398 = arith.constant 0 : i32
          %dma_wait3A_399 = arith.constant 0 : i32
          %dma_wait3A_400 = tpu.memref_slice %arg7[%dma_wait3A_397, %dma_wait3A_398, %dma_wait3A_399] : memref<8x2x128xi32, #tpu.memory_space<vmem>> -> memref<1x2x128xi32, #tpu.memory_space<vmem>>
          %dma_wait3A_401 = arith.constant 0 : i32
          %dma_wait3A_402 = arith.constant 0 : i32
          %dma_wait3A_403 = tpu.memref_slice %arg2[%multiple_of3A, %dma_wait3A_401, %dma_wait3A_402] : memref<5120x2x128xi32, #tpu.memory_space<hbm>> -> memref<1x2x128xi32, #tpu.memory_space<hbm>>
          %dma_wait3A_404 = arith.constant 2 : i32
          %dma_wait3A_405 = arith.constant 0 : i32
          %dma_wait3A_406 = arith.constant 0 : i32
          %dma_wait3A_407 = tpu.memref_slice %arg7[%dma_wait3A_404, %dma_wait3A_405, %dma_wait3A_406] : memref<8x2x128xi32, #tpu.memory_space<vmem>> -> memref<1x2x128xi32, #tpu.memory_space<vmem>>
          %dma_wait3A_408 = arith.constant 0 : i32
          %dma_wait3A_409 = arith.constant 0 : i32
          %dma_wait3A_410 = tpu.memref_slice %arg2[%multiple_of3A, %dma_wait3A_408, %dma_wait3A_409] : memref<5120x2x128xi32, #tpu.memory_space<hbm>> -> memref<1x2x128xi32, #tpu.memory_space<hbm>>
          tpu.wait_dma2 semaphore(%arg22 : memref<!tpu.dma_semaphore, #tpu.memory_space<semaphore_mem>>) src(%dma_wait3A_410 : memref<1x2x128xi32, #tpu.memory_space<hbm>>) dst(%dma_wait3A_407 : memref<1x2x128xi32, #tpu.memory_space<vmem>>)
        } else {
        }
        %dma_start3A_389 = arith.constant 2 : i32
        %dma_start3A_390 = arith.constant 0 : i32
        %dma_start3A_391 = arith.constant 0 : i32
        %dma_start3A_392 = tpu.memref_slice %arg7[%dma_start3A_389, %dma_start3A_390, %dma_start3A_391] : memref<8x2x128xi32, #tpu.memory_space<vmem>> -> memref<1x1x128xi32, #tpu.memory_space<vmem>>
        %dma_start3A_393 = tpu.memref_squeeze %dma_start3A_392 : memref<1x1x128xi32, #tpu.memory_space<vmem>> -> memref<128xi32, #tpu.memory_space<vmem>>
        %dma_start3A_394 = arith.constant 0 : i32
        %dma_start3A_395 = arith.constant 0 : i32
        %dma_start3A_396 = tpu.memref_slice %arg3[%dma_start3A_394, %dma_start3A_395] : memref<10000x64xf32, #tpu.memory_space<hbm>> -> memref<10000x64xf32, #tpu.memory_space<hbm>>
        tpu.enqueue_indirect_dma source(%dma_start3A_396 : memref<10000x64xf32, #tpu.memory_space<hbm>>) target(%arg10 : memref<128x64xf32, #tpu.memory_space<vmem>>) offsets(%dma_start3A_393 : memref<128xi32, #tpu.memory_space<vmem>>) semaphore(%arg14 : memref<!tpu.dma_semaphore, #tpu.memory_space<semaphore_mem>>)
      } else {
      }
      %mul3A_120 = arith.constant 8 : i32
      %mul3A_121 = arith.muli %while3A_86, %mul3A_120 : i32
      %add3A_122 = arith.constant 1 : i32
      %add3A_123 = arith.addi %mul3A_121, %add3A_122 : i32
      %dma_wait3A_124 = arith.constant 0 : i32
      %dma_wait3A_125 = arith.constant 0 : i32
      %dma_wait3A_126 = arith.constant 0 : i32
      %dma_wait3A_127 = tpu.memref_slice %arg7[%dma_wait3A_124, %dma_wait3A_125, %dma_wait3A_126] : memref<8x2x128xi32, #tpu.memory_space<vmem>> -> memref<1x1x128xi32, #tpu.memory_space<vmem>>
      %dma_wait3A_128 = tpu.memref_squeeze %dma_wait3A_127 : memref<1x1x128xi32, #tpu.memory_space<vmem>> -> memref<128xi32, #tpu.memory_space<vmem>>
      %dma_wait3A_129 = arith.constant 0 : i32
      %dma_wait3A_130 = arith.constant 0 : i32
      %dma_wait3A_131 = tpu.memref_slice %arg3[%dma_wait3A_129, %dma_wait3A_130] : memref<10000x64xf32, #tpu.memory_space<hbm>> -> memref<10000x64xf32, #tpu.memory_space<hbm>>
      tpu.wait_indirect_dma semaphore(%arg13 : memref<!tpu.dma_semaphore, #tpu.memory_space<semaphore_mem>>) src(%dma_wait3A_131 : memref<10000x64xf32, #tpu.memory_space<hbm>>) dst(%arg9 : memref<128x64xf32, #tpu.memory_space<vmem>>)
      %dma_start3A_132 = arith.constant 1 : i32
      %dma_start3A_133 = arith.constant 1 : i32
      %dma_start3A_134 = arith.constant 0 : i32
      %dma_start3A_135 = tpu.memref_slice %arg7[%dma_start3A_132, %dma_start3A_133, %dma_start3A_134] : memref<8x2x128xi32, #tpu.memory_space<vmem>> -> memref<1x1x128xi32, #tpu.memory_space<vmem>>
      %dma_start3A_136 = tpu.memref_squeeze %dma_start3A_135 : memref<1x1x128xi32, #tpu.memory_space<vmem>> -> memref<128xi32, #tpu.memory_space<vmem>>
      %dma_start3A_137 = arith.constant 0 : i32
      %dma_start3A_138 = arith.constant 0 : i32
      %dma_start3A_139 = tpu.memref_slice %arg6[%dma_start3A_137, %dma_start3A_138] : memref<10240x64xf32, #tpu.memory_space<vmem_shared>> -> memref<10240x64xf32, #tpu.memory_space<vmem_shared>>
      tpu.enqueue_indirect_dma source(%arg9 : memref<128x64xf32, #tpu.memory_space<vmem>>) target(%dma_start3A_139 : memref<10240x64xf32, #tpu.memory_space<vmem_shared>>) offsets(%dma_start3A_136 : memref<128xi32, #tpu.memory_space<vmem>>) semaphore(%arg17 : memref<!tpu.dma_semaphore, #tpu.memory_space<semaphore_mem>>) {add = true}
      %add3A_140 = arith.constant 4 : i32
      %add3A_141 = arith.addi %add3A_123, %add3A_140 : i32
      %lt3A_142 = arith.cmpi slt, %add3A_141, %select_n3A_3 : i32
      %add3A_143 = arith.constant 4 : i32
      %add3A_144 = arith.addi %add3A_123, %add3A_143 : i32
      %ge3A_145 = arith.constant 8 : i32
      %ge3A_146 = arith.cmpi sge, %add3A_144, %ge3A_145 : i32
      %and3A_147 = arith.andi %lt3A_142, %ge3A_146 : i1
      %convert_element_type3A_148 = arith.extui %and3A_147 : i1 to i32
      %cond3A_149 = arith.constant 0 : i32
      %cond3A_150 = arith.cmpi ne, %convert_element_type3A_148, %cond3A_149 : i32
      scf.if %cond3A_150 {
        %add3A_379 = arith.addi %multiple_of3A, %add3A_123 : i32
        %add3A_380 = arith.constant 4 : i32
        %add3A_381 = arith.addi %add3A_379, %add3A_380 : i32
        %dma_start3A_382 = arith.constant 5 : i32
        %dma_start3A_383 = arith.constant 0 : i32
        %dma_start3A_384 = arith.constant 0 : i32
        %dma_start3A_385 = tpu.memref_slice %arg7[%dma_start3A_382, %dma_start3A_383, %dma_start3A_384] : memref<8x2x128xi32, #tpu.memory_space<vmem>> -> memref<1x2x128xi32, #tpu.memory_space<vmem>>
        %dma_start3A_386 = arith.constant 0 : i32
        %dma_start3A_387 = arith.constant 0 : i32
        %dma_start3A_388 = tpu.memref_slice %arg2[%add3A_381, %dma_start3A_386, %dma_start3A_387] : memref<5120x2x128xi32, #tpu.memory_space<hbm>> -> memref<1x2x128xi32, #tpu.memory_space<hbm>>
        %dma_start3A_389 = arith.constant 5 : i32
        %dma_start3A_390 = arith.constant 0 : i32
        %dma_start3A_391 = arith.constant 0 : i32
        %dma_start3A_392 = tpu.memref_slice %arg7[%dma_start3A_389, %dma_start3A_390, %dma_start3A_391] : memref<8x2x128xi32, #tpu.memory_space<vmem>> -> memref<1x2x128xi32, #tpu.memory_space<vmem>>
        %dma_start3A_393 = arith.constant 0 : i32
        %dma_start3A_394 = arith.constant 0 : i32
        %dma_start3A_395 = tpu.memref_slice %arg2[%add3A_381, %dma_start3A_393, %dma_start3A_394] : memref<5120x2x128xi32, #tpu.memory_space<hbm>> -> memref<1x2x128xi32, #tpu.memory_space<hbm>>
        tpu.enqueue_dma source(%dma_start3A_395 : memref<1x2x128xi32, #tpu.memory_space<hbm>>) target(%dma_start3A_392 : memref<1x2x128xi32, #tpu.memory_space<vmem>>) target_semaphore(%arg21 : memref<!tpu.dma_semaphore, #tpu.memory_space<semaphore_mem>>)
      } else {
      }
      %add3A_151 = arith.constant 2 : i32
      %add3A_152 = arith.addi %add3A_123, %add3A_151 : i32
      %lt3A_153 = arith.cmpi slt, %add3A_152, %select_n3A_3 : i32
      %convert_element_type3A_154 = arith.extui %lt3A_153 : i1 to i32
      %cond3A_155 = arith.constant 0 : i32
      %cond3A_156 = arith.cmpi ne, %convert_element_type3A_154, %cond3A_155 : i32
      scf.if %cond3A_156 {
        %ge3A_379 = arith.constant 2 : i32
        %ge3A_380 = arith.cmpi sge, %add3A_123, %ge3A_379 : i32
        %convert_element_type3A_381 = arith.extui %ge3A_380 : i1 to i32
        %cond3A_382 = arith.constant 0 : i32
        %cond3A_383 = arith.cmpi ne, %convert_element_type3A_381, %cond3A_382 : i32
        scf.if %cond3A_383 {
          %dma_wait3A_397 = arith.constant 0 : i32
          %dma_wait3A_398 = arith.constant 0 : i32
          %dma_wait3A_399 = arith.constant 0 : i32
          %dma_wait3A_400 = tpu.memref_slice %arg7[%dma_wait3A_397, %dma_wait3A_398, %dma_wait3A_399] : memref<8x2x128xi32, #tpu.memory_space<vmem>> -> memref<1x1x128xi32, #tpu.memory_space<vmem>>
          %dma_wait3A_401 = tpu.memref_squeeze %dma_wait3A_400 : memref<1x1x128xi32, #tpu.memory_space<vmem>> -> memref<128xi32, #tpu.memory_space<vmem>>
          %dma_wait3A_402 = arith.constant 0 : i32
          %dma_wait3A_403 = arith.constant 0 : i32
          %dma_wait3A_404 = tpu.memref_slice %arg3[%dma_wait3A_402, %dma_wait3A_403] : memref<10000x64xf32, #tpu.memory_space<hbm>> -> memref<10000x64xf32, #tpu.memory_space<hbm>>
          tpu.wait_indirect_dma semaphore(%arg19 : memref<!tpu.dma_semaphore, #tpu.memory_space<semaphore_mem>>) src(%dma_wait3A_404 : memref<10000x64xf32, #tpu.memory_space<hbm>>) dst(%arg11 : memref<128x64xf32, #tpu.memory_space<vmem>>)
        } else {
        }
        %ge3A_384 = arith.constant 8 : i32
        %ge3A_385 = arith.cmpi sge, %add3A_152, %ge3A_384 : i32
        %convert_element_type3A_386 = arith.extui %ge3A_385 : i1 to i32
        %cond3A_387 = arith.constant 0 : i32
        %cond3A_388 = arith.cmpi ne, %convert_element_type3A_386, %cond3A_387 : i32
        scf.if %cond3A_388 {
          %dma_wait3A_397 = arith.constant 3 : i32
          %dma_wait3A_398 = arith.constant 0 : i32
          %dma_wait3A_399 = arith.constant 0 : i32
          %dma_wait3A_400 = tpu.memref_slice %arg7[%dma_wait3A_397, %dma_wait3A_398, %dma_wait3A_399] : memref<8x2x128xi32, #tpu.memory_space<vmem>> -> memref<1x2x128xi32, #tpu.memory_space<vmem>>
          %dma_wait3A_401 = arith.constant 0 : i32
          %dma_wait3A_402 = arith.constant 0 : i32
          %dma_wait3A_403 = tpu.memref_slice %arg2[%multiple_of3A, %dma_wait3A_401, %dma_wait3A_402] : memref<5120x2x128xi32, #tpu.memory_space<hbm>> -> memref<1x2x128xi32, #tpu.memory_space<hbm>>
          %dma_wait3A_404 = arith.constant 3 : i32
          %dma_wait3A_405 = arith.constant 0 : i32
          %dma_wait3A_406 = arith.constant 0 : i32
          %dma_wait3A_407 = tpu.memref_slice %arg7[%dma_wait3A_404, %dma_wait3A_405, %dma_wait3A_406] : memref<8x2x128xi32, #tpu.memory_space<vmem>> -> memref<1x2x128xi32, #tpu.memory_space<vmem>>
          %dma_wait3A_408 = arith.constant 0 : i32
          %dma_wait3A_409 = arith.constant 0 : i32
          %dma_wait3A_410 = tpu.memref_slice %arg2[%multiple_of3A, %dma_wait3A_408, %dma_wait3A_409] : memref<5120x2x128xi32, #tpu.memory_space<hbm>> -> memref<1x2x128xi32, #tpu.memory_space<hbm>>
          tpu.wait_dma2 semaphore(%arg23 : memref<!tpu.dma_semaphore, #tpu.memory_space<semaphore_mem>>) src(%dma_wait3A_410 : memref<1x2x128xi32, #tpu.memory_space<hbm>>) dst(%dma_wait3A_407 : memref<1x2x128xi32, #tpu.memory_space<vmem>>)
        } else {
        }
        %dma_start3A_389 = arith.constant 3 : i32
        %dma_start3A_390 = arith.constant 0 : i32
        %dma_start3A_391 = arith.constant 0 : i32
        %dma_start3A_392 = tpu.memref_slice %arg7[%dma_start3A_389, %dma_start3A_390, %dma_start3A_391] : memref<8x2x128xi32, #tpu.memory_space<vmem>> -> memref<1x1x128xi32, #tpu.memory_space<vmem>>
        %dma_start3A_393 = tpu.memref_squeeze %dma_start3A_392 : memref<1x1x128xi32, #tpu.memory_space<vmem>> -> memref<128xi32, #tpu.memory_space<vmem>>
        %dma_start3A_394 = arith.constant 0 : i32
        %dma_start3A_395 = arith.constant 0 : i32
        %dma_start3A_396 = tpu.memref_slice %arg3[%dma_start3A_394, %dma_start3A_395] : memref<10000x64xf32, #tpu.memory_space<hbm>> -> memref<10000x64xf32, #tpu.memory_space<hbm>>
        tpu.enqueue_indirect_dma source(%dma_start3A_396 : memref<10000x64xf32, #tpu.memory_space<hbm>>) target(%arg11 : memref<128x64xf32, #tpu.memory_space<vmem>>) offsets(%dma_start3A_393 : memref<128xi32, #tpu.memory_space<vmem>>) semaphore(%arg15 : memref<!tpu.dma_semaphore, #tpu.memory_space<semaphore_mem>>)
      } else {
      }
      %mul3A_157 = arith.constant 8 : i32
      %mul3A_158 = arith.muli %while3A_86, %mul3A_157 : i32
      %add3A_159 = arith.constant 2 : i32
      %add3A_160 = arith.addi %mul3A_158, %add3A_159 : i32
      %dma_wait3A_161 = arith.constant 0 : i32
      %dma_wait3A_162 = arith.constant 0 : i32
      %dma_wait3A_163 = arith.constant 0 : i32
      %dma_wait3A_164 = tpu.memref_slice %arg7[%dma_wait3A_161, %dma_wait3A_162, %dma_wait3A_163] : memref<8x2x128xi32, #tpu.memory_space<vmem>> -> memref<1x1x128xi32, #tpu.memory_space<vmem>>
      %dma_wait3A_165 = tpu.memref_squeeze %dma_wait3A_164 : memref<1x1x128xi32, #tpu.memory_space<vmem>> -> memref<128xi32, #tpu.memory_space<vmem>>
      %dma_wait3A_166 = arith.constant 0 : i32
      %dma_wait3A_167 = arith.constant 0 : i32
      %dma_wait3A_168 = tpu.memref_slice %arg3[%dma_wait3A_166, %dma_wait3A_167] : memref<10000x64xf32, #tpu.memory_space<hbm>> -> memref<10000x64xf32, #tpu.memory_space<hbm>>
      tpu.wait_indirect_dma semaphore(%arg14 : memref<!tpu.dma_semaphore, #tpu.memory_space<semaphore_mem>>) src(%dma_wait3A_168 : memref<10000x64xf32, #tpu.memory_space<hbm>>) dst(%arg10 : memref<128x64xf32, #tpu.memory_space<vmem>>)
      %dma_start3A_169 = arith.constant 2 : i32
      %dma_start3A_170 = arith.constant 1 : i32
      %dma_start3A_171 = arith.constant 0 : i32
      %dma_start3A_172 = tpu.memref_slice %arg7[%dma_start3A_169, %dma_start3A_170, %dma_start3A_171] : memref<8x2x128xi32, #tpu.memory_space<vmem>> -> memref<1x1x128xi32, #tpu.memory_space<vmem>>
      %dma_start3A_173 = tpu.memref_squeeze %dma_start3A_172 : memref<1x1x128xi32, #tpu.memory_space<vmem>> -> memref<128xi32, #tpu.memory_space<vmem>>
      %dma_start3A_174 = arith.constant 0 : i32
      %dma_start3A_175 = arith.constant 0 : i32
      %dma_start3A_176 = tpu.memref_slice %arg6[%dma_start3A_174, %dma_start3A_175] : memref<10240x64xf32, #tpu.memory_space<vmem_shared>> -> memref<10240x64xf32, #tpu.memory_space<vmem_shared>>
      tpu.enqueue_indirect_dma source(%arg10 : memref<128x64xf32, #tpu.memory_space<vmem>>) target(%dma_start3A_176 : memref<10240x64xf32, #tpu.memory_space<vmem_shared>>) offsets(%dma_start3A_173 : memref<128xi32, #tpu.memory_space<vmem>>) semaphore(%arg18 : memref<!tpu.dma_semaphore, #tpu.memory_space<semaphore_mem>>) {add = true}
      %add3A_177 = arith.constant 4 : i32
      %add3A_178 = arith.addi %add3A_160, %add3A_177 : i32
      %lt3A_179 = arith.cmpi slt, %add3A_178, %select_n3A_3 : i32
      %add3A_180 = arith.constant 4 : i32
      %add3A_181 = arith.addi %add3A_160, %add3A_180 : i32
      %ge3A_182 = arith.constant 8 : i32
      %ge3A_183 = arith.cmpi sge, %add3A_181, %ge3A_182 : i32
      %and3A_184 = arith.andi %lt3A_179, %ge3A_183 : i1
      %convert_element_type3A_185 = arith.extui %and3A_184 : i1 to i32
      %cond3A_186 = arith.constant 0 : i32
      %cond3A_187 = arith.cmpi ne, %convert_element_type3A_185, %cond3A_186 : i32
      scf.if %cond3A_187 {
        %add3A_379 = arith.addi %multiple_of3A, %add3A_160 : i32
        %add3A_380 = arith.constant 4 : i32
        %add3A_381 = arith.addi %add3A_379, %add3A_380 : i32
        %dma_start3A_382 = arith.constant 6 : i32
        %dma_start3A_383 = arith.constant 0 : i32
        %dma_start3A_384 = arith.constant 0 : i32
        %dma_start3A_385 = tpu.memref_slice %arg7[%dma_start3A_382, %dma_start3A_383, %dma_start3A_384] : memref<8x2x128xi32, #tpu.memory_space<vmem>> -> memref<1x2x128xi32, #tpu.memory_space<vmem>>
        %dma_start3A_386 = arith.constant 0 : i32
        %dma_start3A_387 = arith.constant 0 : i32
        %dma_start3A_388 = tpu.memref_slice %arg2[%add3A_381, %dma_start3A_386, %dma_start3A_387] : memref<5120x2x128xi32, #tpu.memory_space<hbm>> -> memref<1x2x128xi32, #tpu.memory_space<hbm>>
        %dma_start3A_389 = arith.constant 6 : i32
        %dma_start3A_390 = arith.constant 0 : i32
        %dma_start3A_391 = arith.constant 0 : i32
        %dma_start3A_392 = tpu.memref_slice %arg7[%dma_start3A_389, %dma_start3A_390, %dma_start3A_391] : memref<8x2x128xi32, #tpu.memory_space<vmem>> -> memref<1x2x128xi32, #tpu.memory_space<vmem>>
        %dma_start3A_393 = arith.constant 0 : i32
        %dma_start3A_394 = arith.constant 0 : i32
        %dma_start3A_395 = tpu.memref_slice %arg2[%add3A_381, %dma_start3A_393, %dma_start3A_394] : memref<5120x2x128xi32, #tpu.memory_space<hbm>> -> memref<1x2x128xi32, #tpu.memory_space<hbm>>
        tpu.enqueue_dma source(%dma_start3A_395 : memref<1x2x128xi32, #tpu.memory_space<hbm>>) target(%dma_start3A_392 : memref<1x2x128xi32, #tpu.memory_space<vmem>>) target_semaphore(%arg22 : memref<!tpu.dma_semaphore, #tpu.memory_space<semaphore_mem>>)
      } else {
      }
      %add3A_188 = arith.constant 2 : i32
      %add3A_189 = arith.addi %add3A_160, %add3A_188 : i32
      %lt3A_190 = arith.cmpi slt, %add3A_189, %select_n3A_3 : i32
      %convert_element_type3A_191 = arith.extui %lt3A_190 : i1 to i32
      %cond3A_192 = arith.constant 0 : i32
      %cond3A_193 = arith.cmpi ne, %convert_element_type3A_191, %cond3A_192 : i32
      scf.if %cond3A_193 {
        %ge3A_379 = arith.constant 2 : i32
        %ge3A_380 = arith.cmpi sge, %add3A_160, %ge3A_379 : i32
        %convert_element_type3A_381 = arith.extui %ge3A_380 : i1 to i32
        %cond3A_382 = arith.constant 0 : i32
        %cond3A_383 = arith.cmpi ne, %convert_element_type3A_381, %cond3A_382 : i32
        scf.if %cond3A_383 {
          %dma_wait3A_397 = arith.constant 0 : i32
          %dma_wait3A_398 = arith.constant 0 : i32
          %dma_wait3A_399 = arith.constant 0 : i32
          %dma_wait3A_400 = tpu.memref_slice %arg7[%dma_wait3A_397, %dma_wait3A_398, %dma_wait3A_399] : memref<8x2x128xi32, #tpu.memory_space<vmem>> -> memref<1x1x128xi32, #tpu.memory_space<vmem>>
          %dma_wait3A_401 = tpu.memref_squeeze %dma_wait3A_400 : memref<1x1x128xi32, #tpu.memory_space<vmem>> -> memref<128xi32, #tpu.memory_space<vmem>>
          %dma_wait3A_402 = arith.constant 0 : i32
          %dma_wait3A_403 = arith.constant 0 : i32
          %dma_wait3A_404 = tpu.memref_slice %arg3[%dma_wait3A_402, %dma_wait3A_403] : memref<10000x64xf32, #tpu.memory_space<hbm>> -> memref<10000x64xf32, #tpu.memory_space<hbm>>
          tpu.wait_indirect_dma semaphore(%arg16 : memref<!tpu.dma_semaphore, #tpu.memory_space<semaphore_mem>>) src(%dma_wait3A_404 : memref<10000x64xf32, #tpu.memory_space<hbm>>) dst(%arg8 : memref<128x64xf32, #tpu.memory_space<vmem>>)
        } else {
        }
        %ge3A_384 = arith.constant 8 : i32
        %ge3A_385 = arith.cmpi sge, %add3A_189, %ge3A_384 : i32
        %convert_element_type3A_386 = arith.extui %ge3A_385 : i1 to i32
        %cond3A_387 = arith.constant 0 : i32
        %cond3A_388 = arith.cmpi ne, %convert_element_type3A_386, %cond3A_387 : i32
        scf.if %cond3A_388 {
          %dma_wait3A_397 = arith.constant 4 : i32
          %dma_wait3A_398 = arith.constant 0 : i32
          %dma_wait3A_399 = arith.constant 0 : i32
          %dma_wait3A_400 = tpu.memref_slice %arg7[%dma_wait3A_397, %dma_wait3A_398, %dma_wait3A_399] : memref<8x2x128xi32, #tpu.memory_space<vmem>> -> memref<1x2x128xi32, #tpu.memory_space<vmem>>
          %dma_wait3A_401 = arith.constant 0 : i32
          %dma_wait3A_402 = arith.constant 0 : i32
          %dma_wait3A_403 = tpu.memref_slice %arg2[%multiple_of3A, %dma_wait3A_401, %dma_wait3A_402] : memref<5120x2x128xi32, #tpu.memory_space<hbm>> -> memref<1x2x128xi32, #tpu.memory_space<hbm>>
          %dma_wait3A_404 = arith.constant 4 : i32
          %dma_wait3A_405 = arith.constant 0 : i32
          %dma_wait3A_406 = arith.constant 0 : i32
          %dma_wait3A_407 = tpu.memref_slice %arg7[%dma_wait3A_404, %dma_wait3A_405, %dma_wait3A_406] : memref<8x2x128xi32, #tpu.memory_space<vmem>> -> memref<1x2x128xi32, #tpu.memory_space<vmem>>
          %dma_wait3A_408 = arith.constant 0 : i32
          %dma_wait3A_409 = arith.constant 0 : i32
          %dma_wait3A_410 = tpu.memref_slice %arg2[%multiple_of3A, %dma_wait3A_408, %dma_wait3A_409] : memref<5120x2x128xi32, #tpu.memory_space<hbm>> -> memref<1x2x128xi32, #tpu.memory_space<hbm>>
          tpu.wait_dma2 semaphore(%arg20 : memref<!tpu.dma_semaphore, #tpu.memory_space<semaphore_mem>>) src(%dma_wait3A_410 : memref<1x2x128xi32, #tpu.memory_space<hbm>>) dst(%dma_wait3A_407 : memref<1x2x128xi32, #tpu.memory_space<vmem>>)
        } else {
        }
        %dma_start3A_389 = arith.constant 4 : i32
        %dma_start3A_390 = arith.constant 0 : i32
        %dma_start3A_391 = arith.constant 0 : i32
        %dma_start3A_392 = tpu.memref_slice %arg7[%dma_start3A_389, %dma_start3A_390, %dma_start3A_391] : memref<8x2x128xi32, #tpu.memory_space<vmem>> -> memref<1x1x128xi32, #tpu.memory_space<vmem>>
        %dma_start3A_393 = tpu.memref_squeeze %dma_start3A_392 : memref<1x1x128xi32, #tpu.memory_space<vmem>> -> memref<128xi32, #tpu.memory_space<vmem>>
        %dma_start3A_394 = arith.constant 0 : i32
        %dma_start3A_395 = arith.constant 0 : i32
        %dma_start3A_396 = tpu.memref_slice %arg3[%dma_start3A_394, %dma_start3A_395] : memref<10000x64xf32, #tpu.memory_space<hbm>> -> memref<10000x64xf32, #tpu.memory_space<hbm>>
        tpu.enqueue_indirect_dma source(%dma_start3A_396 : memref<10000x64xf32, #tpu.memory_space<hbm>>) target(%arg8 : memref<128x64xf32, #tpu.memory_space<vmem>>) offsets(%dma_start3A_393 : memref<128xi32, #tpu.memory_space<vmem>>) semaphore(%arg12 : memref<!tpu.dma_semaphore, #tpu.memory_space<semaphore_mem>>)
      } else {
      }
      %mul3A_194 = arith.constant 8 : i32
      %mul3A_195 = arith.muli %while3A_86, %mul3A_194 : i32
      %add3A_196 = arith.constant 3 : i32
      %add3A_197 = arith.addi %mul3A_195, %add3A_196 : i32
      %dma_wait3A_198 = arith.constant 0 : i32
      %dma_wait3A_199 = arith.constant 0 : i32
      %dma_wait3A_200 = arith.constant 0 : i32
      %dma_wait3A_201 = tpu.memref_slice %arg7[%dma_wait3A_198, %dma_wait3A_199, %dma_wait3A_200] : memref<8x2x128xi32, #tpu.memory_space<vmem>> -> memref<1x1x128xi32, #tpu.memory_space<vmem>>
      %dma_wait3A_202 = tpu.memref_squeeze %dma_wait3A_201 : memref<1x1x128xi32, #tpu.memory_space<vmem>> -> memref<128xi32, #tpu.memory_space<vmem>>
      %dma_wait3A_203 = arith.constant 0 : i32
      %dma_wait3A_204 = arith.constant 0 : i32
      %dma_wait3A_205 = tpu.memref_slice %arg3[%dma_wait3A_203, %dma_wait3A_204] : memref<10000x64xf32, #tpu.memory_space<hbm>> -> memref<10000x64xf32, #tpu.memory_space<hbm>>
      tpu.wait_indirect_dma semaphore(%arg15 : memref<!tpu.dma_semaphore, #tpu.memory_space<semaphore_mem>>) src(%dma_wait3A_205 : memref<10000x64xf32, #tpu.memory_space<hbm>>) dst(%arg11 : memref<128x64xf32, #tpu.memory_space<vmem>>)
      %dma_start3A_206 = arith.constant 3 : i32
      %dma_start3A_207 = arith.constant 1 : i32
      %dma_start3A_208 = arith.constant 0 : i32
      %dma_start3A_209 = tpu.memref_slice %arg7[%dma_start3A_206, %dma_start3A_207, %dma_start3A_208] : memref<8x2x128xi32, #tpu.memory_space<vmem>> -> memref<1x1x128xi32, #tpu.memory_space<vmem>>
      %dma_start3A_210 = tpu.memref_squeeze %dma_start3A_209 : memref<1x1x128xi32, #tpu.memory_space<vmem>> -> memref<128xi32, #tpu.memory_space<vmem>>
      %dma_start3A_211 = arith.constant 0 : i32
      %dma_start3A_212 = arith.constant 0 : i32
      %dma_start3A_213 = tpu.memref_slice %arg6[%dma_start3A_211, %dma_start3A_212] : memref<10240x64xf32, #tpu.memory_space<vmem_shared>> -> memref<10240x64xf32, #tpu.memory_space<vmem_shared>>
      tpu.enqueue_indirect_dma source(%arg11 : memref<128x64xf32, #tpu.memory_space<vmem>>) target(%dma_start3A_213 : memref<10240x64xf32, #tpu.memory_space<vmem_shared>>) offsets(%dma_start3A_210 : memref<128xi32, #tpu.memory_space<vmem>>) semaphore(%arg19 : memref<!tpu.dma_semaphore, #tpu.memory_space<semaphore_mem>>) {add = true}
      %add3A_214 = arith.constant 4 : i32
      %add3A_215 = arith.addi %add3A_197, %add3A_214 : i32
      %lt3A_216 = arith.cmpi slt, %add3A_215, %select_n3A_3 : i32
      %add3A_217 = arith.constant 4 : i32
      %add3A_218 = arith.addi %add3A_197, %add3A_217 : i32
      %ge3A_219 = arith.constant 8 : i32
      %ge3A_220 = arith.cmpi sge, %add3A_218, %ge3A_219 : i32
      %and3A_221 = arith.andi %lt3A_216, %ge3A_220 : i1
      %convert_element_type3A_222 = arith.extui %and3A_221 : i1 to i32
      %cond3A_223 = arith.constant 0 : i32
      %cond3A_224 = arith.cmpi ne, %convert_element_type3A_222, %cond3A_223 : i32
      scf.if %cond3A_224 {
        %add3A_379 = arith.addi %multiple_of3A, %add3A_197 : i32
        %add3A_380 = arith.constant 4 : i32
        %add3A_381 = arith.addi %add3A_379, %add3A_380 : i32
        %dma_start3A_382 = arith.constant 7 : i32
        %dma_start3A_383 = arith.constant 0 : i32
        %dma_start3A_384 = arith.constant 0 : i32
        %dma_start3A_385 = tpu.memref_slice %arg7[%dma_start3A_382, %dma_start3A_383, %dma_start3A_384] : memref<8x2x128xi32, #tpu.memory_space<vmem>> -> memref<1x2x128xi32, #tpu.memory_space<vmem>>
        %dma_start3A_386 = arith.constant 0 : i32
        %dma_start3A_387 = arith.constant 0 : i32
        %dma_start3A_388 = tpu.memref_slice %arg2[%add3A_381, %dma_start3A_386, %dma_start3A_387] : memref<5120x2x128xi32, #tpu.memory_space<hbm>> -> memref<1x2x128xi32, #tpu.memory_space<hbm>>
        %dma_start3A_389 = arith.constant 7 : i32
        %dma_start3A_390 = arith.constant 0 : i32
        %dma_start3A_391 = arith.constant 0 : i32
        %dma_start3A_392 = tpu.memref_slice %arg7[%dma_start3A_389, %dma_start3A_390, %dma_start3A_391] : memref<8x2x128xi32, #tpu.memory_space<vmem>> -> memref<1x2x128xi32, #tpu.memory_space<vmem>>
        %dma_start3A_393 = arith.constant 0 : i32
        %dma_start3A_394 = arith.constant 0 : i32
        %dma_start3A_395 = tpu.memref_slice %arg2[%add3A_381, %dma_start3A_393, %dma_start3A_394] : memref<5120x2x128xi32, #tpu.memory_space<hbm>> -> memref<1x2x128xi32, #tpu.memory_space<hbm>>
        tpu.enqueue_dma source(%dma_start3A_395 : memref<1x2x128xi32, #tpu.memory_space<hbm>>) target(%dma_start3A_392 : memref<1x2x128xi32, #tpu.memory_space<vmem>>) target_semaphore(%arg23 : memref<!tpu.dma_semaphore, #tpu.memory_space<semaphore_mem>>)
      } else {
      }
      %add3A_225 = arith.constant 2 : i32
      %add3A_226 = arith.addi %add3A_197, %add3A_225 : i32
      %lt3A_227 = arith.cmpi slt, %add3A_226, %select_n3A_3 : i32
      %convert_element_type3A_228 = arith.extui %lt3A_227 : i1 to i32
      %cond3A_229 = arith.constant 0 : i32
      %cond3A_230 = arith.cmpi ne, %convert_element_type3A_228, %cond3A_229 : i32
      scf.if %cond3A_230 {
        %ge3A_379 = arith.constant 2 : i32
        %ge3A_380 = arith.cmpi sge, %add3A_197, %ge3A_379 : i32
        %convert_element_type3A_381 = arith.extui %ge3A_380 : i1 to i32
        %cond3A_382 = arith.constant 0 : i32
        %cond3A_383 = arith.cmpi ne, %convert_element_type3A_381, %cond3A_382 : i32
        scf.if %cond3A_383 {
          %dma_wait3A_397 = arith.constant 0 : i32
          %dma_wait3A_398 = arith.constant 0 : i32
          %dma_wait3A_399 = arith.constant 0 : i32
          %dma_wait3A_400 = tpu.memref_slice %arg7[%dma_wait3A_397, %dma_wait3A_398, %dma_wait3A_399] : memref<8x2x128xi32, #tpu.memory_space<vmem>> -> memref<1x1x128xi32, #tpu.memory_space<vmem>>
          %dma_wait3A_401 = tpu.memref_squeeze %dma_wait3A_400 : memref<1x1x128xi32, #tpu.memory_space<vmem>> -> memref<128xi32, #tpu.memory_space<vmem>>
          %dma_wait3A_402 = arith.constant 0 : i32
          %dma_wait3A_403 = arith.constant 0 : i32
          %dma_wait3A_404 = tpu.memref_slice %arg3[%dma_wait3A_402, %dma_wait3A_403] : memref<10000x64xf32, #tpu.memory_space<hbm>> -> memref<10000x64xf32, #tpu.memory_space<hbm>>
          tpu.wait_indirect_dma semaphore(%arg17 : memref<!tpu.dma_semaphore, #tpu.memory_space<semaphore_mem>>) src(%dma_wait3A_404 : memref<10000x64xf32, #tpu.memory_space<hbm>>) dst(%arg9 : memref<128x64xf32, #tpu.memory_space<vmem>>)
        } else {
        }
        %ge3A_384 = arith.constant 8 : i32
        %ge3A_385 = arith.cmpi sge, %add3A_226, %ge3A_384 : i32
        %convert_element_type3A_386 = arith.extui %ge3A_385 : i1 to i32
        %cond3A_387 = arith.constant 0 : i32
        %cond3A_388 = arith.cmpi ne, %convert_element_type3A_386, %cond3A_387 : i32
        scf.if %cond3A_388 {
          %dma_wait3A_397 = arith.constant 5 : i32
          %dma_wait3A_398 = arith.constant 0 : i32
          %dma_wait3A_399 = arith.constant 0 : i32
          %dma_wait3A_400 = tpu.memref_slice %arg7[%dma_wait3A_397, %dma_wait3A_398, %dma_wait3A_399] : memref<8x2x128xi32, #tpu.memory_space<vmem>> -> memref<1x2x128xi32, #tpu.memory_space<vmem>>
          %dma_wait3A_401 = arith.constant 0 : i32
          %dma_wait3A_402 = arith.constant 0 : i32
          %dma_wait3A_403 = tpu.memref_slice %arg2[%multiple_of3A, %dma_wait3A_401, %dma_wait3A_402] : memref<5120x2x128xi32, #tpu.memory_space<hbm>> -> memref<1x2x128xi32, #tpu.memory_space<hbm>>
          %dma_wait3A_404 = arith.constant 5 : i32
          %dma_wait3A_405 = arith.constant 0 : i32
          %dma_wait3A_406 = arith.constant 0 : i32
          %dma_wait3A_407 = tpu.memref_slice %arg7[%dma_wait3A_404, %dma_wait3A_405, %dma_wait3A_406] : memref<8x2x128xi32, #tpu.memory_space<vmem>> -> memref<1x2x128xi32, #tpu.memory_space<vmem>>
          %dma_wait3A_408 = arith.constant 0 : i32
          %dma_wait3A_409 = arith.constant 0 : i32
          %dma_wait3A_410 = tpu.memref_slice %arg2[%multiple_of3A, %dma_wait3A_408, %dma_wait3A_409] : memref<5120x2x128xi32, #tpu.memory_space<hbm>> -> memref<1x2x128xi32, #tpu.memory_space<hbm>>
          tpu.wait_dma2 semaphore(%arg21 : memref<!tpu.dma_semaphore, #tpu.memory_space<semaphore_mem>>) src(%dma_wait3A_410 : memref<1x2x128xi32, #tpu.memory_space<hbm>>) dst(%dma_wait3A_407 : memref<1x2x128xi32, #tpu.memory_space<vmem>>)
        } else {
        }
        %dma_start3A_389 = arith.constant 5 : i32
        %dma_start3A_390 = arith.constant 0 : i32
        %dma_start3A_391 = arith.constant 0 : i32
        %dma_start3A_392 = tpu.memref_slice %arg7[%dma_start3A_389, %dma_start3A_390, %dma_start3A_391] : memref<8x2x128xi32, #tpu.memory_space<vmem>> -> memref<1x1x128xi32, #tpu.memory_space<vmem>>
        %dma_start3A_393 = tpu.memref_squeeze %dma_start3A_392 : memref<1x1x128xi32, #tpu.memory_space<vmem>> -> memref<128xi32, #tpu.memory_space<vmem>>
        %dma_start3A_394 = arith.constant 0 : i32
        %dma_start3A_395 = arith.constant 0 : i32
        %dma_start3A_396 = tpu.memref_slice %arg3[%dma_start3A_394, %dma_start3A_395] : memref<10000x64xf32, #tpu.memory_space<hbm>> -> memref<10000x64xf32, #tpu.memory_space<hbm>>
        tpu.enqueue_indirect_dma source(%dma_start3A_396 : memref<10000x64xf32, #tpu.memory_space<hbm>>) target(%arg9 : memref<128x64xf32, #tpu.memory_space<vmem>>) offsets(%dma_start3A_393 : memref<128xi32, #tpu.memory_space<vmem>>) semaphore(%arg13 : memref<!tpu.dma_semaphore, #tpu.memory_space<semaphore_mem>>)
      } else {
      }
      %mul3A_231 = arith.constant 8 : i32
      %mul3A_232 = arith.muli %while3A_86, %mul3A_231 : i32
      %add3A_233 = arith.constant 4 : i32
      %add3A_234 = arith.addi %mul3A_232, %add3A_233 : i32
      %dma_wait3A_235 = arith.constant 0 : i32
      %dma_wait3A_236 = arith.constant 0 : i32
      %dma_wait3A_237 = arith.constant 0 : i32
      %dma_wait3A_238 = tpu.memref_slice %arg7[%dma_wait3A_235, %dma_wait3A_236, %dma_wait3A_237] : memref<8x2x128xi32, #tpu.memory_space<vmem>> -> memref<1x1x128xi32, #tpu.memory_space<vmem>>
      %dma_wait3A_239 = tpu.memref_squeeze %dma_wait3A_238 : memref<1x1x128xi32, #tpu.memory_space<vmem>> -> memref<128xi32, #tpu.memory_space<vmem>>
      %dma_wait3A_240 = arith.constant 0 : i32
      %dma_wait3A_241 = arith.constant 0 : i32
      %dma_wait3A_242 = tpu.memref_slice %arg3[%dma_wait3A_240, %dma_wait3A_241] : memref<10000x64xf32, #tpu.memory_space<hbm>> -> memref<10000x64xf32, #tpu.memory_space<hbm>>
      tpu.wait_indirect_dma semaphore(%arg12 : memref<!tpu.dma_semaphore, #tpu.memory_space<semaphore_mem>>) src(%dma_wait3A_242 : memref<10000x64xf32, #tpu.memory_space<hbm>>) dst(%arg8 : memref<128x64xf32, #tpu.memory_space<vmem>>)
      %dma_start3A_243 = arith.constant 4 : i32
      %dma_start3A_244 = arith.constant 1 : i32
      %dma_start3A_245 = arith.constant 0 : i32
      %dma_start3A_246 = tpu.memref_slice %arg7[%dma_start3A_243, %dma_start3A_244, %dma_start3A_245] : memref<8x2x128xi32, #tpu.memory_space<vmem>> -> memref<1x1x128xi32, #tpu.memory_space<vmem>>
      %dma_start3A_247 = tpu.memref_squeeze %dma_start3A_246 : memref<1x1x128xi32, #tpu.memory_space<vmem>> -> memref<128xi32, #tpu.memory_space<vmem>>
      %dma_start3A_248 = arith.constant 0 : i32
      %dma_start3A_249 = arith.constant 0 : i32
      %dma_start3A_250 = tpu.memref_slice %arg6[%dma_start3A_248, %dma_start3A_249] : memref<10240x64xf32, #tpu.memory_space<vmem_shared>> -> memref<10240x64xf32, #tpu.memory_space<vmem_shared>>
      tpu.enqueue_indirect_dma source(%arg8 : memref<128x64xf32, #tpu.memory_space<vmem>>) target(%dma_start3A_250 : memref<10240x64xf32, #tpu.memory_space<vmem_shared>>) offsets(%dma_start3A_247 : memref<128xi32, #tpu.memory_space<vmem>>) semaphore(%arg16 : memref<!tpu.dma_semaphore, #tpu.memory_space<semaphore_mem>>) {add = true}
      %add3A_251 = arith.constant 4 : i32
      %add3A_252 = arith.addi %add3A_234, %add3A_251 : i32
      %lt3A_253 = arith.cmpi slt, %add3A_252, %select_n3A_3 : i32
      %add3A_254 = arith.constant 4 : i32
      %add3A_255 = arith.addi %add3A_234, %add3A_254 : i32
      %ge3A_256 = arith.constant 8 : i32
      %ge3A_257 = arith.cmpi sge, %add3A_255, %ge3A_256 : i32
      %and3A_258 = arith.andi %lt3A_253, %ge3A_257 : i1
      %convert_element_type3A_259 = arith.extui %and3A_258 : i1 to i32
      %cond3A_260 = arith.constant 0 : i32
      %cond3A_261 = arith.cmpi ne, %convert_element_type3A_259, %cond3A_260 : i32
      scf.if %cond3A_261 {
        %add3A_379 = arith.addi %multiple_of3A, %add3A_234 : i32
        %add3A_380 = arith.constant 4 : i32
        %add3A_381 = arith.addi %add3A_379, %add3A_380 : i32
        %dma_start3A_382 = arith.constant 0 : i32
        %dma_start3A_383 = arith.constant 0 : i32
        %dma_start3A_384 = arith.constant 0 : i32
        %dma_start3A_385 = tpu.memref_slice %arg7[%dma_start3A_382, %dma_start3A_383, %dma_start3A_384] : memref<8x2x128xi32, #tpu.memory_space<vmem>> -> memref<1x2x128xi32, #tpu.memory_space<vmem>>
        %dma_start3A_386 = arith.constant 0 : i32
        %dma_start3A_387 = arith.constant 0 : i32
        %dma_start3A_388 = tpu.memref_slice %arg2[%add3A_381, %dma_start3A_386, %dma_start3A_387] : memref<5120x2x128xi32, #tpu.memory_space<hbm>> -> memref<1x2x128xi32, #tpu.memory_space<hbm>>
        %dma_start3A_389 = arith.constant 0 : i32
        %dma_start3A_390 = arith.constant 0 : i32
        %dma_start3A_391 = arith.constant 0 : i32
        %dma_start3A_392 = tpu.memref_slice %arg7[%dma_start3A_389, %dma_start3A_390, %dma_start3A_391] : memref<8x2x128xi32, #tpu.memory_space<vmem>> -> memref<1x2x128xi32, #tpu.memory_space<vmem>>
        %dma_start3A_393 = arith.constant 0 : i32
        %dma_start3A_394 = arith.constant 0 : i32
        %dma_start3A_395 = tpu.memref_slice %arg2[%add3A_381, %dma_start3A_393, %dma_start3A_394] : memref<5120x2x128xi32, #tpu.memory_space<hbm>> -> memref<1x2x128xi32, #tpu.memory_space<hbm>>
        tpu.enqueue_dma source(%dma_start3A_395 : memref<1x2x128xi32, #tpu.memory_space<hbm>>) target(%dma_start3A_392 : memref<1x2x128xi32, #tpu.memory_space<vmem>>) target_semaphore(%arg20 : memref<!tpu.dma_semaphore, #tpu.memory_space<semaphore_mem>>)
      } else {
      }
      %add3A_262 = arith.constant 2 : i32
      %add3A_263 = arith.addi %add3A_234, %add3A_262 : i32
      %lt3A_264 = arith.cmpi slt, %add3A_263, %select_n3A_3 : i32
      %convert_element_type3A_265 = arith.extui %lt3A_264 : i1 to i32
      %cond3A_266 = arith.constant 0 : i32
      %cond3A_267 = arith.cmpi ne, %convert_element_type3A_265, %cond3A_266 : i32
      scf.if %cond3A_267 {
        %ge3A_379 = arith.constant 2 : i32
        %ge3A_380 = arith.cmpi sge, %add3A_234, %ge3A_379 : i32
        %convert_element_type3A_381 = arith.extui %ge3A_380 : i1 to i32
        %cond3A_382 = arith.constant 0 : i32
        %cond3A_383 = arith.cmpi ne, %convert_element_type3A_381, %cond3A_382 : i32
        scf.if %cond3A_383 {
          %dma_wait3A_397 = arith.constant 0 : i32
          %dma_wait3A_398 = arith.constant 0 : i32
          %dma_wait3A_399 = arith.constant 0 : i32
          %dma_wait3A_400 = tpu.memref_slice %arg7[%dma_wait3A_397, %dma_wait3A_398, %dma_wait3A_399] : memref<8x2x128xi32, #tpu.memory_space<vmem>> -> memref<1x1x128xi32, #tpu.memory_space<vmem>>
          %dma_wait3A_401 = tpu.memref_squeeze %dma_wait3A_400 : memref<1x1x128xi32, #tpu.memory_space<vmem>> -> memref<128xi32, #tpu.memory_space<vmem>>
          %dma_wait3A_402 = arith.constant 0 : i32
          %dma_wait3A_403 = arith.constant 0 : i32
          %dma_wait3A_404 = tpu.memref_slice %arg3[%dma_wait3A_402, %dma_wait3A_403] : memref<10000x64xf32, #tpu.memory_space<hbm>> -> memref<10000x64xf32, #tpu.memory_space<hbm>>
          tpu.wait_indirect_dma semaphore(%arg18 : memref<!tpu.dma_semaphore, #tpu.memory_space<semaphore_mem>>) src(%dma_wait3A_404 : memref<10000x64xf32, #tpu.memory_space<hbm>>) dst(%arg10 : memref<128x64xf32, #tpu.memory_space<vmem>>)
        } else {
        }
        %ge3A_384 = arith.constant 8 : i32
        %ge3A_385 = arith.cmpi sge, %add3A_263, %ge3A_384 : i32
        %convert_element_type3A_386 = arith.extui %ge3A_385 : i1 to i32
        %cond3A_387 = arith.constant 0 : i32
        %cond3A_388 = arith.cmpi ne, %convert_element_type3A_386, %cond3A_387 : i32
        scf.if %cond3A_388 {
          %dma_wait3A_397 = arith.constant 6 : i32
          %dma_wait3A_398 = arith.constant 0 : i32
          %dma_wait3A_399 = arith.constant 0 : i32
          %dma_wait3A_400 = tpu.memref_slice %arg7[%dma_wait3A_397, %dma_wait3A_398, %dma_wait3A_399] : memref<8x2x128xi32, #tpu.memory_space<vmem>> -> memref<1x2x128xi32, #tpu.memory_space<vmem>>
          %dma_wait3A_401 = arith.constant 0 : i32
          %dma_wait3A_402 = arith.constant 0 : i32
          %dma_wait3A_403 = tpu.memref_slice %arg2[%multiple_of3A, %dma_wait3A_401, %dma_wait3A_402] : memref<5120x2x128xi32, #tpu.memory_space<hbm>> -> memref<1x2x128xi32, #tpu.memory_space<hbm>>
          %dma_wait3A_404 = arith.constant 6 : i32
          %dma_wait3A_405 = arith.constant 0 : i32
          %dma_wait3A_406 = arith.constant 0 : i32
          %dma_wait3A_407 = tpu.memref_slice %arg7[%dma_wait3A_404, %dma_wait3A_405, %dma_wait3A_406] : memref<8x2x128xi32, #tpu.memory_space<vmem>> -> memref<1x2x128xi32, #tpu.memory_space<vmem>>
          %dma_wait3A_408 = arith.constant 0 : i32
          %dma_wait3A_409 = arith.constant 0 : i32
          %dma_wait3A_410 = tpu.memref_slice %arg2[%multiple_of3A, %dma_wait3A_408, %dma_wait3A_409] : memref<5120x2x128xi32, #tpu.memory_space<hbm>> -> memref<1x2x128xi32, #tpu.memory_space<hbm>>
          tpu.wait_dma2 semaphore(%arg22 : memref<!tpu.dma_semaphore, #tpu.memory_space<semaphore_mem>>) src(%dma_wait3A_410 : memref<1x2x128xi32, #tpu.memory_space<hbm>>) dst(%dma_wait3A_407 : memref<1x2x128xi32, #tpu.memory_space<vmem>>)
        } else {
        }
        %dma_start3A_389 = arith.constant 6 : i32
        %dma_start3A_390 = arith.constant 0 : i32
        %dma_start3A_391 = arith.constant 0 : i32
        %dma_start3A_392 = tpu.memref_slice %arg7[%dma_start3A_389, %dma_start3A_390, %dma_start3A_391] : memref<8x2x128xi32, #tpu.memory_space<vmem>> -> memref<1x1x128xi32, #tpu.memory_space<vmem>>
        %dma_start3A_393 = tpu.memref_squeeze %dma_start3A_392 : memref<1x1x128xi32, #tpu.memory_space<vmem>> -> memref<128xi32, #tpu.memory_space<vmem>>
        %dma_start3A_394 = arith.constant 0 : i32
        %dma_start3A_395 = arith.constant 0 : i32
        %dma_start3A_396 = tpu.memref_slice %arg3[%dma_start3A_394, %dma_start3A_395] : memref<10000x64xf32, #tpu.memory_space<hbm>> -> memref<10000x64xf32, #tpu.memory_space<hbm>>
        tpu.enqueue_indirect_dma source(%dma_start3A_396 : memref<10000x64xf32, #tpu.memory_space<hbm>>) target(%arg10 : memref<128x64xf32, #tpu.memory_space<vmem>>) offsets(%dma_start3A_393 : memref<128xi32, #tpu.memory_space<vmem>>) semaphore(%arg14 : memref<!tpu.dma_semaphore, #tpu.memory_space<semaphore_mem>>)
      } else {
      }
      %mul3A_268 = arith.constant 8 : i32
      %mul3A_269 = arith.muli %while3A_86, %mul3A_268 : i32
      %add3A_270 = arith.constant 5 : i32
      %add3A_271 = arith.addi %mul3A_269, %add3A_270 : i32
      %dma_wait3A_272 = arith.constant 0 : i32
      %dma_wait3A_273 = arith.constant 0 : i32
      %dma_wait3A_274 = arith.constant 0 : i32
      %dma_wait3A_275 = tpu.memref_slice %arg7[%dma_wait3A_272, %dma_wait3A_273, %dma_wait3A_274] : memref<8x2x128xi32, #tpu.memory_space<vmem>> -> memref<1x1x128xi32, #tpu.memory_space<vmem>>
      %dma_wait3A_276 = tpu.memref_squeeze %dma_wait3A_275 : memref<1x1x128xi32, #tpu.memory_space<vmem>> -> memref<128xi32, #tpu.memory_space<vmem>>
      %dma_wait3A_277 = arith.constant 0 : i32
      %dma_wait3A_278 = arith.constant 0 : i32
      %dma_wait3A_279 = tpu.memref_slice %arg3[%dma_wait3A_277, %dma_wait3A_278] : memref<10000x64xf32, #tpu.memory_space<hbm>> -> memref<10000x64xf32, #tpu.memory_space<hbm>>
      tpu.wait_indirect_dma semaphore(%arg13 : memref<!tpu.dma_semaphore, #tpu.memory_space<semaphore_mem>>) src(%dma_wait3A_279 : memref<10000x64xf32, #tpu.memory_space<hbm>>) dst(%arg9 : memref<128x64xf32, #tpu.memory_space<vmem>>)
      %dma_start3A_280 = arith.constant 5 : i32
      %dma_start3A_281 = arith.constant 1 : i32
      %dma_start3A_282 = arith.constant 0 : i32
      %dma_start3A_283 = tpu.memref_slice %arg7[%dma_start3A_280, %dma_start3A_281, %dma_start3A_282] : memref<8x2x128xi32, #tpu.memory_space<vmem>> -> memref<1x1x128xi32, #tpu.memory_space<vmem>>
      %dma_start3A_284 = tpu.memref_squeeze %dma_start3A_283 : memref<1x1x128xi32, #tpu.memory_space<vmem>> -> memref<128xi32, #tpu.memory_space<vmem>>
      %dma_start3A_285 = arith.constant 0 : i32
      %dma_start3A_286 = arith.constant 0 : i32
      %dma_start3A_287 = tpu.memref_slice %arg6[%dma_start3A_285, %dma_start3A_286] : memref<10240x64xf32, #tpu.memory_space<vmem_shared>> -> memref<10240x64xf32, #tpu.memory_space<vmem_shared>>
      tpu.enqueue_indirect_dma source(%arg9 : memref<128x64xf32, #tpu.memory_space<vmem>>) target(%dma_start3A_287 : memref<10240x64xf32, #tpu.memory_space<vmem_shared>>) offsets(%dma_start3A_284 : memref<128xi32, #tpu.memory_space<vmem>>) semaphore(%arg17 : memref<!tpu.dma_semaphore, #tpu.memory_space<semaphore_mem>>) {add = true}
      %add3A_288 = arith.constant 4 : i32
      %add3A_289 = arith.addi %add3A_271, %add3A_288 : i32
      %lt3A_290 = arith.cmpi slt, %add3A_289, %select_n3A_3 : i32
      %add3A_291 = arith.constant 4 : i32
      %add3A_292 = arith.addi %add3A_271, %add3A_291 : i32
      %ge3A_293 = arith.constant 8 : i32
      %ge3A_294 = arith.cmpi sge, %add3A_292, %ge3A_293 : i32
      %and3A_295 = arith.andi %lt3A_290, %ge3A_294 : i1
      %convert_element_type3A_296 = arith.extui %and3A_295 : i1 to i32
      %cond3A_297 = arith.constant 0 : i32
      %cond3A_298 = arith.cmpi ne, %convert_element_type3A_296, %cond3A_297 : i32
      scf.if %cond3A_298 {
        %add3A_379 = arith.addi %multiple_of3A, %add3A_271 : i32
        %add3A_380 = arith.constant 4 : i32
        %add3A_381 = arith.addi %add3A_379, %add3A_380 : i32
        %dma_start3A_382 = arith.constant 1 : i32
        %dma_start3A_383 = arith.constant 0 : i32
        %dma_start3A_384 = arith.constant 0 : i32
        %dma_start3A_385 = tpu.memref_slice %arg7[%dma_start3A_382, %dma_start3A_383, %dma_start3A_384] : memref<8x2x128xi32, #tpu.memory_space<vmem>> -> memref<1x2x128xi32, #tpu.memory_space<vmem>>
        %dma_start3A_386 = arith.constant 0 : i32
        %dma_start3A_387 = arith.constant 0 : i32
        %dma_start3A_388 = tpu.memref_slice %arg2[%add3A_381, %dma_start3A_386, %dma_start3A_387] : memref<5120x2x128xi32, #tpu.memory_space<hbm>> -> memref<1x2x128xi32, #tpu.memory_space<hbm>>
        %dma_start3A_389 = arith.constant 1 : i32
        %dma_start3A_390 = arith.constant 0 : i32
        %dma_start3A_391 = arith.constant 0 : i32
        %dma_start3A_392 = tpu.memref_slice %arg7[%dma_start3A_389, %dma_start3A_390, %dma_start3A_391] : memref<8x2x128xi32, #tpu.memory_space<vmem>> -> memref<1x2x128xi32, #tpu.memory_space<vmem>>
        %dma_start3A_393 = arith.constant 0 : i32
        %dma_start3A_394 = arith.constant 0 : i32
        %dma_start3A_395 = tpu.memref_slice %arg2[%add3A_381, %dma_start3A_393, %dma_start3A_394] : memref<5120x2x128xi32, #tpu.memory_space<hbm>> -> memref<1x2x128xi32, #tpu.memory_space<hbm>>
        tpu.enqueue_dma source(%dma_start3A_395 : memref<1x2x128xi32, #tpu.memory_space<hbm>>) target(%dma_start3A_392 : memref<1x2x128xi32, #tpu.memory_space<vmem>>) target_semaphore(%arg21 : memref<!tpu.dma_semaphore, #tpu.memory_space<semaphore_mem>>)
      } else {
      }
      %add3A_299 = arith.constant 2 : i32
      %add3A_300 = arith.addi %add3A_271, %add3A_299 : i32
      %lt3A_301 = arith.cmpi slt, %add3A_300, %select_n3A_3 : i32
      %convert_element_type3A_302 = arith.extui %lt3A_301 : i1 to i32
      %cond3A_303 = arith.constant 0 : i32
      %cond3A_304 = arith.cmpi ne, %convert_element_type3A_302, %cond3A_303 : i32
      scf.if %cond3A_304 {
        %ge3A_379 = arith.constant 2 : i32
        %ge3A_380 = arith.cmpi sge, %add3A_271, %ge3A_379 : i32
        %convert_element_type3A_381 = arith.extui %ge3A_380 : i1 to i32
        %cond3A_382 = arith.constant 0 : i32
        %cond3A_383 = arith.cmpi ne, %convert_element_type3A_381, %cond3A_382 : i32
        scf.if %cond3A_383 {
          %dma_wait3A_397 = arith.constant 0 : i32
          %dma_wait3A_398 = arith.constant 0 : i32
          %dma_wait3A_399 = arith.constant 0 : i32
          %dma_wait3A_400 = tpu.memref_slice %arg7[%dma_wait3A_397, %dma_wait3A_398, %dma_wait3A_399] : memref<8x2x128xi32, #tpu.memory_space<vmem>> -> memref<1x1x128xi32, #tpu.memory_space<vmem>>
          %dma_wait3A_401 = tpu.memref_squeeze %dma_wait3A_400 : memref<1x1x128xi32, #tpu.memory_space<vmem>> -> memref<128xi32, #tpu.memory_space<vmem>>
          %dma_wait3A_402 = arith.constant 0 : i32
          %dma_wait3A_403 = arith.constant 0 : i32
          %dma_wait3A_404 = tpu.memref_slice %arg3[%dma_wait3A_402, %dma_wait3A_403] : memref<10000x64xf32, #tpu.memory_space<hbm>> -> memref<10000x64xf32, #tpu.memory_space<hbm>>
          tpu.wait_indirect_dma semaphore(%arg19 : memref<!tpu.dma_semaphore, #tpu.memory_space<semaphore_mem>>) src(%dma_wait3A_404 : memref<10000x64xf32, #tpu.memory_space<hbm>>) dst(%arg11 : memref<128x64xf32, #tpu.memory_space<vmem>>)
        } else {
        }
        %ge3A_384 = arith.constant 8 : i32
        %ge3A_385 = arith.cmpi sge, %add3A_300, %ge3A_384 : i32
        %convert_element_type3A_386 = arith.extui %ge3A_385 : i1 to i32
        %cond3A_387 = arith.constant 0 : i32
        %cond3A_388 = arith.cmpi ne, %convert_element_type3A_386, %cond3A_387 : i32
        scf.if %cond3A_388 {
          %dma_wait3A_397 = arith.constant 7 : i32
          %dma_wait3A_398 = arith.constant 0 : i32
          %dma_wait3A_399 = arith.constant 0 : i32
          %dma_wait3A_400 = tpu.memref_slice %arg7[%dma_wait3A_397, %dma_wait3A_398, %dma_wait3A_399] : memref<8x2x128xi32, #tpu.memory_space<vmem>> -> memref<1x2x128xi32, #tpu.memory_space<vmem>>
          %dma_wait3A_401 = arith.constant 0 : i32
          %dma_wait3A_402 = arith.constant 0 : i32
          %dma_wait3A_403 = tpu.memref_slice %arg2[%multiple_of3A, %dma_wait3A_401, %dma_wait3A_402] : memref<5120x2x128xi32, #tpu.memory_space<hbm>> -> memref<1x2x128xi32, #tpu.memory_space<hbm>>
          %dma_wait3A_404 = arith.constant 7 : i32
          %dma_wait3A_405 = arith.constant 0 : i32
          %dma_wait3A_406 = arith.constant 0 : i32
          %dma_wait3A_407 = tpu.memref_slice %arg7[%dma_wait3A_404, %dma_wait3A_405, %dma_wait3A_406] : memref<8x2x128xi32, #tpu.memory_space<vmem>> -> memref<1x2x128xi32, #tpu.memory_space<vmem>>
          %dma_wait3A_408 = arith.constant 0 : i32
          %dma_wait3A_409 = arith.constant 0 : i32
          %dma_wait3A_410 = tpu.memref_slice %arg2[%multiple_of3A, %dma_wait3A_408, %dma_wait3A_409] : memref<5120x2x128xi32, #tpu.memory_space<hbm>> -> memref<1x2x128xi32, #tpu.memory_space<hbm>>
          tpu.wait_dma2 semaphore(%arg23 : memref<!tpu.dma_semaphore, #tpu.memory_space<semaphore_mem>>) src(%dma_wait3A_410 : memref<1x2x128xi32, #tpu.memory_space<hbm>>) dst(%dma_wait3A_407 : memref<1x2x128xi32, #tpu.memory_space<vmem>>)
        } else {
        }
        %dma_start3A_389 = arith.constant 7 : i32
        %dma_start3A_390 = arith.constant 0 : i32
        %dma_start3A_391 = arith.constant 0 : i32
        %dma_start3A_392 = tpu.memref_slice %arg7[%dma_start3A_389, %dma_start3A_390, %dma_start3A_391] : memref<8x2x128xi32, #tpu.memory_space<vmem>> -> memref<1x1x128xi32, #tpu.memory_space<vmem>>
        %dma_start3A_393 = tpu.memref_squeeze %dma_start3A_392 : memref<1x1x128xi32, #tpu.memory_space<vmem>> -> memref<128xi32, #tpu.memory_space<vmem>>
        %dma_start3A_394 = arith.constant 0 : i32
        %dma_start3A_395 = arith.constant 0 : i32
        %dma_start3A_396 = tpu.memref_slice %arg3[%dma_start3A_394, %dma_start3A_395] : memref<10000x64xf32, #tpu.memory_space<hbm>> -> memref<10000x64xf32, #tpu.memory_space<hbm>>
        tpu.enqueue_indirect_dma source(%dma_start3A_396 : memref<10000x64xf32, #tpu.memory_space<hbm>>) target(%arg11 : memref<128x64xf32, #tpu.memory_space<vmem>>) offsets(%dma_start3A_393 : memref<128xi32, #tpu.memory_space<vmem>>) semaphore(%arg15 : memref<!tpu.dma_semaphore, #tpu.memory_space<semaphore_mem>>)
      } else {
      }
      %mul3A_305 = arith.constant 8 : i32
      %mul3A_306 = arith.muli %while3A_86, %mul3A_305 : i32
      %add3A_307 = arith.constant 6 : i32
      %add3A_308 = arith.addi %mul3A_306, %add3A_307 : i32
      %dma_wait3A_309 = arith.constant 0 : i32
      %dma_wait3A_310 = arith.constant 0 : i32
      %dma_wait3A_311 = arith.constant 0 : i32
      %dma_wait3A_312 = tpu.memref_slice %arg7[%dma_wait3A_309, %dma_wait3A_310, %dma_wait3A_311] : memref<8x2x128xi32, #tpu.memory_space<vmem>> -> memref<1x1x128xi32, #tpu.memory_space<vmem>>
      %dma_wait3A_313 = tpu.memref_squeeze %dma_wait3A_312 : memref<1x1x128xi32, #tpu.memory_space<vmem>> -> memref<128xi32, #tpu.memory_space<vmem>>
      %dma_wait3A_314 = arith.constant 0 : i32
      %dma_wait3A_315 = arith.constant 0 : i32
      %dma_wait3A_316 = tpu.memref_slice %arg3[%dma_wait3A_314, %dma_wait3A_315] : memref<10000x64xf32, #tpu.memory_space<hbm>> -> memref<10000x64xf32, #tpu.memory_space<hbm>>
      tpu.wait_indirect_dma semaphore(%arg14 : memref<!tpu.dma_semaphore, #tpu.memory_space<semaphore_mem>>) src(%dma_wait3A_316 : memref<10000x64xf32, #tpu.memory_space<hbm>>) dst(%arg10 : memref<128x64xf32, #tpu.memory_space<vmem>>)
      %dma_start3A_317 = arith.constant 6 : i32
      %dma_start3A_318 = arith.constant 1 : i32
      %dma_start3A_319 = arith.constant 0 : i32
      %dma_start3A_320 = tpu.memref_slice %arg7[%dma_start3A_317, %dma_start3A_318, %dma_start3A_319] : memref<8x2x128xi32, #tpu.memory_space<vmem>> -> memref<1x1x128xi32, #tpu.memory_space<vmem>>
      %dma_start3A_321 = tpu.memref_squeeze %dma_start3A_320 : memref<1x1x128xi32, #tpu.memory_space<vmem>> -> memref<128xi32, #tpu.memory_space<vmem>>
      %dma_start3A_322 = arith.constant 0 : i32
      %dma_start3A_323 = arith.constant 0 : i32
      %dma_start3A_324 = tpu.memref_slice %arg6[%dma_start3A_322, %dma_start3A_323] : memref<10240x64xf32, #tpu.memory_space<vmem_shared>> -> memref<10240x64xf32, #tpu.memory_space<vmem_shared>>
      tpu.enqueue_indirect_dma source(%arg10 : memref<128x64xf32, #tpu.memory_space<vmem>>) target(%dma_start3A_324 : memref<10240x64xf32, #tpu.memory_space<vmem_shared>>) offsets(%dma_start3A_321 : memref<128xi32, #tpu.memory_space<vmem>>) semaphore(%arg18 : memref<!tpu.dma_semaphore, #tpu.memory_space<semaphore_mem>>) {add = true}
      %add3A_325 = arith.constant 4 : i32
      %add3A_326 = arith.addi %add3A_308, %add3A_325 : i32
      %lt3A_327 = arith.cmpi slt, %add3A_326, %select_n3A_3 : i32
      %add3A_328 = arith.constant 4 : i32
      %add3A_329 = arith.addi %add3A_308, %add3A_328 : i32
      %ge3A_330 = arith.constant 8 : i32
      %ge3A_331 = arith.cmpi sge, %add3A_329, %ge3A_330 : i32
      %and3A_332 = arith.andi %lt3A_327, %ge3A_331 : i1
      %convert_element_type3A_333 = arith.extui %and3A_332 : i1 to i32
      %cond3A_334 = arith.constant 0 : i32
      %cond3A_335 = arith.cmpi ne, %convert_element_type3A_333, %cond3A_334 : i32
      scf.if %cond3A_335 {
        %add3A_379 = arith.addi %multiple_of3A, %add3A_308 : i32
        %add3A_380 = arith.constant 4 : i32
        %add3A_381 = arith.addi %add3A_379, %add3A_380 : i32
        %dma_start3A_382 = arith.constant 2 : i32
        %dma_start3A_383 = arith.constant 0 : i32
        %dma_start3A_384 = arith.constant 0 : i32
        %dma_start3A_385 = tpu.memref_slice %arg7[%dma_start3A_382, %dma_start3A_383, %dma_start3A_384] : memref<8x2x128xi32, #tpu.memory_space<vmem>> -> memref<1x2x128xi32, #tpu.memory_space<vmem>>
        %dma_start3A_386 = arith.constant 0 : i32
        %dma_start3A_387 = arith.constant 0 : i32
        %dma_start3A_388 = tpu.memref_slice %arg2[%add3A_381, %dma_start3A_386, %dma_start3A_387] : memref<5120x2x128xi32, #tpu.memory_space<hbm>> -> memref<1x2x128xi32, #tpu.memory_space<hbm>>
        %dma_start3A_389 = arith.constant 2 : i32
        %dma_start3A_390 = arith.constant 0 : i32
        %dma_start3A_391 = arith.constant 0 : i32
        %dma_start3A_392 = tpu.memref_slice %arg7[%dma_start3A_389, %dma_start3A_390, %dma_start3A_391] : memref<8x2x128xi32, #tpu.memory_space<vmem>> -> memref<1x2x128xi32, #tpu.memory_space<vmem>>
        %dma_start3A_393 = arith.constant 0 : i32
        %dma_start3A_394 = arith.constant 0 : i32
        %dma_start3A_395 = tpu.memref_slice %arg2[%add3A_381, %dma_start3A_393, %dma_start3A_394] : memref<5120x2x128xi32, #tpu.memory_space<hbm>> -> memref<1x2x128xi32, #tpu.memory_space<hbm>>
        tpu.enqueue_dma source(%dma_start3A_395 : memref<1x2x128xi32, #tpu.memory_space<hbm>>) target(%dma_start3A_392 : memref<1x2x128xi32, #tpu.memory_space<vmem>>) target_semaphore(%arg22 : memref<!tpu.dma_semaphore, #tpu.memory_space<semaphore_mem>>)
      } else {
      }
      %add3A_336 = arith.constant 2 : i32
      %add3A_337 = arith.addi %add3A_308, %add3A_336 : i32
      %lt3A_338 = arith.cmpi slt, %add3A_337, %select_n3A_3 : i32
      %convert_element_type3A_339 = arith.extui %lt3A_338 : i1 to i32
      %cond3A_340 = arith.constant 0 : i32
      %cond3A_341 = arith.cmpi ne, %convert_element_type3A_339, %cond3A_340 : i32
      scf.if %cond3A_341 {
        %ge3A_379 = arith.constant 2 : i32
        %ge3A_380 = arith.cmpi sge, %add3A_308, %ge3A_379 : i32
        %convert_element_type3A_381 = arith.extui %ge3A_380 : i1 to i32
        %cond3A_382 = arith.constant 0 : i32
        %cond3A_383 = arith.cmpi ne, %convert_element_type3A_381, %cond3A_382 : i32
        scf.if %cond3A_383 {
          %dma_wait3A_397 = arith.constant 0 : i32
          %dma_wait3A_398 = arith.constant 0 : i32
          %dma_wait3A_399 = arith.constant 0 : i32
          %dma_wait3A_400 = tpu.memref_slice %arg7[%dma_wait3A_397, %dma_wait3A_398, %dma_wait3A_399] : memref<8x2x128xi32, #tpu.memory_space<vmem>> -> memref<1x1x128xi32, #tpu.memory_space<vmem>>
          %dma_wait3A_401 = tpu.memref_squeeze %dma_wait3A_400 : memref<1x1x128xi32, #tpu.memory_space<vmem>> -> memref<128xi32, #tpu.memory_space<vmem>>
          %dma_wait3A_402 = arith.constant 0 : i32
          %dma_wait3A_403 = arith.constant 0 : i32
          %dma_wait3A_404 = tpu.memref_slice %arg3[%dma_wait3A_402, %dma_wait3A_403] : memref<10000x64xf32, #tpu.memory_space<hbm>> -> memref<10000x64xf32, #tpu.memory_space<hbm>>
          tpu.wait_indirect_dma semaphore(%arg16 : memref<!tpu.dma_semaphore, #tpu.memory_space<semaphore_mem>>) src(%dma_wait3A_404 : memref<10000x64xf32, #tpu.memory_space<hbm>>) dst(%arg8 : memref<128x64xf32, #tpu.memory_space<vmem>>)
        } else {
        }
        %ge3A_384 = arith.constant 8 : i32
        %ge3A_385 = arith.cmpi sge, %add3A_337, %ge3A_384 : i32
        %convert_element_type3A_386 = arith.extui %ge3A_385 : i1 to i32
        %cond3A_387 = arith.constant 0 : i32
        %cond3A_388 = arith.cmpi ne, %convert_element_type3A_386, %cond3A_387 : i32
        scf.if %cond3A_388 {
          %dma_wait3A_397 = arith.constant 0 : i32
          %dma_wait3A_398 = arith.constant 0 : i32
          %dma_wait3A_399 = arith.constant 0 : i32
          %dma_wait3A_400 = tpu.memref_slice %arg7[%dma_wait3A_397, %dma_wait3A_398, %dma_wait3A_399] : memref<8x2x128xi32, #tpu.memory_space<vmem>> -> memref<1x2x128xi32, #tpu.memory_space<vmem>>
          %dma_wait3A_401 = arith.constant 0 : i32
          %dma_wait3A_402 = arith.constant 0 : i32
          %dma_wait3A_403 = tpu.memref_slice %arg2[%multiple_of3A, %dma_wait3A_401, %dma_wait3A_402] : memref<5120x2x128xi32, #tpu.memory_space<hbm>> -> memref<1x2x128xi32, #tpu.memory_space<hbm>>
          %dma_wait3A_404 = arith.constant 0 : i32
          %dma_wait3A_405 = arith.constant 0 : i32
          %dma_wait3A_406 = arith.constant 0 : i32
          %dma_wait3A_407 = tpu.memref_slice %arg7[%dma_wait3A_404, %dma_wait3A_405, %dma_wait3A_406] : memref<8x2x128xi32, #tpu.memory_space<vmem>> -> memref<1x2x128xi32, #tpu.memory_space<vmem>>
          %dma_wait3A_408 = arith.constant 0 : i32
          %dma_wait3A_409 = arith.constant 0 : i32
          %dma_wait3A_410 = tpu.memref_slice %arg2[%multiple_of3A, %dma_wait3A_408, %dma_wait3A_409] : memref<5120x2x128xi32, #tpu.memory_space<hbm>> -> memref<1x2x128xi32, #tpu.memory_space<hbm>>
          tpu.wait_dma2 semaphore(%arg20 : memref<!tpu.dma_semaphore, #tpu.memory_space<semaphore_mem>>) src(%dma_wait3A_410 : memref<1x2x128xi32, #tpu.memory_space<hbm>>) dst(%dma_wait3A_407 : memref<1x2x128xi32, #tpu.memory_space<vmem>>)
        } else {
        }
        %dma_start3A_389 = arith.constant 0 : i32
        %dma_start3A_390 = arith.constant 0 : i32
        %dma_start3A_391 = arith.constant 0 : i32
        %dma_start3A_392 = tpu.memref_slice %arg7[%dma_start3A_389, %dma_start3A_390, %dma_start3A_391] : memref<8x2x128xi32, #tpu.memory_space<vmem>> -> memref<1x1x128xi32, #tpu.memory_space<vmem>>
        %dma_start3A_393 = tpu.memref_squeeze %dma_start3A_392 : memref<1x1x128xi32, #tpu.memory_space<vmem>> -> memref<128xi32, #tpu.memory_space<vmem>>
        %dma_start3A_394 = arith.constant 0 : i32
        %dma_start3A_395 = arith.constant 0 : i32
        %dma_start3A_396 = tpu.memref_slice %arg3[%dma_start3A_394, %dma_start3A_395] : memref<10000x64xf32, #tpu.memory_space<hbm>> -> memref<10000x64xf32, #tpu.memory_space<hbm>>
        tpu.enqueue_indirect_dma source(%dma_start3A_396 : memref<10000x64xf32, #tpu.memory_space<hbm>>) target(%arg8 : memref<128x64xf32, #tpu.memory_space<vmem>>) offsets(%dma_start3A_393 : memref<128xi32, #tpu.memory_space<vmem>>) semaphore(%arg12 : memref<!tpu.dma_semaphore, #tpu.memory_space<semaphore_mem>>)
      } else {
      }
      %mul3A_342 = arith.constant 8 : i32
      %mul3A_343 = arith.muli %while3A_86, %mul3A_342 : i32
      %add3A_344 = arith.constant 7 : i32
      %add3A_345 = arith.addi %mul3A_343, %add3A_344 : i32
      %dma_wait3A_346 = arith.constant 0 : i32
      %dma_wait3A_347 = arith.constant 0 : i32
      %dma_wait3A_348 = arith.constant 0 : i32
      %dma_wait3A_349 = tpu.memref_slice %arg7[%dma_wait3A_346, %dma_wait3A_347, %dma_wait3A_348] : memref<8x2x128xi32, #tpu.memory_space<vmem>> -> memref<1x1x128xi32, #tpu.memory_space<vmem>>
      %dma_wait3A_350 = tpu.memref_squeeze %dma_wait3A_349 : memref<1x1x128xi32, #tpu.memory_space<vmem>> -> memref<128xi32, #tpu.memory_space<vmem>>
      %dma_wait3A_351 = arith.constant 0 : i32
      %dma_wait3A_352 = arith.constant 0 : i32
      %dma_wait3A_353 = tpu.memref_slice %arg3[%dma_wait3A_351, %dma_wait3A_352] : memref<10000x64xf32, #tpu.memory_space<hbm>> -> memref<10000x64xf32, #tpu.memory_space<hbm>>
      tpu.wait_indirect_dma semaphore(%arg15 : memref<!tpu.dma_semaphore, #tpu.memory_space<semaphore_mem>>) src(%dma_wait3A_353 : memref<10000x64xf32, #tpu.memory_space<hbm>>) dst(%arg11 : memref<128x64xf32, #tpu.memory_space<vmem>>)
      %dma_start3A_354 = arith.constant 7 : i32
      %dma_start3A_355 = arith.constant 1 : i32
      %dma_start3A_356 = arith.constant 0 : i32
      %dma_start3A_357 = tpu.memref_slice %arg7[%dma_start3A_354, %dma_start3A_355, %dma_start3A_356] : memref<8x2x128xi32, #tpu.memory_space<vmem>> -> memref<1x1x128xi32, #tpu.memory_space<vmem>>
      %dma_start3A_358 = tpu.memref_squeeze %dma_start3A_357 : memref<1x1x128xi32, #tpu.memory_space<vmem>> -> memref<128xi32, #tpu.memory_space<vmem>>
      %dma_start3A_359 = arith.constant 0 : i32
      %dma_start3A_360 = arith.constant 0 : i32
      %dma_start3A_361 = tpu.memref_slice %arg6[%dma_start3A_359, %dma_start3A_360] : memref<10240x64xf32, #tpu.memory_space<vmem_shared>> -> memref<10240x64xf32, #tpu.memory_space<vmem_shared>>
      tpu.enqueue_indirect_dma source(%arg11 : memref<128x64xf32, #tpu.memory_space<vmem>>) target(%dma_start3A_361 : memref<10240x64xf32, #tpu.memory_space<vmem_shared>>) offsets(%dma_start3A_358 : memref<128xi32, #tpu.memory_space<vmem>>) semaphore(%arg19 : memref<!tpu.dma_semaphore, #tpu.memory_space<semaphore_mem>>) {add = true}
      %add3A_362 = arith.constant 4 : i32
      %add3A_363 = arith.addi %add3A_345, %add3A_362 : i32
      %lt3A_364 = arith.cmpi slt, %add3A_363, %select_n3A_3 : i32
      %add3A_365 = arith.constant 4 : i32
      %add3A_366 = arith.addi %add3A_345, %add3A_365 : i32
      %ge3A_367 = arith.constant 8 : i32
      %ge3A_368 = arith.cmpi sge, %add3A_366, %ge3A_367 : i32
      %and3A_369 = arith.andi %lt3A_364, %ge3A_368 : i1
      %convert_element_type3A_370 = arith.extui %and3A_369 : i1 to i32
      %cond3A_371 = arith.constant 0 : i32
      %cond3A_372 = arith.cmpi ne, %convert_element_type3A_370, %cond3A_371 : i32
      scf.if %cond3A_372 {
        %add3A_379 = arith.addi %multiple_of3A, %add3A_345 : i32
        %add3A_380 = arith.constant 4 : i32
        %add3A_381 = arith.addi %add3A_379, %add3A_380 : i32
        %dma_start3A_382 = arith.constant 3 : i32
        %dma_start3A_383 = arith.constant 0 : i32
        %dma_start3A_384 = arith.constant 0 : i32
        %dma_start3A_385 = tpu.memref_slice %arg7[%dma_start3A_382, %dma_start3A_383, %dma_start3A_384] : memref<8x2x128xi32, #tpu.memory_space<vmem>> -> memref<1x2x128xi32, #tpu.memory_space<vmem>>
        %dma_start3A_386 = arith.constant 0 : i32
        %dma_start3A_387 = arith.constant 0 : i32
        %dma_start3A_388 = tpu.memref_slice %arg2[%add3A_381, %dma_start3A_386, %dma_start3A_387] : memref<5120x2x128xi32, #tpu.memory_space<hbm>> -> memref<1x2x128xi32, #tpu.memory_space<hbm>>
        %dma_start3A_389 = arith.constant 3 : i32
        %dma_start3A_390 = arith.constant 0 : i32
        %dma_start3A_391 = arith.constant 0 : i32
        %dma_start3A_392 = tpu.memref_slice %arg7[%dma_start3A_389, %dma_start3A_390, %dma_start3A_391] : memref<8x2x128xi32, #tpu.memory_space<vmem>> -> memref<1x2x128xi32, #tpu.memory_space<vmem>>
        %dma_start3A_393 = arith.constant 0 : i32
        %dma_start3A_394 = arith.constant 0 : i32
        %dma_start3A_395 = tpu.memref_slice %arg2[%add3A_381, %dma_start3A_393, %dma_start3A_394] : memref<5120x2x128xi32, #tpu.memory_space<hbm>> -> memref<1x2x128xi32, #tpu.memory_space<hbm>>
        tpu.enqueue_dma source(%dma_start3A_395 : memref<1x2x128xi32, #tpu.memory_space<hbm>>) target(%dma_start3A_392 : memref<1x2x128xi32, #tpu.memory_space<vmem>>) target_semaphore(%arg23 : memref<!tpu.dma_semaphore, #tpu.memory_space<semaphore_mem>>)
      } else {
      }
      %add3A_373 = arith.constant 2 : i32
      %add3A_374 = arith.addi %add3A_345, %add3A_373 : i32
      %lt3A_375 = arith.cmpi slt, %add3A_374, %select_n3A_3 : i32
      %convert_element_type3A_376 = arith.extui %lt3A_375 : i1 to i32
      %cond3A_377 = arith.constant 0 : i32
      %cond3A_378 = arith.cmpi ne, %convert_element_type3A_376, %cond3A_377 : i32
      scf.if %cond3A_378 {
        %ge3A_379 = arith.constant 2 : i32
        %ge3A_380 = arith.cmpi sge, %add3A_345, %ge3A_379 : i32
        %convert_element_type3A_381 = arith.extui %ge3A_380 : i1 to i32
        %cond3A_382 = arith.constant 0 : i32
        %cond3A_383 = arith.cmpi ne, %convert_element_type3A_381, %cond3A_382 : i32
        scf.if %cond3A_383 {
          %dma_wait3A_397 = arith.constant 0 : i32
          %dma_wait3A_398 = arith.constant 0 : i32
          %dma_wait3A_399 = arith.constant 0 : i32
          %dma_wait3A_400 = tpu.memref_slice %arg7[%dma_wait3A_397, %dma_wait3A_398, %dma_wait3A_399] : memref<8x2x128xi32, #tpu.memory_space<vmem>> -> memref<1x1x128xi32, #tpu.memory_space<vmem>>
          %dma_wait3A_401 = tpu.memref_squeeze %dma_wait3A_400 : memref<1x1x128xi32, #tpu.memory_space<vmem>> -> memref<128xi32, #tpu.memory_space<vmem>>
          %dma_wait3A_402 = arith.constant 0 : i32
          %dma_wait3A_403 = arith.constant 0 : i32
          %dma_wait3A_404 = tpu.memref_slice %arg3[%dma_wait3A_402, %dma_wait3A_403] : memref<10000x64xf32, #tpu.memory_space<hbm>> -> memref<10000x64xf32, #tpu.memory_space<hbm>>
          tpu.wait_indirect_dma semaphore(%arg17 : memref<!tpu.dma_semaphore, #tpu.memory_space<semaphore_mem>>) src(%dma_wait3A_404 : memref<10000x64xf32, #tpu.memory_space<hbm>>) dst(%arg9 : memref<128x64xf32, #tpu.memory_space<vmem>>)
        } else {
        }
        %ge3A_384 = arith.constant 8 : i32
        %ge3A_385 = arith.cmpi sge, %add3A_374, %ge3A_384 : i32
        %convert_element_type3A_386 = arith.extui %ge3A_385 : i1 to i32
        %cond3A_387 = arith.constant 0 : i32
        %cond3A_388 = arith.cmpi ne, %convert_element_type3A_386, %cond3A_387 : i32
        scf.if %cond3A_388 {
          %dma_wait3A_397 = arith.constant 1 : i32
          %dma_wait3A_398 = arith.constant 0 : i32
          %dma_wait3A_399 = arith.constant 0 : i32
          %dma_wait3A_400 = tpu.memref_slice %arg7[%dma_wait3A_397, %dma_wait3A_398, %dma_wait3A_399] : memref<8x2x128xi32, #tpu.memory_space<vmem>> -> memref<1x2x128xi32, #tpu.memory_space<vmem>>
          %dma_wait3A_401 = arith.constant 0 : i32
          %dma_wait3A_402 = arith.constant 0 : i32
          %dma_wait3A_403 = tpu.memref_slice %arg2[%multiple_of3A, %dma_wait3A_401, %dma_wait3A_402] : memref<5120x2x128xi32, #tpu.memory_space<hbm>> -> memref<1x2x128xi32, #tpu.memory_space<hbm>>
          %dma_wait3A_404 = arith.constant 1 : i32
          %dma_wait3A_405 = arith.constant 0 : i32
          %dma_wait3A_406 = arith.constant 0 : i32
          %dma_wait3A_407 = tpu.memref_slice %arg7[%dma_wait3A_404, %dma_wait3A_405, %dma_wait3A_406] : memref<8x2x128xi32, #tpu.memory_space<vmem>> -> memref<1x2x128xi32, #tpu.memory_space<vmem>>
          %dma_wait3A_408 = arith.constant 0 : i32
          %dma_wait3A_409 = arith.constant 0 : i32
          %dma_wait3A_410 = tpu.memref_slice %arg2[%multiple_of3A, %dma_wait3A_408, %dma_wait3A_409] : memref<5120x2x128xi32, #tpu.memory_space<hbm>> -> memref<1x2x128xi32, #tpu.memory_space<hbm>>
          tpu.wait_dma2 semaphore(%arg21 : memref<!tpu.dma_semaphore, #tpu.memory_space<semaphore_mem>>) src(%dma_wait3A_410 : memref<1x2x128xi32, #tpu.memory_space<hbm>>) dst(%dma_wait3A_407 : memref<1x2x128xi32, #tpu.memory_space<vmem>>)
        } else {
        }
        %dma_start3A_389 = arith.constant 1 : i32
        %dma_start3A_390 = arith.constant 0 : i32
        %dma_start3A_391 = arith.constant 0 : i32
        %dma_start3A_392 = tpu.memref_slice %arg7[%dma_start3A_389, %dma_start3A_390, %dma_start3A_391] : memref<8x2x128xi32, #tpu.memory_space<vmem>> -> memref<1x1x128xi32, #tpu.memory_space<vmem>>
        %dma_start3A_393 = tpu.memref_squeeze %dma_start3A_392 : memref<1x1x128xi32, #tpu.memory_space<vmem>> -> memref<128xi32, #tpu.memory_space<vmem>>
        %dma_start3A_394 = arith.constant 0 : i32
        %dma_start3A_395 = arith.constant 0 : i32
        %dma_start3A_396 = tpu.memref_slice %arg3[%dma_start3A_394, %dma_start3A_395] : memref<10000x64xf32, #tpu.memory_space<hbm>> -> memref<10000x64xf32, #tpu.memory_space<hbm>>
        tpu.enqueue_indirect_dma source(%dma_start3A_396 : memref<10000x64xf32, #tpu.memory_space<hbm>>) target(%arg9 : memref<128x64xf32, #tpu.memory_space<vmem>>) offsets(%dma_start3A_393 : memref<128xi32, #tpu.memory_space<vmem>>) semaphore(%arg13 : memref<!tpu.dma_semaphore, #tpu.memory_space<semaphore_mem>>)
      } else {
      }
    }
    %while3A_53 = arith.constant 1 : i32
    scf.for %while3A_86 = %while3A_51 to %while3A_47 step %while3A_53  : i32 {
      %mul3A_87 = arith.constant 8 : i32
      %mul3A_88 = arith.muli %while3A_86, %mul3A_87 : i32
      %add3A_89 = arith.constant 0 : i32
      %add3A_90 = arith.addi %mul3A_88, %add3A_89 : i32
      %dma_wait3A_91 = arith.constant 0 : i32
      %dma_wait3A_92 = arith.constant 0 : i32
      %dma_wait3A_93 = arith.constant 0 : i32
      %dma_wait3A_94 = tpu.memref_slice %arg7[%dma_wait3A_91, %dma_wait3A_92, %dma_wait3A_93] : memref<8x2x128xi32, #tpu.memory_space<vmem>> -> memref<1x1x128xi32, #tpu.memory_space<vmem>>
      %dma_wait3A_95 = tpu.memref_squeeze %dma_wait3A_94 : memref<1x1x128xi32, #tpu.memory_space<vmem>> -> memref<128xi32, #tpu.memory_space<vmem>>
      %dma_wait3A_96 = arith.constant 0 : i32
      %dma_wait3A_97 = arith.constant 0 : i32
      %dma_wait3A_98 = tpu.memref_slice %arg3[%dma_wait3A_96, %dma_wait3A_97] : memref<10000x64xf32, #tpu.memory_space<hbm>> -> memref<10000x64xf32, #tpu.memory_space<hbm>>
      tpu.wait_indirect_dma semaphore(%arg12 : memref<!tpu.dma_semaphore, #tpu.memory_space<semaphore_mem>>) src(%dma_wait3A_98 : memref<10000x64xf32, #tpu.memory_space<hbm>>) dst(%arg8 : memref<128x64xf32, #tpu.memory_space<vmem>>)
      %dma_start3A_99 = arith.constant 0 : i32
      %dma_start3A_100 = arith.constant 1 : i32
      %dma_start3A_101 = arith.constant 0 : i32
      %dma_start3A_102 = tpu.memref_slice %arg7[%dma_start3A_99, %dma_start3A_100, %dma_start3A_101] : memref<8x2x128xi32, #tpu.memory_space<vmem>> -> memref<1x1x128xi32, #tpu.memory_space<vmem>>
      %dma_start3A_103 = tpu.memref_squeeze %dma_start3A_102 : memref<1x1x128xi32, #tpu.memory_space<vmem>> -> memref<128xi32, #tpu.memory_space<vmem>>
      %dma_start3A_104 = arith.constant 0 : i32
      %dma_start3A_105 = arith.constant 0 : i32
      %dma_start3A_106 = tpu.memref_slice %arg6[%dma_start3A_104, %dma_start3A_105] : memref<10240x64xf32, #tpu.memory_space<vmem_shared>> -> memref<10240x64xf32, #tpu.memory_space<vmem_shared>>
      tpu.enqueue_indirect_dma source(%arg8 : memref<128x64xf32, #tpu.memory_space<vmem>>) target(%dma_start3A_106 : memref<10240x64xf32, #tpu.memory_space<vmem_shared>>) offsets(%dma_start3A_103 : memref<128xi32, #tpu.memory_space<vmem>>) semaphore(%arg16 : memref<!tpu.dma_semaphore, #tpu.memory_space<semaphore_mem>>) {add = true}
      %add3A_107 = arith.constant 4 : i32
      %add3A_108 = arith.addi %add3A_90, %add3A_107 : i32
      %lt3A = arith.cmpi slt, %add3A_108, %select_n3A_3 : i32
      %add3A_109 = arith.constant 4 : i32
      %add3A_110 = arith.addi %add3A_90, %add3A_109 : i32
      %ge3A = arith.constant 8 : i32
      %ge3A_111 = arith.cmpi sge, %add3A_110, %ge3A : i32
      %and3A_112 = arith.andi %lt3A, %ge3A_111 : i1
      %convert_element_type3A = arith.extui %and3A_112 : i1 to i32
      %cond3A = arith.constant 0 : i32
      %cond3A_113 = arith.cmpi ne, %convert_element_type3A, %cond3A : i32
      scf.if %cond3A_113 {
        %add3A_379 = arith.addi %multiple_of3A, %add3A_90 : i32
        %add3A_380 = arith.constant 4 : i32
        %add3A_381 = arith.addi %add3A_379, %add3A_380 : i32
        %dma_start3A_382 = arith.constant 4 : i32
        %dma_start3A_383 = arith.constant 0 : i32
        %dma_start3A_384 = arith.constant 0 : i32
        %dma_start3A_385 = tpu.memref_slice %arg7[%dma_start3A_382, %dma_start3A_383, %dma_start3A_384] : memref<8x2x128xi32, #tpu.memory_space<vmem>> -> memref<1x2x128xi32, #tpu.memory_space<vmem>>
        %dma_start3A_386 = arith.constant 0 : i32
        %dma_start3A_387 = arith.constant 0 : i32
        %dma_start3A_388 = tpu.memref_slice %arg2[%add3A_381, %dma_start3A_386, %dma_start3A_387] : memref<5120x2x128xi32, #tpu.memory_space<hbm>> -> memref<1x2x128xi32, #tpu.memory_space<hbm>>
        %dma_start3A_389 = arith.constant 4 : i32
        %dma_start3A_390 = arith.constant 0 : i32
        %dma_start3A_391 = arith.constant 0 : i32
        %dma_start3A_392 = tpu.memref_slice %arg7[%dma_start3A_389, %dma_start3A_390, %dma_start3A_391] : memref<8x2x128xi32, #tpu.memory_space<vmem>> -> memref<1x2x128xi32, #tpu.memory_space<vmem>>
        %dma_start3A_393 = arith.constant 0 : i32
        %dma_start3A_394 = arith.constant 0 : i32
        %dma_start3A_395 = tpu.memref_slice %arg2[%add3A_381, %dma_start3A_393, %dma_start3A_394] : memref<5120x2x128xi32, #tpu.memory_space<hbm>> -> memref<1x2x128xi32, #tpu.memory_space<hbm>>
        tpu.enqueue_dma source(%dma_start3A_395 : memref<1x2x128xi32, #tpu.memory_space<hbm>>) target(%dma_start3A_392 : memref<1x2x128xi32, #tpu.memory_space<vmem>>) target_semaphore(%arg20 : memref<!tpu.dma_semaphore, #tpu.memory_space<semaphore_mem>>)
      } else {
      }
      %add3A_114 = arith.constant 2 : i32
      %add3A_115 = arith.addi %add3A_90, %add3A_114 : i32
      %lt3A_116 = arith.cmpi slt, %add3A_115, %select_n3A_3 : i32
      %convert_element_type3A_117 = arith.extui %lt3A_116 : i1 to i32
      %cond3A_118 = arith.constant 0 : i32
      %cond3A_119 = arith.cmpi ne, %convert_element_type3A_117, %cond3A_118 : i32
      scf.if %cond3A_119 {
        %ge3A_379 = arith.constant 2 : i32
        %ge3A_380 = arith.cmpi sge, %add3A_90, %ge3A_379 : i32
        %convert_element_type3A_381 = arith.extui %ge3A_380 : i1 to i32
        %cond3A_382 = arith.constant 0 : i32
        %cond3A_383 = arith.cmpi ne, %convert_element_type3A_381, %cond3A_382 : i32
        scf.if %cond3A_383 {
          %dma_wait3A_397 = arith.constant 0 : i32
          %dma_wait3A_398 = arith.constant 0 : i32
          %dma_wait3A_399 = arith.constant 0 : i32
          %dma_wait3A_400 = tpu.memref_slice %arg7[%dma_wait3A_397, %dma_wait3A_398, %dma_wait3A_399] : memref<8x2x128xi32, #tpu.memory_space<vmem>> -> memref<1x1x128xi32, #tpu.memory_space<vmem>>
          %dma_wait3A_401 = tpu.memref_squeeze %dma_wait3A_400 : memref<1x1x128xi32, #tpu.memory_space<vmem>> -> memref<128xi32, #tpu.memory_space<vmem>>
          %dma_wait3A_402 = arith.constant 0 : i32
          %dma_wait3A_403 = arith.constant 0 : i32
          %dma_wait3A_404 = tpu.memref_slice %arg3[%dma_wait3A_402, %dma_wait3A_403] : memref<10000x64xf32, #tpu.memory_space<hbm>> -> memref<10000x64xf32, #tpu.memory_space<hbm>>
          tpu.wait_indirect_dma semaphore(%arg18 : memref<!tpu.dma_semaphore, #tpu.memory_space<semaphore_mem>>) src(%dma_wait3A_404 : memref<10000x64xf32, #tpu.memory_space<hbm>>) dst(%arg10 : memref<128x64xf32, #tpu.memory_space<vmem>>)
        } else {
        }
        %ge3A_384 = arith.constant 8 : i32
        %ge3A_385 = arith.cmpi sge, %add3A_115, %ge3A_384 : i32
        %convert_element_type3A_386 = arith.extui %ge3A_385 : i1 to i32
        %cond3A_387 = arith.constant 0 : i32
        %cond3A_388 = arith.cmpi ne, %convert_element_type3A_386, %cond3A_387 : i32
        scf.if %cond3A_388 {
          %dma_wait3A_397 = arith.constant 2 : i32
          %dma_wait3A_398 = arith.constant 0 : i32
          %dma_wait3A_399 = arith.constant 0 : i32
          %dma_wait3A_400 = tpu.memref_slice %arg7[%dma_wait3A_397, %dma_wait3A_398, %dma_wait3A_399] : memref<8x2x128xi32, #tpu.memory_space<vmem>> -> memref<1x2x128xi32, #tpu.memory_space<vmem>>
          %dma_wait3A_401 = arith.constant 0 : i32
          %dma_wait3A_402 = arith.constant 0 : i32
          %dma_wait3A_403 = tpu.memref_slice %arg2[%multiple_of3A, %dma_wait3A_401, %dma_wait3A_402] : memref<5120x2x128xi32, #tpu.memory_space<hbm>> -> memref<1x2x128xi32, #tpu.memory_space<hbm>>
          %dma_wait3A_404 = arith.constant 2 : i32
          %dma_wait3A_405 = arith.constant 0 : i32
          %dma_wait3A_406 = arith.constant 0 : i32
          %dma_wait3A_407 = tpu.memref_slice %arg7[%dma_wait3A_404, %dma_wait3A_405, %dma_wait3A_406] : memref<8x2x128xi32, #tpu.memory_space<vmem>> -> memref<1x2x128xi32, #tpu.memory_space<vmem>>
          %dma_wait3A_408 = arith.constant 0 : i32
          %dma_wait3A_409 = arith.constant 0 : i32
          %dma_wait3A_410 = tpu.memref_slice %arg2[%multiple_of3A, %dma_wait3A_408, %dma_wait3A_409] : memref<5120x2x128xi32, #tpu.memory_space<hbm>> -> memref<1x2x128xi32, #tpu.memory_space<hbm>>
          tpu.wait_dma2 semaphore(%arg22 : memref<!tpu.dma_semaphore, #tpu.memory_space<semaphore_mem>>) src(%dma_wait3A_410 : memref<1x2x128xi32, #tpu.memory_space<hbm>>) dst(%dma_wait3A_407 : memref<1x2x128xi32, #tpu.memory_space<vmem>>)
        } else {
        }
        %dma_start3A_389 = arith.constant 2 : i32
        %dma_start3A_390 = arith.constant 0 : i32
        %dma_start3A_391 = arith.constant 0 : i32
        %dma_start3A_392 = tpu.memref_slice %arg7[%dma_start3A_389, %dma_start3A_390, %dma_start3A_391] : memref<8x2x128xi32, #tpu.memory_space<vmem>> -> memref<1x1x128xi32, #tpu.memory_space<vmem>>
        %dma_start3A_393 = tpu.memref_squeeze %dma_start3A_392 : memref<1x1x128xi32, #tpu.memory_space<vmem>> -> memref<128xi32, #tpu.memory_space<vmem>>
        %dma_start3A_394 = arith.constant 0 : i32
        %dma_start3A_395 = arith.constant 0 : i32
        %dma_start3A_396 = tpu.memref_slice %arg3[%dma_start3A_394, %dma_start3A_395] : memref<10000x64xf32, #tpu.memory_space<hbm>> -> memref<10000x64xf32, #tpu.memory_space<hbm>>
        tpu.enqueue_indirect_dma source(%dma_start3A_396 : memref<10000x64xf32, #tpu.memory_space<hbm>>) target(%arg10 : memref<128x64xf32, #tpu.memory_space<vmem>>) offsets(%dma_start3A_393 : memref<128xi32, #tpu.memory_space<vmem>>) semaphore(%arg14 : memref<!tpu.dma_semaphore, #tpu.memory_space<semaphore_mem>>)
      } else {
      }
      %mul3A_120 = arith.constant 8 : i32
      %mul3A_121 = arith.muli %while3A_86, %mul3A_120 : i32
      %add3A_122 = arith.constant 1 : i32
      %add3A_123 = arith.addi %mul3A_121, %add3A_122 : i32
      %dma_wait3A_124 = arith.constant 0 : i32
      %dma_wait3A_125 = arith.constant 0 : i32
      %dma_wait3A_126 = arith.constant 0 : i32
      %dma_wait3A_127 = tpu.memref_slice %arg7[%dma_wait3A_124, %dma_wait3A_125, %dma_wait3A_126] : memref<8x2x128xi32, #tpu.memory_space<vmem>> -> memref<1x1x128xi32, #tpu.memory_space<vmem>>
      %dma_wait3A_128 = tpu.memref_squeeze %dma_wait3A_127 : memref<1x1x128xi32, #tpu.memory_space<vmem>> -> memref<128xi32, #tpu.memory_space<vmem>>
      %dma_wait3A_129 = arith.constant 0 : i32
      %dma_wait3A_130 = arith.constant 0 : i32
      %dma_wait3A_131 = tpu.memref_slice %arg3[%dma_wait3A_129, %dma_wait3A_130] : memref<10000x64xf32, #tpu.memory_space<hbm>> -> memref<10000x64xf32, #tpu.memory_space<hbm>>
      tpu.wait_indirect_dma semaphore(%arg13 : memref<!tpu.dma_semaphore, #tpu.memory_space<semaphore_mem>>) src(%dma_wait3A_131 : memref<10000x64xf32, #tpu.memory_space<hbm>>) dst(%arg9 : memref<128x64xf32, #tpu.memory_space<vmem>>)
      %dma_start3A_132 = arith.constant 1 : i32
      %dma_start3A_133 = arith.constant 1 : i32
      %dma_start3A_134 = arith.constant 0 : i32
      %dma_start3A_135 = tpu.memref_slice %arg7[%dma_start3A_132, %dma_start3A_133, %dma_start3A_134] : memref<8x2x128xi32, #tpu.memory_space<vmem>> -> memref<1x1x128xi32, #tpu.memory_space<vmem>>
      %dma_start3A_136 = tpu.memref_squeeze %dma_start3A_135 : memref<1x1x128xi32, #tpu.memory_space<vmem>> -> memref<128xi32, #tpu.memory_space<vmem>>
      %dma_start3A_137 = arith.constant 0 : i32
      %dma_start3A_138 = arith.constant 0 : i32
      %dma_start3A_139 = tpu.memref_slice %arg6[%dma_start3A_137, %dma_start3A_138] : memref<10240x64xf32, #tpu.memory_space<vmem_shared>> -> memref<10240x64xf32, #tpu.memory_space<vmem_shared>>
      tpu.enqueue_indirect_dma source(%arg9 : memref<128x64xf32, #tpu.memory_space<vmem>>) target(%dma_start3A_139 : memref<10240x64xf32, #tpu.memory_space<vmem_shared>>) offsets(%dma_start3A_136 : memref<128xi32, #tpu.memory_space<vmem>>) semaphore(%arg17 : memref<!tpu.dma_semaphore, #tpu.memory_space<semaphore_mem>>) {add = true}
      %add3A_140 = arith.constant 4 : i32
      %add3A_141 = arith.addi %add3A_123, %add3A_140 : i32
      %lt3A_142 = arith.cmpi slt, %add3A_141, %select_n3A_3 : i32
      %add3A_143 = arith.constant 4 : i32
      %add3A_144 = arith.addi %add3A_123, %add3A_143 : i32
      %ge3A_145 = arith.constant 8 : i32
      %ge3A_146 = arith.cmpi sge, %add3A_144, %ge3A_145 : i32
      %and3A_147 = arith.andi %lt3A_142, %ge3A_146 : i1
      %convert_element_type3A_148 = arith.extui %and3A_147 : i1 to i32
      %cond3A_149 = arith.constant 0 : i32
      %cond3A_150 = arith.cmpi ne, %convert_element_type3A_148, %cond3A_149 : i32
      scf.if %cond3A_150 {
        %add3A_379 = arith.addi %multiple_of3A, %add3A_123 : i32
        %add3A_380 = arith.constant 4 : i32
        %add3A_381 = arith.addi %add3A_379, %add3A_380 : i32
        %dma_start3A_382 = arith.constant 5 : i32
        %dma_start3A_383 = arith.constant 0 : i32
        %dma_start3A_384 = arith.constant 0 : i32
        %dma_start3A_385 = tpu.memref_slice %arg7[%dma_start3A_382, %dma_start3A_383, %dma_start3A_384] : memref<8x2x128xi32, #tpu.memory_space<vmem>> -> memref<1x2x128xi32, #tpu.memory_space<vmem>>
        %dma_start3A_386 = arith.constant 0 : i32
        %dma_start3A_387 = arith.constant 0 : i32
        %dma_start3A_388 = tpu.memref_slice %arg2[%add3A_381, %dma_start3A_386, %dma_start3A_387] : memref<5120x2x128xi32, #tpu.memory_space<hbm>> -> memref<1x2x128xi32, #tpu.memory_space<hbm>>
        %dma_start3A_389 = arith.constant 5 : i32
        %dma_start3A_390 = arith.constant 0 : i32
        %dma_start3A_391 = arith.constant 0 : i32
        %dma_start3A_392 = tpu.memref_slice %arg7[%dma_start3A_389, %dma_start3A_390, %dma_start3A_391] : memref<8x2x128xi32, #tpu.memory_space<vmem>> -> memref<1x2x128xi32, #tpu.memory_space<vmem>>
        %dma_start3A_393 = arith.constant 0 : i32
        %dma_start3A_394 = arith.constant 0 : i32
        %dma_start3A_395 = tpu.memref_slice %arg2[%add3A_381, %dma_start3A_393, %dma_start3A_394] : memref<5120x2x128xi32, #tpu.memory_space<hbm>> -> memref<1x2x128xi32, #tpu.memory_space<hbm>>
        tpu.enqueue_dma source(%dma_start3A_395 : memref<1x2x128xi32, #tpu.memory_space<hbm>>) target(%dma_start3A_392 : memref<1x2x128xi32, #tpu.memory_space<vmem>>) target_semaphore(%arg21 : memref<!tpu.dma_semaphore, #tpu.memory_space<semaphore_mem>>)
      } else {
      }
      %add3A_151 = arith.constant 2 : i32
      %add3A_152 = arith.addi %add3A_123, %add3A_151 : i32
      %lt3A_153 = arith.cmpi slt, %add3A_152, %select_n3A_3 : i32
      %convert_element_type3A_154 = arith.extui %lt3A_153 : i1 to i32
      %cond3A_155 = arith.constant 0 : i32
      %cond3A_156 = arith.cmpi ne, %convert_element_type3A_154, %cond3A_155 : i32
      scf.if %cond3A_156 {
        %ge3A_379 = arith.constant 2 : i32
        %ge3A_380 = arith.cmpi sge, %add3A_123, %ge3A_379 : i32
        %convert_element_type3A_381 = arith.extui %ge3A_380 : i1 to i32
        %cond3A_382 = arith.constant 0 : i32
        %cond3A_383 = arith.cmpi ne, %convert_element_type3A_381, %cond3A_382 : i32
        scf.if %cond3A_383 {
          %dma_wait3A_397 = arith.constant 0 : i32
          %dma_wait3A_398 = arith.constant 0 : i32
          %dma_wait3A_399 = arith.constant 0 : i32
          %dma_wait3A_400 = tpu.memref_slice %arg7[%dma_wait3A_397, %dma_wait3A_398, %dma_wait3A_399] : memref<8x2x128xi32, #tpu.memory_space<vmem>> -> memref<1x1x128xi32, #tpu.memory_space<vmem>>
          %dma_wait3A_401 = tpu.memref_squeeze %dma_wait3A_400 : memref<1x1x128xi32, #tpu.memory_space<vmem>> -> memref<128xi32, #tpu.memory_space<vmem>>
          %dma_wait3A_402 = arith.constant 0 : i32
          %dma_wait3A_403 = arith.constant 0 : i32
          %dma_wait3A_404 = tpu.memref_slice %arg3[%dma_wait3A_402, %dma_wait3A_403] : memref<10000x64xf32, #tpu.memory_space<hbm>> -> memref<10000x64xf32, #tpu.memory_space<hbm>>
          tpu.wait_indirect_dma semaphore(%arg19 : memref<!tpu.dma_semaphore, #tpu.memory_space<semaphore_mem>>) src(%dma_wait3A_404 : memref<10000x64xf32, #tpu.memory_space<hbm>>) dst(%arg11 : memref<128x64xf32, #tpu.memory_space<vmem>>)
        } else {
        }
        %ge3A_384 = arith.constant 8 : i32
        %ge3A_385 = arith.cmpi sge, %add3A_152, %ge3A_384 : i32
        %convert_element_type3A_386 = arith.extui %ge3A_385 : i1 to i32
        %cond3A_387 = arith.constant 0 : i32
        %cond3A_388 = arith.cmpi ne, %convert_element_type3A_386, %cond3A_387 : i32
        scf.if %cond3A_388 {
          %dma_wait3A_397 = arith.constant 3 : i32
          %dma_wait3A_398 = arith.constant 0 : i32
          %dma_wait3A_399 = arith.constant 0 : i32
          %dma_wait3A_400 = tpu.memref_slice %arg7[%dma_wait3A_397, %dma_wait3A_398, %dma_wait3A_399] : memref<8x2x128xi32, #tpu.memory_space<vmem>> -> memref<1x2x128xi32, #tpu.memory_space<vmem>>
          %dma_wait3A_401 = arith.constant 0 : i32
          %dma_wait3A_402 = arith.constant 0 : i32
          %dma_wait3A_403 = tpu.memref_slice %arg2[%multiple_of3A, %dma_wait3A_401, %dma_wait3A_402] : memref<5120x2x128xi32, #tpu.memory_space<hbm>> -> memref<1x2x128xi32, #tpu.memory_space<hbm>>
          %dma_wait3A_404 = arith.constant 3 : i32
          %dma_wait3A_405 = arith.constant 0 : i32
          %dma_wait3A_406 = arith.constant 0 : i32
          %dma_wait3A_407 = tpu.memref_slice %arg7[%dma_wait3A_404, %dma_wait3A_405, %dma_wait3A_406] : memref<8x2x128xi32, #tpu.memory_space<vmem>> -> memref<1x2x128xi32, #tpu.memory_space<vmem>>
          %dma_wait3A_408 = arith.constant 0 : i32
          %dma_wait3A_409 = arith.constant 0 : i32
          %dma_wait3A_410 = tpu.memref_slice %arg2[%multiple_of3A, %dma_wait3A_408, %dma_wait3A_409] : memref<5120x2x128xi32, #tpu.memory_space<hbm>> -> memref<1x2x128xi32, #tpu.memory_space<hbm>>
          tpu.wait_dma2 semaphore(%arg23 : memref<!tpu.dma_semaphore, #tpu.memory_space<semaphore_mem>>) src(%dma_wait3A_410 : memref<1x2x128xi32, #tpu.memory_space<hbm>>) dst(%dma_wait3A_407 : memref<1x2x128xi32, #tpu.memory_space<vmem>>)
        } else {
        }
        %dma_start3A_389 = arith.constant 3 : i32
        %dma_start3A_390 = arith.constant 0 : i32
        %dma_start3A_391 = arith.constant 0 : i32
        %dma_start3A_392 = tpu.memref_slice %arg7[%dma_start3A_389, %dma_start3A_390, %dma_start3A_391] : memref<8x2x128xi32, #tpu.memory_space<vmem>> -> memref<1x1x128xi32, #tpu.memory_space<vmem>>
        %dma_start3A_393 = tpu.memref_squeeze %dma_start3A_392 : memref<1x1x128xi32, #tpu.memory_space<vmem>> -> memref<128xi32, #tpu.memory_space<vmem>>
        %dma_start3A_394 = arith.constant 0 : i32
        %dma_start3A_395 = arith.constant 0 : i32
        %dma_start3A_396 = tpu.memref_slice %arg3[%dma_start3A_394, %dma_start3A_395] : memref<10000x64xf32, #tpu.memory_space<hbm>> -> memref<10000x64xf32, #tpu.memory_space<hbm>>
        tpu.enqueue_indirect_dma source(%dma_start3A_396 : memref<10000x64xf32, #tpu.memory_space<hbm>>) target(%arg11 : memref<128x64xf32, #tpu.memory_space<vmem>>) offsets(%dma_start3A_393 : memref<128xi32, #tpu.memory_space<vmem>>) semaphore(%arg15 : memref<!tpu.dma_semaphore, #tpu.memory_space<semaphore_mem>>)
      } else {
      }
      %mul3A_157 = arith.constant 8 : i32
      %mul3A_158 = arith.muli %while3A_86, %mul3A_157 : i32
      %add3A_159 = arith.constant 2 : i32
      %add3A_160 = arith.addi %mul3A_158, %add3A_159 : i32
      %dma_wait3A_161 = arith.constant 0 : i32
      %dma_wait3A_162 = arith.constant 0 : i32
      %dma_wait3A_163 = arith.constant 0 : i32
      %dma_wait3A_164 = tpu.memref_slice %arg7[%dma_wait3A_161, %dma_wait3A_162, %dma_wait3A_163] : memref<8x2x128xi32, #tpu.memory_space<vmem>> -> memref<1x1x128xi32, #tpu.memory_space<vmem>>
      %dma_wait3A_165 = tpu.memref_squeeze %dma_wait3A_164 : memref<1x1x128xi32, #tpu.memory_space<vmem>> -> memref<128xi32, #tpu.memory_space<vmem>>
      %dma_wait3A_166 = arith.constant 0 : i32
      %dma_wait3A_167 = arith.constant 0 : i32
      %dma_wait3A_168 = tpu.memref_slice %arg3[%dma_wait3A_166, %dma_wait3A_167] : memref<10000x64xf32, #tpu.memory_space<hbm>> -> memref<10000x64xf32, #tpu.memory_space<hbm>>
      tpu.wait_indirect_dma semaphore(%arg14 : memref<!tpu.dma_semaphore, #tpu.memory_space<semaphore_mem>>) src(%dma_wait3A_168 : memref<10000x64xf32, #tpu.memory_space<hbm>>) dst(%arg10 : memref<128x64xf32, #tpu.memory_space<vmem>>)
      %dma_start3A_169 = arith.constant 2 : i32
      %dma_start3A_170 = arith.constant 1 : i32
      %dma_start3A_171 = arith.constant 0 : i32
      %dma_start3A_172 = tpu.memref_slice %arg7[%dma_start3A_169, %dma_start3A_170, %dma_start3A_171] : memref<8x2x128xi32, #tpu.memory_space<vmem>> -> memref<1x1x128xi32, #tpu.memory_space<vmem>>
      %dma_start3A_173 = tpu.memref_squeeze %dma_start3A_172 : memref<1x1x128xi32, #tpu.memory_space<vmem>> -> memref<128xi32, #tpu.memory_space<vmem>>
      %dma_start3A_174 = arith.constant 0 : i32
      %dma_start3A_175 = arith.constant 0 : i32
      %dma_start3A_176 = tpu.memref_slice %arg6[%dma_start3A_174, %dma_start3A_175] : memref<10240x64xf32, #tpu.memory_space<vmem_shared>> -> memref<10240x64xf32, #tpu.memory_space<vmem_shared>>
      tpu.enqueue_indirect_dma source(%arg10 : memref<128x64xf32, #tpu.memory_space<vmem>>) target(%dma_start3A_176 : memref<10240x64xf32, #tpu.memory_space<vmem_shared>>) offsets(%dma_start3A_173 : memref<128xi32, #tpu.memory_space<vmem>>) semaphore(%arg18 : memref<!tpu.dma_semaphore, #tpu.memory_space<semaphore_mem>>) {add = true}
      %add3A_177 = arith.constant 4 : i32
      %add3A_178 = arith.addi %add3A_160, %add3A_177 : i32
      %lt3A_179 = arith.cmpi slt, %add3A_178, %select_n3A_3 : i32
      %add3A_180 = arith.constant 4 : i32
      %add3A_181 = arith.addi %add3A_160, %add3A_180 : i32
      %ge3A_182 = arith.constant 8 : i32
      %ge3A_183 = arith.cmpi sge, %add3A_181, %ge3A_182 : i32
      %and3A_184 = arith.andi %lt3A_179, %ge3A_183 : i1
      %convert_element_type3A_185 = arith.extui %and3A_184 : i1 to i32
      %cond3A_186 = arith.constant 0 : i32
      %cond3A_187 = arith.cmpi ne, %convert_element_type3A_185, %cond3A_186 : i32
      scf.if %cond3A_187 {
        %add3A_379 = arith.addi %multiple_of3A, %add3A_160 : i32
        %add3A_380 = arith.constant 4 : i32
        %add3A_381 = arith.addi %add3A_379, %add3A_380 : i32
        %dma_start3A_382 = arith.constant 6 : i32
        %dma_start3A_383 = arith.constant 0 : i32
        %dma_start3A_384 = arith.constant 0 : i32
        %dma_start3A_385 = tpu.memref_slice %arg7[%dma_start3A_382, %dma_start3A_383, %dma_start3A_384] : memref<8x2x128xi32, #tpu.memory_space<vmem>> -> memref<1x2x128xi32, #tpu.memory_space<vmem>>
        %dma_start3A_386 = arith.constant 0 : i32
        %dma_start3A_387 = arith.constant 0 : i32
        %dma_start3A_388 = tpu.memref_slice %arg2[%add3A_381, %dma_start3A_386, %dma_start3A_387] : memref<5120x2x128xi32, #tpu.memory_space<hbm>> -> memref<1x2x128xi32, #tpu.memory_space<hbm>>
        %dma_start3A_389 = arith.constant 6 : i32
        %dma_start3A_390 = arith.constant 0 : i32
        %dma_start3A_391 = arith.constant 0 : i32
        %dma_start3A_392 = tpu.memref_slice %arg7[%dma_start3A_389, %dma_start3A_390, %dma_start3A_391] : memref<8x2x128xi32, #tpu.memory_space<vmem>> -> memref<1x2x128xi32, #tpu.memory_space<vmem>>
        %dma_start3A_393 = arith.constant 0 : i32
        %dma_start3A_394 = arith.constant 0 : i32
        %dma_start3A_395 = tpu.memref_slice %arg2[%add3A_381, %dma_start3A_393, %dma_start3A_394] : memref<5120x2x128xi32, #tpu.memory_space<hbm>> -> memref<1x2x128xi32, #tpu.memory_space<hbm>>
        tpu.enqueue_dma source(%dma_start3A_395 : memref<1x2x128xi32, #tpu.memory_space<hbm>>) target(%dma_start3A_392 : memref<1x2x128xi32, #tpu.memory_space<vmem>>) target_semaphore(%arg22 : memref<!tpu.dma_semaphore, #tpu.memory_space<semaphore_mem>>)
      } else {
      }
      %add3A_188 = arith.constant 2 : i32
      %add3A_189 = arith.addi %add3A_160, %add3A_188 : i32
      %lt3A_190 = arith.cmpi slt, %add3A_189, %select_n3A_3 : i32
      %convert_element_type3A_191 = arith.extui %lt3A_190 : i1 to i32
      %cond3A_192 = arith.constant 0 : i32
      %cond3A_193 = arith.cmpi ne, %convert_element_type3A_191, %cond3A_192 : i32
      scf.if %cond3A_193 {
        %ge3A_379 = arith.constant 2 : i32
        %ge3A_380 = arith.cmpi sge, %add3A_160, %ge3A_379 : i32
        %convert_element_type3A_381 = arith.extui %ge3A_380 : i1 to i32
        %cond3A_382 = arith.constant 0 : i32
        %cond3A_383 = arith.cmpi ne, %convert_element_type3A_381, %cond3A_382 : i32
        scf.if %cond3A_383 {
          %dma_wait3A_397 = arith.constant 0 : i32
          %dma_wait3A_398 = arith.constant 0 : i32
          %dma_wait3A_399 = arith.constant 0 : i32
          %dma_wait3A_400 = tpu.memref_slice %arg7[%dma_wait3A_397, %dma_wait3A_398, %dma_wait3A_399] : memref<8x2x128xi32, #tpu.memory_space<vmem>> -> memref<1x1x128xi32, #tpu.memory_space<vmem>>
          %dma_wait3A_401 = tpu.memref_squeeze %dma_wait3A_400 : memref<1x1x128xi32, #tpu.memory_space<vmem>> -> memref<128xi32, #tpu.memory_space<vmem>>
          %dma_wait3A_402 = arith.constant 0 : i32
          %dma_wait3A_403 = arith.constant 0 : i32
          %dma_wait3A_404 = tpu.memref_slice %arg3[%dma_wait3A_402, %dma_wait3A_403] : memref<10000x64xf32, #tpu.memory_space<hbm>> -> memref<10000x64xf32, #tpu.memory_space<hbm>>
          tpu.wait_indirect_dma semaphore(%arg16 : memref<!tpu.dma_semaphore, #tpu.memory_space<semaphore_mem>>) src(%dma_wait3A_404 : memref<10000x64xf32, #tpu.memory_space<hbm>>) dst(%arg8 : memref<128x64xf32, #tpu.memory_space<vmem>>)
        } else {
        }
        %ge3A_384 = arith.constant 8 : i32
        %ge3A_385 = arith.cmpi sge, %add3A_189, %ge3A_384 : i32
        %convert_element_type3A_386 = arith.extui %ge3A_385 : i1 to i32
        %cond3A_387 = arith.constant 0 : i32
        %cond3A_388 = arith.cmpi ne, %convert_element_type3A_386, %cond3A_387 : i32
        scf.if %cond3A_388 {
          %dma_wait3A_397 = arith.constant 4 : i32
          %dma_wait3A_398 = arith.constant 0 : i32
          %dma_wait3A_399 = arith.constant 0 : i32
          %dma_wait3A_400 = tpu.memref_slice %arg7[%dma_wait3A_397, %dma_wait3A_398, %dma_wait3A_399] : memref<8x2x128xi32, #tpu.memory_space<vmem>> -> memref<1x2x128xi32, #tpu.memory_space<vmem>>
          %dma_wait3A_401 = arith.constant 0 : i32
          %dma_wait3A_402 = arith.constant 0 : i32
          %dma_wait3A_403 = tpu.memref_slice %arg2[%multiple_of3A, %dma_wait3A_401, %dma_wait3A_402] : memref<5120x2x128xi32, #tpu.memory_space<hbm>> -> memref<1x2x128xi32, #tpu.memory_space<hbm>>
          %dma_wait3A_404 = arith.constant 4 : i32
          %dma_wait3A_405 = arith.constant 0 : i32
          %dma_wait3A_406 = arith.constant 0 : i32
          %dma_wait3A_407 = tpu.memref_slice %arg7[%dma_wait3A_404, %dma_wait3A_405, %dma_wait3A_406] : memref<8x2x128xi32, #tpu.memory_space<vmem>> -> memref<1x2x128xi32, #tpu.memory_space<vmem>>
          %dma_wait3A_408 = arith.constant 0 : i32
          %dma_wait3A_409 = arith.constant 0 : i32
          %dma_wait3A_410 = tpu.memref_slice %arg2[%multiple_of3A, %dma_wait3A_408, %dma_wait3A_409] : memref<5120x2x128xi32, #tpu.memory_space<hbm>> -> memref<1x2x128xi32, #tpu.memory_space<hbm>>
          tpu.wait_dma2 semaphore(%arg20 : memref<!tpu.dma_semaphore, #tpu.memory_space<semaphore_mem>>) src(%dma_wait3A_410 : memref<1x2x128xi32, #tpu.memory_space<hbm>>) dst(%dma_wait3A_407 : memref<1x2x128xi32, #tpu.memory_space<vmem>>)
        } else {
        }
        %dma_start3A_389 = arith.constant 4 : i32
        %dma_start3A_390 = arith.constant 0 : i32
        %dma_start3A_391 = arith.constant 0 : i32
        %dma_start3A_392 = tpu.memref_slice %arg7[%dma_start3A_389, %dma_start3A_390, %dma_start3A_391] : memref<8x2x128xi32, #tpu.memory_space<vmem>> -> memref<1x1x128xi32, #tpu.memory_space<vmem>>
        %dma_start3A_393 = tpu.memref_squeeze %dma_start3A_392 : memref<1x1x128xi32, #tpu.memory_space<vmem>> -> memref<128xi32, #tpu.memory_space<vmem>>
        %dma_start3A_394 = arith.constant 0 : i32
        %dma_start3A_395 = arith.constant 0 : i32
        %dma_start3A_396 = tpu.memref_slice %arg3[%dma_start3A_394, %dma_start3A_395] : memref<10000x64xf32, #tpu.memory_space<hbm>> -> memref<10000x64xf32, #tpu.memory_space<hbm>>
        tpu.enqueue_indirect_dma source(%dma_start3A_396 : memref<10000x64xf32, #tpu.memory_space<hbm>>) target(%arg8 : memref<128x64xf32, #tpu.memory_space<vmem>>) offsets(%dma_start3A_393 : memref<128xi32, #tpu.memory_space<vmem>>) semaphore(%arg12 : memref<!tpu.dma_semaphore, #tpu.memory_space<semaphore_mem>>)
      } else {
      }
      %mul3A_194 = arith.constant 8 : i32
      %mul3A_195 = arith.muli %while3A_86, %mul3A_194 : i32
      %add3A_196 = arith.constant 3 : i32
      %add3A_197 = arith.addi %mul3A_195, %add3A_196 : i32
      %dma_wait3A_198 = arith.constant 0 : i32
      %dma_wait3A_199 = arith.constant 0 : i32
      %dma_wait3A_200 = arith.constant 0 : i32
      %dma_wait3A_201 = tpu.memref_slice %arg7[%dma_wait3A_198, %dma_wait3A_199, %dma_wait3A_200] : memref<8x2x128xi32, #tpu.memory_space<vmem>> -> memref<1x1x128xi32, #tpu.memory_space<vmem>>
      %dma_wait3A_202 = tpu.memref_squeeze %dma_wait3A_201 : memref<1x1x128xi32, #tpu.memory_space<vmem>> -> memref<128xi32, #tpu.memory_space<vmem>>
      %dma_wait3A_203 = arith.constant 0 : i32
      %dma_wait3A_204 = arith.constant 0 : i32
      %dma_wait3A_205 = tpu.memref_slice %arg3[%dma_wait3A_203, %dma_wait3A_204] : memref<10000x64xf32, #tpu.memory_space<hbm>> -> memref<10000x64xf32, #tpu.memory_space<hbm>>
      tpu.wait_indirect_dma semaphore(%arg15 : memref<!tpu.dma_semaphore, #tpu.memory_space<semaphore_mem>>) src(%dma_wait3A_205 : memref<10000x64xf32, #tpu.memory_space<hbm>>) dst(%arg11 : memref<128x64xf32, #tpu.memory_space<vmem>>)
      %dma_start3A_206 = arith.constant 3 : i32
      %dma_start3A_207 = arith.constant 1 : i32
      %dma_start3A_208 = arith.constant 0 : i32
      %dma_start3A_209 = tpu.memref_slice %arg7[%dma_start3A_206, %dma_start3A_207, %dma_start3A_208] : memref<8x2x128xi32, #tpu.memory_space<vmem>> -> memref<1x1x128xi32, #tpu.memory_space<vmem>>
      %dma_start3A_210 = tpu.memref_squeeze %dma_start3A_209 : memref<1x1x128xi32, #tpu.memory_space<vmem>> -> memref<128xi32, #tpu.memory_space<vmem>>
      %dma_start3A_211 = arith.constant 0 : i32
      %dma_start3A_212 = arith.constant 0 : i32
      %dma_start3A_213 = tpu.memref_slice %arg6[%dma_start3A_211, %dma_start3A_212] : memref<10240x64xf32, #tpu.memory_space<vmem_shared>> -> memref<10240x64xf32, #tpu.memory_space<vmem_shared>>
      tpu.enqueue_indirect_dma source(%arg11 : memref<128x64xf32, #tpu.memory_space<vmem>>) target(%dma_start3A_213 : memref<10240x64xf32, #tpu.memory_space<vmem_shared>>) offsets(%dma_start3A_210 : memref<128xi32, #tpu.memory_space<vmem>>) semaphore(%arg19 : memref<!tpu.dma_semaphore, #tpu.memory_space<semaphore_mem>>) {add = true}
      %add3A_214 = arith.constant 4 : i32
      %add3A_215 = arith.addi %add3A_197, %add3A_214 : i32
      %lt3A_216 = arith.cmpi slt, %add3A_215, %select_n3A_3 : i32
      %add3A_217 = arith.constant 4 : i32
      %add3A_218 = arith.addi %add3A_197, %add3A_217 : i32
      %ge3A_219 = arith.constant 8 : i32
      %ge3A_220 = arith.cmpi sge, %add3A_218, %ge3A_219 : i32
      %and3A_221 = arith.andi %lt3A_216, %ge3A_220 : i1
      %convert_element_type3A_222 = arith.extui %and3A_221 : i1 to i32
      %cond3A_223 = arith.constant 0 : i32
      %cond3A_224 = arith.cmpi ne, %convert_element_type3A_222, %cond3A_223 : i32
      scf.if %cond3A_224 {
        %add3A_379 = arith.addi %multiple_of3A, %add3A_197 : i32
        %add3A_380 = arith.constant 4 : i32
        %add3A_381 = arith.addi %add3A_379, %add3A_380 : i32
        %dma_start3A_382 = arith.constant 7 : i32
        %dma_start3A_383 = arith.constant 0 : i32
        %dma_start3A_384 = arith.constant 0 : i32
        %dma_start3A_385 = tpu.memref_slice %arg7[%dma_start3A_382, %dma_start3A_383, %dma_start3A_384] : memref<8x2x128xi32, #tpu.memory_space<vmem>> -> memref<1x2x128xi32, #tpu.memory_space<vmem>>
        %dma_start3A_386 = arith.constant 0 : i32
        %dma_start3A_387 = arith.constant 0 : i32
        %dma_start3A_388 = tpu.memref_slice %arg2[%add3A_381, %dma_start3A_386, %dma_start3A_387] : memref<5120x2x128xi32, #tpu.memory_space<hbm>> -> memref<1x2x128xi32, #tpu.memory_space<hbm>>
        %dma_start3A_389 = arith.constant 7 : i32
        %dma_start3A_390 = arith.constant 0 : i32
        %dma_start3A_391 = arith.constant 0 : i32
        %dma_start3A_392 = tpu.memref_slice %arg7[%dma_start3A_389, %dma_start3A_390, %dma_start3A_391] : memref<8x2x128xi32, #tpu.memory_space<vmem>> -> memref<1x2x128xi32, #tpu.memory_space<vmem>>
        %dma_start3A_393 = arith.constant 0 : i32
        %dma_start3A_394 = arith.constant 0 : i32
        %dma_start3A_395 = tpu.memref_slice %arg2[%add3A_381, %dma_start3A_393, %dma_start3A_394] : memref<5120x2x128xi32, #tpu.memory_space<hbm>> -> memref<1x2x128xi32, #tpu.memory_space<hbm>>
        tpu.enqueue_dma source(%dma_start3A_395 : memref<1x2x128xi32, #tpu.memory_space<hbm>>) target(%dma_start3A_392 : memref<1x2x128xi32, #tpu.memory_space<vmem>>) target_semaphore(%arg23 : memref<!tpu.dma_semaphore, #tpu.memory_space<semaphore_mem>>)
      } else {
      }
      %add3A_225 = arith.constant 2 : i32
      %add3A_226 = arith.addi %add3A_197, %add3A_225 : i32
      %lt3A_227 = arith.cmpi slt, %add3A_226, %select_n3A_3 : i32
      %convert_element_type3A_228 = arith.extui %lt3A_227 : i1 to i32
      %cond3A_229 = arith.constant 0 : i32
      %cond3A_230 = arith.cmpi ne, %convert_element_type3A_228, %cond3A_229 : i32
      scf.if %cond3A_230 {
        %ge3A_379 = arith.constant 2 : i32
        %ge3A_380 = arith.cmpi sge, %add3A_197, %ge3A_379 : i32
        %convert_element_type3A_381 = arith.extui %ge3A_380 : i1 to i32
        %cond3A_382 = arith.constant 0 : i32
        %cond3A_383 = arith.cmpi ne, %convert_element_type3A_381, %cond3A_382 : i32
        scf.if %cond3A_383 {
          %dma_wait3A_397 = arith.constant 0 : i32
          %dma_wait3A_398 = arith.constant 0 : i32
          %dma_wait3A_399 = arith.constant 0 : i32
          %dma_wait3A_400 = tpu.memref_slice %arg7[%dma_wait3A_397, %dma_wait3A_398, %dma_wait3A_399] : memref<8x2x128xi32, #tpu.memory_space<vmem>> -> memref<1x1x128xi32, #tpu.memory_space<vmem>>
          %dma_wait3A_401 = tpu.memref_squeeze %dma_wait3A_400 : memref<1x1x128xi32, #tpu.memory_space<vmem>> -> memref<128xi32, #tpu.memory_space<vmem>>
          %dma_wait3A_402 = arith.constant 0 : i32
          %dma_wait3A_403 = arith.constant 0 : i32
          %dma_wait3A_404 = tpu.memref_slice %arg3[%dma_wait3A_402, %dma_wait3A_403] : memref<10000x64xf32, #tpu.memory_space<hbm>> -> memref<10000x64xf32, #tpu.memory_space<hbm>>
          tpu.wait_indirect_dma semaphore(%arg17 : memref<!tpu.dma_semaphore, #tpu.memory_space<semaphore_mem>>) src(%dma_wait3A_404 : memref<10000x64xf32, #tpu.memory_space<hbm>>) dst(%arg9 : memref<128x64xf32, #tpu.memory_space<vmem>>)
        } else {
        }
        %ge3A_384 = arith.constant 8 : i32
        %ge3A_385 = arith.cmpi sge, %add3A_226, %ge3A_384 : i32
        %convert_element_type3A_386 = arith.extui %ge3A_385 : i1 to i32
        %cond3A_387 = arith.constant 0 : i32
        %cond3A_388 = arith.cmpi ne, %convert_element_type3A_386, %cond3A_387 : i32
        scf.if %cond3A_388 {
          %dma_wait3A_397 = arith.constant 5 : i32
          %dma_wait3A_398 = arith.constant 0 : i32
          %dma_wait3A_399 = arith.constant 0 : i32
          %dma_wait3A_400 = tpu.memref_slice %arg7[%dma_wait3A_397, %dma_wait3A_398, %dma_wait3A_399] : memref<8x2x128xi32, #tpu.memory_space<vmem>> -> memref<1x2x128xi32, #tpu.memory_space<vmem>>
          %dma_wait3A_401 = arith.constant 0 : i32
          %dma_wait3A_402 = arith.constant 0 : i32
          %dma_wait3A_403 = tpu.memref_slice %arg2[%multiple_of3A, %dma_wait3A_401, %dma_wait3A_402] : memref<5120x2x128xi32, #tpu.memory_space<hbm>> -> memref<1x2x128xi32, #tpu.memory_space<hbm>>
          %dma_wait3A_404 = arith.constant 5 : i32
          %dma_wait3A_405 = arith.constant 0 : i32
          %dma_wait3A_406 = arith.constant 0 : i32
          %dma_wait3A_407 = tpu.memref_slice %arg7[%dma_wait3A_404, %dma_wait3A_405, %dma_wait3A_406] : memref<8x2x128xi32, #tpu.memory_space<vmem>> -> memref<1x2x128xi32, #tpu.memory_space<vmem>>
          %dma_wait3A_408 = arith.constant 0 : i32
          %dma_wait3A_409 = arith.constant 0 : i32
          %dma_wait3A_410 = tpu.memref_slice %arg2[%multiple_of3A, %dma_wait3A_408, %dma_wait3A_409] : memref<5120x2x128xi32, #tpu.memory_space<hbm>> -> memref<1x2x128xi32, #tpu.memory_space<hbm>>
          tpu.wait_dma2 semaphore(%arg21 : memref<!tpu.dma_semaphore, #tpu.memory_space<semaphore_mem>>) src(%dma_wait3A_410 : memref<1x2x128xi32, #tpu.memory_space<hbm>>) dst(%dma_wait3A_407 : memref<1x2x128xi32, #tpu.memory_space<vmem>>)
        } else {
        }
        %dma_start3A_389 = arith.constant 5 : i32
        %dma_start3A_390 = arith.constant 0 : i32
        %dma_start3A_391 = arith.constant 0 : i32
        %dma_start3A_392 = tpu.memref_slice %arg7[%dma_start3A_389, %dma_start3A_390, %dma_start3A_391] : memref<8x2x128xi32, #tpu.memory_space<vmem>> -> memref<1x1x128xi32, #tpu.memory_space<vmem>>
        %dma_start3A_393 = tpu.memref_squeeze %dma_start3A_392 : memref<1x1x128xi32, #tpu.memory_space<vmem>> -> memref<128xi32, #tpu.memory_space<vmem>>
        %dma_start3A_394 = arith.constant 0 : i32
        %dma_start3A_395 = arith.constant 0 : i32
        %dma_start3A_396 = tpu.memref_slice %arg3[%dma_start3A_394, %dma_start3A_395] : memref<10000x64xf32, #tpu.memory_space<hbm>> -> memref<10000x64xf32, #tpu.memory_space<hbm>>
        tpu.enqueue_indirect_dma source(%dma_start3A_396 : memref<10000x64xf32, #tpu.memory_space<hbm>>) target(%arg9 : memref<128x64xf32, #tpu.memory_space<vmem>>) offsets(%dma_start3A_393 : memref<128xi32, #tpu.memory_space<vmem>>) semaphore(%arg13 : memref<!tpu.dma_semaphore, #tpu.memory_space<semaphore_mem>>)
      } else {
      }
      %mul3A_231 = arith.constant 8 : i32
      %mul3A_232 = arith.muli %while3A_86, %mul3A_231 : i32
      %add3A_233 = arith.constant 4 : i32
      %add3A_234 = arith.addi %mul3A_232, %add3A_233 : i32
      %dma_wait3A_235 = arith.constant 0 : i32
      %dma_wait3A_236 = arith.constant 0 : i32
      %dma_wait3A_237 = arith.constant 0 : i32
      %dma_wait3A_238 = tpu.memref_slice %arg7[%dma_wait3A_235, %dma_wait3A_236, %dma_wait3A_237] : memref<8x2x128xi32, #tpu.memory_space<vmem>> -> memref<1x1x128xi32, #tpu.memory_space<vmem>>
      %dma_wait3A_239 = tpu.memref_squeeze %dma_wait3A_238 : memref<1x1x128xi32, #tpu.memory_space<vmem>> -> memref<128xi32, #tpu.memory_space<vmem>>
      %dma_wait3A_240 = arith.constant 0 : i32
      %dma_wait3A_241 = arith.constant 0 : i32
      %dma_wait3A_242 = tpu.memref_slice %arg3[%dma_wait3A_240, %dma_wait3A_241] : memref<10000x64xf32, #tpu.memory_space<hbm>> -> memref<10000x64xf32, #tpu.memory_space<hbm>>
      tpu.wait_indirect_dma semaphore(%arg12 : memref<!tpu.dma_semaphore, #tpu.memory_space<semaphore_mem>>) src(%dma_wait3A_242 : memref<10000x64xf32, #tpu.memory_space<hbm>>) dst(%arg8 : memref<128x64xf32, #tpu.memory_space<vmem>>)
      %dma_start3A_243 = arith.constant 4 : i32
      %dma_start3A_244 = arith.constant 1 : i32
      %dma_start3A_245 = arith.constant 0 : i32
      %dma_start3A_246 = tpu.memref_slice %arg7[%dma_start3A_243, %dma_start3A_244, %dma_start3A_245] : memref<8x2x128xi32, #tpu.memory_space<vmem>> -> memref<1x1x128xi32, #tpu.memory_space<vmem>>
      %dma_start3A_247 = tpu.memref_squeeze %dma_start3A_246 : memref<1x1x128xi32, #tpu.memory_space<vmem>> -> memref<128xi32, #tpu.memory_space<vmem>>
      %dma_start3A_248 = arith.constant 0 : i32
      %dma_start3A_249 = arith.constant 0 : i32
      %dma_start3A_250 = tpu.memref_slice %arg6[%dma_start3A_248, %dma_start3A_249] : memref<10240x64xf32, #tpu.memory_space<vmem_shared>> -> memref<10240x64xf32, #tpu.memory_space<vmem_shared>>
      tpu.enqueue_indirect_dma source(%arg8 : memref<128x64xf32, #tpu.memory_space<vmem>>) target(%dma_start3A_250 : memref<10240x64xf32, #tpu.memory_space<vmem_shared>>) offsets(%dma_start3A_247 : memref<128xi32, #tpu.memory_space<vmem>>) semaphore(%arg16 : memref<!tpu.dma_semaphore, #tpu.memory_space<semaphore_mem>>) {add = true}
      %add3A_251 = arith.constant 4 : i32
      %add3A_252 = arith.addi %add3A_234, %add3A_251 : i32
      %lt3A_253 = arith.cmpi slt, %add3A_252, %select_n3A_3 : i32
      %add3A_254 = arith.constant 4 : i32
      %add3A_255 = arith.addi %add3A_234, %add3A_254 : i32
      %ge3A_256 = arith.constant 8 : i32
      %ge3A_257 = arith.cmpi sge, %add3A_255, %ge3A_256 : i32
      %and3A_258 = arith.andi %lt3A_253, %ge3A_257 : i1
      %convert_element_type3A_259 = arith.extui %and3A_258 : i1 to i32
      %cond3A_260 = arith.constant 0 : i32
      %cond3A_261 = arith.cmpi ne, %convert_element_type3A_259, %cond3A_260 : i32
      scf.if %cond3A_261 {
        %add3A_379 = arith.addi %multiple_of3A, %add3A_234 : i32
        %add3A_380 = arith.constant 4 : i32
        %add3A_381 = arith.addi %add3A_379, %add3A_380 : i32
        %dma_start3A_382 = arith.constant 0 : i32
        %dma_start3A_383 = arith.constant 0 : i32
        %dma_start3A_384 = arith.constant 0 : i32
        %dma_start3A_385 = tpu.memref_slice %arg7[%dma_start3A_382, %dma_start3A_383, %dma_start3A_384] : memref<8x2x128xi32, #tpu.memory_space<vmem>> -> memref<1x2x128xi32, #tpu.memory_space<vmem>>
        %dma_start3A_386 = arith.constant 0 : i32
        %dma_start3A_387 = arith.constant 0 : i32
        %dma_start3A_388 = tpu.memref_slice %arg2[%add3A_381, %dma_start3A_386, %dma_start3A_387] : memref<5120x2x128xi32, #tpu.memory_space<hbm>> -> memref<1x2x128xi32, #tpu.memory_space<hbm>>
        %dma_start3A_389 = arith.constant 0 : i32
        %dma_start3A_390 = arith.constant 0 : i32
        %dma_start3A_391 = arith.constant 0 : i32
        %dma_start3A_392 = tpu.memref_slice %arg7[%dma_start3A_389, %dma_start3A_390, %dma_start3A_391] : memref<8x2x128xi32, #tpu.memory_space<vmem>> -> memref<1x2x128xi32, #tpu.memory_space<vmem>>
        %dma_start3A_393 = arith.constant 0 : i32
        %dma_start3A_394 = arith.constant 0 : i32
        %dma_start3A_395 = tpu.memref_slice %arg2[%add3A_381, %dma_start3A_393, %dma_start3A_394] : memref<5120x2x128xi32, #tpu.memory_space<hbm>> -> memref<1x2x128xi32, #tpu.memory_space<hbm>>
        tpu.enqueue_dma source(%dma_start3A_395 : memref<1x2x128xi32, #tpu.memory_space<hbm>>) target(%dma_start3A_392 : memref<1x2x128xi32, #tpu.memory_space<vmem>>) target_semaphore(%arg20 : memref<!tpu.dma_semaphore, #tpu.memory_space<semaphore_mem>>)
      } else {
      }
      %add3A_262 = arith.constant 2 : i32
      %add3A_263 = arith.addi %add3A_234, %add3A_262 : i32
      %lt3A_264 = arith.cmpi slt, %add3A_263, %select_n3A_3 : i32
      %convert_element_type3A_265 = arith.extui %lt3A_264 : i1 to i32
      %cond3A_266 = arith.constant 0 : i32
      %cond3A_267 = arith.cmpi ne, %convert_element_type3A_265, %cond3A_266 : i32
      scf.if %cond3A_267 {
        %ge3A_379 = arith.constant 2 : i32
        %ge3A_380 = arith.cmpi sge, %add3A_234, %ge3A_379 : i32
        %convert_element_type3A_381 = arith.extui %ge3A_380 : i1 to i32
        %cond3A_382 = arith.constant 0 : i32
        %cond3A_383 = arith.cmpi ne, %convert_element_type3A_381, %cond3A_382 : i32
        scf.if %cond3A_383 {
          %dma_wait3A_397 = arith.constant 0 : i32
          %dma_wait3A_398 = arith.constant 0 : i32
          %dma_wait3A_399 = arith.constant 0 : i32
          %dma_wait3A_400 = tpu.memref_slice %arg7[%dma_wait3A_397, %dma_wait3A_398, %dma_wait3A_399] : memref<8x2x128xi32, #tpu.memory_space<vmem>> -> memref<1x1x128xi32, #tpu.memory_space<vmem>>
          %dma_wait3A_401 = tpu.memref_squeeze %dma_wait3A_400 : memref<1x1x128xi32, #tpu.memory_space<vmem>> -> memref<128xi32, #tpu.memory_space<vmem>>
          %dma_wait3A_402 = arith.constant 0 : i32
          %dma_wait3A_403 = arith.constant 0 : i32
          %dma_wait3A_404 = tpu.memref_slice %arg3[%dma_wait3A_402, %dma_wait3A_403] : memref<10000x64xf32, #tpu.memory_space<hbm>> -> memref<10000x64xf32, #tpu.memory_space<hbm>>
          tpu.wait_indirect_dma semaphore(%arg18 : memref<!tpu.dma_semaphore, #tpu.memory_space<semaphore_mem>>) src(%dma_wait3A_404 : memref<10000x64xf32, #tpu.memory_space<hbm>>) dst(%arg10 : memref<128x64xf32, #tpu.memory_space<vmem>>)
        } else {
        }
        %ge3A_384 = arith.constant 8 : i32
        %ge3A_385 = arith.cmpi sge, %add3A_263, %ge3A_384 : i32
        %convert_element_type3A_386 = arith.extui %ge3A_385 : i1 to i32
        %cond3A_387 = arith.constant 0 : i32
        %cond3A_388 = arith.cmpi ne, %convert_element_type3A_386, %cond3A_387 : i32
        scf.if %cond3A_388 {
          %dma_wait3A_397 = arith.constant 6 : i32
          %dma_wait3A_398 = arith.constant 0 : i32
          %dma_wait3A_399 = arith.constant 0 : i32
          %dma_wait3A_400 = tpu.memref_slice %arg7[%dma_wait3A_397, %dma_wait3A_398, %dma_wait3A_399] : memref<8x2x128xi32, #tpu.memory_space<vmem>> -> memref<1x2x128xi32, #tpu.memory_space<vmem>>
          %dma_wait3A_401 = arith.constant 0 : i32
          %dma_wait3A_402 = arith.constant 0 : i32
          %dma_wait3A_403 = tpu.memref_slice %arg2[%multiple_of3A, %dma_wait3A_401, %dma_wait3A_402] : memref<5120x2x128xi32, #tpu.memory_space<hbm>> -> memref<1x2x128xi32, #tpu.memory_space<hbm>>
          %dma_wait3A_404 = arith.constant 6 : i32
          %dma_wait3A_405 = arith.constant 0 : i32
          %dma_wait3A_406 = arith.constant 0 : i32
          %dma_wait3A_407 = tpu.memref_slice %arg7[%dma_wait3A_404, %dma_wait3A_405, %dma_wait3A_406] : memref<8x2x128xi32, #tpu.memory_space<vmem>> -> memref<1x2x128xi32, #tpu.memory_space<vmem>>
          %dma_wait3A_408 = arith.constant 0 : i32
          %dma_wait3A_409 = arith.constant 0 : i32
          %dma_wait3A_410 = tpu.memref_slice %arg2[%multiple_of3A, %dma_wait3A_408, %dma_wait3A_409] : memref<5120x2x128xi32, #tpu.memory_space<hbm>> -> memref<1x2x128xi32, #tpu.memory_space<hbm>>
          tpu.wait_dma2 semaphore(%arg22 : memref<!tpu.dma_semaphore, #tpu.memory_space<semaphore_mem>>) src(%dma_wait3A_410 : memref<1x2x128xi32, #tpu.memory_space<hbm>>) dst(%dma_wait3A_407 : memref<1x2x128xi32, #tpu.memory_space<vmem>>)
        } else {
        }
        %dma_start3A_389 = arith.constant 6 : i32
        %dma_start3A_390 = arith.constant 0 : i32
        %dma_start3A_391 = arith.constant 0 : i32
        %dma_start3A_392 = tpu.memref_slice %arg7[%dma_start3A_389, %dma_start3A_390, %dma_start3A_391] : memref<8x2x128xi32, #tpu.memory_space<vmem>> -> memref<1x1x128xi32, #tpu.memory_space<vmem>>
        %dma_start3A_393 = tpu.memref_squeeze %dma_start3A_392 : memref<1x1x128xi32, #tpu.memory_space<vmem>> -> memref<128xi32, #tpu.memory_space<vmem>>
        %dma_start3A_394 = arith.constant 0 : i32
        %dma_start3A_395 = arith.constant 0 : i32
        %dma_start3A_396 = tpu.memref_slice %arg3[%dma_start3A_394, %dma_start3A_395] : memref<10000x64xf32, #tpu.memory_space<hbm>> -> memref<10000x64xf32, #tpu.memory_space<hbm>>
        tpu.enqueue_indirect_dma source(%dma_start3A_396 : memref<10000x64xf32, #tpu.memory_space<hbm>>) target(%arg10 : memref<128x64xf32, #tpu.memory_space<vmem>>) offsets(%dma_start3A_393 : memref<128xi32, #tpu.memory_space<vmem>>) semaphore(%arg14 : memref<!tpu.dma_semaphore, #tpu.memory_space<semaphore_mem>>)
      } else {
      }
      %mul3A_268 = arith.constant 8 : i32
      %mul3A_269 = arith.muli %while3A_86, %mul3A_268 : i32
      %add3A_270 = arith.constant 5 : i32
      %add3A_271 = arith.addi %mul3A_269, %add3A_270 : i32
      %dma_wait3A_272 = arith.constant 0 : i32
      %dma_wait3A_273 = arith.constant 0 : i32
      %dma_wait3A_274 = arith.constant 0 : i32
      %dma_wait3A_275 = tpu.memref_slice %arg7[%dma_wait3A_272, %dma_wait3A_273, %dma_wait3A_274] : memref<8x2x128xi32, #tpu.memory_space<vmem>> -> memref<1x1x128xi32, #tpu.memory_space<vmem>>
      %dma_wait3A_276 = tpu.memref_squeeze %dma_wait3A_275 : memref<1x1x128xi32, #tpu.memory_space<vmem>> -> memref<128xi32, #tpu.memory_space<vmem>>
      %dma_wait3A_277 = arith.constant 0 : i32
      %dma_wait3A_278 = arith.constant 0 : i32
      %dma_wait3A_279 = tpu.memref_slice %arg3[%dma_wait3A_277, %dma_wait3A_278] : memref<10000x64xf32, #tpu.memory_space<hbm>> -> memref<10000x64xf32, #tpu.memory_space<hbm>>
      tpu.wait_indirect_dma semaphore(%arg13 : memref<!tpu.dma_semaphore, #tpu.memory_space<semaphore_mem>>) src(%dma_wait3A_279 : memref<10000x64xf32, #tpu.memory_space<hbm>>) dst(%arg9 : memref<128x64xf32, #tpu.memory_space<vmem>>)
      %dma_start3A_280 = arith.constant 5 : i32
      %dma_start3A_281 = arith.constant 1 : i32
      %dma_start3A_282 = arith.constant 0 : i32
      %dma_start3A_283 = tpu.memref_slice %arg7[%dma_start3A_280, %dma_start3A_281, %dma_start3A_282] : memref<8x2x128xi32, #tpu.memory_space<vmem>> -> memref<1x1x128xi32, #tpu.memory_space<vmem>>
      %dma_start3A_284 = tpu.memref_squeeze %dma_start3A_283 : memref<1x1x128xi32, #tpu.memory_space<vmem>> -> memref<128xi32, #tpu.memory_space<vmem>>
      %dma_start3A_285 = arith.constant 0 : i32
      %dma_start3A_286 = arith.constant 0 : i32
      %dma_start3A_287 = tpu.memref_slice %arg6[%dma_start3A_285, %dma_start3A_286] : memref<10240x64xf32, #tpu.memory_space<vmem_shared>> -> memref<10240x64xf32, #tpu.memory_space<vmem_shared>>
      tpu.enqueue_indirect_dma source(%arg9 : memref<128x64xf32, #tpu.memory_space<vmem>>) target(%dma_start3A_287 : memref<10240x64xf32, #tpu.memory_space<vmem_shared>>) offsets(%dma_start3A_284 : memref<128xi32, #tpu.memory_space<vmem>>) semaphore(%arg17 : memref<!tpu.dma_semaphore, #tpu.memory_space<semaphore_mem>>) {add = true}
      %add3A_288 = arith.constant 4 : i32
      %add3A_289 = arith.addi %add3A_271, %add3A_288 : i32
      %lt3A_290 = arith.cmpi slt, %add3A_289, %select_n3A_3 : i32
      %add3A_291 = arith.constant 4 : i32
      %add3A_292 = arith.addi %add3A_271, %add3A_291 : i32
      %ge3A_293 = arith.constant 8 : i32
      %ge3A_294 = arith.cmpi sge, %add3A_292, %ge3A_293 : i32
      %and3A_295 = arith.andi %lt3A_290, %ge3A_294 : i1
      %convert_element_type3A_296 = arith.extui %and3A_295 : i1 to i32
      %cond3A_297 = arith.constant 0 : i32
      %cond3A_298 = arith.cmpi ne, %convert_element_type3A_296, %cond3A_297 : i32
      scf.if %cond3A_298 {
        %add3A_379 = arith.addi %multiple_of3A, %add3A_271 : i32
        %add3A_380 = arith.constant 4 : i32
        %add3A_381 = arith.addi %add3A_379, %add3A_380 : i32
        %dma_start3A_382 = arith.constant 1 : i32
        %dma_start3A_383 = arith.constant 0 : i32
        %dma_start3A_384 = arith.constant 0 : i32
        %dma_start3A_385 = tpu.memref_slice %arg7[%dma_start3A_382, %dma_start3A_383, %dma_start3A_384] : memref<8x2x128xi32, #tpu.memory_space<vmem>> -> memref<1x2x128xi32, #tpu.memory_space<vmem>>
        %dma_start3A_386 = arith.constant 0 : i32
        %dma_start3A_387 = arith.constant 0 : i32
        %dma_start3A_388 = tpu.memref_slice %arg2[%add3A_381, %dma_start3A_386, %dma_start3A_387] : memref<5120x2x128xi32, #tpu.memory_space<hbm>> -> memref<1x2x128xi32, #tpu.memory_space<hbm>>
        %dma_start3A_389 = arith.constant 1 : i32
        %dma_start3A_390 = arith.constant 0 : i32
        %dma_start3A_391 = arith.constant 0 : i32
        %dma_start3A_392 = tpu.memref_slice %arg7[%dma_start3A_389, %dma_start3A_390, %dma_start3A_391] : memref<8x2x128xi32, #tpu.memory_space<vmem>> -> memref<1x2x128xi32, #tpu.memory_space<vmem>>
        %dma_start3A_393 = arith.constant 0 : i32
        %dma_start3A_394 = arith.constant 0 : i32
        %dma_start3A_395 = tpu.memref_slice %arg2[%add3A_381, %dma_start3A_393, %dma_start3A_394] : memref<5120x2x128xi32, #tpu.memory_space<hbm>> -> memref<1x2x128xi32, #tpu.memory_space<hbm>>
        tpu.enqueue_dma source(%dma_start3A_395 : memref<1x2x128xi32, #tpu.memory_space<hbm>>) target(%dma_start3A_392 : memref<1x2x128xi32, #tpu.memory_space<vmem>>) target_semaphore(%arg21 : memref<!tpu.dma_semaphore, #tpu.memory_space<semaphore_mem>>)
      } else {
      }
      %add3A_299 = arith.constant 2 : i32
      %add3A_300 = arith.addi %add3A_271, %add3A_299 : i32
      %lt3A_301 = arith.cmpi slt, %add3A_300, %select_n3A_3 : i32
      %convert_element_type3A_302 = arith.extui %lt3A_301 : i1 to i32
      %cond3A_303 = arith.constant 0 : i32
      %cond3A_304 = arith.cmpi ne, %convert_element_type3A_302, %cond3A_303 : i32
      scf.if %cond3A_304 {
        %ge3A_379 = arith.constant 2 : i32
        %ge3A_380 = arith.cmpi sge, %add3A_271, %ge3A_379 : i32
        %convert_element_type3A_381 = arith.extui %ge3A_380 : i1 to i32
        %cond3A_382 = arith.constant 0 : i32
        %cond3A_383 = arith.cmpi ne, %convert_element_type3A_381, %cond3A_382 : i32
        scf.if %cond3A_383 {
          %dma_wait3A_397 = arith.constant 0 : i32
          %dma_wait3A_398 = arith.constant 0 : i32
          %dma_wait3A_399 = arith.constant 0 : i32
          %dma_wait3A_400 = tpu.memref_slice %arg7[%dma_wait3A_397, %dma_wait3A_398, %dma_wait3A_399] : memref<8x2x128xi32, #tpu.memory_space<vmem>> -> memref<1x1x128xi32, #tpu.memory_space<vmem>>
          %dma_wait3A_401 = tpu.memref_squeeze %dma_wait3A_400 : memref<1x1x128xi32, #tpu.memory_space<vmem>> -> memref<128xi32, #tpu.memory_space<vmem>>
          %dma_wait3A_402 = arith.constant 0 : i32
          %dma_wait3A_403 = arith.constant 0 : i32
          %dma_wait3A_404 = tpu.memref_slice %arg3[%dma_wait3A_402, %dma_wait3A_403] : memref<10000x64xf32, #tpu.memory_space<hbm>> -> memref<10000x64xf32, #tpu.memory_space<hbm>>
          tpu.wait_indirect_dma semaphore(%arg19 : memref<!tpu.dma_semaphore, #tpu.memory_space<semaphore_mem>>) src(%dma_wait3A_404 : memref<10000x64xf32, #tpu.memory_space<hbm>>) dst(%arg11 : memref<128x64xf32, #tpu.memory_space<vmem>>)
        } else {
        }
        %ge3A_384 = arith.constant 8 : i32
        %ge3A_385 = arith.cmpi sge, %add3A_300, %ge3A_384 : i32
        %convert_element_type3A_386 = arith.extui %ge3A_385 : i1 to i32
        %cond3A_387 = arith.constant 0 : i32
        %cond3A_388 = arith.cmpi ne, %convert_element_type3A_386, %cond3A_387 : i32
        scf.if %cond3A_388 {
          %dma_wait3A_397 = arith.constant 7 : i32
          %dma_wait3A_398 = arith.constant 0 : i32
          %dma_wait3A_399 = arith.constant 0 : i32
          %dma_wait3A_400 = tpu.memref_slice %arg7[%dma_wait3A_397, %dma_wait3A_398, %dma_wait3A_399] : memref<8x2x128xi32, #tpu.memory_space<vmem>> -> memref<1x2x128xi32, #tpu.memory_space<vmem>>
          %dma_wait3A_401 = arith.constant 0 : i32
          %dma_wait3A_402 = arith.constant 0 : i32
          %dma_wait3A_403 = tpu.memref_slice %arg2[%multiple_of3A, %dma_wait3A_401, %dma_wait3A_402] : memref<5120x2x128xi32, #tpu.memory_space<hbm>> -> memref<1x2x128xi32, #tpu.memory_space<hbm>>
          %dma_wait3A_404 = arith.constant 7 : i32
          %dma_wait3A_405 = arith.constant 0 : i32
          %dma_wait3A_406 = arith.constant 0 : i32
          %dma_wait3A_407 = tpu.memref_slice %arg7[%dma_wait3A_404, %dma_wait3A_405, %dma_wait3A_406] : memref<8x2x128xi32, #tpu.memory_space<vmem>> -> memref<1x2x128xi32, #tpu.memory_space<vmem>>
          %dma_wait3A_408 = arith.constant 0 : i32
          %dma_wait3A_409 = arith.constant 0 : i32
          %dma_wait3A_410 = tpu.memref_slice %arg2[%multiple_of3A, %dma_wait3A_408, %dma_wait3A_409] : memref<5120x2x128xi32, #tpu.memory_space<hbm>> -> memref<1x2x128xi32, #tpu.memory_space<hbm>>
          tpu.wait_dma2 semaphore(%arg23 : memref<!tpu.dma_semaphore, #tpu.memory_space<semaphore_mem>>) src(%dma_wait3A_410 : memref<1x2x128xi32, #tpu.memory_space<hbm>>) dst(%dma_wait3A_407 : memref<1x2x128xi32, #tpu.memory_space<vmem>>)
        } else {
        }
        %dma_start3A_389 = arith.constant 7 : i32
        %dma_start3A_390 = arith.constant 0 : i32
        %dma_start3A_391 = arith.constant 0 : i32
        %dma_start3A_392 = tpu.memref_slice %arg7[%dma_start3A_389, %dma_start3A_390, %dma_start3A_391] : memref<8x2x128xi32, #tpu.memory_space<vmem>> -> memref<1x1x128xi32, #tpu.memory_space<vmem>>
        %dma_start3A_393 = tpu.memref_squeeze %dma_start3A_392 : memref<1x1x128xi32, #tpu.memory_space<vmem>> -> memref<128xi32, #tpu.memory_space<vmem>>
        %dma_start3A_394 = arith.constant 0 : i32
        %dma_start3A_395 = arith.constant 0 : i32
        %dma_start3A_396 = tpu.memref_slice %arg3[%dma_start3A_394, %dma_start3A_395] : memref<10000x64xf32, #tpu.memory_space<hbm>> -> memref<10000x64xf32, #tpu.memory_space<hbm>>
        tpu.enqueue_indirect_dma source(%dma_start3A_396 : memref<10000x64xf32, #tpu.memory_space<hbm>>) target(%arg11 : memref<128x64xf32, #tpu.memory_space<vmem>>) offsets(%dma_start3A_393 : memref<128xi32, #tpu.memory_space<vmem>>) semaphore(%arg15 : memref<!tpu.dma_semaphore, #tpu.memory_space<semaphore_mem>>)
      } else {
      }
      %mul3A_305 = arith.constant 8 : i32
      %mul3A_306 = arith.muli %while3A_86, %mul3A_305 : i32
      %add3A_307 = arith.constant 6 : i32
      %add3A_308 = arith.addi %mul3A_306, %add3A_307 : i32
      %dma_wait3A_309 = arith.constant 0 : i32
      %dma_wait3A_310 = arith.constant 0 : i32
      %dma_wait3A_311 = arith.constant 0 : i32
      %dma_wait3A_312 = tpu.memref_slice %arg7[%dma_wait3A_309, %dma_wait3A_310, %dma_wait3A_311] : memref<8x2x128xi32, #tpu.memory_space<vmem>> -> memref<1x1x128xi32, #tpu.memory_space<vmem>>
      %dma_wait3A_313 = tpu.memref_squeeze %dma_wait3A_312 : memref<1x1x128xi32, #tpu.memory_space<vmem>> -> memref<128xi32, #tpu.memory_space<vmem>>
      %dma_wait3A_314 = arith.constant 0 : i32
      %dma_wait3A_315 = arith.constant 0 : i32
      %dma_wait3A_316 = tpu.memref_slice %arg3[%dma_wait3A_314, %dma_wait3A_315] : memref<10000x64xf32, #tpu.memory_space<hbm>> -> memref<10000x64xf32, #tpu.memory_space<hbm>>
      tpu.wait_indirect_dma semaphore(%arg14 : memref<!tpu.dma_semaphore, #tpu.memory_space<semaphore_mem>>) src(%dma_wait3A_316 : memref<10000x64xf32, #tpu.memory_space<hbm>>) dst(%arg10 : memref<128x64xf32, #tpu.memory_space<vmem>>)
      %dma_start3A_317 = arith.constant 6 : i32
      %dma_start3A_318 = arith.constant 1 : i32
      %dma_start3A_319 = arith.constant 0 : i32
      %dma_start3A_320 = tpu.memref_slice %arg7[%dma_start3A_317, %dma_start3A_318, %dma_start3A_319] : memref<8x2x128xi32, #tpu.memory_space<vmem>> -> memref<1x1x128xi32, #tpu.memory_space<vmem>>
      %dma_start3A_321 = tpu.memref_squeeze %dma_start3A_320 : memref<1x1x128xi32, #tpu.memory_space<vmem>> -> memref<128xi32, #tpu.memory_space<vmem>>
      %dma_start3A_322 = arith.constant 0 : i32
      %dma_start3A_323 = arith.constant 0 : i32
      %dma_start3A_324 = tpu.memref_slice %arg6[%dma_start3A_322, %dma_start3A_323] : memref<10240x64xf32, #tpu.memory_space<vmem_shared>> -> memref<10240x64xf32, #tpu.memory_space<vmem_shared>>
      tpu.enqueue_indirect_dma source(%arg10 : memref<128x64xf32, #tpu.memory_space<vmem>>) target(%dma_start3A_324 : memref<10240x64xf32, #tpu.memory_space<vmem_shared>>) offsets(%dma_start3A_321 : memref<128xi32, #tpu.memory_space<vmem>>) semaphore(%arg18 : memref<!tpu.dma_semaphore, #tpu.memory_space<semaphore_mem>>) {add = true}
      %add3A_325 = arith.constant 4 : i32
      %add3A_326 = arith.addi %add3A_308, %add3A_325 : i32
      %lt3A_327 = arith.cmpi slt, %add3A_326, %select_n3A_3 : i32
      %add3A_328 = arith.constant 4 : i32
      %add3A_329 = arith.addi %add3A_308, %add3A_328 : i32
      %ge3A_330 = arith.constant 8 : i32
      %ge3A_331 = arith.cmpi sge, %add3A_329, %ge3A_330 : i32
      %and3A_332 = arith.andi %lt3A_327, %ge3A_331 : i1
      %convert_element_type3A_333 = arith.extui %and3A_332 : i1 to i32
      %cond3A_334 = arith.constant 0 : i32
      %cond3A_335 = arith.cmpi ne, %convert_element_type3A_333, %cond3A_334 : i32
      scf.if %cond3A_335 {
        %add3A_379 = arith.addi %multiple_of3A, %add3A_308 : i32
        %add3A_380 = arith.constant 4 : i32
        %add3A_381 = arith.addi %add3A_379, %add3A_380 : i32
        %dma_start3A_382 = arith.constant 2 : i32
        %dma_start3A_383 = arith.constant 0 : i32
        %dma_start3A_384 = arith.constant 0 : i32
        %dma_start3A_385 = tpu.memref_slice %arg7[%dma_start3A_382, %dma_start3A_383, %dma_start3A_384] : memref<8x2x128xi32, #tpu.memory_space<vmem>> -> memref<1x2x128xi32, #tpu.memory_space<vmem>>
        %dma_start3A_386 = arith.constant 0 : i32
        %dma_start3A_387 = arith.constant 0 : i32
        %dma_start3A_388 = tpu.memref_slice %arg2[%add3A_381, %dma_start3A_386, %dma_start3A_387] : memref<5120x2x128xi32, #tpu.memory_space<hbm>> -> memref<1x2x128xi32, #tpu.memory_space<hbm>>
        %dma_start3A_389 = arith.constant 2 : i32
        %dma_start3A_390 = arith.constant 0 : i32
        %dma_start3A_391 = arith.constant 0 : i32
        %dma_start3A_392 = tpu.memref_slice %arg7[%dma_start3A_389, %dma_start3A_390, %dma_start3A_391] : memref<8x2x128xi32, #tpu.memory_space<vmem>> -> memref<1x2x128xi32, #tpu.memory_space<vmem>>
        %dma_start3A_393 = arith.constant 0 : i32
        %dma_start3A_394 = arith.constant 0 : i32
        %dma_start3A_395 = tpu.memref_slice %arg2[%add3A_381, %dma_start3A_393, %dma_start3A_394] : memref<5120x2x128xi32, #tpu.memory_space<hbm>> -> memref<1x2x128xi32, #tpu.memory_space<hbm>>
        tpu.enqueue_dma source(%dma_start3A_395 : memref<1x2x128xi32, #tpu.memory_space<hbm>>) target(%dma_start3A_392 : memref<1x2x128xi32, #tpu.memory_space<vmem>>) target_semaphore(%arg22 : memref<!tpu.dma_semaphore, #tpu.memory_space<semaphore_mem>>)
      } else {
      }
      %add3A_336 = arith.constant 2 : i32
      %add3A_337 = arith.addi %add3A_308, %add3A_336 : i32
      %lt3A_338 = arith.cmpi slt, %add3A_337, %select_n3A_3 : i32
      %convert_element_type3A_339 = arith.extui %lt3A_338 : i1 to i32
      %cond3A_340 = arith.constant 0 : i32
      %cond3A_341 = arith.cmpi ne, %convert_element_type3A_339, %cond3A_340 : i32
      scf.if %cond3A_341 {
        %ge3A_379 = arith.constant 2 : i32
        %ge3A_380 = arith.cmpi sge, %add3A_308, %ge3A_379 : i32
        %convert_element_type3A_381 = arith.extui %ge3A_380 : i1 to i32
        %cond3A_382 = arith.constant 0 : i32
        %cond3A_383 = arith.cmpi ne, %convert_element_type3A_381, %cond3A_382 : i32
        scf.if %cond3A_383 {
          %dma_wait3A_397 = arith.constant 0 : i32
          %dma_wait3A_398 = arith.constant 0 : i32
          %dma_wait3A_399 = arith.constant 0 : i32
          %dma_wait3A_400 = tpu.memref_slice %arg7[%dma_wait3A_397, %dma_wait3A_398, %dma_wait3A_399] : memref<8x2x128xi32, #tpu.memory_space<vmem>> -> memref<1x1x128xi32, #tpu.memory_space<vmem>>
          %dma_wait3A_401 = tpu.memref_squeeze %dma_wait3A_400 : memref<1x1x128xi32, #tpu.memory_space<vmem>> -> memref<128xi32, #tpu.memory_space<vmem>>
          %dma_wait3A_402 = arith.constant 0 : i32
          %dma_wait3A_403 = arith.constant 0 : i32
          %dma_wait3A_404 = tpu.memref_slice %arg3[%dma_wait3A_402, %dma_wait3A_403] : memref<10000x64xf32, #tpu.memory_space<hbm>> -> memref<10000x64xf32, #tpu.memory_space<hbm>>
          tpu.wait_indirect_dma semaphore(%arg16 : memref<!tpu.dma_semaphore, #tpu.memory_space<semaphore_mem>>) src(%dma_wait3A_404 : memref<10000x64xf32, #tpu.memory_space<hbm>>) dst(%arg8 : memref<128x64xf32, #tpu.memory_space<vmem>>)
        } else {
        }
        %ge3A_384 = arith.constant 8 : i32
        %ge3A_385 = arith.cmpi sge, %add3A_337, %ge3A_384 : i32
        %convert_element_type3A_386 = arith.extui %ge3A_385 : i1 to i32
        %cond3A_387 = arith.constant 0 : i32
        %cond3A_388 = arith.cmpi ne, %convert_element_type3A_386, %cond3A_387 : i32
        scf.if %cond3A_388 {
          %dma_wait3A_397 = arith.constant 0 : i32
          %dma_wait3A_398 = arith.constant 0 : i32
          %dma_wait3A_399 = arith.constant 0 : i32
          %dma_wait3A_400 = tpu.memref_slice %arg7[%dma_wait3A_397, %dma_wait3A_398, %dma_wait3A_399] : memref<8x2x128xi32, #tpu.memory_space<vmem>> -> memref<1x2x128xi32, #tpu.memory_space<vmem>>
          %dma_wait3A_401 = arith.constant 0 : i32
          %dma_wait3A_402 = arith.constant 0 : i32
          %dma_wait3A_403 = tpu.memref_slice %arg2[%multiple_of3A, %dma_wait3A_401, %dma_wait3A_402] : memref<5120x2x128xi32, #tpu.memory_space<hbm>> -> memref<1x2x128xi32, #tpu.memory_space<hbm>>
          %dma_wait3A_404 = arith.constant 0 : i32
          %dma_wait3A_405 = arith.constant 0 : i32
          %dma_wait3A_406 = arith.constant 0 : i32
          %dma_wait3A_407 = tpu.memref_slice %arg7[%dma_wait3A_404, %dma_wait3A_405, %dma_wait3A_406] : memref<8x2x128xi32, #tpu.memory_space<vmem>> -> memref<1x2x128xi32, #tpu.memory_space<vmem>>
          %dma_wait3A_408 = arith.constant 0 : i32
          %dma_wait3A_409 = arith.constant 0 : i32
          %dma_wait3A_410 = tpu.memref_slice %arg2[%multiple_of3A, %dma_wait3A_408, %dma_wait3A_409] : memref<5120x2x128xi32, #tpu.memory_space<hbm>> -> memref<1x2x128xi32, #tpu.memory_space<hbm>>
          tpu.wait_dma2 semaphore(%arg20 : memref<!tpu.dma_semaphore, #tpu.memory_space<semaphore_mem>>) src(%dma_wait3A_410 : memref<1x2x128xi32, #tpu.memory_space<hbm>>) dst(%dma_wait3A_407 : memref<1x2x128xi32, #tpu.memory_space<vmem>>)
        } else {
        }
        %dma_start3A_389 = arith.constant 0 : i32
        %dma_start3A_390 = arith.constant 0 : i32
        %dma_start3A_391 = arith.constant 0 : i32
        %dma_start3A_392 = tpu.memref_slice %arg7[%dma_start3A_389, %dma_start3A_390, %dma_start3A_391] : memref<8x2x128xi32, #tpu.memory_space<vmem>> -> memref<1x1x128xi32, #tpu.memory_space<vmem>>
        %dma_start3A_393 = tpu.memref_squeeze %dma_start3A_392 : memref<1x1x128xi32, #tpu.memory_space<vmem>> -> memref<128xi32, #tpu.memory_space<vmem>>
        %dma_start3A_394 = arith.constant 0 : i32
        %dma_start3A_395 = arith.constant 0 : i32
        %dma_start3A_396 = tpu.memref_slice %arg3[%dma_start3A_394, %dma_start3A_395] : memref<10000x64xf32, #tpu.memory_space<hbm>> -> memref<10000x64xf32, #tpu.memory_space<hbm>>
        tpu.enqueue_indirect_dma source(%dma_start3A_396 : memref<10000x64xf32, #tpu.memory_space<hbm>>) target(%arg8 : memref<128x64xf32, #tpu.memory_space<vmem>>) offsets(%dma_start3A_393 : memref<128xi32, #tpu.memory_space<vmem>>) semaphore(%arg12 : memref<!tpu.dma_semaphore, #tpu.memory_space<semaphore_mem>>)
      } else {
      }
      %mul3A_342 = arith.constant 8 : i32
      %mul3A_343 = arith.muli %while3A_86, %mul3A_342 : i32
      %add3A_344 = arith.constant 7 : i32
      %add3A_345 = arith.addi %mul3A_343, %add3A_344 : i32
      %dma_wait3A_346 = arith.constant 0 : i32
      %dma_wait3A_347 = arith.constant 0 : i32
      %dma_wait3A_348 = arith.constant 0 : i32
      %dma_wait3A_349 = tpu.memref_slice %arg7[%dma_wait3A_346, %dma_wait3A_347, %dma_wait3A_348] : memref<8x2x128xi32, #tpu.memory_space<vmem>> -> memref<1x1x128xi32, #tpu.memory_space<vmem>>
      %dma_wait3A_350 = tpu.memref_squeeze %dma_wait3A_349 : memref<1x1x128xi32, #tpu.memory_space<vmem>> -> memref<128xi32, #tpu.memory_space<vmem>>
      %dma_wait3A_351 = arith.constant 0 : i32
      %dma_wait3A_352 = arith.constant 0 : i32
      %dma_wait3A_353 = tpu.memref_slice %arg3[%dma_wait3A_351, %dma_wait3A_352] : memref<10000x64xf32, #tpu.memory_space<hbm>> -> memref<10000x64xf32, #tpu.memory_space<hbm>>
      tpu.wait_indirect_dma semaphore(%arg15 : memref<!tpu.dma_semaphore, #tpu.memory_space<semaphore_mem>>) src(%dma_wait3A_353 : memref<10000x64xf32, #tpu.memory_space<hbm>>) dst(%arg11 : memref<128x64xf32, #tpu.memory_space<vmem>>)
      %dma_start3A_354 = arith.constant 7 : i32
      %dma_start3A_355 = arith.constant 1 : i32
      %dma_start3A_356 = arith.constant 0 : i32
      %dma_start3A_357 = tpu.memref_slice %arg7[%dma_start3A_354, %dma_start3A_355, %dma_start3A_356] : memref<8x2x128xi32, #tpu.memory_space<vmem>> -> memref<1x1x128xi32, #tpu.memory_space<vmem>>
      %dma_start3A_358 = tpu.memref_squeeze %dma_start3A_357 : memref<1x1x128xi32, #tpu.memory_space<vmem>> -> memref<128xi32, #tpu.memory_space<vmem>>
      %dma_start3A_359 = arith.constant 0 : i32
      %dma_start3A_360 = arith.constant 0 : i32
      %dma_start3A_361 = tpu.memref_slice %arg6[%dma_start3A_359, %dma_start3A_360] : memref<10240x64xf32, #tpu.memory_space<vmem_shared>> -> memref<10240x64xf32, #tpu.memory_space<vmem_shared>>
      tpu.enqueue_indirect_dma source(%arg11 : memref<128x64xf32, #tpu.memory_space<vmem>>) target(%dma_start3A_361 : memref<10240x64xf32, #tpu.memory_space<vmem_shared>>) offsets(%dma_start3A_358 : memref<128xi32, #tpu.memory_space<vmem>>) semaphore(%arg19 : memref<!tpu.dma_semaphore, #tpu.memory_space<semaphore_mem>>) {add = true}
      %add3A_362 = arith.constant 4 : i32
      %add3A_363 = arith.addi %add3A_345, %add3A_362 : i32
      %lt3A_364 = arith.cmpi slt, %add3A_363, %select_n3A_3 : i32
      %add3A_365 = arith.constant 4 : i32
      %add3A_366 = arith.addi %add3A_345, %add3A_365 : i32
      %ge3A_367 = arith.constant 8 : i32
      %ge3A_368 = arith.cmpi sge, %add3A_366, %ge3A_367 : i32
      %and3A_369 = arith.andi %lt3A_364, %ge3A_368 : i1
      %convert_element_type3A_370 = arith.extui %and3A_369 : i1 to i32
      %cond3A_371 = arith.constant 0 : i32
      %cond3A_372 = arith.cmpi ne, %convert_element_type3A_370, %cond3A_371 : i32
      scf.if %cond3A_372 {
        %add3A_379 = arith.addi %multiple_of3A, %add3A_345 : i32
        %add3A_380 = arith.constant 4 : i32
        %add3A_381 = arith.addi %add3A_379, %add3A_380 : i32
        %dma_start3A_382 = arith.constant 3 : i32
        %dma_start3A_383 = arith.constant 0 : i32
        %dma_start3A_384 = arith.constant 0 : i32
        %dma_start3A_385 = tpu.memref_slice %arg7[%dma_start3A_382, %dma_start3A_383, %dma_start3A_384] : memref<8x2x128xi32, #tpu.memory_space<vmem>> -> memref<1x2x128xi32, #tpu.memory_space<vmem>>
        %dma_start3A_386 = arith.constant 0 : i32
        %dma_start3A_387 = arith.constant 0 : i32
        %dma_start3A_388 = tpu.memref_slice %arg2[%add3A_381, %dma_start3A_386, %dma_start3A_387] : memref<5120x2x128xi32, #tpu.memory_space<hbm>> -> memref<1x2x128xi32, #tpu.memory_space<hbm>>
        %dma_start3A_389 = arith.constant 3 : i32
        %dma_start3A_390 = arith.constant 0 : i32
        %dma_start3A_391 = arith.constant 0 : i32
        %dma_start3A_392 = tpu.memref_slice %arg7[%dma_start3A_389, %dma_start3A_390, %dma_start3A_391] : memref<8x2x128xi32, #tpu.memory_space<vmem>> -> memref<1x2x128xi32, #tpu.memory_space<vmem>>
        %dma_start3A_393 = arith.constant 0 : i32
        %dma_start3A_394 = arith.constant 0 : i32
        %dma_start3A_395 = tpu.memref_slice %arg2[%add3A_381, %dma_start3A_393, %dma_start3A_394] : memref<5120x2x128xi32, #tpu.memory_space<hbm>> -> memref<1x2x128xi32, #tpu.memory_space<hbm>>
        tpu.enqueue_dma source(%dma_start3A_395 : memref<1x2x128xi32, #tpu.memory_space<hbm>>) target(%dma_start3A_392 : memref<1x2x128xi32, #tpu.memory_space<vmem>>) target_semaphore(%arg23 : memref<!tpu.dma_semaphore, #tpu.memory_space<semaphore_mem>>)
      } else {
      }
      %add3A_373 = arith.constant 2 : i32
      %add3A_374 = arith.addi %add3A_345, %add3A_373 : i32
      %lt3A_375 = arith.cmpi slt, %add3A_374, %select_n3A_3 : i32
      %convert_element_type3A_376 = arith.extui %lt3A_375 : i1 to i32
      %cond3A_377 = arith.constant 0 : i32
      %cond3A_378 = arith.cmpi ne, %convert_element_type3A_376, %cond3A_377 : i32
      scf.if %cond3A_378 {
        %ge3A_379 = arith.constant 2 : i32
        %ge3A_380 = arith.cmpi sge, %add3A_345, %ge3A_379 : i32
        %convert_element_type3A_381 = arith.extui %ge3A_380 : i1 to i32
        %cond3A_382 = arith.constant 0 : i32
        %cond3A_383 = arith.cmpi ne, %convert_element_type3A_381, %cond3A_382 : i32
        scf.if %cond3A_383 {
          %dma_wait3A_397 = arith.constant 0 : i32
          %dma_wait3A_398 = arith.constant 0 : i32
          %dma_wait3A_399 = arith.constant 0 : i32
          %dma_wait3A_400 = tpu.memref_slice %arg7[%dma_wait3A_397, %dma_wait3A_398, %dma_wait3A_399] : memref<8x2x128xi32, #tpu.memory_space<vmem>> -> memref<1x1x128xi32, #tpu.memory_space<vmem>>
          %dma_wait3A_401 = tpu.memref_squeeze %dma_wait3A_400 : memref<1x1x128xi32, #tpu.memory_space<vmem>> -> memref<128xi32, #tpu.memory_space<vmem>>
          %dma_wait3A_402 = arith.constant 0 : i32
          %dma_wait3A_403 = arith.constant 0 : i32
          %dma_wait3A_404 = tpu.memref_slice %arg3[%dma_wait3A_402, %dma_wait3A_403] : memref<10000x64xf32, #tpu.memory_space<hbm>> -> memref<10000x64xf32, #tpu.memory_space<hbm>>
          tpu.wait_indirect_dma semaphore(%arg17 : memref<!tpu.dma_semaphore, #tpu.memory_space<semaphore_mem>>) src(%dma_wait3A_404 : memref<10000x64xf32, #tpu.memory_space<hbm>>) dst(%arg9 : memref<128x64xf32, #tpu.memory_space<vmem>>)
        } else {
        }
        %ge3A_384 = arith.constant 8 : i32
        %ge3A_385 = arith.cmpi sge, %add3A_374, %ge3A_384 : i32
        %convert_element_type3A_386 = arith.extui %ge3A_385 : i1 to i32
        %cond3A_387 = arith.constant 0 : i32
        %cond3A_388 = arith.cmpi ne, %convert_element_type3A_386, %cond3A_387 : i32
        scf.if %cond3A_388 {
          %dma_wait3A_397 = arith.constant 1 : i32
          %dma_wait3A_398 = arith.constant 0 : i32
          %dma_wait3A_399 = arith.constant 0 : i32
          %dma_wait3A_400 = tpu.memref_slice %arg7[%dma_wait3A_397, %dma_wait3A_398, %dma_wait3A_399] : memref<8x2x128xi32, #tpu.memory_space<vmem>> -> memref<1x2x128xi32, #tpu.memory_space<vmem>>
          %dma_wait3A_401 = arith.constant 0 : i32
          %dma_wait3A_402 = arith.constant 0 : i32
          %dma_wait3A_403 = tpu.memref_slice %arg2[%multiple_of3A, %dma_wait3A_401, %dma_wait3A_402] : memref<5120x2x128xi32, #tpu.memory_space<hbm>> -> memref<1x2x128xi32, #tpu.memory_space<hbm>>
          %dma_wait3A_404 = arith.constant 1 : i32
          %dma_wait3A_405 = arith.constant 0 : i32
          %dma_wait3A_406 = arith.constant 0 : i32
          %dma_wait3A_407 = tpu.memref_slice %arg7[%dma_wait3A_404, %dma_wait3A_405, %dma_wait3A_406] : memref<8x2x128xi32, #tpu.memory_space<vmem>> -> memref<1x2x128xi32, #tpu.memory_space<vmem>>
          %dma_wait3A_408 = arith.constant 0 : i32
          %dma_wait3A_409 = arith.constant 0 : i32
          %dma_wait3A_410 = tpu.memref_slice %arg2[%multiple_of3A, %dma_wait3A_408, %dma_wait3A_409] : memref<5120x2x128xi32, #tpu.memory_space<hbm>> -> memref<1x2x128xi32, #tpu.memory_space<hbm>>
          tpu.wait_dma2 semaphore(%arg21 : memref<!tpu.dma_semaphore, #tpu.memory_space<semaphore_mem>>) src(%dma_wait3A_410 : memref<1x2x128xi32, #tpu.memory_space<hbm>>) dst(%dma_wait3A_407 : memref<1x2x128xi32, #tpu.memory_space<vmem>>)
        } else {
        }
        %dma_start3A_389 = arith.constant 1 : i32
        %dma_start3A_390 = arith.constant 0 : i32
        %dma_start3A_391 = arith.constant 0 : i32
        %dma_start3A_392 = tpu.memref_slice %arg7[%dma_start3A_389, %dma_start3A_390, %dma_start3A_391] : memref<8x2x128xi32, #tpu.memory_space<vmem>> -> memref<1x1x128xi32, #tpu.memory_space<vmem>>
        %dma_start3A_393 = tpu.memref_squeeze %dma_start3A_392 : memref<1x1x128xi32, #tpu.memory_space<vmem>> -> memref<128xi32, #tpu.memory_space<vmem>>
        %dma_start3A_394 = arith.constant 0 : i32
        %dma_start3A_395 = arith.constant 0 : i32
        %dma_start3A_396 = tpu.memref_slice %arg3[%dma_start3A_394, %dma_start3A_395] : memref<10000x64xf32, #tpu.memory_space<hbm>> -> memref<10000x64xf32, #tpu.memory_space<hbm>>
        tpu.enqueue_indirect_dma source(%dma_start3A_396 : memref<10000x64xf32, #tpu.memory_space<hbm>>) target(%arg9 : memref<128x64xf32, #tpu.memory_space<vmem>>) offsets(%dma_start3A_393 : memref<128xi32, #tpu.memory_space<vmem>>) semaphore(%arg13 : memref<!tpu.dma_semaphore, #tpu.memory_space<semaphore_mem>>)
      } else {
      }
    }
    %dma_wait3A = arith.constant 0 : i32
    %dma_wait3A_54 = arith.constant 0 : i32
    %dma_wait3A_55 = arith.constant 0 : i32
    %dma_wait3A_56 = tpu.memref_slice %arg7[%dma_wait3A, %dma_wait3A_54, %dma_wait3A_55] : memref<8x2x128xi32, #tpu.memory_space<vmem>> -> memref<1x1x128xi32, #tpu.memory_space<vmem>>
    %dma_wait3A_57 = tpu.memref_squeeze %dma_wait3A_56 : memref<1x1x128xi32, #tpu.memory_space<vmem>> -> memref<128xi32, #tpu.memory_space<vmem>>
    %dma_wait3A_58 = arith.constant 0 : i32
    %dma_wait3A_59 = arith.constant 0 : i32
    %dma_wait3A_60 = tpu.memref_slice %arg3[%dma_wait3A_58, %dma_wait3A_59] : memref<10000x64xf32, #tpu.memory_space<hbm>> -> memref<10000x64xf32, #tpu.memory_space<hbm>>
    tpu.wait_indirect_dma semaphore(%arg16 : memref<!tpu.dma_semaphore, #tpu.memory_space<semaphore_mem>>) src(%dma_wait3A_60 : memref<10000x64xf32, #tpu.memory_space<hbm>>) dst(%arg8 : memref<128x64xf32, #tpu.memory_space<vmem>>)
    %dma_wait3A_61 = arith.constant 0 : i32
    %dma_wait3A_62 = arith.constant 0 : i32
    %dma_wait3A_63 = arith.constant 0 : i32
    %dma_wait3A_64 = tpu.memref_slice %arg7[%dma_wait3A_61, %dma_wait3A_62, %dma_wait3A_63] : memref<8x2x128xi32, #tpu.memory_space<vmem>> -> memref<1x1x128xi32, #tpu.memory_space<vmem>>
    %dma_wait3A_65 = tpu.memref_squeeze %dma_wait3A_64 : memref<1x1x128xi32, #tpu.memory_space<vmem>> -> memref<128xi32, #tpu.memory_space<vmem>>
    %dma_wait3A_66 = arith.constant 0 : i32
    %dma_wait3A_67 = arith.constant 0 : i32
    %dma_wait3A_68 = tpu.memref_slice %arg3[%dma_wait3A_66, %dma_wait3A_67] : memref<10000x64xf32, #tpu.memory_space<hbm>> -> memref<10000x64xf32, #tpu.memory_space<hbm>>
    tpu.wait_indirect_dma semaphore(%arg17 : memref<!tpu.dma_semaphore, #tpu.memory_space<semaphore_mem>>) src(%dma_wait3A_68 : memref<10000x64xf32, #tpu.memory_space<hbm>>) dst(%arg9 : memref<128x64xf32, #tpu.memory_space<vmem>>)
    %dma_wait3A_69 = arith.constant 0 : i32
    %dma_wait3A_70 = arith.constant 0 : i32
    %dma_wait3A_71 = arith.constant 0 : i32
    %dma_wait3A_72 = tpu.memref_slice %arg7[%dma_wait3A_69, %dma_wait3A_70, %dma_wait3A_71] : memref<8x2x128xi32, #tpu.memory_space<vmem>> -> memref<1x1x128xi32, #tpu.memory_space<vmem>>
    %dma_wait3A_73 = tpu.memref_squeeze %dma_wait3A_72 : memref<1x1x128xi32, #tpu.memory_space<vmem>> -> memref<128xi32, #tpu.memory_space<vmem>>
    %dma_wait3A_74 = arith.constant 0 : i32
    %dma_wait3A_75 = arith.constant 0 : i32
    %dma_wait3A_76 = tpu.memref_slice %arg3[%dma_wait3A_74, %dma_wait3A_75] : memref<10000x64xf32, #tpu.memory_space<hbm>> -> memref<10000x64xf32, #tpu.memory_space<hbm>>
    tpu.wait_indirect_dma semaphore(%arg18 : memref<!tpu.dma_semaphore, #tpu.memory_space<semaphore_mem>>) src(%dma_wait3A_76 : memref<10000x64xf32, #tpu.memory_space<hbm>>) dst(%arg10 : memref<128x64xf32, #tpu.memory_space<vmem>>)
    %dma_wait3A_77 = arith.constant 0 : i32
    %dma_wait3A_78 = arith.constant 0 : i32
    %dma_wait3A_79 = arith.constant 0 : i32
    %dma_wait3A_80 = tpu.memref_slice %arg7[%dma_wait3A_77, %dma_wait3A_78, %dma_wait3A_79] : memref<8x2x128xi32, #tpu.memory_space<vmem>> -> memref<1x1x128xi32, #tpu.memory_space<vmem>>
    %dma_wait3A_81 = tpu.memref_squeeze %dma_wait3A_80 : memref<1x1x128xi32, #tpu.memory_space<vmem>> -> memref<128xi32, #tpu.memory_space<vmem>>
    %dma_wait3A_82 = arith.constant 0 : i32
    %dma_wait3A_83 = arith.constant 0 : i32
    %dma_wait3A_84 = tpu.memref_slice %arg3[%dma_wait3A_82, %dma_wait3A_83] : memref<10000x64xf32, #tpu.memory_space<hbm>> -> memref<10000x64xf32, #tpu.memory_space<hbm>>
    tpu.wait_indirect_dma semaphore(%arg19 : memref<!tpu.dma_semaphore, #tpu.memory_space<semaphore_mem>>) src(%dma_wait3A_84 : memref<10000x64xf32, #tpu.memory_space<hbm>>) dst(%arg11 : memref<128x64xf32, #tpu.memory_space<vmem>>)
    %barrier3A_85 = arith.constant 0 : index
    tpu.barrier barrier_id(%barrier3A_85)
    "tpu.region"() ({
      %run_scoped3A = tpu.sem_alloc : memref<!tpu.dma_semaphore, #tpu.memory_space<semaphore_mem>>
      %dma_start3A_86 = arith.constant 0 : i32
      %dma_start3A_87 = tpu.memref_slice %arg5[%arg0, %mul3A_0, %dma_start3A_86] : memref<2x10240x64xf32, #tpu.memory_space<hbm>> -> memref<1x640x64xf32, #tpu.memory_space<hbm>>
      %dma_start3A_88 = tpu.memref_squeeze %dma_start3A_87 : memref<1x640x64xf32, #tpu.memory_space<hbm>> -> memref<640x64xf32, #tpu.memory_space<hbm>>
      %dma_start3A_89 = arith.constant 0 : i32
      %dma_start3A_90 = tpu.memref_slice %arg6[%mul3A_0, %dma_start3A_89] : memref<10240x64xf32, #tpu.memory_space<vmem_shared>> -> memref<640x64xf32, #tpu.memory_space<vmem_shared>>
      tpu.enqueue_dma source(%dma_start3A_90 : memref<640x64xf32, #tpu.memory_space<vmem_shared>>) target(%dma_start3A_88 : memref<640x64xf32, #tpu.memory_space<hbm>>) target_semaphore(%run_scoped3A : memref<!tpu.dma_semaphore, #tpu.memory_space<semaphore_mem>>)
      %dma_wait3A_91 = arith.constant 0 : i32
      %dma_wait3A_92 = tpu.memref_slice %arg5[%arg0, %mul3A_0, %dma_wait3A_91] : memref<2x10240x64xf32, #tpu.memory_space<hbm>> -> memref<1x640x64xf32, #tpu.memory_space<hbm>>
      %dma_wait3A_93 = tpu.memref_squeeze %dma_wait3A_92 : memref<1x640x64xf32, #tpu.memory_space<hbm>> -> memref<640x64xf32, #tpu.memory_space<hbm>>
      %dma_wait3A_94 = arith.constant 0 : i32
      %dma_wait3A_95 = tpu.memref_slice %arg6[%mul3A_0, %dma_wait3A_94] : memref<10240x64xf32, #tpu.memory_space<vmem_shared>> -> memref<640x64xf32, #tpu.memory_space<vmem_shared>>
      tpu.wait_dma2 semaphore(%run_scoped3A : memref<!tpu.dma_semaphore, #tpu.memory_space<semaphore_mem>>) src(%dma_wait3A_95 : memref<640x64xf32, #tpu.memory_space<vmem_shared>>) dst(%dma_wait3A_93 : memref<640x64xf32, #tpu.memory_space<hbm>>)
      tpu.yield
    }) : () -> ()
    return
  }
}

#map = affine_map<(d0, d1) -> (0, 0, 0)>
#map1 = affine_map<(d0, d1) -> (0, 0)>
module attributes {stable_mosaic.version = 14 : i64} {
  func.func @layer_kernel(%arg0: i32, %arg1: i32, %arg2: memref<5120x2x128xi32, #tpu.memory_space<hbm>>, %arg3: memref<10000x32xf32, #tpu.memory_space<hbm>>, %arg4: memref<640x32xf32, #tpu.memory_space<hbm>>, %arg5: memref<2x10240x32xf32, #tpu.memory_space<hbm>>, %arg6: memref<10240x32xf32, #tpu.memory_space<vmem_shared>>, %arg7: memref<8x2x128xi32, #tpu.memory_space<vmem>>, %arg8: memref<128x32xf32, #tpu.memory_space<vmem>>, %arg9: memref<128x32xf32, #tpu.memory_space<vmem>>, %arg10: memref<128x32xf32, #tpu.memory_space<vmem>>, %arg11: memref<128x32xf32, #tpu.memory_space<vmem>>, %arg12: memref<!tpu.dma_semaphore, #tpu.memory_space<semaphore_mem>>, %arg13: memref<!tpu.dma_semaphore, #tpu.memory_space<semaphore_mem>>, %arg14: memref<!tpu.dma_semaphore, #tpu.memory_space<semaphore_mem>>, %arg15: memref<!tpu.dma_semaphore, #tpu.memory_space<semaphore_mem>>, %arg16: memref<!tpu.dma_semaphore, #tpu.memory_space<semaphore_mem>>, %arg17: memref<!tpu.dma_semaphore, #tpu.memory_space<semaphore_mem>>, %arg18: memref<!tpu.dma_semaphore, #tpu.memory_space<semaphore_mem>>, %arg19: memref<!tpu.dma_semaphore, #tpu.memory_space<semaphore_mem>>, %arg20: memref<!tpu.dma_semaphore, #tpu.memory_space<semaphore_mem>>, %arg21: memref<!tpu.dma_semaphore, #tpu.memory_space<semaphore_mem>>, %arg22: memref<!tpu.dma_semaphore, #tpu.memory_space<semaphore_mem>>, %arg23: memref<!tpu.dma_semaphore, #tpu.memory_space<semaphore_mem>>) attributes {dimension_semantics = [#tpu.dimension_semantics<core_parallel>, #tpu.dimension_semantics<subcore_parallel>], iteration_bounds = array<i64: 2, 16>, scalar_prefetch = 0 : i64, scratch_operands = 18 : i64, tpu.core_type = #tpu.core_type<sc_vector_subcore>, window_params = [{transform_indices = #map}, {transform_indices = #map1}, {transform_indices = #map1}, {transform_indices = #map}]} {
    %mul3A = arith.constant 640 : i32
    %mul3A_0 = arith.muli %arg1, %mul3A : i32
    %eq3A = arith.constant 0 : i32
    %eq3A_1 = arith.cmpi eq, %arg0, %eq3A : i32
    %select_n3A = arith.constant 96 : i32
    %select_n3A_2 = arith.constant 224 : i32
    %select_n3A_3 = arith.select %eq3A_1, %select_n3A_2, %select_n3A : i32
    "tpu.region"() ({
      %run_scoped3A = tpu.sem_alloc : memref<!tpu.dma_semaphore, #tpu.memory_space<semaphore_mem>>
      %dma_start3A_86 = arith.constant 0 : i32
      %dma_start3A_87 = tpu.memref_slice %arg6[%mul3A_0, %dma_start3A_86] : memref<10240x32xf32, #tpu.memory_space<vmem_shared>> -> memref<640x32xf32, #tpu.memory_space<vmem_shared>>
      tpu.enqueue_dma source(%arg4 : memref<640x32xf32, #tpu.memory_space<hbm>>) target(%dma_start3A_87 : memref<640x32xf32, #tpu.memory_space<vmem_shared>>) target_semaphore(%run_scoped3A : memref<!tpu.dma_semaphore, #tpu.memory_space<semaphore_mem>>)
      %dma_wait3A_88 = arith.constant 0 : i32
      %dma_wait3A_89 = tpu.memref_slice %arg6[%mul3A_0, %dma_wait3A_88] : memref<10240x32xf32, #tpu.memory_space<vmem_shared>> -> memref<640x32xf32, #tpu.memory_space<vmem_shared>>
      tpu.wait_dma2 semaphore(%run_scoped3A : memref<!tpu.dma_semaphore, #tpu.memory_space<semaphore_mem>>) src(%arg4 : memref<640x32xf32, #tpu.memory_space<hbm>>) dst(%dma_wait3A_89 : memref<640x32xf32, #tpu.memory_space<vmem_shared>>)
      tpu.yield
    }) : () -> ()
    %mul3A_4 = arith.constant 2 : i32
    %mul3A_5 = arith.muli %arg1, %mul3A_4 : i32
    %mul3A_6 = arith.constant 160 : i32
    %mul3A_7 = arith.muli %mul3A_5, %mul3A_6 : i32
    %eq3A_8 = arith.constant 0 : i32
    %eq3A_9 = arith.cmpi eq, %arg0, %eq3A_8 : i32
    %select_n3A_10 = arith.constant 224 : i32
    %select_n3A_11 = arith.constant 0 : i32
    %select_n3A_12 = arith.select %eq3A_9, %select_n3A_11, %select_n3A_10 : i32
    %add3A = arith.addi %mul3A_7, %select_n3A_12 : i32
    %multiple_of3A = tpu.assume_multiple %add3A, 8 : i32
    "tpu.region"() ({
      %run_scoped3A = tpu.sem_alloc : memref<!tpu.dma_semaphore, #tpu.memory_space<semaphore_mem>>
      %dma_start3A_86 = arith.constant 0 : i32
      %dma_start3A_87 = arith.constant 0 : i32
      %dma_start3A_88 = tpu.memref_slice %arg2[%multiple_of3A, %dma_start3A_86, %dma_start3A_87] : memref<5120x2x128xi32, #tpu.memory_space<hbm>> -> memref<8x2x128xi32, #tpu.memory_space<hbm>>
      %dma_start3A_89 = arith.constant 0 : i32
      %dma_start3A_90 = arith.constant 0 : i32
      %dma_start3A_91 = tpu.memref_slice %arg2[%multiple_of3A, %dma_start3A_89, %dma_start3A_90] : memref<5120x2x128xi32, #tpu.memory_space<hbm>> -> memref<8x2x128xi32, #tpu.memory_space<hbm>>
      tpu.enqueue_dma source(%dma_start3A_91 : memref<8x2x128xi32, #tpu.memory_space<hbm>>) target(%arg7 : memref<8x2x128xi32, #tpu.memory_space<vmem>>) target_semaphore(%run_scoped3A : memref<!tpu.dma_semaphore, #tpu.memory_space<semaphore_mem>>)
      %dma_wait3A_92 = arith.constant 0 : i32
      %dma_wait3A_93 = arith.constant 0 : i32
      %dma_wait3A_94 = tpu.memref_slice %arg2[%multiple_of3A, %dma_wait3A_92, %dma_wait3A_93] : memref<5120x2x128xi32, #tpu.memory_space<hbm>> -> memref<8x2x128xi32, #tpu.memory_space<hbm>>
      %dma_wait3A_95 = arith.constant 0 : i32
      %dma_wait3A_96 = arith.constant 0 : i32
      %dma_wait3A_97 = tpu.memref_slice %arg2[%multiple_of3A, %dma_wait3A_95, %dma_wait3A_96] : memref<5120x2x128xi32, #tpu.memory_space<hbm>> -> memref<8x2x128xi32, #tpu.memory_space<hbm>>
      tpu.wait_dma2 semaphore(%run_scoped3A : memref<!tpu.dma_semaphore, #tpu.memory_space<semaphore_mem>>) src(%dma_wait3A_97 : memref<8x2x128xi32, #tpu.memory_space<hbm>>) dst(%arg7 : memref<8x2x128xi32, #tpu.memory_space<vmem>>)
      tpu.yield
    }) : () -> ()
    %barrier3A = arith.constant 0 : index
    tpu.barrier barrier_id(%barrier3A)
    %dma_start3A = arith.constant 0 : i32
    %dma_start3A_13 = arith.constant 0 : i32
    %dma_start3A_14 = arith.constant 0 : i32
    %dma_start3A_15 = tpu.memref_slice %arg7[%dma_start3A, %dma_start3A_13, %dma_start3A_14] : memref<8x2x128xi32, #tpu.memory_space<vmem>> -> memref<1x1x128xi32, #tpu.memory_space<vmem>>
    %dma_start3A_16 = tpu.memref_squeeze %dma_start3A_15 : memref<1x1x128xi32, #tpu.memory_space<vmem>> -> memref<128xi32, #tpu.memory_space<vmem>>
    %dma_start3A_17 = arith.constant 0 : i32
    %dma_start3A_18 = arith.constant 0 : i32
    %dma_start3A_19 = tpu.memref_slice %arg3[%dma_start3A_17, %dma_start3A_18] : memref<10000x32xf32, #tpu.memory_space<hbm>> -> memref<10000x32xf32, #tpu.memory_space<hbm>>
    tpu.enqueue_indirect_dma source(%dma_start3A_19 : memref<10000x32xf32, #tpu.memory_space<hbm>>) target(%arg8 : memref<128x32xf32, #tpu.memory_space<vmem>>) offsets(%dma_start3A_16 : memref<128xi32, #tpu.memory_space<vmem>>) semaphore(%arg12 : memref<!tpu.dma_semaphore, #tpu.memory_space<semaphore_mem>>)
    %dma_start3A_20 = arith.constant 1 : i32
    %dma_start3A_21 = arith.constant 0 : i32
    %dma_start3A_22 = arith.constant 0 : i32
    %dma_start3A_23 = tpu.memref_slice %arg7[%dma_start3A_20, %dma_start3A_21, %dma_start3A_22] : memref<8x2x128xi32, #tpu.memory_space<vmem>> -> memref<1x1x128xi32, #tpu.memory_space<vmem>>
    %dma_start3A_24 = tpu.memref_squeeze %dma_start3A_23 : memref<1x1x128xi32, #tpu.memory_space<vmem>> -> memref<128xi32, #tpu.memory_space<vmem>>
    %dma_start3A_25 = arith.constant 0 : i32
    %dma_start3A_26 = arith.constant 0 : i32
    %dma_start3A_27 = tpu.memref_slice %arg3[%dma_start3A_25, %dma_start3A_26] : memref<10000x32xf32, #tpu.memory_space<hbm>> -> memref<10000x32xf32, #tpu.memory_space<hbm>>
    tpu.enqueue_indirect_dma source(%dma_start3A_27 : memref<10000x32xf32, #tpu.memory_space<hbm>>) target(%arg9 : memref<128x32xf32, #tpu.memory_space<vmem>>) offsets(%dma_start3A_24 : memref<128xi32, #tpu.memory_space<vmem>>) semaphore(%arg13 : memref<!tpu.dma_semaphore, #tpu.memory_space<semaphore_mem>>)
    %jit3A = arith.constant 8 : i32
    %div3A = arith.divsi %select_n3A_3, %jit3A : i32
    %sign3A = arith.constant 0 : i32
    %sign3A_28 = arith.cmpi sgt, %select_n3A_3, %sign3A : i32
    %sign3A_29 = arith.extui %sign3A_28 : i1 to i32
    %sign3A_30 = arith.constant 0 : i32
    %sign3A_31 = arith.cmpi slt, %select_n3A_3, %sign3A_30 : i32
    %sign3A_32 = arith.extui %sign3A_31 : i1 to i32
    %sign3A_33 = arith.subi %sign3A_29, %sign3A_32 : i32
    %sign3A_34 = arith.constant 0 : i32
    %sign3A_35 = arith.cmpi sgt, %jit3A, %sign3A_34 : i32
    %sign3A_36 = arith.extui %sign3A_35 : i1 to i32
    %sign3A_37 = arith.constant 0 : i32
    %sign3A_38 = arith.cmpi slt, %jit3A, %sign3A_37 : i32
    %sign3A_39 = arith.extui %sign3A_38 : i1 to i32
    %sign3A_40 = arith.subi %sign3A_36, %sign3A_39 : i32
    %ne3A = arith.cmpi ne, %sign3A_33, %sign3A_40 : i32
    %rem3A = arith.remsi %select_n3A_3, %jit3A : i32
    %ne3A_41 = arith.constant 0 : i32
    %ne3A_42 = arith.cmpi ne, %rem3A, %ne3A_41 : i32
    %and3A = arith.andi %ne3A, %ne3A_42 : i1
    %sub3A = arith.constant 1 : i32
    %sub3A_43 = arith.subi %div3A, %sub3A : i32
    %select_n3A_44 = arith.select %and3A, %sub3A_43, %div3A : i32
    %while3A = arith.constant 0 : i32
    %while3A_45 = arith.constant 0 : i32
    %while3A_46 = arith.subi %select_n3A_44, %while3A_45 : i32
    %while3A_47 = arith.addi %while3A_45, %while3A_46 : i32
    %while3A_48 = arith.constant 1 : i32
    %while3A_49 = arith.divsi %while3A_46, %while3A_48 : i32
    %while3A_50 = arith.muli %while3A_49, %while3A_48 : i32
    %while3A_51 = arith.addi %while3A_45, %while3A_50 : i32
    %while3A_52 = arith.constant 1 : i32
    scf.for %while3A_86 = %while3A_45 to %while3A_51 step %while3A_52  : i32 {
      %mul3A_87 = arith.constant 8 : i32
      %mul3A_88 = arith.muli %while3A_86, %mul3A_87 : i32
      %add3A_89 = arith.constant 0 : i32
      %add3A_90 = arith.addi %mul3A_88, %add3A_89 : i32
      %dma_wait3A_91 = arith.constant 0 : i32
      %dma_wait3A_92 = arith.constant 0 : i32
      %dma_wait3A_93 = arith.constant 0 : i32
      %dma_wait3A_94 = tpu.memref_slice %arg7[%dma_wait3A_91, %dma_wait3A_92, %dma_wait3A_93] : memref<8x2x128xi32, #tpu.memory_space<vmem>> -> memref<1x1x128xi32, #tpu.memory_space<vmem>>
      %dma_wait3A_95 = tpu.memref_squeeze %dma_wait3A_94 : memref<1x1x128xi32, #tpu.memory_space<vmem>> -> memref<128xi32, #tpu.memory_space<vmem>>
      %dma_wait3A_96 = arith.constant 0 : i32
      %dma_wait3A_97 = arith.constant 0 : i32
      %dma_wait3A_98 = tpu.memref_slice %arg3[%dma_wait3A_96, %dma_wait3A_97] : memref<10000x32xf32, #tpu.memory_space<hbm>> -> memref<10000x32xf32, #tpu.memory_space<hbm>>
      tpu.wait_indirect_dma semaphore(%arg12 : memref<!tpu.dma_semaphore, #tpu.memory_space<semaphore_mem>>) src(%dma_wait3A_98 : memref<10000x32xf32, #tpu.memory_space<hbm>>) dst(%arg8 : memref<128x32xf32, #tpu.memory_space<vmem>>)
      %dma_start3A_99 = arith.constant 0 : i32
      %dma_start3A_100 = arith.constant 1 : i32
      %dma_start3A_101 = arith.constant 0 : i32
      %dma_start3A_102 = tpu.memref_slice %arg7[%dma_start3A_99, %dma_start3A_100, %dma_start3A_101] : memref<8x2x128xi32, #tpu.memory_space<vmem>> -> memref<1x1x128xi32, #tpu.memory_space<vmem>>
      %dma_start3A_103 = tpu.memref_squeeze %dma_start3A_102 : memref<1x1x128xi32, #tpu.memory_space<vmem>> -> memref<128xi32, #tpu.memory_space<vmem>>
      %dma_start3A_104 = arith.constant 0 : i32
      %dma_start3A_105 = arith.constant 0 : i32
      %dma_start3A_106 = tpu.memref_slice %arg6[%dma_start3A_104, %dma_start3A_105] : memref<10240x32xf32, #tpu.memory_space<vmem_shared>> -> memref<10240x32xf32, #tpu.memory_space<vmem_shared>>
      tpu.enqueue_indirect_dma source(%arg8 : memref<128x32xf32, #tpu.memory_space<vmem>>) target(%dma_start3A_106 : memref<10240x32xf32, #tpu.memory_space<vmem_shared>>) offsets(%dma_start3A_103 : memref<128xi32, #tpu.memory_space<vmem>>) semaphore(%arg16 : memref<!tpu.dma_semaphore, #tpu.memory_space<semaphore_mem>>) {add = true}
      %add3A_107 = arith.constant 4 : i32
      %add3A_108 = arith.addi %add3A_90, %add3A_107 : i32
      %lt3A = arith.cmpi slt, %add3A_108, %select_n3A_3 : i32
      %add3A_109 = arith.constant 4 : i32
      %add3A_110 = arith.addi %add3A_90, %add3A_109 : i32
      %ge3A = arith.constant 8 : i32
      %ge3A_111 = arith.cmpi sge, %add3A_110, %ge3A : i32
      %and3A_112 = arith.andi %lt3A, %ge3A_111 : i1
      %convert_element_type3A = arith.extui %and3A_112 : i1 to i32
      %cond3A = arith.constant 0 : i32
      %cond3A_113 = arith.cmpi ne, %convert_element_type3A, %cond3A : i32
      scf.if %cond3A_113 {
        %add3A_379 = arith.addi %multiple_of3A, %add3A_90 : i32
        %add3A_380 = arith.constant 4 : i32
        %add3A_381 = arith.addi %add3A_379, %add3A_380 : i32
        %dma_start3A_382 = arith.constant 4 : i32
        %dma_start3A_383 = arith.constant 0 : i32
        %dma_start3A_384 = arith.constant 0 : i32
        %dma_start3A_385 = tpu.memref_slice %arg7[%dma_start3A_382, %dma_start3A_383, %dma_start3A_384] : memref<8x2x128xi32, #tpu.memory_space<vmem>> -> memref<1x2x128xi32, #tpu.memory_space<vmem>>
        %dma_start3A_386 = arith.constant 0 : i32
        %dma_start3A_387 = arith.constant 0 : i32
        %dma_start3A_388 = tpu.memref_slice %arg2[%add3A_381, %dma_start3A_386, %dma_start3A_387] : memref<5120x2x128xi32, #tpu.memory_space<hbm>> -> memref<1x2x128xi32, #tpu.memory_space<hbm>>
        %dma_start3A_389 = arith.constant 4 : i32
        %dma_start3A_390 = arith.constant 0 : i32
        %dma_start3A_391 = arith.constant 0 : i32
        %dma_start3A_392 = tpu.memref_slice %arg7[%dma_start3A_389, %dma_start3A_390, %dma_start3A_391] : memref<8x2x128xi32, #tpu.memory_space<vmem>> -> memref<1x2x128xi32, #tpu.memory_space<vmem>>
        %dma_start3A_393 = arith.constant 0 : i32
        %dma_start3A_394 = arith.constant 0 : i32
        %dma_start3A_395 = tpu.memref_slice %arg2[%add3A_381, %dma_start3A_393, %dma_start3A_394] : memref<5120x2x128xi32, #tpu.memory_space<hbm>> -> memref<1x2x128xi32, #tpu.memory_space<hbm>>
        tpu.enqueue_dma source(%dma_start3A_395 : memref<1x2x128xi32, #tpu.memory_space<hbm>>) target(%dma_start3A_392 : memref<1x2x128xi32, #tpu.memory_space<vmem>>) target_semaphore(%arg20 : memref<!tpu.dma_semaphore, #tpu.memory_space<semaphore_mem>>)
      } else {
      }
      %add3A_114 = arith.constant 2 : i32
      %add3A_115 = arith.addi %add3A_90, %add3A_114 : i32
      %lt3A_116 = arith.cmpi slt, %add3A_115, %select_n3A_3 : i32
      %convert_element_type3A_117 = arith.extui %lt3A_116 : i1 to i32
      %cond3A_118 = arith.constant 0 : i32
      %cond3A_119 = arith.cmpi ne, %convert_element_type3A_117, %cond3A_118 : i32
      scf.if %cond3A_119 {
        %ge3A_379 = arith.constant 2 : i32
        %ge3A_380 = arith.cmpi sge, %add3A_90, %ge3A_379 : i32
        %convert_element_type3A_381 = arith.extui %ge3A_380 : i1 to i32
        %cond3A_382 = arith.constant 0 : i32
        %cond3A_383 = arith.cmpi ne, %convert_element_type3A_381, %cond3A_382 : i32
        scf.if %cond3A_383 {
          %dma_wait3A_397 = arith.constant 0 : i32
          %dma_wait3A_398 = arith.constant 0 : i32
          %dma_wait3A_399 = arith.constant 0 : i32
          %dma_wait3A_400 = tpu.memref_slice %arg7[%dma_wait3A_397, %dma_wait3A_398, %dma_wait3A_399] : memref<8x2x128xi32, #tpu.memory_space<vmem>> -> memref<1x1x128xi32, #tpu.memory_space<vmem>>
          %dma_wait3A_401 = tpu.memref_squeeze %dma_wait3A_400 : memref<1x1x128xi32, #tpu.memory_space<vmem>> -> memref<128xi32, #tpu.memory_space<vmem>>
          %dma_wait3A_402 = arith.constant 0 : i32
          %dma_wait3A_403 = arith.constant 0 : i32
          %dma_wait3A_404 = tpu.memref_slice %arg3[%dma_wait3A_402, %dma_wait3A_403] : memref<10000x32xf32, #tpu.memory_space<hbm>> -> memref<10000x32xf32, #tpu.memory_space<hbm>>
          tpu.wait_indirect_dma semaphore(%arg18 : memref<!tpu.dma_semaphore, #tpu.memory_space<semaphore_mem>>) src(%dma_wait3A_404 : memref<10000x32xf32, #tpu.memory_space<hbm>>) dst(%arg10 : memref<128x32xf32, #tpu.memory_space<vmem>>)
        } else {
        }
        %ge3A_384 = arith.constant 8 : i32
        %ge3A_385 = arith.cmpi sge, %add3A_115, %ge3A_384 : i32
        %convert_element_type3A_386 = arith.extui %ge3A_385 : i1 to i32
        %cond3A_387 = arith.constant 0 : i32
        %cond3A_388 = arith.cmpi ne, %convert_element_type3A_386, %cond3A_387 : i32
        scf.if %cond3A_388 {
          %dma_wait3A_397 = arith.constant 2 : i32
          %dma_wait3A_398 = arith.constant 0 : i32
          %dma_wait3A_399 = arith.constant 0 : i32
          %dma_wait3A_400 = tpu.memref_slice %arg7[%dma_wait3A_397, %dma_wait3A_398, %dma_wait3A_399] : memref<8x2x128xi32, #tpu.memory_space<vmem>> -> memref<1x2x128xi32, #tpu.memory_space<vmem>>
          %dma_wait3A_401 = arith.constant 0 : i32
          %dma_wait3A_402 = arith.constant 0 : i32
          %dma_wait3A_403 = tpu.memref_slice %arg2[%multiple_of3A, %dma_wait3A_401, %dma_wait3A_402] : memref<5120x2x128xi32, #tpu.memory_space<hbm>> -> memref<1x2x128xi32, #tpu.memory_space<hbm>>
          %dma_wait3A_404 = arith.constant 2 : i32
          %dma_wait3A_405 = arith.constant 0 : i32
          %dma_wait3A_406 = arith.constant 0 : i32
          %dma_wait3A_407 = tpu.memref_slice %arg7[%dma_wait3A_404, %dma_wait3A_405, %dma_wait3A_406] : memref<8x2x128xi32, #tpu.memory_space<vmem>> -> memref<1x2x128xi32, #tpu.memory_space<vmem>>
          %dma_wait3A_408 = arith.constant 0 : i32
          %dma_wait3A_409 = arith.constant 0 : i32
          %dma_wait3A_410 = tpu.memref_slice %arg2[%multiple_of3A, %dma_wait3A_408, %dma_wait3A_409] : memref<5120x2x128xi32, #tpu.memory_space<hbm>> -> memref<1x2x128xi32, #tpu.memory_space<hbm>>
          tpu.wait_dma2 semaphore(%arg22 : memref<!tpu.dma_semaphore, #tpu.memory_space<semaphore_mem>>) src(%dma_wait3A_410 : memref<1x2x128xi32, #tpu.memory_space<hbm>>) dst(%dma_wait3A_407 : memref<1x2x128xi32, #tpu.memory_space<vmem>>)
        } else {
        }
        %dma_start3A_389 = arith.constant 2 : i32
        %dma_start3A_390 = arith.constant 0 : i32
        %dma_start3A_391 = arith.constant 0 : i32
        %dma_start3A_392 = tpu.memref_slice %arg7[%dma_start3A_389, %dma_start3A_390, %dma_start3A_391] : memref<8x2x128xi32, #tpu.memory_space<vmem>> -> memref<1x1x128xi32, #tpu.memory_space<vmem>>
        %dma_start3A_393 = tpu.memref_squeeze %dma_start3A_392 : memref<1x1x128xi32, #tpu.memory_space<vmem>> -> memref<128xi32, #tpu.memory_space<vmem>>
        %dma_start3A_394 = arith.constant 0 : i32
        %dma_start3A_395 = arith.constant 0 : i32
        %dma_start3A_396 = tpu.memref_slice %arg3[%dma_start3A_394, %dma_start3A_395] : memref<10000x32xf32, #tpu.memory_space<hbm>> -> memref<10000x32xf32, #tpu.memory_space<hbm>>
        tpu.enqueue_indirect_dma source(%dma_start3A_396 : memref<10000x32xf32, #tpu.memory_space<hbm>>) target(%arg10 : memref<128x32xf32, #tpu.memory_space<vmem>>) offsets(%dma_start3A_393 : memref<128xi32, #tpu.memory_space<vmem>>) semaphore(%arg14 : memref<!tpu.dma_semaphore, #tpu.memory_space<semaphore_mem>>)
      } else {
      }
      %mul3A_120 = arith.constant 8 : i32
      %mul3A_121 = arith.muli %while3A_86, %mul3A_120 : i32
      %add3A_122 = arith.constant 1 : i32
      %add3A_123 = arith.addi %mul3A_121, %add3A_122 : i32
      %dma_wait3A_124 = arith.constant 0 : i32
      %dma_wait3A_125 = arith.constant 0 : i32
      %dma_wait3A_126 = arith.constant 0 : i32
      %dma_wait3A_127 = tpu.memref_slice %arg7[%dma_wait3A_124, %dma_wait3A_125, %dma_wait3A_126] : memref<8x2x128xi32, #tpu.memory_space<vmem>> -> memref<1x1x128xi32, #tpu.memory_space<vmem>>
      %dma_wait3A_128 = tpu.memref_squeeze %dma_wait3A_127 : memref<1x1x128xi32, #tpu.memory_space<vmem>> -> memref<128xi32, #tpu.memory_space<vmem>>
      %dma_wait3A_129 = arith.constant 0 : i32
      %dma_wait3A_130 = arith.constant 0 : i32
      %dma_wait3A_131 = tpu.memref_slice %arg3[%dma_wait3A_129, %dma_wait3A_130] : memref<10000x32xf32, #tpu.memory_space<hbm>> -> memref<10000x32xf32, #tpu.memory_space<hbm>>
      tpu.wait_indirect_dma semaphore(%arg13 : memref<!tpu.dma_semaphore, #tpu.memory_space<semaphore_mem>>) src(%dma_wait3A_131 : memref<10000x32xf32, #tpu.memory_space<hbm>>) dst(%arg9 : memref<128x32xf32, #tpu.memory_space<vmem>>)
      %dma_start3A_132 = arith.constant 1 : i32
      %dma_start3A_133 = arith.constant 1 : i32
      %dma_start3A_134 = arith.constant 0 : i32
      %dma_start3A_135 = tpu.memref_slice %arg7[%dma_start3A_132, %dma_start3A_133, %dma_start3A_134] : memref<8x2x128xi32, #tpu.memory_space<vmem>> -> memref<1x1x128xi32, #tpu.memory_space<vmem>>
      %dma_start3A_136 = tpu.memref_squeeze %dma_start3A_135 : memref<1x1x128xi32, #tpu.memory_space<vmem>> -> memref<128xi32, #tpu.memory_space<vmem>>
      %dma_start3A_137 = arith.constant 0 : i32
      %dma_start3A_138 = arith.constant 0 : i32
      %dma_start3A_139 = tpu.memref_slice %arg6[%dma_start3A_137, %dma_start3A_138] : memref<10240x32xf32, #tpu.memory_space<vmem_shared>> -> memref<10240x32xf32, #tpu.memory_space<vmem_shared>>
      tpu.enqueue_indirect_dma source(%arg9 : memref<128x32xf32, #tpu.memory_space<vmem>>) target(%dma_start3A_139 : memref<10240x32xf32, #tpu.memory_space<vmem_shared>>) offsets(%dma_start3A_136 : memref<128xi32, #tpu.memory_space<vmem>>) semaphore(%arg17 : memref<!tpu.dma_semaphore, #tpu.memory_space<semaphore_mem>>) {add = true}
      %add3A_140 = arith.constant 4 : i32
      %add3A_141 = arith.addi %add3A_123, %add3A_140 : i32
      %lt3A_142 = arith.cmpi slt, %add3A_141, %select_n3A_3 : i32
      %add3A_143 = arith.constant 4 : i32
      %add3A_144 = arith.addi %add3A_123, %add3A_143 : i32
      %ge3A_145 = arith.constant 8 : i32
      %ge3A_146 = arith.cmpi sge, %add3A_144, %ge3A_145 : i32
      %and3A_147 = arith.andi %lt3A_142, %ge3A_146 : i1
      %convert_element_type3A_148 = arith.extui %and3A_147 : i1 to i32
      %cond3A_149 = arith.constant 0 : i32
      %cond3A_150 = arith.cmpi ne, %convert_element_type3A_148, %cond3A_149 : i32
      scf.if %cond3A_150 {
        %add3A_379 = arith.addi %multiple_of3A, %add3A_123 : i32
        %add3A_380 = arith.constant 4 : i32
        %add3A_381 = arith.addi %add3A_379, %add3A_380 : i32
        %dma_start3A_382 = arith.constant 5 : i32
        %dma_start3A_383 = arith.constant 0 : i32
        %dma_start3A_384 = arith.constant 0 : i32
        %dma_start3A_385 = tpu.memref_slice %arg7[%dma_start3A_382, %dma_start3A_383, %dma_start3A_384] : memref<8x2x128xi32, #tpu.memory_space<vmem>> -> memref<1x2x128xi32, #tpu.memory_space<vmem>>
        %dma_start3A_386 = arith.constant 0 : i32
        %dma_start3A_387 = arith.constant 0 : i32
        %dma_start3A_388 = tpu.memref_slice %arg2[%add3A_381, %dma_start3A_386, %dma_start3A_387] : memref<5120x2x128xi32, #tpu.memory_space<hbm>> -> memref<1x2x128xi32, #tpu.memory_space<hbm>>
        %dma_start3A_389 = arith.constant 5 : i32
        %dma_start3A_390 = arith.constant 0 : i32
        %dma_start3A_391 = arith.constant 0 : i32
        %dma_start3A_392 = tpu.memref_slice %arg7[%dma_start3A_389, %dma_start3A_390, %dma_start3A_391] : memref<8x2x128xi32, #tpu.memory_space<vmem>> -> memref<1x2x128xi32, #tpu.memory_space<vmem>>
        %dma_start3A_393 = arith.constant 0 : i32
        %dma_start3A_394 = arith.constant 0 : i32
        %dma_start3A_395 = tpu.memref_slice %arg2[%add3A_381, %dma_start3A_393, %dma_start3A_394] : memref<5120x2x128xi32, #tpu.memory_space<hbm>> -> memref<1x2x128xi32, #tpu.memory_space<hbm>>
        tpu.enqueue_dma source(%dma_start3A_395 : memref<1x2x128xi32, #tpu.memory_space<hbm>>) target(%dma_start3A_392 : memref<1x2x128xi32, #tpu.memory_space<vmem>>) target_semaphore(%arg21 : memref<!tpu.dma_semaphore, #tpu.memory_space<semaphore_mem>>)
      } else {
      }
      %add3A_151 = arith.constant 2 : i32
      %add3A_152 = arith.addi %add3A_123, %add3A_151 : i32
      %lt3A_153 = arith.cmpi slt, %add3A_152, %select_n3A_3 : i32
      %convert_element_type3A_154 = arith.extui %lt3A_153 : i1 to i32
      %cond3A_155 = arith.constant 0 : i32
      %cond3A_156 = arith.cmpi ne, %convert_element_type3A_154, %cond3A_155 : i32
      scf.if %cond3A_156 {
        %ge3A_379 = arith.constant 2 : i32
        %ge3A_380 = arith.cmpi sge, %add3A_123, %ge3A_379 : i32
        %convert_element_type3A_381 = arith.extui %ge3A_380 : i1 to i32
        %cond3A_382 = arith.constant 0 : i32
        %cond3A_383 = arith.cmpi ne, %convert_element_type3A_381, %cond3A_382 : i32
        scf.if %cond3A_383 {
          %dma_wait3A_397 = arith.constant 0 : i32
          %dma_wait3A_398 = arith.constant 0 : i32
          %dma_wait3A_399 = arith.constant 0 : i32
          %dma_wait3A_400 = tpu.memref_slice %arg7[%dma_wait3A_397, %dma_wait3A_398, %dma_wait3A_399] : memref<8x2x128xi32, #tpu.memory_space<vmem>> -> memref<1x1x128xi32, #tpu.memory_space<vmem>>
          %dma_wait3A_401 = tpu.memref_squeeze %dma_wait3A_400 : memref<1x1x128xi32, #tpu.memory_space<vmem>> -> memref<128xi32, #tpu.memory_space<vmem>>
          %dma_wait3A_402 = arith.constant 0 : i32
          %dma_wait3A_403 = arith.constant 0 : i32
          %dma_wait3A_404 = tpu.memref_slice %arg3[%dma_wait3A_402, %dma_wait3A_403] : memref<10000x32xf32, #tpu.memory_space<hbm>> -> memref<10000x32xf32, #tpu.memory_space<hbm>>
          tpu.wait_indirect_dma semaphore(%arg19 : memref<!tpu.dma_semaphore, #tpu.memory_space<semaphore_mem>>) src(%dma_wait3A_404 : memref<10000x32xf32, #tpu.memory_space<hbm>>) dst(%arg11 : memref<128x32xf32, #tpu.memory_space<vmem>>)
        } else {
        }
        %ge3A_384 = arith.constant 8 : i32
        %ge3A_385 = arith.cmpi sge, %add3A_152, %ge3A_384 : i32
        %convert_element_type3A_386 = arith.extui %ge3A_385 : i1 to i32
        %cond3A_387 = arith.constant 0 : i32
        %cond3A_388 = arith.cmpi ne, %convert_element_type3A_386, %cond3A_387 : i32
        scf.if %cond3A_388 {
          %dma_wait3A_397 = arith.constant 3 : i32
          %dma_wait3A_398 = arith.constant 0 : i32
          %dma_wait3A_399 = arith.constant 0 : i32
          %dma_wait3A_400 = tpu.memref_slice %arg7[%dma_wait3A_397, %dma_wait3A_398, %dma_wait3A_399] : memref<8x2x128xi32, #tpu.memory_space<vmem>> -> memref<1x2x128xi32, #tpu.memory_space<vmem>>
          %dma_wait3A_401 = arith.constant 0 : i32
          %dma_wait3A_402 = arith.constant 0 : i32
          %dma_wait3A_403 = tpu.memref_slice %arg2[%multiple_of3A, %dma_wait3A_401, %dma_wait3A_402] : memref<5120x2x128xi32, #tpu.memory_space<hbm>> -> memref<1x2x128xi32, #tpu.memory_space<hbm>>
          %dma_wait3A_404 = arith.constant 3 : i32
          %dma_wait3A_405 = arith.constant 0 : i32
          %dma_wait3A_406 = arith.constant 0 : i32
          %dma_wait3A_407 = tpu.memref_slice %arg7[%dma_wait3A_404, %dma_wait3A_405, %dma_wait3A_406] : memref<8x2x128xi32, #tpu.memory_space<vmem>> -> memref<1x2x128xi32, #tpu.memory_space<vmem>>
          %dma_wait3A_408 = arith.constant 0 : i32
          %dma_wait3A_409 = arith.constant 0 : i32
          %dma_wait3A_410 = tpu.memref_slice %arg2[%multiple_of3A, %dma_wait3A_408, %dma_wait3A_409] : memref<5120x2x128xi32, #tpu.memory_space<hbm>> -> memref<1x2x128xi32, #tpu.memory_space<hbm>>
          tpu.wait_dma2 semaphore(%arg23 : memref<!tpu.dma_semaphore, #tpu.memory_space<semaphore_mem>>) src(%dma_wait3A_410 : memref<1x2x128xi32, #tpu.memory_space<hbm>>) dst(%dma_wait3A_407 : memref<1x2x128xi32, #tpu.memory_space<vmem>>)
        } else {
        }
        %dma_start3A_389 = arith.constant 3 : i32
        %dma_start3A_390 = arith.constant 0 : i32
        %dma_start3A_391 = arith.constant 0 : i32
        %dma_start3A_392 = tpu.memref_slice %arg7[%dma_start3A_389, %dma_start3A_390, %dma_start3A_391] : memref<8x2x128xi32, #tpu.memory_space<vmem>> -> memref<1x1x128xi32, #tpu.memory_space<vmem>>
        %dma_start3A_393 = tpu.memref_squeeze %dma_start3A_392 : memref<1x1x128xi32, #tpu.memory_space<vmem>> -> memref<128xi32, #tpu.memory_space<vmem>>
        %dma_start3A_394 = arith.constant 0 : i32
        %dma_start3A_395 = arith.constant 0 : i32
        %dma_start3A_396 = tpu.memref_slice %arg3[%dma_start3A_394, %dma_start3A_395] : memref<10000x32xf32, #tpu.memory_space<hbm>> -> memref<10000x32xf32, #tpu.memory_space<hbm>>
        tpu.enqueue_indirect_dma source(%dma_start3A_396 : memref<10000x32xf32, #tpu.memory_space<hbm>>) target(%arg11 : memref<128x32xf32, #tpu.memory_space<vmem>>) offsets(%dma_start3A_393 : memref<128xi32, #tpu.memory_space<vmem>>) semaphore(%arg15 : memref<!tpu.dma_semaphore, #tpu.memory_space<semaphore_mem>>)
      } else {
      }
      %mul3A_157 = arith.constant 8 : i32
      %mul3A_158 = arith.muli %while3A_86, %mul3A_157 : i32
      %add3A_159 = arith.constant 2 : i32
      %add3A_160 = arith.addi %mul3A_158, %add3A_159 : i32
      %dma_wait3A_161 = arith.constant 0 : i32
      %dma_wait3A_162 = arith.constant 0 : i32
      %dma_wait3A_163 = arith.constant 0 : i32
      %dma_wait3A_164 = tpu.memref_slice %arg7[%dma_wait3A_161, %dma_wait3A_162, %dma_wait3A_163] : memref<8x2x128xi32, #tpu.memory_space<vmem>> -> memref<1x1x128xi32, #tpu.memory_space<vmem>>
      %dma_wait3A_165 = tpu.memref_squeeze %dma_wait3A_164 : memref<1x1x128xi32, #tpu.memory_space<vmem>> -> memref<128xi32, #tpu.memory_space<vmem>>
      %dma_wait3A_166 = arith.constant 0 : i32
      %dma_wait3A_167 = arith.constant 0 : i32
      %dma_wait3A_168 = tpu.memref_slice %arg3[%dma_wait3A_166, %dma_wait3A_167] : memref<10000x32xf32, #tpu.memory_space<hbm>> -> memref<10000x32xf32, #tpu.memory_space<hbm>>
      tpu.wait_indirect_dma semaphore(%arg14 : memref<!tpu.dma_semaphore, #tpu.memory_space<semaphore_mem>>) src(%dma_wait3A_168 : memref<10000x32xf32, #tpu.memory_space<hbm>>) dst(%arg10 : memref<128x32xf32, #tpu.memory_space<vmem>>)
      %dma_start3A_169 = arith.constant 2 : i32
      %dma_start3A_170 = arith.constant 1 : i32
      %dma_start3A_171 = arith.constant 0 : i32
      %dma_start3A_172 = tpu.memref_slice %arg7[%dma_start3A_169, %dma_start3A_170, %dma_start3A_171] : memref<8x2x128xi32, #tpu.memory_space<vmem>> -> memref<1x1x128xi32, #tpu.memory_space<vmem>>
      %dma_start3A_173 = tpu.memref_squeeze %dma_start3A_172 : memref<1x1x128xi32, #tpu.memory_space<vmem>> -> memref<128xi32, #tpu.memory_space<vmem>>
      %dma_start3A_174 = arith.constant 0 : i32
      %dma_start3A_175 = arith.constant 0 : i32
      %dma_start3A_176 = tpu.memref_slice %arg6[%dma_start3A_174, %dma_start3A_175] : memref<10240x32xf32, #tpu.memory_space<vmem_shared>> -> memref<10240x32xf32, #tpu.memory_space<vmem_shared>>
      tpu.enqueue_indirect_dma source(%arg10 : memref<128x32xf32, #tpu.memory_space<vmem>>) target(%dma_start3A_176 : memref<10240x32xf32, #tpu.memory_space<vmem_shared>>) offsets(%dma_start3A_173 : memref<128xi32, #tpu.memory_space<vmem>>) semaphore(%arg18 : memref<!tpu.dma_semaphore, #tpu.memory_space<semaphore_mem>>) {add = true}
      %add3A_177 = arith.constant 4 : i32
      %add3A_178 = arith.addi %add3A_160, %add3A_177 : i32
      %lt3A_179 = arith.cmpi slt, %add3A_178, %select_n3A_3 : i32
      %add3A_180 = arith.constant 4 : i32
      %add3A_181 = arith.addi %add3A_160, %add3A_180 : i32
      %ge3A_182 = arith.constant 8 : i32
      %ge3A_183 = arith.cmpi sge, %add3A_181, %ge3A_182 : i32
      %and3A_184 = arith.andi %lt3A_179, %ge3A_183 : i1
      %convert_element_type3A_185 = arith.extui %and3A_184 : i1 to i32
      %cond3A_186 = arith.constant 0 : i32
      %cond3A_187 = arith.cmpi ne, %convert_element_type3A_185, %cond3A_186 : i32
      scf.if %cond3A_187 {
        %add3A_379 = arith.addi %multiple_of3A, %add3A_160 : i32
        %add3A_380 = arith.constant 4 : i32
        %add3A_381 = arith.addi %add3A_379, %add3A_380 : i32
        %dma_start3A_382 = arith.constant 6 : i32
        %dma_start3A_383 = arith.constant 0 : i32
        %dma_start3A_384 = arith.constant 0 : i32
        %dma_start3A_385 = tpu.memref_slice %arg7[%dma_start3A_382, %dma_start3A_383, %dma_start3A_384] : memref<8x2x128xi32, #tpu.memory_space<vmem>> -> memref<1x2x128xi32, #tpu.memory_space<vmem>>
        %dma_start3A_386 = arith.constant 0 : i32
        %dma_start3A_387 = arith.constant 0 : i32
        %dma_start3A_388 = tpu.memref_slice %arg2[%add3A_381, %dma_start3A_386, %dma_start3A_387] : memref<5120x2x128xi32, #tpu.memory_space<hbm>> -> memref<1x2x128xi32, #tpu.memory_space<hbm>>
        %dma_start3A_389 = arith.constant 6 : i32
        %dma_start3A_390 = arith.constant 0 : i32
        %dma_start3A_391 = arith.constant 0 : i32
        %dma_start3A_392 = tpu.memref_slice %arg7[%dma_start3A_389, %dma_start3A_390, %dma_start3A_391] : memref<8x2x128xi32, #tpu.memory_space<vmem>> -> memref<1x2x128xi32, #tpu.memory_space<vmem>>
        %dma_start3A_393 = arith.constant 0 : i32
        %dma_start3A_394 = arith.constant 0 : i32
        %dma_start3A_395 = tpu.memref_slice %arg2[%add3A_381, %dma_start3A_393, %dma_start3A_394] : memref<5120x2x128xi32, #tpu.memory_space<hbm>> -> memref<1x2x128xi32, #tpu.memory_space<hbm>>
        tpu.enqueue_dma source(%dma_start3A_395 : memref<1x2x128xi32, #tpu.memory_space<hbm>>) target(%dma_start3A_392 : memref<1x2x128xi32, #tpu.memory_space<vmem>>) target_semaphore(%arg22 : memref<!tpu.dma_semaphore, #tpu.memory_space<semaphore_mem>>)
      } else {
      }
      %add3A_188 = arith.constant 2 : i32
      %add3A_189 = arith.addi %add3A_160, %add3A_188 : i32
      %lt3A_190 = arith.cmpi slt, %add3A_189, %select_n3A_3 : i32
      %convert_element_type3A_191 = arith.extui %lt3A_190 : i1 to i32
      %cond3A_192 = arith.constant 0 : i32
      %cond3A_193 = arith.cmpi ne, %convert_element_type3A_191, %cond3A_192 : i32
      scf.if %cond3A_193 {
        %ge3A_379 = arith.constant 2 : i32
        %ge3A_380 = arith.cmpi sge, %add3A_160, %ge3A_379 : i32
        %convert_element_type3A_381 = arith.extui %ge3A_380 : i1 to i32
        %cond3A_382 = arith.constant 0 : i32
        %cond3A_383 = arith.cmpi ne, %convert_element_type3A_381, %cond3A_382 : i32
        scf.if %cond3A_383 {
          %dma_wait3A_397 = arith.constant 0 : i32
          %dma_wait3A_398 = arith.constant 0 : i32
          %dma_wait3A_399 = arith.constant 0 : i32
          %dma_wait3A_400 = tpu.memref_slice %arg7[%dma_wait3A_397, %dma_wait3A_398, %dma_wait3A_399] : memref<8x2x128xi32, #tpu.memory_space<vmem>> -> memref<1x1x128xi32, #tpu.memory_space<vmem>>
          %dma_wait3A_401 = tpu.memref_squeeze %dma_wait3A_400 : memref<1x1x128xi32, #tpu.memory_space<vmem>> -> memref<128xi32, #tpu.memory_space<vmem>>
          %dma_wait3A_402 = arith.constant 0 : i32
          %dma_wait3A_403 = arith.constant 0 : i32
          %dma_wait3A_404 = tpu.memref_slice %arg3[%dma_wait3A_402, %dma_wait3A_403] : memref<10000x32xf32, #tpu.memory_space<hbm>> -> memref<10000x32xf32, #tpu.memory_space<hbm>>
          tpu.wait_indirect_dma semaphore(%arg16 : memref<!tpu.dma_semaphore, #tpu.memory_space<semaphore_mem>>) src(%dma_wait3A_404 : memref<10000x32xf32, #tpu.memory_space<hbm>>) dst(%arg8 : memref<128x32xf32, #tpu.memory_space<vmem>>)
        } else {
        }
        %ge3A_384 = arith.constant 8 : i32
        %ge3A_385 = arith.cmpi sge, %add3A_189, %ge3A_384 : i32
        %convert_element_type3A_386 = arith.extui %ge3A_385 : i1 to i32
        %cond3A_387 = arith.constant 0 : i32
        %cond3A_388 = arith.cmpi ne, %convert_element_type3A_386, %cond3A_387 : i32
        scf.if %cond3A_388 {
          %dma_wait3A_397 = arith.constant 4 : i32
          %dma_wait3A_398 = arith.constant 0 : i32
          %dma_wait3A_399 = arith.constant 0 : i32
          %dma_wait3A_400 = tpu.memref_slice %arg7[%dma_wait3A_397, %dma_wait3A_398, %dma_wait3A_399] : memref<8x2x128xi32, #tpu.memory_space<vmem>> -> memref<1x2x128xi32, #tpu.memory_space<vmem>>
          %dma_wait3A_401 = arith.constant 0 : i32
          %dma_wait3A_402 = arith.constant 0 : i32
          %dma_wait3A_403 = tpu.memref_slice %arg2[%multiple_of3A, %dma_wait3A_401, %dma_wait3A_402] : memref<5120x2x128xi32, #tpu.memory_space<hbm>> -> memref<1x2x128xi32, #tpu.memory_space<hbm>>
          %dma_wait3A_404 = arith.constant 4 : i32
          %dma_wait3A_405 = arith.constant 0 : i32
          %dma_wait3A_406 = arith.constant 0 : i32
          %dma_wait3A_407 = tpu.memref_slice %arg7[%dma_wait3A_404, %dma_wait3A_405, %dma_wait3A_406] : memref<8x2x128xi32, #tpu.memory_space<vmem>> -> memref<1x2x128xi32, #tpu.memory_space<vmem>>
          %dma_wait3A_408 = arith.constant 0 : i32
          %dma_wait3A_409 = arith.constant 0 : i32
          %dma_wait3A_410 = tpu.memref_slice %arg2[%multiple_of3A, %dma_wait3A_408, %dma_wait3A_409] : memref<5120x2x128xi32, #tpu.memory_space<hbm>> -> memref<1x2x128xi32, #tpu.memory_space<hbm>>
          tpu.wait_dma2 semaphore(%arg20 : memref<!tpu.dma_semaphore, #tpu.memory_space<semaphore_mem>>) src(%dma_wait3A_410 : memref<1x2x128xi32, #tpu.memory_space<hbm>>) dst(%dma_wait3A_407 : memref<1x2x128xi32, #tpu.memory_space<vmem>>)
        } else {
        }
        %dma_start3A_389 = arith.constant 4 : i32
        %dma_start3A_390 = arith.constant 0 : i32
        %dma_start3A_391 = arith.constant 0 : i32
        %dma_start3A_392 = tpu.memref_slice %arg7[%dma_start3A_389, %dma_start3A_390, %dma_start3A_391] : memref<8x2x128xi32, #tpu.memory_space<vmem>> -> memref<1x1x128xi32, #tpu.memory_space<vmem>>
        %dma_start3A_393 = tpu.memref_squeeze %dma_start3A_392 : memref<1x1x128xi32, #tpu.memory_space<vmem>> -> memref<128xi32, #tpu.memory_space<vmem>>
        %dma_start3A_394 = arith.constant 0 : i32
        %dma_start3A_395 = arith.constant 0 : i32
        %dma_start3A_396 = tpu.memref_slice %arg3[%dma_start3A_394, %dma_start3A_395] : memref<10000x32xf32, #tpu.memory_space<hbm>> -> memref<10000x32xf32, #tpu.memory_space<hbm>>
        tpu.enqueue_indirect_dma source(%dma_start3A_396 : memref<10000x32xf32, #tpu.memory_space<hbm>>) target(%arg8 : memref<128x32xf32, #tpu.memory_space<vmem>>) offsets(%dma_start3A_393 : memref<128xi32, #tpu.memory_space<vmem>>) semaphore(%arg12 : memref<!tpu.dma_semaphore, #tpu.memory_space<semaphore_mem>>)
      } else {
      }
      %mul3A_194 = arith.constant 8 : i32
      %mul3A_195 = arith.muli %while3A_86, %mul3A_194 : i32
      %add3A_196 = arith.constant 3 : i32
      %add3A_197 = arith.addi %mul3A_195, %add3A_196 : i32
      %dma_wait3A_198 = arith.constant 0 : i32
      %dma_wait3A_199 = arith.constant 0 : i32
      %dma_wait3A_200 = arith.constant 0 : i32
      %dma_wait3A_201 = tpu.memref_slice %arg7[%dma_wait3A_198, %dma_wait3A_199, %dma_wait3A_200] : memref<8x2x128xi32, #tpu.memory_space<vmem>> -> memref<1x1x128xi32, #tpu.memory_space<vmem>>
      %dma_wait3A_202 = tpu.memref_squeeze %dma_wait3A_201 : memref<1x1x128xi32, #tpu.memory_space<vmem>> -> memref<128xi32, #tpu.memory_space<vmem>>
      %dma_wait3A_203 = arith.constant 0 : i32
      %dma_wait3A_204 = arith.constant 0 : i32
      %dma_wait3A_205 = tpu.memref_slice %arg3[%dma_wait3A_203, %dma_wait3A_204] : memref<10000x32xf32, #tpu.memory_space<hbm>> -> memref<10000x32xf32, #tpu.memory_space<hbm>>
      tpu.wait_indirect_dma semaphore(%arg15 : memref<!tpu.dma_semaphore, #tpu.memory_space<semaphore_mem>>) src(%dma_wait3A_205 : memref<10000x32xf32, #tpu.memory_space<hbm>>) dst(%arg11 : memref<128x32xf32, #tpu.memory_space<vmem>>)
      %dma_start3A_206 = arith.constant 3 : i32
      %dma_start3A_207 = arith.constant 1 : i32
      %dma_start3A_208 = arith.constant 0 : i32
      %dma_start3A_209 = tpu.memref_slice %arg7[%dma_start3A_206, %dma_start3A_207, %dma_start3A_208] : memref<8x2x128xi32, #tpu.memory_space<vmem>> -> memref<1x1x128xi32, #tpu.memory_space<vmem>>
      %dma_start3A_210 = tpu.memref_squeeze %dma_start3A_209 : memref<1x1x128xi32, #tpu.memory_space<vmem>> -> memref<128xi32, #tpu.memory_space<vmem>>
      %dma_start3A_211 = arith.constant 0 : i32
      %dma_start3A_212 = arith.constant 0 : i32
      %dma_start3A_213 = tpu.memref_slice %arg6[%dma_start3A_211, %dma_start3A_212] : memref<10240x32xf32, #tpu.memory_space<vmem_shared>> -> memref<10240x32xf32, #tpu.memory_space<vmem_shared>>
      tpu.enqueue_indirect_dma source(%arg11 : memref<128x32xf32, #tpu.memory_space<vmem>>) target(%dma_start3A_213 : memref<10240x32xf32, #tpu.memory_space<vmem_shared>>) offsets(%dma_start3A_210 : memref<128xi32, #tpu.memory_space<vmem>>) semaphore(%arg19 : memref<!tpu.dma_semaphore, #tpu.memory_space<semaphore_mem>>) {add = true}
      %add3A_214 = arith.constant 4 : i32
      %add3A_215 = arith.addi %add3A_197, %add3A_214 : i32
      %lt3A_216 = arith.cmpi slt, %add3A_215, %select_n3A_3 : i32
      %add3A_217 = arith.constant 4 : i32
      %add3A_218 = arith.addi %add3A_197, %add3A_217 : i32
      %ge3A_219 = arith.constant 8 : i32
      %ge3A_220 = arith.cmpi sge, %add3A_218, %ge3A_219 : i32
      %and3A_221 = arith.andi %lt3A_216, %ge3A_220 : i1
      %convert_element_type3A_222 = arith.extui %and3A_221 : i1 to i32
      %cond3A_223 = arith.constant 0 : i32
      %cond3A_224 = arith.cmpi ne, %convert_element_type3A_222, %cond3A_223 : i32
      scf.if %cond3A_224 {
        %add3A_379 = arith.addi %multiple_of3A, %add3A_197 : i32
        %add3A_380 = arith.constant 4 : i32
        %add3A_381 = arith.addi %add3A_379, %add3A_380 : i32
        %dma_start3A_382 = arith.constant 7 : i32
        %dma_start3A_383 = arith.constant 0 : i32
        %dma_start3A_384 = arith.constant 0 : i32
        %dma_start3A_385 = tpu.memref_slice %arg7[%dma_start3A_382, %dma_start3A_383, %dma_start3A_384] : memref<8x2x128xi32, #tpu.memory_space<vmem>> -> memref<1x2x128xi32, #tpu.memory_space<vmem>>
        %dma_start3A_386 = arith.constant 0 : i32
        %dma_start3A_387 = arith.constant 0 : i32
        %dma_start3A_388 = tpu.memref_slice %arg2[%add3A_381, %dma_start3A_386, %dma_start3A_387] : memref<5120x2x128xi32, #tpu.memory_space<hbm>> -> memref<1x2x128xi32, #tpu.memory_space<hbm>>
        %dma_start3A_389 = arith.constant 7 : i32
        %dma_start3A_390 = arith.constant 0 : i32
        %dma_start3A_391 = arith.constant 0 : i32
        %dma_start3A_392 = tpu.memref_slice %arg7[%dma_start3A_389, %dma_start3A_390, %dma_start3A_391] : memref<8x2x128xi32, #tpu.memory_space<vmem>> -> memref<1x2x128xi32, #tpu.memory_space<vmem>>
        %dma_start3A_393 = arith.constant 0 : i32
        %dma_start3A_394 = arith.constant 0 : i32
        %dma_start3A_395 = tpu.memref_slice %arg2[%add3A_381, %dma_start3A_393, %dma_start3A_394] : memref<5120x2x128xi32, #tpu.memory_space<hbm>> -> memref<1x2x128xi32, #tpu.memory_space<hbm>>
        tpu.enqueue_dma source(%dma_start3A_395 : memref<1x2x128xi32, #tpu.memory_space<hbm>>) target(%dma_start3A_392 : memref<1x2x128xi32, #tpu.memory_space<vmem>>) target_semaphore(%arg23 : memref<!tpu.dma_semaphore, #tpu.memory_space<semaphore_mem>>)
      } else {
      }
      %add3A_225 = arith.constant 2 : i32
      %add3A_226 = arith.addi %add3A_197, %add3A_225 : i32
      %lt3A_227 = arith.cmpi slt, %add3A_226, %select_n3A_3 : i32
      %convert_element_type3A_228 = arith.extui %lt3A_227 : i1 to i32
      %cond3A_229 = arith.constant 0 : i32
      %cond3A_230 = arith.cmpi ne, %convert_element_type3A_228, %cond3A_229 : i32
      scf.if %cond3A_230 {
        %ge3A_379 = arith.constant 2 : i32
        %ge3A_380 = arith.cmpi sge, %add3A_197, %ge3A_379 : i32
        %convert_element_type3A_381 = arith.extui %ge3A_380 : i1 to i32
        %cond3A_382 = arith.constant 0 : i32
        %cond3A_383 = arith.cmpi ne, %convert_element_type3A_381, %cond3A_382 : i32
        scf.if %cond3A_383 {
          %dma_wait3A_397 = arith.constant 0 : i32
          %dma_wait3A_398 = arith.constant 0 : i32
          %dma_wait3A_399 = arith.constant 0 : i32
          %dma_wait3A_400 = tpu.memref_slice %arg7[%dma_wait3A_397, %dma_wait3A_398, %dma_wait3A_399] : memref<8x2x128xi32, #tpu.memory_space<vmem>> -> memref<1x1x128xi32, #tpu.memory_space<vmem>>
          %dma_wait3A_401 = tpu.memref_squeeze %dma_wait3A_400 : memref<1x1x128xi32, #tpu.memory_space<vmem>> -> memref<128xi32, #tpu.memory_space<vmem>>
          %dma_wait3A_402 = arith.constant 0 : i32
          %dma_wait3A_403 = arith.constant 0 : i32
          %dma_wait3A_404 = tpu.memref_slice %arg3[%dma_wait3A_402, %dma_wait3A_403] : memref<10000x32xf32, #tpu.memory_space<hbm>> -> memref<10000x32xf32, #tpu.memory_space<hbm>>
          tpu.wait_indirect_dma semaphore(%arg17 : memref<!tpu.dma_semaphore, #tpu.memory_space<semaphore_mem>>) src(%dma_wait3A_404 : memref<10000x32xf32, #tpu.memory_space<hbm>>) dst(%arg9 : memref<128x32xf32, #tpu.memory_space<vmem>>)
        } else {
        }
        %ge3A_384 = arith.constant 8 : i32
        %ge3A_385 = arith.cmpi sge, %add3A_226, %ge3A_384 : i32
        %convert_element_type3A_386 = arith.extui %ge3A_385 : i1 to i32
        %cond3A_387 = arith.constant 0 : i32
        %cond3A_388 = arith.cmpi ne, %convert_element_type3A_386, %cond3A_387 : i32
        scf.if %cond3A_388 {
          %dma_wait3A_397 = arith.constant 5 : i32
          %dma_wait3A_398 = arith.constant 0 : i32
          %dma_wait3A_399 = arith.constant 0 : i32
          %dma_wait3A_400 = tpu.memref_slice %arg7[%dma_wait3A_397, %dma_wait3A_398, %dma_wait3A_399] : memref<8x2x128xi32, #tpu.memory_space<vmem>> -> memref<1x2x128xi32, #tpu.memory_space<vmem>>
          %dma_wait3A_401 = arith.constant 0 : i32
          %dma_wait3A_402 = arith.constant 0 : i32
          %dma_wait3A_403 = tpu.memref_slice %arg2[%multiple_of3A, %dma_wait3A_401, %dma_wait3A_402] : memref<5120x2x128xi32, #tpu.memory_space<hbm>> -> memref<1x2x128xi32, #tpu.memory_space<hbm>>
          %dma_wait3A_404 = arith.constant 5 : i32
          %dma_wait3A_405 = arith.constant 0 : i32
          %dma_wait3A_406 = arith.constant 0 : i32
          %dma_wait3A_407 = tpu.memref_slice %arg7[%dma_wait3A_404, %dma_wait3A_405, %dma_wait3A_406] : memref<8x2x128xi32, #tpu.memory_space<vmem>> -> memref<1x2x128xi32, #tpu.memory_space<vmem>>
          %dma_wait3A_408 = arith.constant 0 : i32
          %dma_wait3A_409 = arith.constant 0 : i32
          %dma_wait3A_410 = tpu.memref_slice %arg2[%multiple_of3A, %dma_wait3A_408, %dma_wait3A_409] : memref<5120x2x128xi32, #tpu.memory_space<hbm>> -> memref<1x2x128xi32, #tpu.memory_space<hbm>>
          tpu.wait_dma2 semaphore(%arg21 : memref<!tpu.dma_semaphore, #tpu.memory_space<semaphore_mem>>) src(%dma_wait3A_410 : memref<1x2x128xi32, #tpu.memory_space<hbm>>) dst(%dma_wait3A_407 : memref<1x2x128xi32, #tpu.memory_space<vmem>>)
        } else {
        }
        %dma_start3A_389 = arith.constant 5 : i32
        %dma_start3A_390 = arith.constant 0 : i32
        %dma_start3A_391 = arith.constant 0 : i32
        %dma_start3A_392 = tpu.memref_slice %arg7[%dma_start3A_389, %dma_start3A_390, %dma_start3A_391] : memref<8x2x128xi32, #tpu.memory_space<vmem>> -> memref<1x1x128xi32, #tpu.memory_space<vmem>>
        %dma_start3A_393 = tpu.memref_squeeze %dma_start3A_392 : memref<1x1x128xi32, #tpu.memory_space<vmem>> -> memref<128xi32, #tpu.memory_space<vmem>>
        %dma_start3A_394 = arith.constant 0 : i32
        %dma_start3A_395 = arith.constant 0 : i32
        %dma_start3A_396 = tpu.memref_slice %arg3[%dma_start3A_394, %dma_start3A_395] : memref<10000x32xf32, #tpu.memory_space<hbm>> -> memref<10000x32xf32, #tpu.memory_space<hbm>>
        tpu.enqueue_indirect_dma source(%dma_start3A_396 : memref<10000x32xf32, #tpu.memory_space<hbm>>) target(%arg9 : memref<128x32xf32, #tpu.memory_space<vmem>>) offsets(%dma_start3A_393 : memref<128xi32, #tpu.memory_space<vmem>>) semaphore(%arg13 : memref<!tpu.dma_semaphore, #tpu.memory_space<semaphore_mem>>)
      } else {
      }
      %mul3A_231 = arith.constant 8 : i32
      %mul3A_232 = arith.muli %while3A_86, %mul3A_231 : i32
      %add3A_233 = arith.constant 4 : i32
      %add3A_234 = arith.addi %mul3A_232, %add3A_233 : i32
      %dma_wait3A_235 = arith.constant 0 : i32
      %dma_wait3A_236 = arith.constant 0 : i32
      %dma_wait3A_237 = arith.constant 0 : i32
      %dma_wait3A_238 = tpu.memref_slice %arg7[%dma_wait3A_235, %dma_wait3A_236, %dma_wait3A_237] : memref<8x2x128xi32, #tpu.memory_space<vmem>> -> memref<1x1x128xi32, #tpu.memory_space<vmem>>
      %dma_wait3A_239 = tpu.memref_squeeze %dma_wait3A_238 : memref<1x1x128xi32, #tpu.memory_space<vmem>> -> memref<128xi32, #tpu.memory_space<vmem>>
      %dma_wait3A_240 = arith.constant 0 : i32
      %dma_wait3A_241 = arith.constant 0 : i32
      %dma_wait3A_242 = tpu.memref_slice %arg3[%dma_wait3A_240, %dma_wait3A_241] : memref<10000x32xf32, #tpu.memory_space<hbm>> -> memref<10000x32xf32, #tpu.memory_space<hbm>>
      tpu.wait_indirect_dma semaphore(%arg12 : memref<!tpu.dma_semaphore, #tpu.memory_space<semaphore_mem>>) src(%dma_wait3A_242 : memref<10000x32xf32, #tpu.memory_space<hbm>>) dst(%arg8 : memref<128x32xf32, #tpu.memory_space<vmem>>)
      %dma_start3A_243 = arith.constant 4 : i32
      %dma_start3A_244 = arith.constant 1 : i32
      %dma_start3A_245 = arith.constant 0 : i32
      %dma_start3A_246 = tpu.memref_slice %arg7[%dma_start3A_243, %dma_start3A_244, %dma_start3A_245] : memref<8x2x128xi32, #tpu.memory_space<vmem>> -> memref<1x1x128xi32, #tpu.memory_space<vmem>>
      %dma_start3A_247 = tpu.memref_squeeze %dma_start3A_246 : memref<1x1x128xi32, #tpu.memory_space<vmem>> -> memref<128xi32, #tpu.memory_space<vmem>>
      %dma_start3A_248 = arith.constant 0 : i32
      %dma_start3A_249 = arith.constant 0 : i32
      %dma_start3A_250 = tpu.memref_slice %arg6[%dma_start3A_248, %dma_start3A_249] : memref<10240x32xf32, #tpu.memory_space<vmem_shared>> -> memref<10240x32xf32, #tpu.memory_space<vmem_shared>>
      tpu.enqueue_indirect_dma source(%arg8 : memref<128x32xf32, #tpu.memory_space<vmem>>) target(%dma_start3A_250 : memref<10240x32xf32, #tpu.memory_space<vmem_shared>>) offsets(%dma_start3A_247 : memref<128xi32, #tpu.memory_space<vmem>>) semaphore(%arg16 : memref<!tpu.dma_semaphore, #tpu.memory_space<semaphore_mem>>) {add = true}
      %add3A_251 = arith.constant 4 : i32
      %add3A_252 = arith.addi %add3A_234, %add3A_251 : i32
      %lt3A_253 = arith.cmpi slt, %add3A_252, %select_n3A_3 : i32
      %add3A_254 = arith.constant 4 : i32
      %add3A_255 = arith.addi %add3A_234, %add3A_254 : i32
      %ge3A_256 = arith.constant 8 : i32
      %ge3A_257 = arith.cmpi sge, %add3A_255, %ge3A_256 : i32
      %and3A_258 = arith.andi %lt3A_253, %ge3A_257 : i1
      %convert_element_type3A_259 = arith.extui %and3A_258 : i1 to i32
      %cond3A_260 = arith.constant 0 : i32
      %cond3A_261 = arith.cmpi ne, %convert_element_type3A_259, %cond3A_260 : i32
      scf.if %cond3A_261 {
        %add3A_379 = arith.addi %multiple_of3A, %add3A_234 : i32
        %add3A_380 = arith.constant 4 : i32
        %add3A_381 = arith.addi %add3A_379, %add3A_380 : i32
        %dma_start3A_382 = arith.constant 0 : i32
        %dma_start3A_383 = arith.constant 0 : i32
        %dma_start3A_384 = arith.constant 0 : i32
        %dma_start3A_385 = tpu.memref_slice %arg7[%dma_start3A_382, %dma_start3A_383, %dma_start3A_384] : memref<8x2x128xi32, #tpu.memory_space<vmem>> -> memref<1x2x128xi32, #tpu.memory_space<vmem>>
        %dma_start3A_386 = arith.constant 0 : i32
        %dma_start3A_387 = arith.constant 0 : i32
        %dma_start3A_388 = tpu.memref_slice %arg2[%add3A_381, %dma_start3A_386, %dma_start3A_387] : memref<5120x2x128xi32, #tpu.memory_space<hbm>> -> memref<1x2x128xi32, #tpu.memory_space<hbm>>
        %dma_start3A_389 = arith.constant 0 : i32
        %dma_start3A_390 = arith.constant 0 : i32
        %dma_start3A_391 = arith.constant 0 : i32
        %dma_start3A_392 = tpu.memref_slice %arg7[%dma_start3A_389, %dma_start3A_390, %dma_start3A_391] : memref<8x2x128xi32, #tpu.memory_space<vmem>> -> memref<1x2x128xi32, #tpu.memory_space<vmem>>
        %dma_start3A_393 = arith.constant 0 : i32
        %dma_start3A_394 = arith.constant 0 : i32
        %dma_start3A_395 = tpu.memref_slice %arg2[%add3A_381, %dma_start3A_393, %dma_start3A_394] : memref<5120x2x128xi32, #tpu.memory_space<hbm>> -> memref<1x2x128xi32, #tpu.memory_space<hbm>>
        tpu.enqueue_dma source(%dma_start3A_395 : memref<1x2x128xi32, #tpu.memory_space<hbm>>) target(%dma_start3A_392 : memref<1x2x128xi32, #tpu.memory_space<vmem>>) target_semaphore(%arg20 : memref<!tpu.dma_semaphore, #tpu.memory_space<semaphore_mem>>)
      } else {
      }
      %add3A_262 = arith.constant 2 : i32
      %add3A_263 = arith.addi %add3A_234, %add3A_262 : i32
      %lt3A_264 = arith.cmpi slt, %add3A_263, %select_n3A_3 : i32
      %convert_element_type3A_265 = arith.extui %lt3A_264 : i1 to i32
      %cond3A_266 = arith.constant 0 : i32
      %cond3A_267 = arith.cmpi ne, %convert_element_type3A_265, %cond3A_266 : i32
      scf.if %cond3A_267 {
        %ge3A_379 = arith.constant 2 : i32
        %ge3A_380 = arith.cmpi sge, %add3A_234, %ge3A_379 : i32
        %convert_element_type3A_381 = arith.extui %ge3A_380 : i1 to i32
        %cond3A_382 = arith.constant 0 : i32
        %cond3A_383 = arith.cmpi ne, %convert_element_type3A_381, %cond3A_382 : i32
        scf.if %cond3A_383 {
          %dma_wait3A_397 = arith.constant 0 : i32
          %dma_wait3A_398 = arith.constant 0 : i32
          %dma_wait3A_399 = arith.constant 0 : i32
          %dma_wait3A_400 = tpu.memref_slice %arg7[%dma_wait3A_397, %dma_wait3A_398, %dma_wait3A_399] : memref<8x2x128xi32, #tpu.memory_space<vmem>> -> memref<1x1x128xi32, #tpu.memory_space<vmem>>
          %dma_wait3A_401 = tpu.memref_squeeze %dma_wait3A_400 : memref<1x1x128xi32, #tpu.memory_space<vmem>> -> memref<128xi32, #tpu.memory_space<vmem>>
          %dma_wait3A_402 = arith.constant 0 : i32
          %dma_wait3A_403 = arith.constant 0 : i32
          %dma_wait3A_404 = tpu.memref_slice %arg3[%dma_wait3A_402, %dma_wait3A_403] : memref<10000x32xf32, #tpu.memory_space<hbm>> -> memref<10000x32xf32, #tpu.memory_space<hbm>>
          tpu.wait_indirect_dma semaphore(%arg18 : memref<!tpu.dma_semaphore, #tpu.memory_space<semaphore_mem>>) src(%dma_wait3A_404 : memref<10000x32xf32, #tpu.memory_space<hbm>>) dst(%arg10 : memref<128x32xf32, #tpu.memory_space<vmem>>)
        } else {
        }
        %ge3A_384 = arith.constant 8 : i32
        %ge3A_385 = arith.cmpi sge, %add3A_263, %ge3A_384 : i32
        %convert_element_type3A_386 = arith.extui %ge3A_385 : i1 to i32
        %cond3A_387 = arith.constant 0 : i32
        %cond3A_388 = arith.cmpi ne, %convert_element_type3A_386, %cond3A_387 : i32
        scf.if %cond3A_388 {
          %dma_wait3A_397 = arith.constant 6 : i32
          %dma_wait3A_398 = arith.constant 0 : i32
          %dma_wait3A_399 = arith.constant 0 : i32
          %dma_wait3A_400 = tpu.memref_slice %arg7[%dma_wait3A_397, %dma_wait3A_398, %dma_wait3A_399] : memref<8x2x128xi32, #tpu.memory_space<vmem>> -> memref<1x2x128xi32, #tpu.memory_space<vmem>>
          %dma_wait3A_401 = arith.constant 0 : i32
          %dma_wait3A_402 = arith.constant 0 : i32
          %dma_wait3A_403 = tpu.memref_slice %arg2[%multiple_of3A, %dma_wait3A_401, %dma_wait3A_402] : memref<5120x2x128xi32, #tpu.memory_space<hbm>> -> memref<1x2x128xi32, #tpu.memory_space<hbm>>
          %dma_wait3A_404 = arith.constant 6 : i32
          %dma_wait3A_405 = arith.constant 0 : i32
          %dma_wait3A_406 = arith.constant 0 : i32
          %dma_wait3A_407 = tpu.memref_slice %arg7[%dma_wait3A_404, %dma_wait3A_405, %dma_wait3A_406] : memref<8x2x128xi32, #tpu.memory_space<vmem>> -> memref<1x2x128xi32, #tpu.memory_space<vmem>>
          %dma_wait3A_408 = arith.constant 0 : i32
          %dma_wait3A_409 = arith.constant 0 : i32
          %dma_wait3A_410 = tpu.memref_slice %arg2[%multiple_of3A, %dma_wait3A_408, %dma_wait3A_409] : memref<5120x2x128xi32, #tpu.memory_space<hbm>> -> memref<1x2x128xi32, #tpu.memory_space<hbm>>
          tpu.wait_dma2 semaphore(%arg22 : memref<!tpu.dma_semaphore, #tpu.memory_space<semaphore_mem>>) src(%dma_wait3A_410 : memref<1x2x128xi32, #tpu.memory_space<hbm>>) dst(%dma_wait3A_407 : memref<1x2x128xi32, #tpu.memory_space<vmem>>)
        } else {
        }
        %dma_start3A_389 = arith.constant 6 : i32
        %dma_start3A_390 = arith.constant 0 : i32
        %dma_start3A_391 = arith.constant 0 : i32
        %dma_start3A_392 = tpu.memref_slice %arg7[%dma_start3A_389, %dma_start3A_390, %dma_start3A_391] : memref<8x2x128xi32, #tpu.memory_space<vmem>> -> memref<1x1x128xi32, #tpu.memory_space<vmem>>
        %dma_start3A_393 = tpu.memref_squeeze %dma_start3A_392 : memref<1x1x128xi32, #tpu.memory_space<vmem>> -> memref<128xi32, #tpu.memory_space<vmem>>
        %dma_start3A_394 = arith.constant 0 : i32
        %dma_start3A_395 = arith.constant 0 : i32
        %dma_start3A_396 = tpu.memref_slice %arg3[%dma_start3A_394, %dma_start3A_395] : memref<10000x32xf32, #tpu.memory_space<hbm>> -> memref<10000x32xf32, #tpu.memory_space<hbm>>
        tpu.enqueue_indirect_dma source(%dma_start3A_396 : memref<10000x32xf32, #tpu.memory_space<hbm>>) target(%arg10 : memref<128x32xf32, #tpu.memory_space<vmem>>) offsets(%dma_start3A_393 : memref<128xi32, #tpu.memory_space<vmem>>) semaphore(%arg14 : memref<!tpu.dma_semaphore, #tpu.memory_space<semaphore_mem>>)
      } else {
      }
      %mul3A_268 = arith.constant 8 : i32
      %mul3A_269 = arith.muli %while3A_86, %mul3A_268 : i32
      %add3A_270 = arith.constant 5 : i32
      %add3A_271 = arith.addi %mul3A_269, %add3A_270 : i32
      %dma_wait3A_272 = arith.constant 0 : i32
      %dma_wait3A_273 = arith.constant 0 : i32
      %dma_wait3A_274 = arith.constant 0 : i32
      %dma_wait3A_275 = tpu.memref_slice %arg7[%dma_wait3A_272, %dma_wait3A_273, %dma_wait3A_274] : memref<8x2x128xi32, #tpu.memory_space<vmem>> -> memref<1x1x128xi32, #tpu.memory_space<vmem>>
      %dma_wait3A_276 = tpu.memref_squeeze %dma_wait3A_275 : memref<1x1x128xi32, #tpu.memory_space<vmem>> -> memref<128xi32, #tpu.memory_space<vmem>>
      %dma_wait3A_277 = arith.constant 0 : i32
      %dma_wait3A_278 = arith.constant 0 : i32
      %dma_wait3A_279 = tpu.memref_slice %arg3[%dma_wait3A_277, %dma_wait3A_278] : memref<10000x32xf32, #tpu.memory_space<hbm>> -> memref<10000x32xf32, #tpu.memory_space<hbm>>
      tpu.wait_indirect_dma semaphore(%arg13 : memref<!tpu.dma_semaphore, #tpu.memory_space<semaphore_mem>>) src(%dma_wait3A_279 : memref<10000x32xf32, #tpu.memory_space<hbm>>) dst(%arg9 : memref<128x32xf32, #tpu.memory_space<vmem>>)
      %dma_start3A_280 = arith.constant 5 : i32
      %dma_start3A_281 = arith.constant 1 : i32
      %dma_start3A_282 = arith.constant 0 : i32
      %dma_start3A_283 = tpu.memref_slice %arg7[%dma_start3A_280, %dma_start3A_281, %dma_start3A_282] : memref<8x2x128xi32, #tpu.memory_space<vmem>> -> memref<1x1x128xi32, #tpu.memory_space<vmem>>
      %dma_start3A_284 = tpu.memref_squeeze %dma_start3A_283 : memref<1x1x128xi32, #tpu.memory_space<vmem>> -> memref<128xi32, #tpu.memory_space<vmem>>
      %dma_start3A_285 = arith.constant 0 : i32
      %dma_start3A_286 = arith.constant 0 : i32
      %dma_start3A_287 = tpu.memref_slice %arg6[%dma_start3A_285, %dma_start3A_286] : memref<10240x32xf32, #tpu.memory_space<vmem_shared>> -> memref<10240x32xf32, #tpu.memory_space<vmem_shared>>
      tpu.enqueue_indirect_dma source(%arg9 : memref<128x32xf32, #tpu.memory_space<vmem>>) target(%dma_start3A_287 : memref<10240x32xf32, #tpu.memory_space<vmem_shared>>) offsets(%dma_start3A_284 : memref<128xi32, #tpu.memory_space<vmem>>) semaphore(%arg17 : memref<!tpu.dma_semaphore, #tpu.memory_space<semaphore_mem>>) {add = true}
      %add3A_288 = arith.constant 4 : i32
      %add3A_289 = arith.addi %add3A_271, %add3A_288 : i32
      %lt3A_290 = arith.cmpi slt, %add3A_289, %select_n3A_3 : i32
      %add3A_291 = arith.constant 4 : i32
      %add3A_292 = arith.addi %add3A_271, %add3A_291 : i32
      %ge3A_293 = arith.constant 8 : i32
      %ge3A_294 = arith.cmpi sge, %add3A_292, %ge3A_293 : i32
      %and3A_295 = arith.andi %lt3A_290, %ge3A_294 : i1
      %convert_element_type3A_296 = arith.extui %and3A_295 : i1 to i32
      %cond3A_297 = arith.constant 0 : i32
      %cond3A_298 = arith.cmpi ne, %convert_element_type3A_296, %cond3A_297 : i32
      scf.if %cond3A_298 {
        %add3A_379 = arith.addi %multiple_of3A, %add3A_271 : i32
        %add3A_380 = arith.constant 4 : i32
        %add3A_381 = arith.addi %add3A_379, %add3A_380 : i32
        %dma_start3A_382 = arith.constant 1 : i32
        %dma_start3A_383 = arith.constant 0 : i32
        %dma_start3A_384 = arith.constant 0 : i32
        %dma_start3A_385 = tpu.memref_slice %arg7[%dma_start3A_382, %dma_start3A_383, %dma_start3A_384] : memref<8x2x128xi32, #tpu.memory_space<vmem>> -> memref<1x2x128xi32, #tpu.memory_space<vmem>>
        %dma_start3A_386 = arith.constant 0 : i32
        %dma_start3A_387 = arith.constant 0 : i32
        %dma_start3A_388 = tpu.memref_slice %arg2[%add3A_381, %dma_start3A_386, %dma_start3A_387] : memref<5120x2x128xi32, #tpu.memory_space<hbm>> -> memref<1x2x128xi32, #tpu.memory_space<hbm>>
        %dma_start3A_389 = arith.constant 1 : i32
        %dma_start3A_390 = arith.constant 0 : i32
        %dma_start3A_391 = arith.constant 0 : i32
        %dma_start3A_392 = tpu.memref_slice %arg7[%dma_start3A_389, %dma_start3A_390, %dma_start3A_391] : memref<8x2x128xi32, #tpu.memory_space<vmem>> -> memref<1x2x128xi32, #tpu.memory_space<vmem>>
        %dma_start3A_393 = arith.constant 0 : i32
        %dma_start3A_394 = arith.constant 0 : i32
        %dma_start3A_395 = tpu.memref_slice %arg2[%add3A_381, %dma_start3A_393, %dma_start3A_394] : memref<5120x2x128xi32, #tpu.memory_space<hbm>> -> memref<1x2x128xi32, #tpu.memory_space<hbm>>
        tpu.enqueue_dma source(%dma_start3A_395 : memref<1x2x128xi32, #tpu.memory_space<hbm>>) target(%dma_start3A_392 : memref<1x2x128xi32, #tpu.memory_space<vmem>>) target_semaphore(%arg21 : memref<!tpu.dma_semaphore, #tpu.memory_space<semaphore_mem>>)
      } else {
      }
      %add3A_299 = arith.constant 2 : i32
      %add3A_300 = arith.addi %add3A_271, %add3A_299 : i32
      %lt3A_301 = arith.cmpi slt, %add3A_300, %select_n3A_3 : i32
      %convert_element_type3A_302 = arith.extui %lt3A_301 : i1 to i32
      %cond3A_303 = arith.constant 0 : i32
      %cond3A_304 = arith.cmpi ne, %convert_element_type3A_302, %cond3A_303 : i32
      scf.if %cond3A_304 {
        %ge3A_379 = arith.constant 2 : i32
        %ge3A_380 = arith.cmpi sge, %add3A_271, %ge3A_379 : i32
        %convert_element_type3A_381 = arith.extui %ge3A_380 : i1 to i32
        %cond3A_382 = arith.constant 0 : i32
        %cond3A_383 = arith.cmpi ne, %convert_element_type3A_381, %cond3A_382 : i32
        scf.if %cond3A_383 {
          %dma_wait3A_397 = arith.constant 0 : i32
          %dma_wait3A_398 = arith.constant 0 : i32
          %dma_wait3A_399 = arith.constant 0 : i32
          %dma_wait3A_400 = tpu.memref_slice %arg7[%dma_wait3A_397, %dma_wait3A_398, %dma_wait3A_399] : memref<8x2x128xi32, #tpu.memory_space<vmem>> -> memref<1x1x128xi32, #tpu.memory_space<vmem>>
          %dma_wait3A_401 = tpu.memref_squeeze %dma_wait3A_400 : memref<1x1x128xi32, #tpu.memory_space<vmem>> -> memref<128xi32, #tpu.memory_space<vmem>>
          %dma_wait3A_402 = arith.constant 0 : i32
          %dma_wait3A_403 = arith.constant 0 : i32
          %dma_wait3A_404 = tpu.memref_slice %arg3[%dma_wait3A_402, %dma_wait3A_403] : memref<10000x32xf32, #tpu.memory_space<hbm>> -> memref<10000x32xf32, #tpu.memory_space<hbm>>
          tpu.wait_indirect_dma semaphore(%arg19 : memref<!tpu.dma_semaphore, #tpu.memory_space<semaphore_mem>>) src(%dma_wait3A_404 : memref<10000x32xf32, #tpu.memory_space<hbm>>) dst(%arg11 : memref<128x32xf32, #tpu.memory_space<vmem>>)
        } else {
        }
        %ge3A_384 = arith.constant 8 : i32
        %ge3A_385 = arith.cmpi sge, %add3A_300, %ge3A_384 : i32
        %convert_element_type3A_386 = arith.extui %ge3A_385 : i1 to i32
        %cond3A_387 = arith.constant 0 : i32
        %cond3A_388 = arith.cmpi ne, %convert_element_type3A_386, %cond3A_387 : i32
        scf.if %cond3A_388 {
          %dma_wait3A_397 = arith.constant 7 : i32
          %dma_wait3A_398 = arith.constant 0 : i32
          %dma_wait3A_399 = arith.constant 0 : i32
          %dma_wait3A_400 = tpu.memref_slice %arg7[%dma_wait3A_397, %dma_wait3A_398, %dma_wait3A_399] : memref<8x2x128xi32, #tpu.memory_space<vmem>> -> memref<1x2x128xi32, #tpu.memory_space<vmem>>
          %dma_wait3A_401 = arith.constant 0 : i32
          %dma_wait3A_402 = arith.constant 0 : i32
          %dma_wait3A_403 = tpu.memref_slice %arg2[%multiple_of3A, %dma_wait3A_401, %dma_wait3A_402] : memref<5120x2x128xi32, #tpu.memory_space<hbm>> -> memref<1x2x128xi32, #tpu.memory_space<hbm>>
          %dma_wait3A_404 = arith.constant 7 : i32
          %dma_wait3A_405 = arith.constant 0 : i32
          %dma_wait3A_406 = arith.constant 0 : i32
          %dma_wait3A_407 = tpu.memref_slice %arg7[%dma_wait3A_404, %dma_wait3A_405, %dma_wait3A_406] : memref<8x2x128xi32, #tpu.memory_space<vmem>> -> memref<1x2x128xi32, #tpu.memory_space<vmem>>
          %dma_wait3A_408 = arith.constant 0 : i32
          %dma_wait3A_409 = arith.constant 0 : i32
          %dma_wait3A_410 = tpu.memref_slice %arg2[%multiple_of3A, %dma_wait3A_408, %dma_wait3A_409] : memref<5120x2x128xi32, #tpu.memory_space<hbm>> -> memref<1x2x128xi32, #tpu.memory_space<hbm>>
          tpu.wait_dma2 semaphore(%arg23 : memref<!tpu.dma_semaphore, #tpu.memory_space<semaphore_mem>>) src(%dma_wait3A_410 : memref<1x2x128xi32, #tpu.memory_space<hbm>>) dst(%dma_wait3A_407 : memref<1x2x128xi32, #tpu.memory_space<vmem>>)
        } else {
        }
        %dma_start3A_389 = arith.constant 7 : i32
        %dma_start3A_390 = arith.constant 0 : i32
        %dma_start3A_391 = arith.constant 0 : i32
        %dma_start3A_392 = tpu.memref_slice %arg7[%dma_start3A_389, %dma_start3A_390, %dma_start3A_391] : memref<8x2x128xi32, #tpu.memory_space<vmem>> -> memref<1x1x128xi32, #tpu.memory_space<vmem>>
        %dma_start3A_393 = tpu.memref_squeeze %dma_start3A_392 : memref<1x1x128xi32, #tpu.memory_space<vmem>> -> memref<128xi32, #tpu.memory_space<vmem>>
        %dma_start3A_394 = arith.constant 0 : i32
        %dma_start3A_395 = arith.constant 0 : i32
        %dma_start3A_396 = tpu.memref_slice %arg3[%dma_start3A_394, %dma_start3A_395] : memref<10000x32xf32, #tpu.memory_space<hbm>> -> memref<10000x32xf32, #tpu.memory_space<hbm>>
        tpu.enqueue_indirect_dma source(%dma_start3A_396 : memref<10000x32xf32, #tpu.memory_space<hbm>>) target(%arg11 : memref<128x32xf32, #tpu.memory_space<vmem>>) offsets(%dma_start3A_393 : memref<128xi32, #tpu.memory_space<vmem>>) semaphore(%arg15 : memref<!tpu.dma_semaphore, #tpu.memory_space<semaphore_mem>>)
      } else {
      }
      %mul3A_305 = arith.constant 8 : i32
      %mul3A_306 = arith.muli %while3A_86, %mul3A_305 : i32
      %add3A_307 = arith.constant 6 : i32
      %add3A_308 = arith.addi %mul3A_306, %add3A_307 : i32
      %dma_wait3A_309 = arith.constant 0 : i32
      %dma_wait3A_310 = arith.constant 0 : i32
      %dma_wait3A_311 = arith.constant 0 : i32
      %dma_wait3A_312 = tpu.memref_slice %arg7[%dma_wait3A_309, %dma_wait3A_310, %dma_wait3A_311] : memref<8x2x128xi32, #tpu.memory_space<vmem>> -> memref<1x1x128xi32, #tpu.memory_space<vmem>>
      %dma_wait3A_313 = tpu.memref_squeeze %dma_wait3A_312 : memref<1x1x128xi32, #tpu.memory_space<vmem>> -> memref<128xi32, #tpu.memory_space<vmem>>
      %dma_wait3A_314 = arith.constant 0 : i32
      %dma_wait3A_315 = arith.constant 0 : i32
      %dma_wait3A_316 = tpu.memref_slice %arg3[%dma_wait3A_314, %dma_wait3A_315] : memref<10000x32xf32, #tpu.memory_space<hbm>> -> memref<10000x32xf32, #tpu.memory_space<hbm>>
      tpu.wait_indirect_dma semaphore(%arg14 : memref<!tpu.dma_semaphore, #tpu.memory_space<semaphore_mem>>) src(%dma_wait3A_316 : memref<10000x32xf32, #tpu.memory_space<hbm>>) dst(%arg10 : memref<128x32xf32, #tpu.memory_space<vmem>>)
      %dma_start3A_317 = arith.constant 6 : i32
      %dma_start3A_318 = arith.constant 1 : i32
      %dma_start3A_319 = arith.constant 0 : i32
      %dma_start3A_320 = tpu.memref_slice %arg7[%dma_start3A_317, %dma_start3A_318, %dma_start3A_319] : memref<8x2x128xi32, #tpu.memory_space<vmem>> -> memref<1x1x128xi32, #tpu.memory_space<vmem>>
      %dma_start3A_321 = tpu.memref_squeeze %dma_start3A_320 : memref<1x1x128xi32, #tpu.memory_space<vmem>> -> memref<128xi32, #tpu.memory_space<vmem>>
      %dma_start3A_322 = arith.constant 0 : i32
      %dma_start3A_323 = arith.constant 0 : i32
      %dma_start3A_324 = tpu.memref_slice %arg6[%dma_start3A_322, %dma_start3A_323] : memref<10240x32xf32, #tpu.memory_space<vmem_shared>> -> memref<10240x32xf32, #tpu.memory_space<vmem_shared>>
      tpu.enqueue_indirect_dma source(%arg10 : memref<128x32xf32, #tpu.memory_space<vmem>>) target(%dma_start3A_324 : memref<10240x32xf32, #tpu.memory_space<vmem_shared>>) offsets(%dma_start3A_321 : memref<128xi32, #tpu.memory_space<vmem>>) semaphore(%arg18 : memref<!tpu.dma_semaphore, #tpu.memory_space<semaphore_mem>>) {add = true}
      %add3A_325 = arith.constant 4 : i32
      %add3A_326 = arith.addi %add3A_308, %add3A_325 : i32
      %lt3A_327 = arith.cmpi slt, %add3A_326, %select_n3A_3 : i32
      %add3A_328 = arith.constant 4 : i32
      %add3A_329 = arith.addi %add3A_308, %add3A_328 : i32
      %ge3A_330 = arith.constant 8 : i32
      %ge3A_331 = arith.cmpi sge, %add3A_329, %ge3A_330 : i32
      %and3A_332 = arith.andi %lt3A_327, %ge3A_331 : i1
      %convert_element_type3A_333 = arith.extui %and3A_332 : i1 to i32
      %cond3A_334 = arith.constant 0 : i32
      %cond3A_335 = arith.cmpi ne, %convert_element_type3A_333, %cond3A_334 : i32
      scf.if %cond3A_335 {
        %add3A_379 = arith.addi %multiple_of3A, %add3A_308 : i32
        %add3A_380 = arith.constant 4 : i32
        %add3A_381 = arith.addi %add3A_379, %add3A_380 : i32
        %dma_start3A_382 = arith.constant 2 : i32
        %dma_start3A_383 = arith.constant 0 : i32
        %dma_start3A_384 = arith.constant 0 : i32
        %dma_start3A_385 = tpu.memref_slice %arg7[%dma_start3A_382, %dma_start3A_383, %dma_start3A_384] : memref<8x2x128xi32, #tpu.memory_space<vmem>> -> memref<1x2x128xi32, #tpu.memory_space<vmem>>
        %dma_start3A_386 = arith.constant 0 : i32
        %dma_start3A_387 = arith.constant 0 : i32
        %dma_start3A_388 = tpu.memref_slice %arg2[%add3A_381, %dma_start3A_386, %dma_start3A_387] : memref<5120x2x128xi32, #tpu.memory_space<hbm>> -> memref<1x2x128xi32, #tpu.memory_space<hbm>>
        %dma_start3A_389 = arith.constant 2 : i32
        %dma_start3A_390 = arith.constant 0 : i32
        %dma_start3A_391 = arith.constant 0 : i32
        %dma_start3A_392 = tpu.memref_slice %arg7[%dma_start3A_389, %dma_start3A_390, %dma_start3A_391] : memref<8x2x128xi32, #tpu.memory_space<vmem>> -> memref<1x2x128xi32, #tpu.memory_space<vmem>>
        %dma_start3A_393 = arith.constant 0 : i32
        %dma_start3A_394 = arith.constant 0 : i32
        %dma_start3A_395 = tpu.memref_slice %arg2[%add3A_381, %dma_start3A_393, %dma_start3A_394] : memref<5120x2x128xi32, #tpu.memory_space<hbm>> -> memref<1x2x128xi32, #tpu.memory_space<hbm>>
        tpu.enqueue_dma source(%dma_start3A_395 : memref<1x2x128xi32, #tpu.memory_space<hbm>>) target(%dma_start3A_392 : memref<1x2x128xi32, #tpu.memory_space<vmem>>) target_semaphore(%arg22 : memref<!tpu.dma_semaphore, #tpu.memory_space<semaphore_mem>>)
      } else {
      }
      %add3A_336 = arith.constant 2 : i32
      %add3A_337 = arith.addi %add3A_308, %add3A_336 : i32
      %lt3A_338 = arith.cmpi slt, %add3A_337, %select_n3A_3 : i32
      %convert_element_type3A_339 = arith.extui %lt3A_338 : i1 to i32
      %cond3A_340 = arith.constant 0 : i32
      %cond3A_341 = arith.cmpi ne, %convert_element_type3A_339, %cond3A_340 : i32
      scf.if %cond3A_341 {
        %ge3A_379 = arith.constant 2 : i32
        %ge3A_380 = arith.cmpi sge, %add3A_308, %ge3A_379 : i32
        %convert_element_type3A_381 = arith.extui %ge3A_380 : i1 to i32
        %cond3A_382 = arith.constant 0 : i32
        %cond3A_383 = arith.cmpi ne, %convert_element_type3A_381, %cond3A_382 : i32
        scf.if %cond3A_383 {
          %dma_wait3A_397 = arith.constant 0 : i32
          %dma_wait3A_398 = arith.constant 0 : i32
          %dma_wait3A_399 = arith.constant 0 : i32
          %dma_wait3A_400 = tpu.memref_slice %arg7[%dma_wait3A_397, %dma_wait3A_398, %dma_wait3A_399] : memref<8x2x128xi32, #tpu.memory_space<vmem>> -> memref<1x1x128xi32, #tpu.memory_space<vmem>>
          %dma_wait3A_401 = tpu.memref_squeeze %dma_wait3A_400 : memref<1x1x128xi32, #tpu.memory_space<vmem>> -> memref<128xi32, #tpu.memory_space<vmem>>
          %dma_wait3A_402 = arith.constant 0 : i32
          %dma_wait3A_403 = arith.constant 0 : i32
          %dma_wait3A_404 = tpu.memref_slice %arg3[%dma_wait3A_402, %dma_wait3A_403] : memref<10000x32xf32, #tpu.memory_space<hbm>> -> memref<10000x32xf32, #tpu.memory_space<hbm>>
          tpu.wait_indirect_dma semaphore(%arg16 : memref<!tpu.dma_semaphore, #tpu.memory_space<semaphore_mem>>) src(%dma_wait3A_404 : memref<10000x32xf32, #tpu.memory_space<hbm>>) dst(%arg8 : memref<128x32xf32, #tpu.memory_space<vmem>>)
        } else {
        }
        %ge3A_384 = arith.constant 8 : i32
        %ge3A_385 = arith.cmpi sge, %add3A_337, %ge3A_384 : i32
        %convert_element_type3A_386 = arith.extui %ge3A_385 : i1 to i32
        %cond3A_387 = arith.constant 0 : i32
        %cond3A_388 = arith.cmpi ne, %convert_element_type3A_386, %cond3A_387 : i32
        scf.if %cond3A_388 {
          %dma_wait3A_397 = arith.constant 0 : i32
          %dma_wait3A_398 = arith.constant 0 : i32
          %dma_wait3A_399 = arith.constant 0 : i32
          %dma_wait3A_400 = tpu.memref_slice %arg7[%dma_wait3A_397, %dma_wait3A_398, %dma_wait3A_399] : memref<8x2x128xi32, #tpu.memory_space<vmem>> -> memref<1x2x128xi32, #tpu.memory_space<vmem>>
          %dma_wait3A_401 = arith.constant 0 : i32
          %dma_wait3A_402 = arith.constant 0 : i32
          %dma_wait3A_403 = tpu.memref_slice %arg2[%multiple_of3A, %dma_wait3A_401, %dma_wait3A_402] : memref<5120x2x128xi32, #tpu.memory_space<hbm>> -> memref<1x2x128xi32, #tpu.memory_space<hbm>>
          %dma_wait3A_404 = arith.constant 0 : i32
          %dma_wait3A_405 = arith.constant 0 : i32
          %dma_wait3A_406 = arith.constant 0 : i32
          %dma_wait3A_407 = tpu.memref_slice %arg7[%dma_wait3A_404, %dma_wait3A_405, %dma_wait3A_406] : memref<8x2x128xi32, #tpu.memory_space<vmem>> -> memref<1x2x128xi32, #tpu.memory_space<vmem>>
          %dma_wait3A_408 = arith.constant 0 : i32
          %dma_wait3A_409 = arith.constant 0 : i32
          %dma_wait3A_410 = tpu.memref_slice %arg2[%multiple_of3A, %dma_wait3A_408, %dma_wait3A_409] : memref<5120x2x128xi32, #tpu.memory_space<hbm>> -> memref<1x2x128xi32, #tpu.memory_space<hbm>>
          tpu.wait_dma2 semaphore(%arg20 : memref<!tpu.dma_semaphore, #tpu.memory_space<semaphore_mem>>) src(%dma_wait3A_410 : memref<1x2x128xi32, #tpu.memory_space<hbm>>) dst(%dma_wait3A_407 : memref<1x2x128xi32, #tpu.memory_space<vmem>>)
        } else {
        }
        %dma_start3A_389 = arith.constant 0 : i32
        %dma_start3A_390 = arith.constant 0 : i32
        %dma_start3A_391 = arith.constant 0 : i32
        %dma_start3A_392 = tpu.memref_slice %arg7[%dma_start3A_389, %dma_start3A_390, %dma_start3A_391] : memref<8x2x128xi32, #tpu.memory_space<vmem>> -> memref<1x1x128xi32, #tpu.memory_space<vmem>>
        %dma_start3A_393 = tpu.memref_squeeze %dma_start3A_392 : memref<1x1x128xi32, #tpu.memory_space<vmem>> -> memref<128xi32, #tpu.memory_space<vmem>>
        %dma_start3A_394 = arith.constant 0 : i32
        %dma_start3A_395 = arith.constant 0 : i32
        %dma_start3A_396 = tpu.memref_slice %arg3[%dma_start3A_394, %dma_start3A_395] : memref<10000x32xf32, #tpu.memory_space<hbm>> -> memref<10000x32xf32, #tpu.memory_space<hbm>>
        tpu.enqueue_indirect_dma source(%dma_start3A_396 : memref<10000x32xf32, #tpu.memory_space<hbm>>) target(%arg8 : memref<128x32xf32, #tpu.memory_space<vmem>>) offsets(%dma_start3A_393 : memref<128xi32, #tpu.memory_space<vmem>>) semaphore(%arg12 : memref<!tpu.dma_semaphore, #tpu.memory_space<semaphore_mem>>)
      } else {
      }
      %mul3A_342 = arith.constant 8 : i32
      %mul3A_343 = arith.muli %while3A_86, %mul3A_342 : i32
      %add3A_344 = arith.constant 7 : i32
      %add3A_345 = arith.addi %mul3A_343, %add3A_344 : i32
      %dma_wait3A_346 = arith.constant 0 : i32
      %dma_wait3A_347 = arith.constant 0 : i32
      %dma_wait3A_348 = arith.constant 0 : i32
      %dma_wait3A_349 = tpu.memref_slice %arg7[%dma_wait3A_346, %dma_wait3A_347, %dma_wait3A_348] : memref<8x2x128xi32, #tpu.memory_space<vmem>> -> memref<1x1x128xi32, #tpu.memory_space<vmem>>
      %dma_wait3A_350 = tpu.memref_squeeze %dma_wait3A_349 : memref<1x1x128xi32, #tpu.memory_space<vmem>> -> memref<128xi32, #tpu.memory_space<vmem>>
      %dma_wait3A_351 = arith.constant 0 : i32
      %dma_wait3A_352 = arith.constant 0 : i32
      %dma_wait3A_353 = tpu.memref_slice %arg3[%dma_wait3A_351, %dma_wait3A_352] : memref<10000x32xf32, #tpu.memory_space<hbm>> -> memref<10000x32xf32, #tpu.memory_space<hbm>>
      tpu.wait_indirect_dma semaphore(%arg15 : memref<!tpu.dma_semaphore, #tpu.memory_space<semaphore_mem>>) src(%dma_wait3A_353 : memref<10000x32xf32, #tpu.memory_space<hbm>>) dst(%arg11 : memref<128x32xf32, #tpu.memory_space<vmem>>)
      %dma_start3A_354 = arith.constant 7 : i32
      %dma_start3A_355 = arith.constant 1 : i32
      %dma_start3A_356 = arith.constant 0 : i32
      %dma_start3A_357 = tpu.memref_slice %arg7[%dma_start3A_354, %dma_start3A_355, %dma_start3A_356] : memref<8x2x128xi32, #tpu.memory_space<vmem>> -> memref<1x1x128xi32, #tpu.memory_space<vmem>>
      %dma_start3A_358 = tpu.memref_squeeze %dma_start3A_357 : memref<1x1x128xi32, #tpu.memory_space<vmem>> -> memref<128xi32, #tpu.memory_space<vmem>>
      %dma_start3A_359 = arith.constant 0 : i32
      %dma_start3A_360 = arith.constant 0 : i32
      %dma_start3A_361 = tpu.memref_slice %arg6[%dma_start3A_359, %dma_start3A_360] : memref<10240x32xf32, #tpu.memory_space<vmem_shared>> -> memref<10240x32xf32, #tpu.memory_space<vmem_shared>>
      tpu.enqueue_indirect_dma source(%arg11 : memref<128x32xf32, #tpu.memory_space<vmem>>) target(%dma_start3A_361 : memref<10240x32xf32, #tpu.memory_space<vmem_shared>>) offsets(%dma_start3A_358 : memref<128xi32, #tpu.memory_space<vmem>>) semaphore(%arg19 : memref<!tpu.dma_semaphore, #tpu.memory_space<semaphore_mem>>) {add = true}
      %add3A_362 = arith.constant 4 : i32
      %add3A_363 = arith.addi %add3A_345, %add3A_362 : i32
      %lt3A_364 = arith.cmpi slt, %add3A_363, %select_n3A_3 : i32
      %add3A_365 = arith.constant 4 : i32
      %add3A_366 = arith.addi %add3A_345, %add3A_365 : i32
      %ge3A_367 = arith.constant 8 : i32
      %ge3A_368 = arith.cmpi sge, %add3A_366, %ge3A_367 : i32
      %and3A_369 = arith.andi %lt3A_364, %ge3A_368 : i1
      %convert_element_type3A_370 = arith.extui %and3A_369 : i1 to i32
      %cond3A_371 = arith.constant 0 : i32
      %cond3A_372 = arith.cmpi ne, %convert_element_type3A_370, %cond3A_371 : i32
      scf.if %cond3A_372 {
        %add3A_379 = arith.addi %multiple_of3A, %add3A_345 : i32
        %add3A_380 = arith.constant 4 : i32
        %add3A_381 = arith.addi %add3A_379, %add3A_380 : i32
        %dma_start3A_382 = arith.constant 3 : i32
        %dma_start3A_383 = arith.constant 0 : i32
        %dma_start3A_384 = arith.constant 0 : i32
        %dma_start3A_385 = tpu.memref_slice %arg7[%dma_start3A_382, %dma_start3A_383, %dma_start3A_384] : memref<8x2x128xi32, #tpu.memory_space<vmem>> -> memref<1x2x128xi32, #tpu.memory_space<vmem>>
        %dma_start3A_386 = arith.constant 0 : i32
        %dma_start3A_387 = arith.constant 0 : i32
        %dma_start3A_388 = tpu.memref_slice %arg2[%add3A_381, %dma_start3A_386, %dma_start3A_387] : memref<5120x2x128xi32, #tpu.memory_space<hbm>> -> memref<1x2x128xi32, #tpu.memory_space<hbm>>
        %dma_start3A_389 = arith.constant 3 : i32
        %dma_start3A_390 = arith.constant 0 : i32
        %dma_start3A_391 = arith.constant 0 : i32
        %dma_start3A_392 = tpu.memref_slice %arg7[%dma_start3A_389, %dma_start3A_390, %dma_start3A_391] : memref<8x2x128xi32, #tpu.memory_space<vmem>> -> memref<1x2x128xi32, #tpu.memory_space<vmem>>
        %dma_start3A_393 = arith.constant 0 : i32
        %dma_start3A_394 = arith.constant 0 : i32
        %dma_start3A_395 = tpu.memref_slice %arg2[%add3A_381, %dma_start3A_393, %dma_start3A_394] : memref<5120x2x128xi32, #tpu.memory_space<hbm>> -> memref<1x2x128xi32, #tpu.memory_space<hbm>>
        tpu.enqueue_dma source(%dma_start3A_395 : memref<1x2x128xi32, #tpu.memory_space<hbm>>) target(%dma_start3A_392 : memref<1x2x128xi32, #tpu.memory_space<vmem>>) target_semaphore(%arg23 : memref<!tpu.dma_semaphore, #tpu.memory_space<semaphore_mem>>)
      } else {
      }
      %add3A_373 = arith.constant 2 : i32
      %add3A_374 = arith.addi %add3A_345, %add3A_373 : i32
      %lt3A_375 = arith.cmpi slt, %add3A_374, %select_n3A_3 : i32
      %convert_element_type3A_376 = arith.extui %lt3A_375 : i1 to i32
      %cond3A_377 = arith.constant 0 : i32
      %cond3A_378 = arith.cmpi ne, %convert_element_type3A_376, %cond3A_377 : i32
      scf.if %cond3A_378 {
        %ge3A_379 = arith.constant 2 : i32
        %ge3A_380 = arith.cmpi sge, %add3A_345, %ge3A_379 : i32
        %convert_element_type3A_381 = arith.extui %ge3A_380 : i1 to i32
        %cond3A_382 = arith.constant 0 : i32
        %cond3A_383 = arith.cmpi ne, %convert_element_type3A_381, %cond3A_382 : i32
        scf.if %cond3A_383 {
          %dma_wait3A_397 = arith.constant 0 : i32
          %dma_wait3A_398 = arith.constant 0 : i32
          %dma_wait3A_399 = arith.constant 0 : i32
          %dma_wait3A_400 = tpu.memref_slice %arg7[%dma_wait3A_397, %dma_wait3A_398, %dma_wait3A_399] : memref<8x2x128xi32, #tpu.memory_space<vmem>> -> memref<1x1x128xi32, #tpu.memory_space<vmem>>
          %dma_wait3A_401 = tpu.memref_squeeze %dma_wait3A_400 : memref<1x1x128xi32, #tpu.memory_space<vmem>> -> memref<128xi32, #tpu.memory_space<vmem>>
          %dma_wait3A_402 = arith.constant 0 : i32
          %dma_wait3A_403 = arith.constant 0 : i32
          %dma_wait3A_404 = tpu.memref_slice %arg3[%dma_wait3A_402, %dma_wait3A_403] : memref<10000x32xf32, #tpu.memory_space<hbm>> -> memref<10000x32xf32, #tpu.memory_space<hbm>>
          tpu.wait_indirect_dma semaphore(%arg17 : memref<!tpu.dma_semaphore, #tpu.memory_space<semaphore_mem>>) src(%dma_wait3A_404 : memref<10000x32xf32, #tpu.memory_space<hbm>>) dst(%arg9 : memref<128x32xf32, #tpu.memory_space<vmem>>)
        } else {
        }
        %ge3A_384 = arith.constant 8 : i32
        %ge3A_385 = arith.cmpi sge, %add3A_374, %ge3A_384 : i32
        %convert_element_type3A_386 = arith.extui %ge3A_385 : i1 to i32
        %cond3A_387 = arith.constant 0 : i32
        %cond3A_388 = arith.cmpi ne, %convert_element_type3A_386, %cond3A_387 : i32
        scf.if %cond3A_388 {
          %dma_wait3A_397 = arith.constant 1 : i32
          %dma_wait3A_398 = arith.constant 0 : i32
          %dma_wait3A_399 = arith.constant 0 : i32
          %dma_wait3A_400 = tpu.memref_slice %arg7[%dma_wait3A_397, %dma_wait3A_398, %dma_wait3A_399] : memref<8x2x128xi32, #tpu.memory_space<vmem>> -> memref<1x2x128xi32, #tpu.memory_space<vmem>>
          %dma_wait3A_401 = arith.constant 0 : i32
          %dma_wait3A_402 = arith.constant 0 : i32
          %dma_wait3A_403 = tpu.memref_slice %arg2[%multiple_of3A, %dma_wait3A_401, %dma_wait3A_402] : memref<5120x2x128xi32, #tpu.memory_space<hbm>> -> memref<1x2x128xi32, #tpu.memory_space<hbm>>
          %dma_wait3A_404 = arith.constant 1 : i32
          %dma_wait3A_405 = arith.constant 0 : i32
          %dma_wait3A_406 = arith.constant 0 : i32
          %dma_wait3A_407 = tpu.memref_slice %arg7[%dma_wait3A_404, %dma_wait3A_405, %dma_wait3A_406] : memref<8x2x128xi32, #tpu.memory_space<vmem>> -> memref<1x2x128xi32, #tpu.memory_space<vmem>>
          %dma_wait3A_408 = arith.constant 0 : i32
          %dma_wait3A_409 = arith.constant 0 : i32
          %dma_wait3A_410 = tpu.memref_slice %arg2[%multiple_of3A, %dma_wait3A_408, %dma_wait3A_409] : memref<5120x2x128xi32, #tpu.memory_space<hbm>> -> memref<1x2x128xi32, #tpu.memory_space<hbm>>
          tpu.wait_dma2 semaphore(%arg21 : memref<!tpu.dma_semaphore, #tpu.memory_space<semaphore_mem>>) src(%dma_wait3A_410 : memref<1x2x128xi32, #tpu.memory_space<hbm>>) dst(%dma_wait3A_407 : memref<1x2x128xi32, #tpu.memory_space<vmem>>)
        } else {
        }
        %dma_start3A_389 = arith.constant 1 : i32
        %dma_start3A_390 = arith.constant 0 : i32
        %dma_start3A_391 = arith.constant 0 : i32
        %dma_start3A_392 = tpu.memref_slice %arg7[%dma_start3A_389, %dma_start3A_390, %dma_start3A_391] : memref<8x2x128xi32, #tpu.memory_space<vmem>> -> memref<1x1x128xi32, #tpu.memory_space<vmem>>
        %dma_start3A_393 = tpu.memref_squeeze %dma_start3A_392 : memref<1x1x128xi32, #tpu.memory_space<vmem>> -> memref<128xi32, #tpu.memory_space<vmem>>
        %dma_start3A_394 = arith.constant 0 : i32
        %dma_start3A_395 = arith.constant 0 : i32
        %dma_start3A_396 = tpu.memref_slice %arg3[%dma_start3A_394, %dma_start3A_395] : memref<10000x32xf32, #tpu.memory_space<hbm>> -> memref<10000x32xf32, #tpu.memory_space<hbm>>
        tpu.enqueue_indirect_dma source(%dma_start3A_396 : memref<10000x32xf32, #tpu.memory_space<hbm>>) target(%arg9 : memref<128x32xf32, #tpu.memory_space<vmem>>) offsets(%dma_start3A_393 : memref<128xi32, #tpu.memory_space<vmem>>) semaphore(%arg13 : memref<!tpu.dma_semaphore, #tpu.memory_space<semaphore_mem>>)
      } else {
      }
    }
    %while3A_53 = arith.constant 1 : i32
    scf.for %while3A_86 = %while3A_51 to %while3A_47 step %while3A_53  : i32 {
      %mul3A_87 = arith.constant 8 : i32
      %mul3A_88 = arith.muli %while3A_86, %mul3A_87 : i32
      %add3A_89 = arith.constant 0 : i32
      %add3A_90 = arith.addi %mul3A_88, %add3A_89 : i32
      %dma_wait3A_91 = arith.constant 0 : i32
      %dma_wait3A_92 = arith.constant 0 : i32
      %dma_wait3A_93 = arith.constant 0 : i32
      %dma_wait3A_94 = tpu.memref_slice %arg7[%dma_wait3A_91, %dma_wait3A_92, %dma_wait3A_93] : memref<8x2x128xi32, #tpu.memory_space<vmem>> -> memref<1x1x128xi32, #tpu.memory_space<vmem>>
      %dma_wait3A_95 = tpu.memref_squeeze %dma_wait3A_94 : memref<1x1x128xi32, #tpu.memory_space<vmem>> -> memref<128xi32, #tpu.memory_space<vmem>>
      %dma_wait3A_96 = arith.constant 0 : i32
      %dma_wait3A_97 = arith.constant 0 : i32
      %dma_wait3A_98 = tpu.memref_slice %arg3[%dma_wait3A_96, %dma_wait3A_97] : memref<10000x32xf32, #tpu.memory_space<hbm>> -> memref<10000x32xf32, #tpu.memory_space<hbm>>
      tpu.wait_indirect_dma semaphore(%arg12 : memref<!tpu.dma_semaphore, #tpu.memory_space<semaphore_mem>>) src(%dma_wait3A_98 : memref<10000x32xf32, #tpu.memory_space<hbm>>) dst(%arg8 : memref<128x32xf32, #tpu.memory_space<vmem>>)
      %dma_start3A_99 = arith.constant 0 : i32
      %dma_start3A_100 = arith.constant 1 : i32
      %dma_start3A_101 = arith.constant 0 : i32
      %dma_start3A_102 = tpu.memref_slice %arg7[%dma_start3A_99, %dma_start3A_100, %dma_start3A_101] : memref<8x2x128xi32, #tpu.memory_space<vmem>> -> memref<1x1x128xi32, #tpu.memory_space<vmem>>
      %dma_start3A_103 = tpu.memref_squeeze %dma_start3A_102 : memref<1x1x128xi32, #tpu.memory_space<vmem>> -> memref<128xi32, #tpu.memory_space<vmem>>
      %dma_start3A_104 = arith.constant 0 : i32
      %dma_start3A_105 = arith.constant 0 : i32
      %dma_start3A_106 = tpu.memref_slice %arg6[%dma_start3A_104, %dma_start3A_105] : memref<10240x32xf32, #tpu.memory_space<vmem_shared>> -> memref<10240x32xf32, #tpu.memory_space<vmem_shared>>
      tpu.enqueue_indirect_dma source(%arg8 : memref<128x32xf32, #tpu.memory_space<vmem>>) target(%dma_start3A_106 : memref<10240x32xf32, #tpu.memory_space<vmem_shared>>) offsets(%dma_start3A_103 : memref<128xi32, #tpu.memory_space<vmem>>) semaphore(%arg16 : memref<!tpu.dma_semaphore, #tpu.memory_space<semaphore_mem>>) {add = true}
      %add3A_107 = arith.constant 4 : i32
      %add3A_108 = arith.addi %add3A_90, %add3A_107 : i32
      %lt3A = arith.cmpi slt, %add3A_108, %select_n3A_3 : i32
      %add3A_109 = arith.constant 4 : i32
      %add3A_110 = arith.addi %add3A_90, %add3A_109 : i32
      %ge3A = arith.constant 8 : i32
      %ge3A_111 = arith.cmpi sge, %add3A_110, %ge3A : i32
      %and3A_112 = arith.andi %lt3A, %ge3A_111 : i1
      %convert_element_type3A = arith.extui %and3A_112 : i1 to i32
      %cond3A = arith.constant 0 : i32
      %cond3A_113 = arith.cmpi ne, %convert_element_type3A, %cond3A : i32
      scf.if %cond3A_113 {
        %add3A_379 = arith.addi %multiple_of3A, %add3A_90 : i32
        %add3A_380 = arith.constant 4 : i32
        %add3A_381 = arith.addi %add3A_379, %add3A_380 : i32
        %dma_start3A_382 = arith.constant 4 : i32
        %dma_start3A_383 = arith.constant 0 : i32
        %dma_start3A_384 = arith.constant 0 : i32
        %dma_start3A_385 = tpu.memref_slice %arg7[%dma_start3A_382, %dma_start3A_383, %dma_start3A_384] : memref<8x2x128xi32, #tpu.memory_space<vmem>> -> memref<1x2x128xi32, #tpu.memory_space<vmem>>
        %dma_start3A_386 = arith.constant 0 : i32
        %dma_start3A_387 = arith.constant 0 : i32
        %dma_start3A_388 = tpu.memref_slice %arg2[%add3A_381, %dma_start3A_386, %dma_start3A_387] : memref<5120x2x128xi32, #tpu.memory_space<hbm>> -> memref<1x2x128xi32, #tpu.memory_space<hbm>>
        %dma_start3A_389 = arith.constant 4 : i32
        %dma_start3A_390 = arith.constant 0 : i32
        %dma_start3A_391 = arith.constant 0 : i32
        %dma_start3A_392 = tpu.memref_slice %arg7[%dma_start3A_389, %dma_start3A_390, %dma_start3A_391] : memref<8x2x128xi32, #tpu.memory_space<vmem>> -> memref<1x2x128xi32, #tpu.memory_space<vmem>>
        %dma_start3A_393 = arith.constant 0 : i32
        %dma_start3A_394 = arith.constant 0 : i32
        %dma_start3A_395 = tpu.memref_slice %arg2[%add3A_381, %dma_start3A_393, %dma_start3A_394] : memref<5120x2x128xi32, #tpu.memory_space<hbm>> -> memref<1x2x128xi32, #tpu.memory_space<hbm>>
        tpu.enqueue_dma source(%dma_start3A_395 : memref<1x2x128xi32, #tpu.memory_space<hbm>>) target(%dma_start3A_392 : memref<1x2x128xi32, #tpu.memory_space<vmem>>) target_semaphore(%arg20 : memref<!tpu.dma_semaphore, #tpu.memory_space<semaphore_mem>>)
      } else {
      }
      %add3A_114 = arith.constant 2 : i32
      %add3A_115 = arith.addi %add3A_90, %add3A_114 : i32
      %lt3A_116 = arith.cmpi slt, %add3A_115, %select_n3A_3 : i32
      %convert_element_type3A_117 = arith.extui %lt3A_116 : i1 to i32
      %cond3A_118 = arith.constant 0 : i32
      %cond3A_119 = arith.cmpi ne, %convert_element_type3A_117, %cond3A_118 : i32
      scf.if %cond3A_119 {
        %ge3A_379 = arith.constant 2 : i32
        %ge3A_380 = arith.cmpi sge, %add3A_90, %ge3A_379 : i32
        %convert_element_type3A_381 = arith.extui %ge3A_380 : i1 to i32
        %cond3A_382 = arith.constant 0 : i32
        %cond3A_383 = arith.cmpi ne, %convert_element_type3A_381, %cond3A_382 : i32
        scf.if %cond3A_383 {
          %dma_wait3A_397 = arith.constant 0 : i32
          %dma_wait3A_398 = arith.constant 0 : i32
          %dma_wait3A_399 = arith.constant 0 : i32
          %dma_wait3A_400 = tpu.memref_slice %arg7[%dma_wait3A_397, %dma_wait3A_398, %dma_wait3A_399] : memref<8x2x128xi32, #tpu.memory_space<vmem>> -> memref<1x1x128xi32, #tpu.memory_space<vmem>>
          %dma_wait3A_401 = tpu.memref_squeeze %dma_wait3A_400 : memref<1x1x128xi32, #tpu.memory_space<vmem>> -> memref<128xi32, #tpu.memory_space<vmem>>
          %dma_wait3A_402 = arith.constant 0 : i32
          %dma_wait3A_403 = arith.constant 0 : i32
          %dma_wait3A_404 = tpu.memref_slice %arg3[%dma_wait3A_402, %dma_wait3A_403] : memref<10000x32xf32, #tpu.memory_space<hbm>> -> memref<10000x32xf32, #tpu.memory_space<hbm>>
          tpu.wait_indirect_dma semaphore(%arg18 : memref<!tpu.dma_semaphore, #tpu.memory_space<semaphore_mem>>) src(%dma_wait3A_404 : memref<10000x32xf32, #tpu.memory_space<hbm>>) dst(%arg10 : memref<128x32xf32, #tpu.memory_space<vmem>>)
        } else {
        }
        %ge3A_384 = arith.constant 8 : i32
        %ge3A_385 = arith.cmpi sge, %add3A_115, %ge3A_384 : i32
        %convert_element_type3A_386 = arith.extui %ge3A_385 : i1 to i32
        %cond3A_387 = arith.constant 0 : i32
        %cond3A_388 = arith.cmpi ne, %convert_element_type3A_386, %cond3A_387 : i32
        scf.if %cond3A_388 {
          %dma_wait3A_397 = arith.constant 2 : i32
          %dma_wait3A_398 = arith.constant 0 : i32
          %dma_wait3A_399 = arith.constant 0 : i32
          %dma_wait3A_400 = tpu.memref_slice %arg7[%dma_wait3A_397, %dma_wait3A_398, %dma_wait3A_399] : memref<8x2x128xi32, #tpu.memory_space<vmem>> -> memref<1x2x128xi32, #tpu.memory_space<vmem>>
          %dma_wait3A_401 = arith.constant 0 : i32
          %dma_wait3A_402 = arith.constant 0 : i32
          %dma_wait3A_403 = tpu.memref_slice %arg2[%multiple_of3A, %dma_wait3A_401, %dma_wait3A_402] : memref<5120x2x128xi32, #tpu.memory_space<hbm>> -> memref<1x2x128xi32, #tpu.memory_space<hbm>>
          %dma_wait3A_404 = arith.constant 2 : i32
          %dma_wait3A_405 = arith.constant 0 : i32
          %dma_wait3A_406 = arith.constant 0 : i32
          %dma_wait3A_407 = tpu.memref_slice %arg7[%dma_wait3A_404, %dma_wait3A_405, %dma_wait3A_406] : memref<8x2x128xi32, #tpu.memory_space<vmem>> -> memref<1x2x128xi32, #tpu.memory_space<vmem>>
          %dma_wait3A_408 = arith.constant 0 : i32
          %dma_wait3A_409 = arith.constant 0 : i32
          %dma_wait3A_410 = tpu.memref_slice %arg2[%multiple_of3A, %dma_wait3A_408, %dma_wait3A_409] : memref<5120x2x128xi32, #tpu.memory_space<hbm>> -> memref<1x2x128xi32, #tpu.memory_space<hbm>>
          tpu.wait_dma2 semaphore(%arg22 : memref<!tpu.dma_semaphore, #tpu.memory_space<semaphore_mem>>) src(%dma_wait3A_410 : memref<1x2x128xi32, #tpu.memory_space<hbm>>) dst(%dma_wait3A_407 : memref<1x2x128xi32, #tpu.memory_space<vmem>>)
        } else {
        }
        %dma_start3A_389 = arith.constant 2 : i32
        %dma_start3A_390 = arith.constant 0 : i32
        %dma_start3A_391 = arith.constant 0 : i32
        %dma_start3A_392 = tpu.memref_slice %arg7[%dma_start3A_389, %dma_start3A_390, %dma_start3A_391] : memref<8x2x128xi32, #tpu.memory_space<vmem>> -> memref<1x1x128xi32, #tpu.memory_space<vmem>>
        %dma_start3A_393 = tpu.memref_squeeze %dma_start3A_392 : memref<1x1x128xi32, #tpu.memory_space<vmem>> -> memref<128xi32, #tpu.memory_space<vmem>>
        %dma_start3A_394 = arith.constant 0 : i32
        %dma_start3A_395 = arith.constant 0 : i32
        %dma_start3A_396 = tpu.memref_slice %arg3[%dma_start3A_394, %dma_start3A_395] : memref<10000x32xf32, #tpu.memory_space<hbm>> -> memref<10000x32xf32, #tpu.memory_space<hbm>>
        tpu.enqueue_indirect_dma source(%dma_start3A_396 : memref<10000x32xf32, #tpu.memory_space<hbm>>) target(%arg10 : memref<128x32xf32, #tpu.memory_space<vmem>>) offsets(%dma_start3A_393 : memref<128xi32, #tpu.memory_space<vmem>>) semaphore(%arg14 : memref<!tpu.dma_semaphore, #tpu.memory_space<semaphore_mem>>)
      } else {
      }
      %mul3A_120 = arith.constant 8 : i32
      %mul3A_121 = arith.muli %while3A_86, %mul3A_120 : i32
      %add3A_122 = arith.constant 1 : i32
      %add3A_123 = arith.addi %mul3A_121, %add3A_122 : i32
      %dma_wait3A_124 = arith.constant 0 : i32
      %dma_wait3A_125 = arith.constant 0 : i32
      %dma_wait3A_126 = arith.constant 0 : i32
      %dma_wait3A_127 = tpu.memref_slice %arg7[%dma_wait3A_124, %dma_wait3A_125, %dma_wait3A_126] : memref<8x2x128xi32, #tpu.memory_space<vmem>> -> memref<1x1x128xi32, #tpu.memory_space<vmem>>
      %dma_wait3A_128 = tpu.memref_squeeze %dma_wait3A_127 : memref<1x1x128xi32, #tpu.memory_space<vmem>> -> memref<128xi32, #tpu.memory_space<vmem>>
      %dma_wait3A_129 = arith.constant 0 : i32
      %dma_wait3A_130 = arith.constant 0 : i32
      %dma_wait3A_131 = tpu.memref_slice %arg3[%dma_wait3A_129, %dma_wait3A_130] : memref<10000x32xf32, #tpu.memory_space<hbm>> -> memref<10000x32xf32, #tpu.memory_space<hbm>>
      tpu.wait_indirect_dma semaphore(%arg13 : memref<!tpu.dma_semaphore, #tpu.memory_space<semaphore_mem>>) src(%dma_wait3A_131 : memref<10000x32xf32, #tpu.memory_space<hbm>>) dst(%arg9 : memref<128x32xf32, #tpu.memory_space<vmem>>)
      %dma_start3A_132 = arith.constant 1 : i32
      %dma_start3A_133 = arith.constant 1 : i32
      %dma_start3A_134 = arith.constant 0 : i32
      %dma_start3A_135 = tpu.memref_slice %arg7[%dma_start3A_132, %dma_start3A_133, %dma_start3A_134] : memref<8x2x128xi32, #tpu.memory_space<vmem>> -> memref<1x1x128xi32, #tpu.memory_space<vmem>>
      %dma_start3A_136 = tpu.memref_squeeze %dma_start3A_135 : memref<1x1x128xi32, #tpu.memory_space<vmem>> -> memref<128xi32, #tpu.memory_space<vmem>>
      %dma_start3A_137 = arith.constant 0 : i32
      %dma_start3A_138 = arith.constant 0 : i32
      %dma_start3A_139 = tpu.memref_slice %arg6[%dma_start3A_137, %dma_start3A_138] : memref<10240x32xf32, #tpu.memory_space<vmem_shared>> -> memref<10240x32xf32, #tpu.memory_space<vmem_shared>>
      tpu.enqueue_indirect_dma source(%arg9 : memref<128x32xf32, #tpu.memory_space<vmem>>) target(%dma_start3A_139 : memref<10240x32xf32, #tpu.memory_space<vmem_shared>>) offsets(%dma_start3A_136 : memref<128xi32, #tpu.memory_space<vmem>>) semaphore(%arg17 : memref<!tpu.dma_semaphore, #tpu.memory_space<semaphore_mem>>) {add = true}
      %add3A_140 = arith.constant 4 : i32
      %add3A_141 = arith.addi %add3A_123, %add3A_140 : i32
      %lt3A_142 = arith.cmpi slt, %add3A_141, %select_n3A_3 : i32
      %add3A_143 = arith.constant 4 : i32
      %add3A_144 = arith.addi %add3A_123, %add3A_143 : i32
      %ge3A_145 = arith.constant 8 : i32
      %ge3A_146 = arith.cmpi sge, %add3A_144, %ge3A_145 : i32
      %and3A_147 = arith.andi %lt3A_142, %ge3A_146 : i1
      %convert_element_type3A_148 = arith.extui %and3A_147 : i1 to i32
      %cond3A_149 = arith.constant 0 : i32
      %cond3A_150 = arith.cmpi ne, %convert_element_type3A_148, %cond3A_149 : i32
      scf.if %cond3A_150 {
        %add3A_379 = arith.addi %multiple_of3A, %add3A_123 : i32
        %add3A_380 = arith.constant 4 : i32
        %add3A_381 = arith.addi %add3A_379, %add3A_380 : i32
        %dma_start3A_382 = arith.constant 5 : i32
        %dma_start3A_383 = arith.constant 0 : i32
        %dma_start3A_384 = arith.constant 0 : i32
        %dma_start3A_385 = tpu.memref_slice %arg7[%dma_start3A_382, %dma_start3A_383, %dma_start3A_384] : memref<8x2x128xi32, #tpu.memory_space<vmem>> -> memref<1x2x128xi32, #tpu.memory_space<vmem>>
        %dma_start3A_386 = arith.constant 0 : i32
        %dma_start3A_387 = arith.constant 0 : i32
        %dma_start3A_388 = tpu.memref_slice %arg2[%add3A_381, %dma_start3A_386, %dma_start3A_387] : memref<5120x2x128xi32, #tpu.memory_space<hbm>> -> memref<1x2x128xi32, #tpu.memory_space<hbm>>
        %dma_start3A_389 = arith.constant 5 : i32
        %dma_start3A_390 = arith.constant 0 : i32
        %dma_start3A_391 = arith.constant 0 : i32
        %dma_start3A_392 = tpu.memref_slice %arg7[%dma_start3A_389, %dma_start3A_390, %dma_start3A_391] : memref<8x2x128xi32, #tpu.memory_space<vmem>> -> memref<1x2x128xi32, #tpu.memory_space<vmem>>
        %dma_start3A_393 = arith.constant 0 : i32
        %dma_start3A_394 = arith.constant 0 : i32
        %dma_start3A_395 = tpu.memref_slice %arg2[%add3A_381, %dma_start3A_393, %dma_start3A_394] : memref<5120x2x128xi32, #tpu.memory_space<hbm>> -> memref<1x2x128xi32, #tpu.memory_space<hbm>>
        tpu.enqueue_dma source(%dma_start3A_395 : memref<1x2x128xi32, #tpu.memory_space<hbm>>) target(%dma_start3A_392 : memref<1x2x128xi32, #tpu.memory_space<vmem>>) target_semaphore(%arg21 : memref<!tpu.dma_semaphore, #tpu.memory_space<semaphore_mem>>)
      } else {
      }
      %add3A_151 = arith.constant 2 : i32
      %add3A_152 = arith.addi %add3A_123, %add3A_151 : i32
      %lt3A_153 = arith.cmpi slt, %add3A_152, %select_n3A_3 : i32
      %convert_element_type3A_154 = arith.extui %lt3A_153 : i1 to i32
      %cond3A_155 = arith.constant 0 : i32
      %cond3A_156 = arith.cmpi ne, %convert_element_type3A_154, %cond3A_155 : i32
      scf.if %cond3A_156 {
        %ge3A_379 = arith.constant 2 : i32
        %ge3A_380 = arith.cmpi sge, %add3A_123, %ge3A_379 : i32
        %convert_element_type3A_381 = arith.extui %ge3A_380 : i1 to i32
        %cond3A_382 = arith.constant 0 : i32
        %cond3A_383 = arith.cmpi ne, %convert_element_type3A_381, %cond3A_382 : i32
        scf.if %cond3A_383 {
          %dma_wait3A_397 = arith.constant 0 : i32
          %dma_wait3A_398 = arith.constant 0 : i32
          %dma_wait3A_399 = arith.constant 0 : i32
          %dma_wait3A_400 = tpu.memref_slice %arg7[%dma_wait3A_397, %dma_wait3A_398, %dma_wait3A_399] : memref<8x2x128xi32, #tpu.memory_space<vmem>> -> memref<1x1x128xi32, #tpu.memory_space<vmem>>
          %dma_wait3A_401 = tpu.memref_squeeze %dma_wait3A_400 : memref<1x1x128xi32, #tpu.memory_space<vmem>> -> memref<128xi32, #tpu.memory_space<vmem>>
          %dma_wait3A_402 = arith.constant 0 : i32
          %dma_wait3A_403 = arith.constant 0 : i32
          %dma_wait3A_404 = tpu.memref_slice %arg3[%dma_wait3A_402, %dma_wait3A_403] : memref<10000x32xf32, #tpu.memory_space<hbm>> -> memref<10000x32xf32, #tpu.memory_space<hbm>>
          tpu.wait_indirect_dma semaphore(%arg19 : memref<!tpu.dma_semaphore, #tpu.memory_space<semaphore_mem>>) src(%dma_wait3A_404 : memref<10000x32xf32, #tpu.memory_space<hbm>>) dst(%arg11 : memref<128x32xf32, #tpu.memory_space<vmem>>)
        } else {
        }
        %ge3A_384 = arith.constant 8 : i32
        %ge3A_385 = arith.cmpi sge, %add3A_152, %ge3A_384 : i32
        %convert_element_type3A_386 = arith.extui %ge3A_385 : i1 to i32
        %cond3A_387 = arith.constant 0 : i32
        %cond3A_388 = arith.cmpi ne, %convert_element_type3A_386, %cond3A_387 : i32
        scf.if %cond3A_388 {
          %dma_wait3A_397 = arith.constant 3 : i32
          %dma_wait3A_398 = arith.constant 0 : i32
          %dma_wait3A_399 = arith.constant 0 : i32
          %dma_wait3A_400 = tpu.memref_slice %arg7[%dma_wait3A_397, %dma_wait3A_398, %dma_wait3A_399] : memref<8x2x128xi32, #tpu.memory_space<vmem>> -> memref<1x2x128xi32, #tpu.memory_space<vmem>>
          %dma_wait3A_401 = arith.constant 0 : i32
          %dma_wait3A_402 = arith.constant 0 : i32
          %dma_wait3A_403 = tpu.memref_slice %arg2[%multiple_of3A, %dma_wait3A_401, %dma_wait3A_402] : memref<5120x2x128xi32, #tpu.memory_space<hbm>> -> memref<1x2x128xi32, #tpu.memory_space<hbm>>
          %dma_wait3A_404 = arith.constant 3 : i32
          %dma_wait3A_405 = arith.constant 0 : i32
          %dma_wait3A_406 = arith.constant 0 : i32
          %dma_wait3A_407 = tpu.memref_slice %arg7[%dma_wait3A_404, %dma_wait3A_405, %dma_wait3A_406] : memref<8x2x128xi32, #tpu.memory_space<vmem>> -> memref<1x2x128xi32, #tpu.memory_space<vmem>>
          %dma_wait3A_408 = arith.constant 0 : i32
          %dma_wait3A_409 = arith.constant 0 : i32
          %dma_wait3A_410 = tpu.memref_slice %arg2[%multiple_of3A, %dma_wait3A_408, %dma_wait3A_409] : memref<5120x2x128xi32, #tpu.memory_space<hbm>> -> memref<1x2x128xi32, #tpu.memory_space<hbm>>
          tpu.wait_dma2 semaphore(%arg23 : memref<!tpu.dma_semaphore, #tpu.memory_space<semaphore_mem>>) src(%dma_wait3A_410 : memref<1x2x128xi32, #tpu.memory_space<hbm>>) dst(%dma_wait3A_407 : memref<1x2x128xi32, #tpu.memory_space<vmem>>)
        } else {
        }
        %dma_start3A_389 = arith.constant 3 : i32
        %dma_start3A_390 = arith.constant 0 : i32
        %dma_start3A_391 = arith.constant 0 : i32
        %dma_start3A_392 = tpu.memref_slice %arg7[%dma_start3A_389, %dma_start3A_390, %dma_start3A_391] : memref<8x2x128xi32, #tpu.memory_space<vmem>> -> memref<1x1x128xi32, #tpu.memory_space<vmem>>
        %dma_start3A_393 = tpu.memref_squeeze %dma_start3A_392 : memref<1x1x128xi32, #tpu.memory_space<vmem>> -> memref<128xi32, #tpu.memory_space<vmem>>
        %dma_start3A_394 = arith.constant 0 : i32
        %dma_start3A_395 = arith.constant 0 : i32
        %dma_start3A_396 = tpu.memref_slice %arg3[%dma_start3A_394, %dma_start3A_395] : memref<10000x32xf32, #tpu.memory_space<hbm>> -> memref<10000x32xf32, #tpu.memory_space<hbm>>
        tpu.enqueue_indirect_dma source(%dma_start3A_396 : memref<10000x32xf32, #tpu.memory_space<hbm>>) target(%arg11 : memref<128x32xf32, #tpu.memory_space<vmem>>) offsets(%dma_start3A_393 : memref<128xi32, #tpu.memory_space<vmem>>) semaphore(%arg15 : memref<!tpu.dma_semaphore, #tpu.memory_space<semaphore_mem>>)
      } else {
      }
      %mul3A_157 = arith.constant 8 : i32
      %mul3A_158 = arith.muli %while3A_86, %mul3A_157 : i32
      %add3A_159 = arith.constant 2 : i32
      %add3A_160 = arith.addi %mul3A_158, %add3A_159 : i32
      %dma_wait3A_161 = arith.constant 0 : i32
      %dma_wait3A_162 = arith.constant 0 : i32
      %dma_wait3A_163 = arith.constant 0 : i32
      %dma_wait3A_164 = tpu.memref_slice %arg7[%dma_wait3A_161, %dma_wait3A_162, %dma_wait3A_163] : memref<8x2x128xi32, #tpu.memory_space<vmem>> -> memref<1x1x128xi32, #tpu.memory_space<vmem>>
      %dma_wait3A_165 = tpu.memref_squeeze %dma_wait3A_164 : memref<1x1x128xi32, #tpu.memory_space<vmem>> -> memref<128xi32, #tpu.memory_space<vmem>>
      %dma_wait3A_166 = arith.constant 0 : i32
      %dma_wait3A_167 = arith.constant 0 : i32
      %dma_wait3A_168 = tpu.memref_slice %arg3[%dma_wait3A_166, %dma_wait3A_167] : memref<10000x32xf32, #tpu.memory_space<hbm>> -> memref<10000x32xf32, #tpu.memory_space<hbm>>
      tpu.wait_indirect_dma semaphore(%arg14 : memref<!tpu.dma_semaphore, #tpu.memory_space<semaphore_mem>>) src(%dma_wait3A_168 : memref<10000x32xf32, #tpu.memory_space<hbm>>) dst(%arg10 : memref<128x32xf32, #tpu.memory_space<vmem>>)
      %dma_start3A_169 = arith.constant 2 : i32
      %dma_start3A_170 = arith.constant 1 : i32
      %dma_start3A_171 = arith.constant 0 : i32
      %dma_start3A_172 = tpu.memref_slice %arg7[%dma_start3A_169, %dma_start3A_170, %dma_start3A_171] : memref<8x2x128xi32, #tpu.memory_space<vmem>> -> memref<1x1x128xi32, #tpu.memory_space<vmem>>
      %dma_start3A_173 = tpu.memref_squeeze %dma_start3A_172 : memref<1x1x128xi32, #tpu.memory_space<vmem>> -> memref<128xi32, #tpu.memory_space<vmem>>
      %dma_start3A_174 = arith.constant 0 : i32
      %dma_start3A_175 = arith.constant 0 : i32
      %dma_start3A_176 = tpu.memref_slice %arg6[%dma_start3A_174, %dma_start3A_175] : memref<10240x32xf32, #tpu.memory_space<vmem_shared>> -> memref<10240x32xf32, #tpu.memory_space<vmem_shared>>
      tpu.enqueue_indirect_dma source(%arg10 : memref<128x32xf32, #tpu.memory_space<vmem>>) target(%dma_start3A_176 : memref<10240x32xf32, #tpu.memory_space<vmem_shared>>) offsets(%dma_start3A_173 : memref<128xi32, #tpu.memory_space<vmem>>) semaphore(%arg18 : memref<!tpu.dma_semaphore, #tpu.memory_space<semaphore_mem>>) {add = true}
      %add3A_177 = arith.constant 4 : i32
      %add3A_178 = arith.addi %add3A_160, %add3A_177 : i32
      %lt3A_179 = arith.cmpi slt, %add3A_178, %select_n3A_3 : i32
      %add3A_180 = arith.constant 4 : i32
      %add3A_181 = arith.addi %add3A_160, %add3A_180 : i32
      %ge3A_182 = arith.constant 8 : i32
      %ge3A_183 = arith.cmpi sge, %add3A_181, %ge3A_182 : i32
      %and3A_184 = arith.andi %lt3A_179, %ge3A_183 : i1
      %convert_element_type3A_185 = arith.extui %and3A_184 : i1 to i32
      %cond3A_186 = arith.constant 0 : i32
      %cond3A_187 = arith.cmpi ne, %convert_element_type3A_185, %cond3A_186 : i32
      scf.if %cond3A_187 {
        %add3A_379 = arith.addi %multiple_of3A, %add3A_160 : i32
        %add3A_380 = arith.constant 4 : i32
        %add3A_381 = arith.addi %add3A_379, %add3A_380 : i32
        %dma_start3A_382 = arith.constant 6 : i32
        %dma_start3A_383 = arith.constant 0 : i32
        %dma_start3A_384 = arith.constant 0 : i32
        %dma_start3A_385 = tpu.memref_slice %arg7[%dma_start3A_382, %dma_start3A_383, %dma_start3A_384] : memref<8x2x128xi32, #tpu.memory_space<vmem>> -> memref<1x2x128xi32, #tpu.memory_space<vmem>>
        %dma_start3A_386 = arith.constant 0 : i32
        %dma_start3A_387 = arith.constant 0 : i32
        %dma_start3A_388 = tpu.memref_slice %arg2[%add3A_381, %dma_start3A_386, %dma_start3A_387] : memref<5120x2x128xi32, #tpu.memory_space<hbm>> -> memref<1x2x128xi32, #tpu.memory_space<hbm>>
        %dma_start3A_389 = arith.constant 6 : i32
        %dma_start3A_390 = arith.constant 0 : i32
        %dma_start3A_391 = arith.constant 0 : i32
        %dma_start3A_392 = tpu.memref_slice %arg7[%dma_start3A_389, %dma_start3A_390, %dma_start3A_391] : memref<8x2x128xi32, #tpu.memory_space<vmem>> -> memref<1x2x128xi32, #tpu.memory_space<vmem>>
        %dma_start3A_393 = arith.constant 0 : i32
        %dma_start3A_394 = arith.constant 0 : i32
        %dma_start3A_395 = tpu.memref_slice %arg2[%add3A_381, %dma_start3A_393, %dma_start3A_394] : memref<5120x2x128xi32, #tpu.memory_space<hbm>> -> memref<1x2x128xi32, #tpu.memory_space<hbm>>
        tpu.enqueue_dma source(%dma_start3A_395 : memref<1x2x128xi32, #tpu.memory_space<hbm>>) target(%dma_start3A_392 : memref<1x2x128xi32, #tpu.memory_space<vmem>>) target_semaphore(%arg22 : memref<!tpu.dma_semaphore, #tpu.memory_space<semaphore_mem>>)
      } else {
      }
      %add3A_188 = arith.constant 2 : i32
      %add3A_189 = arith.addi %add3A_160, %add3A_188 : i32
      %lt3A_190 = arith.cmpi slt, %add3A_189, %select_n3A_3 : i32
      %convert_element_type3A_191 = arith.extui %lt3A_190 : i1 to i32
      %cond3A_192 = arith.constant 0 : i32
      %cond3A_193 = arith.cmpi ne, %convert_element_type3A_191, %cond3A_192 : i32
      scf.if %cond3A_193 {
        %ge3A_379 = arith.constant 2 : i32
        %ge3A_380 = arith.cmpi sge, %add3A_160, %ge3A_379 : i32
        %convert_element_type3A_381 = arith.extui %ge3A_380 : i1 to i32
        %cond3A_382 = arith.constant 0 : i32
        %cond3A_383 = arith.cmpi ne, %convert_element_type3A_381, %cond3A_382 : i32
        scf.if %cond3A_383 {
          %dma_wait3A_397 = arith.constant 0 : i32
          %dma_wait3A_398 = arith.constant 0 : i32
          %dma_wait3A_399 = arith.constant 0 : i32
          %dma_wait3A_400 = tpu.memref_slice %arg7[%dma_wait3A_397, %dma_wait3A_398, %dma_wait3A_399] : memref<8x2x128xi32, #tpu.memory_space<vmem>> -> memref<1x1x128xi32, #tpu.memory_space<vmem>>
          %dma_wait3A_401 = tpu.memref_squeeze %dma_wait3A_400 : memref<1x1x128xi32, #tpu.memory_space<vmem>> -> memref<128xi32, #tpu.memory_space<vmem>>
          %dma_wait3A_402 = arith.constant 0 : i32
          %dma_wait3A_403 = arith.constant 0 : i32
          %dma_wait3A_404 = tpu.memref_slice %arg3[%dma_wait3A_402, %dma_wait3A_403] : memref<10000x32xf32, #tpu.memory_space<hbm>> -> memref<10000x32xf32, #tpu.memory_space<hbm>>
          tpu.wait_indirect_dma semaphore(%arg16 : memref<!tpu.dma_semaphore, #tpu.memory_space<semaphore_mem>>) src(%dma_wait3A_404 : memref<10000x32xf32, #tpu.memory_space<hbm>>) dst(%arg8 : memref<128x32xf32, #tpu.memory_space<vmem>>)
        } else {
        }
        %ge3A_384 = arith.constant 8 : i32
        %ge3A_385 = arith.cmpi sge, %add3A_189, %ge3A_384 : i32
        %convert_element_type3A_386 = arith.extui %ge3A_385 : i1 to i32
        %cond3A_387 = arith.constant 0 : i32
        %cond3A_388 = arith.cmpi ne, %convert_element_type3A_386, %cond3A_387 : i32
        scf.if %cond3A_388 {
          %dma_wait3A_397 = arith.constant 4 : i32
          %dma_wait3A_398 = arith.constant 0 : i32
          %dma_wait3A_399 = arith.constant 0 : i32
          %dma_wait3A_400 = tpu.memref_slice %arg7[%dma_wait3A_397, %dma_wait3A_398, %dma_wait3A_399] : memref<8x2x128xi32, #tpu.memory_space<vmem>> -> memref<1x2x128xi32, #tpu.memory_space<vmem>>
          %dma_wait3A_401 = arith.constant 0 : i32
          %dma_wait3A_402 = arith.constant 0 : i32
          %dma_wait3A_403 = tpu.memref_slice %arg2[%multiple_of3A, %dma_wait3A_401, %dma_wait3A_402] : memref<5120x2x128xi32, #tpu.memory_space<hbm>> -> memref<1x2x128xi32, #tpu.memory_space<hbm>>
          %dma_wait3A_404 = arith.constant 4 : i32
          %dma_wait3A_405 = arith.constant 0 : i32
          %dma_wait3A_406 = arith.constant 0 : i32
          %dma_wait3A_407 = tpu.memref_slice %arg7[%dma_wait3A_404, %dma_wait3A_405, %dma_wait3A_406] : memref<8x2x128xi32, #tpu.memory_space<vmem>> -> memref<1x2x128xi32, #tpu.memory_space<vmem>>
          %dma_wait3A_408 = arith.constant 0 : i32
          %dma_wait3A_409 = arith.constant 0 : i32
          %dma_wait3A_410 = tpu.memref_slice %arg2[%multiple_of3A, %dma_wait3A_408, %dma_wait3A_409] : memref<5120x2x128xi32, #tpu.memory_space<hbm>> -> memref<1x2x128xi32, #tpu.memory_space<hbm>>
          tpu.wait_dma2 semaphore(%arg20 : memref<!tpu.dma_semaphore, #tpu.memory_space<semaphore_mem>>) src(%dma_wait3A_410 : memref<1x2x128xi32, #tpu.memory_space<hbm>>) dst(%dma_wait3A_407 : memref<1x2x128xi32, #tpu.memory_space<vmem>>)
        } else {
        }
        %dma_start3A_389 = arith.constant 4 : i32
        %dma_start3A_390 = arith.constant 0 : i32
        %dma_start3A_391 = arith.constant 0 : i32
        %dma_start3A_392 = tpu.memref_slice %arg7[%dma_start3A_389, %dma_start3A_390, %dma_start3A_391] : memref<8x2x128xi32, #tpu.memory_space<vmem>> -> memref<1x1x128xi32, #tpu.memory_space<vmem>>
        %dma_start3A_393 = tpu.memref_squeeze %dma_start3A_392 : memref<1x1x128xi32, #tpu.memory_space<vmem>> -> memref<128xi32, #tpu.memory_space<vmem>>
        %dma_start3A_394 = arith.constant 0 : i32
        %dma_start3A_395 = arith.constant 0 : i32
        %dma_start3A_396 = tpu.memref_slice %arg3[%dma_start3A_394, %dma_start3A_395] : memref<10000x32xf32, #tpu.memory_space<hbm>> -> memref<10000x32xf32, #tpu.memory_space<hbm>>
        tpu.enqueue_indirect_dma source(%dma_start3A_396 : memref<10000x32xf32, #tpu.memory_space<hbm>>) target(%arg8 : memref<128x32xf32, #tpu.memory_space<vmem>>) offsets(%dma_start3A_393 : memref<128xi32, #tpu.memory_space<vmem>>) semaphore(%arg12 : memref<!tpu.dma_semaphore, #tpu.memory_space<semaphore_mem>>)
      } else {
      }
      %mul3A_194 = arith.constant 8 : i32
      %mul3A_195 = arith.muli %while3A_86, %mul3A_194 : i32
      %add3A_196 = arith.constant 3 : i32
      %add3A_197 = arith.addi %mul3A_195, %add3A_196 : i32
      %dma_wait3A_198 = arith.constant 0 : i32
      %dma_wait3A_199 = arith.constant 0 : i32
      %dma_wait3A_200 = arith.constant 0 : i32
      %dma_wait3A_201 = tpu.memref_slice %arg7[%dma_wait3A_198, %dma_wait3A_199, %dma_wait3A_200] : memref<8x2x128xi32, #tpu.memory_space<vmem>> -> memref<1x1x128xi32, #tpu.memory_space<vmem>>
      %dma_wait3A_202 = tpu.memref_squeeze %dma_wait3A_201 : memref<1x1x128xi32, #tpu.memory_space<vmem>> -> memref<128xi32, #tpu.memory_space<vmem>>
      %dma_wait3A_203 = arith.constant 0 : i32
      %dma_wait3A_204 = arith.constant 0 : i32
      %dma_wait3A_205 = tpu.memref_slice %arg3[%dma_wait3A_203, %dma_wait3A_204] : memref<10000x32xf32, #tpu.memory_space<hbm>> -> memref<10000x32xf32, #tpu.memory_space<hbm>>
      tpu.wait_indirect_dma semaphore(%arg15 : memref<!tpu.dma_semaphore, #tpu.memory_space<semaphore_mem>>) src(%dma_wait3A_205 : memref<10000x32xf32, #tpu.memory_space<hbm>>) dst(%arg11 : memref<128x32xf32, #tpu.memory_space<vmem>>)
      %dma_start3A_206 = arith.constant 3 : i32
      %dma_start3A_207 = arith.constant 1 : i32
      %dma_start3A_208 = arith.constant 0 : i32
      %dma_start3A_209 = tpu.memref_slice %arg7[%dma_start3A_206, %dma_start3A_207, %dma_start3A_208] : memref<8x2x128xi32, #tpu.memory_space<vmem>> -> memref<1x1x128xi32, #tpu.memory_space<vmem>>
      %dma_start3A_210 = tpu.memref_squeeze %dma_start3A_209 : memref<1x1x128xi32, #tpu.memory_space<vmem>> -> memref<128xi32, #tpu.memory_space<vmem>>
      %dma_start3A_211 = arith.constant 0 : i32
      %dma_start3A_212 = arith.constant 0 : i32
      %dma_start3A_213 = tpu.memref_slice %arg6[%dma_start3A_211, %dma_start3A_212] : memref<10240x32xf32, #tpu.memory_space<vmem_shared>> -> memref<10240x32xf32, #tpu.memory_space<vmem_shared>>
      tpu.enqueue_indirect_dma source(%arg11 : memref<128x32xf32, #tpu.memory_space<vmem>>) target(%dma_start3A_213 : memref<10240x32xf32, #tpu.memory_space<vmem_shared>>) offsets(%dma_start3A_210 : memref<128xi32, #tpu.memory_space<vmem>>) semaphore(%arg19 : memref<!tpu.dma_semaphore, #tpu.memory_space<semaphore_mem>>) {add = true}
      %add3A_214 = arith.constant 4 : i32
      %add3A_215 = arith.addi %add3A_197, %add3A_214 : i32
      %lt3A_216 = arith.cmpi slt, %add3A_215, %select_n3A_3 : i32
      %add3A_217 = arith.constant 4 : i32
      %add3A_218 = arith.addi %add3A_197, %add3A_217 : i32
      %ge3A_219 = arith.constant 8 : i32
      %ge3A_220 = arith.cmpi sge, %add3A_218, %ge3A_219 : i32
      %and3A_221 = arith.andi %lt3A_216, %ge3A_220 : i1
      %convert_element_type3A_222 = arith.extui %and3A_221 : i1 to i32
      %cond3A_223 = arith.constant 0 : i32
      %cond3A_224 = arith.cmpi ne, %convert_element_type3A_222, %cond3A_223 : i32
      scf.if %cond3A_224 {
        %add3A_379 = arith.addi %multiple_of3A, %add3A_197 : i32
        %add3A_380 = arith.constant 4 : i32
        %add3A_381 = arith.addi %add3A_379, %add3A_380 : i32
        %dma_start3A_382 = arith.constant 7 : i32
        %dma_start3A_383 = arith.constant 0 : i32
        %dma_start3A_384 = arith.constant 0 : i32
        %dma_start3A_385 = tpu.memref_slice %arg7[%dma_start3A_382, %dma_start3A_383, %dma_start3A_384] : memref<8x2x128xi32, #tpu.memory_space<vmem>> -> memref<1x2x128xi32, #tpu.memory_space<vmem>>
        %dma_start3A_386 = arith.constant 0 : i32
        %dma_start3A_387 = arith.constant 0 : i32
        %dma_start3A_388 = tpu.memref_slice %arg2[%add3A_381, %dma_start3A_386, %dma_start3A_387] : memref<5120x2x128xi32, #tpu.memory_space<hbm>> -> memref<1x2x128xi32, #tpu.memory_space<hbm>>
        %dma_start3A_389 = arith.constant 7 : i32
        %dma_start3A_390 = arith.constant 0 : i32
        %dma_start3A_391 = arith.constant 0 : i32
        %dma_start3A_392 = tpu.memref_slice %arg7[%dma_start3A_389, %dma_start3A_390, %dma_start3A_391] : memref<8x2x128xi32, #tpu.memory_space<vmem>> -> memref<1x2x128xi32, #tpu.memory_space<vmem>>
        %dma_start3A_393 = arith.constant 0 : i32
        %dma_start3A_394 = arith.constant 0 : i32
        %dma_start3A_395 = tpu.memref_slice %arg2[%add3A_381, %dma_start3A_393, %dma_start3A_394] : memref<5120x2x128xi32, #tpu.memory_space<hbm>> -> memref<1x2x128xi32, #tpu.memory_space<hbm>>
        tpu.enqueue_dma source(%dma_start3A_395 : memref<1x2x128xi32, #tpu.memory_space<hbm>>) target(%dma_start3A_392 : memref<1x2x128xi32, #tpu.memory_space<vmem>>) target_semaphore(%arg23 : memref<!tpu.dma_semaphore, #tpu.memory_space<semaphore_mem>>)
      } else {
      }
      %add3A_225 = arith.constant 2 : i32
      %add3A_226 = arith.addi %add3A_197, %add3A_225 : i32
      %lt3A_227 = arith.cmpi slt, %add3A_226, %select_n3A_3 : i32
      %convert_element_type3A_228 = arith.extui %lt3A_227 : i1 to i32
      %cond3A_229 = arith.constant 0 : i32
      %cond3A_230 = arith.cmpi ne, %convert_element_type3A_228, %cond3A_229 : i32
      scf.if %cond3A_230 {
        %ge3A_379 = arith.constant 2 : i32
        %ge3A_380 = arith.cmpi sge, %add3A_197, %ge3A_379 : i32
        %convert_element_type3A_381 = arith.extui %ge3A_380 : i1 to i32
        %cond3A_382 = arith.constant 0 : i32
        %cond3A_383 = arith.cmpi ne, %convert_element_type3A_381, %cond3A_382 : i32
        scf.if %cond3A_383 {
          %dma_wait3A_397 = arith.constant 0 : i32
          %dma_wait3A_398 = arith.constant 0 : i32
          %dma_wait3A_399 = arith.constant 0 : i32
          %dma_wait3A_400 = tpu.memref_slice %arg7[%dma_wait3A_397, %dma_wait3A_398, %dma_wait3A_399] : memref<8x2x128xi32, #tpu.memory_space<vmem>> -> memref<1x1x128xi32, #tpu.memory_space<vmem>>
          %dma_wait3A_401 = tpu.memref_squeeze %dma_wait3A_400 : memref<1x1x128xi32, #tpu.memory_space<vmem>> -> memref<128xi32, #tpu.memory_space<vmem>>
          %dma_wait3A_402 = arith.constant 0 : i32
          %dma_wait3A_403 = arith.constant 0 : i32
          %dma_wait3A_404 = tpu.memref_slice %arg3[%dma_wait3A_402, %dma_wait3A_403] : memref<10000x32xf32, #tpu.memory_space<hbm>> -> memref<10000x32xf32, #tpu.memory_space<hbm>>
          tpu.wait_indirect_dma semaphore(%arg17 : memref<!tpu.dma_semaphore, #tpu.memory_space<semaphore_mem>>) src(%dma_wait3A_404 : memref<10000x32xf32, #tpu.memory_space<hbm>>) dst(%arg9 : memref<128x32xf32, #tpu.memory_space<vmem>>)
        } else {
        }
        %ge3A_384 = arith.constant 8 : i32
        %ge3A_385 = arith.cmpi sge, %add3A_226, %ge3A_384 : i32
        %convert_element_type3A_386 = arith.extui %ge3A_385 : i1 to i32
        %cond3A_387 = arith.constant 0 : i32
        %cond3A_388 = arith.cmpi ne, %convert_element_type3A_386, %cond3A_387 : i32
        scf.if %cond3A_388 {
          %dma_wait3A_397 = arith.constant 5 : i32
          %dma_wait3A_398 = arith.constant 0 : i32
          %dma_wait3A_399 = arith.constant 0 : i32
          %dma_wait3A_400 = tpu.memref_slice %arg7[%dma_wait3A_397, %dma_wait3A_398, %dma_wait3A_399] : memref<8x2x128xi32, #tpu.memory_space<vmem>> -> memref<1x2x128xi32, #tpu.memory_space<vmem>>
          %dma_wait3A_401 = arith.constant 0 : i32
          %dma_wait3A_402 = arith.constant 0 : i32
          %dma_wait3A_403 = tpu.memref_slice %arg2[%multiple_of3A, %dma_wait3A_401, %dma_wait3A_402] : memref<5120x2x128xi32, #tpu.memory_space<hbm>> -> memref<1x2x128xi32, #tpu.memory_space<hbm>>
          %dma_wait3A_404 = arith.constant 5 : i32
          %dma_wait3A_405 = arith.constant 0 : i32
          %dma_wait3A_406 = arith.constant 0 : i32
          %dma_wait3A_407 = tpu.memref_slice %arg7[%dma_wait3A_404, %dma_wait3A_405, %dma_wait3A_406] : memref<8x2x128xi32, #tpu.memory_space<vmem>> -> memref<1x2x128xi32, #tpu.memory_space<vmem>>
          %dma_wait3A_408 = arith.constant 0 : i32
          %dma_wait3A_409 = arith.constant 0 : i32
          %dma_wait3A_410 = tpu.memref_slice %arg2[%multiple_of3A, %dma_wait3A_408, %dma_wait3A_409] : memref<5120x2x128xi32, #tpu.memory_space<hbm>> -> memref<1x2x128xi32, #tpu.memory_space<hbm>>
          tpu.wait_dma2 semaphore(%arg21 : memref<!tpu.dma_semaphore, #tpu.memory_space<semaphore_mem>>) src(%dma_wait3A_410 : memref<1x2x128xi32, #tpu.memory_space<hbm>>) dst(%dma_wait3A_407 : memref<1x2x128xi32, #tpu.memory_space<vmem>>)
        } else {
        }
        %dma_start3A_389 = arith.constant 5 : i32
        %dma_start3A_390 = arith.constant 0 : i32
        %dma_start3A_391 = arith.constant 0 : i32
        %dma_start3A_392 = tpu.memref_slice %arg7[%dma_start3A_389, %dma_start3A_390, %dma_start3A_391] : memref<8x2x128xi32, #tpu.memory_space<vmem>> -> memref<1x1x128xi32, #tpu.memory_space<vmem>>
        %dma_start3A_393 = tpu.memref_squeeze %dma_start3A_392 : memref<1x1x128xi32, #tpu.memory_space<vmem>> -> memref<128xi32, #tpu.memory_space<vmem>>
        %dma_start3A_394 = arith.constant 0 : i32
        %dma_start3A_395 = arith.constant 0 : i32
        %dma_start3A_396 = tpu.memref_slice %arg3[%dma_start3A_394, %dma_start3A_395] : memref<10000x32xf32, #tpu.memory_space<hbm>> -> memref<10000x32xf32, #tpu.memory_space<hbm>>
        tpu.enqueue_indirect_dma source(%dma_start3A_396 : memref<10000x32xf32, #tpu.memory_space<hbm>>) target(%arg9 : memref<128x32xf32, #tpu.memory_space<vmem>>) offsets(%dma_start3A_393 : memref<128xi32, #tpu.memory_space<vmem>>) semaphore(%arg13 : memref<!tpu.dma_semaphore, #tpu.memory_space<semaphore_mem>>)
      } else {
      }
      %mul3A_231 = arith.constant 8 : i32
      %mul3A_232 = arith.muli %while3A_86, %mul3A_231 : i32
      %add3A_233 = arith.constant 4 : i32
      %add3A_234 = arith.addi %mul3A_232, %add3A_233 : i32
      %dma_wait3A_235 = arith.constant 0 : i32
      %dma_wait3A_236 = arith.constant 0 : i32
      %dma_wait3A_237 = arith.constant 0 : i32
      %dma_wait3A_238 = tpu.memref_slice %arg7[%dma_wait3A_235, %dma_wait3A_236, %dma_wait3A_237] : memref<8x2x128xi32, #tpu.memory_space<vmem>> -> memref<1x1x128xi32, #tpu.memory_space<vmem>>
      %dma_wait3A_239 = tpu.memref_squeeze %dma_wait3A_238 : memref<1x1x128xi32, #tpu.memory_space<vmem>> -> memref<128xi32, #tpu.memory_space<vmem>>
      %dma_wait3A_240 = arith.constant 0 : i32
      %dma_wait3A_241 = arith.constant 0 : i32
      %dma_wait3A_242 = tpu.memref_slice %arg3[%dma_wait3A_240, %dma_wait3A_241] : memref<10000x32xf32, #tpu.memory_space<hbm>> -> memref<10000x32xf32, #tpu.memory_space<hbm>>
      tpu.wait_indirect_dma semaphore(%arg12 : memref<!tpu.dma_semaphore, #tpu.memory_space<semaphore_mem>>) src(%dma_wait3A_242 : memref<10000x32xf32, #tpu.memory_space<hbm>>) dst(%arg8 : memref<128x32xf32, #tpu.memory_space<vmem>>)
      %dma_start3A_243 = arith.constant 4 : i32
      %dma_start3A_244 = arith.constant 1 : i32
      %dma_start3A_245 = arith.constant 0 : i32
      %dma_start3A_246 = tpu.memref_slice %arg7[%dma_start3A_243, %dma_start3A_244, %dma_start3A_245] : memref<8x2x128xi32, #tpu.memory_space<vmem>> -> memref<1x1x128xi32, #tpu.memory_space<vmem>>
      %dma_start3A_247 = tpu.memref_squeeze %dma_start3A_246 : memref<1x1x128xi32, #tpu.memory_space<vmem>> -> memref<128xi32, #tpu.memory_space<vmem>>
      %dma_start3A_248 = arith.constant 0 : i32
      %dma_start3A_249 = arith.constant 0 : i32
      %dma_start3A_250 = tpu.memref_slice %arg6[%dma_start3A_248, %dma_start3A_249] : memref<10240x32xf32, #tpu.memory_space<vmem_shared>> -> memref<10240x32xf32, #tpu.memory_space<vmem_shared>>
      tpu.enqueue_indirect_dma source(%arg8 : memref<128x32xf32, #tpu.memory_space<vmem>>) target(%dma_start3A_250 : memref<10240x32xf32, #tpu.memory_space<vmem_shared>>) offsets(%dma_start3A_247 : memref<128xi32, #tpu.memory_space<vmem>>) semaphore(%arg16 : memref<!tpu.dma_semaphore, #tpu.memory_space<semaphore_mem>>) {add = true}
      %add3A_251 = arith.constant 4 : i32
      %add3A_252 = arith.addi %add3A_234, %add3A_251 : i32
      %lt3A_253 = arith.cmpi slt, %add3A_252, %select_n3A_3 : i32
      %add3A_254 = arith.constant 4 : i32
      %add3A_255 = arith.addi %add3A_234, %add3A_254 : i32
      %ge3A_256 = arith.constant 8 : i32
      %ge3A_257 = arith.cmpi sge, %add3A_255, %ge3A_256 : i32
      %and3A_258 = arith.andi %lt3A_253, %ge3A_257 : i1
      %convert_element_type3A_259 = arith.extui %and3A_258 : i1 to i32
      %cond3A_260 = arith.constant 0 : i32
      %cond3A_261 = arith.cmpi ne, %convert_element_type3A_259, %cond3A_260 : i32
      scf.if %cond3A_261 {
        %add3A_379 = arith.addi %multiple_of3A, %add3A_234 : i32
        %add3A_380 = arith.constant 4 : i32
        %add3A_381 = arith.addi %add3A_379, %add3A_380 : i32
        %dma_start3A_382 = arith.constant 0 : i32
        %dma_start3A_383 = arith.constant 0 : i32
        %dma_start3A_384 = arith.constant 0 : i32
        %dma_start3A_385 = tpu.memref_slice %arg7[%dma_start3A_382, %dma_start3A_383, %dma_start3A_384] : memref<8x2x128xi32, #tpu.memory_space<vmem>> -> memref<1x2x128xi32, #tpu.memory_space<vmem>>
        %dma_start3A_386 = arith.constant 0 : i32
        %dma_start3A_387 = arith.constant 0 : i32
        %dma_start3A_388 = tpu.memref_slice %arg2[%add3A_381, %dma_start3A_386, %dma_start3A_387] : memref<5120x2x128xi32, #tpu.memory_space<hbm>> -> memref<1x2x128xi32, #tpu.memory_space<hbm>>
        %dma_start3A_389 = arith.constant 0 : i32
        %dma_start3A_390 = arith.constant 0 : i32
        %dma_start3A_391 = arith.constant 0 : i32
        %dma_start3A_392 = tpu.memref_slice %arg7[%dma_start3A_389, %dma_start3A_390, %dma_start3A_391] : memref<8x2x128xi32, #tpu.memory_space<vmem>> -> memref<1x2x128xi32, #tpu.memory_space<vmem>>
        %dma_start3A_393 = arith.constant 0 : i32
        %dma_start3A_394 = arith.constant 0 : i32
        %dma_start3A_395 = tpu.memref_slice %arg2[%add3A_381, %dma_start3A_393, %dma_start3A_394] : memref<5120x2x128xi32, #tpu.memory_space<hbm>> -> memref<1x2x128xi32, #tpu.memory_space<hbm>>
        tpu.enqueue_dma source(%dma_start3A_395 : memref<1x2x128xi32, #tpu.memory_space<hbm>>) target(%dma_start3A_392 : memref<1x2x128xi32, #tpu.memory_space<vmem>>) target_semaphore(%arg20 : memref<!tpu.dma_semaphore, #tpu.memory_space<semaphore_mem>>)
      } else {
      }
      %add3A_262 = arith.constant 2 : i32
      %add3A_263 = arith.addi %add3A_234, %add3A_262 : i32
      %lt3A_264 = arith.cmpi slt, %add3A_263, %select_n3A_3 : i32
      %convert_element_type3A_265 = arith.extui %lt3A_264 : i1 to i32
      %cond3A_266 = arith.constant 0 : i32
      %cond3A_267 = arith.cmpi ne, %convert_element_type3A_265, %cond3A_266 : i32
      scf.if %cond3A_267 {
        %ge3A_379 = arith.constant 2 : i32
        %ge3A_380 = arith.cmpi sge, %add3A_234, %ge3A_379 : i32
        %convert_element_type3A_381 = arith.extui %ge3A_380 : i1 to i32
        %cond3A_382 = arith.constant 0 : i32
        %cond3A_383 = arith.cmpi ne, %convert_element_type3A_381, %cond3A_382 : i32
        scf.if %cond3A_383 {
          %dma_wait3A_397 = arith.constant 0 : i32
          %dma_wait3A_398 = arith.constant 0 : i32
          %dma_wait3A_399 = arith.constant 0 : i32
          %dma_wait3A_400 = tpu.memref_slice %arg7[%dma_wait3A_397, %dma_wait3A_398, %dma_wait3A_399] : memref<8x2x128xi32, #tpu.memory_space<vmem>> -> memref<1x1x128xi32, #tpu.memory_space<vmem>>
          %dma_wait3A_401 = tpu.memref_squeeze %dma_wait3A_400 : memref<1x1x128xi32, #tpu.memory_space<vmem>> -> memref<128xi32, #tpu.memory_space<vmem>>
          %dma_wait3A_402 = arith.constant 0 : i32
          %dma_wait3A_403 = arith.constant 0 : i32
          %dma_wait3A_404 = tpu.memref_slice %arg3[%dma_wait3A_402, %dma_wait3A_403] : memref<10000x32xf32, #tpu.memory_space<hbm>> -> memref<10000x32xf32, #tpu.memory_space<hbm>>
          tpu.wait_indirect_dma semaphore(%arg18 : memref<!tpu.dma_semaphore, #tpu.memory_space<semaphore_mem>>) src(%dma_wait3A_404 : memref<10000x32xf32, #tpu.memory_space<hbm>>) dst(%arg10 : memref<128x32xf32, #tpu.memory_space<vmem>>)
        } else {
        }
        %ge3A_384 = arith.constant 8 : i32
        %ge3A_385 = arith.cmpi sge, %add3A_263, %ge3A_384 : i32
        %convert_element_type3A_386 = arith.extui %ge3A_385 : i1 to i32
        %cond3A_387 = arith.constant 0 : i32
        %cond3A_388 = arith.cmpi ne, %convert_element_type3A_386, %cond3A_387 : i32
        scf.if %cond3A_388 {
          %dma_wait3A_397 = arith.constant 6 : i32
          %dma_wait3A_398 = arith.constant 0 : i32
          %dma_wait3A_399 = arith.constant 0 : i32
          %dma_wait3A_400 = tpu.memref_slice %arg7[%dma_wait3A_397, %dma_wait3A_398, %dma_wait3A_399] : memref<8x2x128xi32, #tpu.memory_space<vmem>> -> memref<1x2x128xi32, #tpu.memory_space<vmem>>
          %dma_wait3A_401 = arith.constant 0 : i32
          %dma_wait3A_402 = arith.constant 0 : i32
          %dma_wait3A_403 = tpu.memref_slice %arg2[%multiple_of3A, %dma_wait3A_401, %dma_wait3A_402] : memref<5120x2x128xi32, #tpu.memory_space<hbm>> -> memref<1x2x128xi32, #tpu.memory_space<hbm>>
          %dma_wait3A_404 = arith.constant 6 : i32
          %dma_wait3A_405 = arith.constant 0 : i32
          %dma_wait3A_406 = arith.constant 0 : i32
          %dma_wait3A_407 = tpu.memref_slice %arg7[%dma_wait3A_404, %dma_wait3A_405, %dma_wait3A_406] : memref<8x2x128xi32, #tpu.memory_space<vmem>> -> memref<1x2x128xi32, #tpu.memory_space<vmem>>
          %dma_wait3A_408 = arith.constant 0 : i32
          %dma_wait3A_409 = arith.constant 0 : i32
          %dma_wait3A_410 = tpu.memref_slice %arg2[%multiple_of3A, %dma_wait3A_408, %dma_wait3A_409] : memref<5120x2x128xi32, #tpu.memory_space<hbm>> -> memref<1x2x128xi32, #tpu.memory_space<hbm>>
          tpu.wait_dma2 semaphore(%arg22 : memref<!tpu.dma_semaphore, #tpu.memory_space<semaphore_mem>>) src(%dma_wait3A_410 : memref<1x2x128xi32, #tpu.memory_space<hbm>>) dst(%dma_wait3A_407 : memref<1x2x128xi32, #tpu.memory_space<vmem>>)
        } else {
        }
        %dma_start3A_389 = arith.constant 6 : i32
        %dma_start3A_390 = arith.constant 0 : i32
        %dma_start3A_391 = arith.constant 0 : i32
        %dma_start3A_392 = tpu.memref_slice %arg7[%dma_start3A_389, %dma_start3A_390, %dma_start3A_391] : memref<8x2x128xi32, #tpu.memory_space<vmem>> -> memref<1x1x128xi32, #tpu.memory_space<vmem>>
        %dma_start3A_393 = tpu.memref_squeeze %dma_start3A_392 : memref<1x1x128xi32, #tpu.memory_space<vmem>> -> memref<128xi32, #tpu.memory_space<vmem>>
        %dma_start3A_394 = arith.constant 0 : i32
        %dma_start3A_395 = arith.constant 0 : i32
        %dma_start3A_396 = tpu.memref_slice %arg3[%dma_start3A_394, %dma_start3A_395] : memref<10000x32xf32, #tpu.memory_space<hbm>> -> memref<10000x32xf32, #tpu.memory_space<hbm>>
        tpu.enqueue_indirect_dma source(%dma_start3A_396 : memref<10000x32xf32, #tpu.memory_space<hbm>>) target(%arg10 : memref<128x32xf32, #tpu.memory_space<vmem>>) offsets(%dma_start3A_393 : memref<128xi32, #tpu.memory_space<vmem>>) semaphore(%arg14 : memref<!tpu.dma_semaphore, #tpu.memory_space<semaphore_mem>>)
      } else {
      }
      %mul3A_268 = arith.constant 8 : i32
      %mul3A_269 = arith.muli %while3A_86, %mul3A_268 : i32
      %add3A_270 = arith.constant 5 : i32
      %add3A_271 = arith.addi %mul3A_269, %add3A_270 : i32
      %dma_wait3A_272 = arith.constant 0 : i32
      %dma_wait3A_273 = arith.constant 0 : i32
      %dma_wait3A_274 = arith.constant 0 : i32
      %dma_wait3A_275 = tpu.memref_slice %arg7[%dma_wait3A_272, %dma_wait3A_273, %dma_wait3A_274] : memref<8x2x128xi32, #tpu.memory_space<vmem>> -> memref<1x1x128xi32, #tpu.memory_space<vmem>>
      %dma_wait3A_276 = tpu.memref_squeeze %dma_wait3A_275 : memref<1x1x128xi32, #tpu.memory_space<vmem>> -> memref<128xi32, #tpu.memory_space<vmem>>
      %dma_wait3A_277 = arith.constant 0 : i32
      %dma_wait3A_278 = arith.constant 0 : i32
      %dma_wait3A_279 = tpu.memref_slice %arg3[%dma_wait3A_277, %dma_wait3A_278] : memref<10000x32xf32, #tpu.memory_space<hbm>> -> memref<10000x32xf32, #tpu.memory_space<hbm>>
      tpu.wait_indirect_dma semaphore(%arg13 : memref<!tpu.dma_semaphore, #tpu.memory_space<semaphore_mem>>) src(%dma_wait3A_279 : memref<10000x32xf32, #tpu.memory_space<hbm>>) dst(%arg9 : memref<128x32xf32, #tpu.memory_space<vmem>>)
      %dma_start3A_280 = arith.constant 5 : i32
      %dma_start3A_281 = arith.constant 1 : i32
      %dma_start3A_282 = arith.constant 0 : i32
      %dma_start3A_283 = tpu.memref_slice %arg7[%dma_start3A_280, %dma_start3A_281, %dma_start3A_282] : memref<8x2x128xi32, #tpu.memory_space<vmem>> -> memref<1x1x128xi32, #tpu.memory_space<vmem>>
      %dma_start3A_284 = tpu.memref_squeeze %dma_start3A_283 : memref<1x1x128xi32, #tpu.memory_space<vmem>> -> memref<128xi32, #tpu.memory_space<vmem>>
      %dma_start3A_285 = arith.constant 0 : i32
      %dma_start3A_286 = arith.constant 0 : i32
      %dma_start3A_287 = tpu.memref_slice %arg6[%dma_start3A_285, %dma_start3A_286] : memref<10240x32xf32, #tpu.memory_space<vmem_shared>> -> memref<10240x32xf32, #tpu.memory_space<vmem_shared>>
      tpu.enqueue_indirect_dma source(%arg9 : memref<128x32xf32, #tpu.memory_space<vmem>>) target(%dma_start3A_287 : memref<10240x32xf32, #tpu.memory_space<vmem_shared>>) offsets(%dma_start3A_284 : memref<128xi32, #tpu.memory_space<vmem>>) semaphore(%arg17 : memref<!tpu.dma_semaphore, #tpu.memory_space<semaphore_mem>>) {add = true}
      %add3A_288 = arith.constant 4 : i32
      %add3A_289 = arith.addi %add3A_271, %add3A_288 : i32
      %lt3A_290 = arith.cmpi slt, %add3A_289, %select_n3A_3 : i32
      %add3A_291 = arith.constant 4 : i32
      %add3A_292 = arith.addi %add3A_271, %add3A_291 : i32
      %ge3A_293 = arith.constant 8 : i32
      %ge3A_294 = arith.cmpi sge, %add3A_292, %ge3A_293 : i32
      %and3A_295 = arith.andi %lt3A_290, %ge3A_294 : i1
      %convert_element_type3A_296 = arith.extui %and3A_295 : i1 to i32
      %cond3A_297 = arith.constant 0 : i32
      %cond3A_298 = arith.cmpi ne, %convert_element_type3A_296, %cond3A_297 : i32
      scf.if %cond3A_298 {
        %add3A_379 = arith.addi %multiple_of3A, %add3A_271 : i32
        %add3A_380 = arith.constant 4 : i32
        %add3A_381 = arith.addi %add3A_379, %add3A_380 : i32
        %dma_start3A_382 = arith.constant 1 : i32
        %dma_start3A_383 = arith.constant 0 : i32
        %dma_start3A_384 = arith.constant 0 : i32
        %dma_start3A_385 = tpu.memref_slice %arg7[%dma_start3A_382, %dma_start3A_383, %dma_start3A_384] : memref<8x2x128xi32, #tpu.memory_space<vmem>> -> memref<1x2x128xi32, #tpu.memory_space<vmem>>
        %dma_start3A_386 = arith.constant 0 : i32
        %dma_start3A_387 = arith.constant 0 : i32
        %dma_start3A_388 = tpu.memref_slice %arg2[%add3A_381, %dma_start3A_386, %dma_start3A_387] : memref<5120x2x128xi32, #tpu.memory_space<hbm>> -> memref<1x2x128xi32, #tpu.memory_space<hbm>>
        %dma_start3A_389 = arith.constant 1 : i32
        %dma_start3A_390 = arith.constant 0 : i32
        %dma_start3A_391 = arith.constant 0 : i32
        %dma_start3A_392 = tpu.memref_slice %arg7[%dma_start3A_389, %dma_start3A_390, %dma_start3A_391] : memref<8x2x128xi32, #tpu.memory_space<vmem>> -> memref<1x2x128xi32, #tpu.memory_space<vmem>>
        %dma_start3A_393 = arith.constant 0 : i32
        %dma_start3A_394 = arith.constant 0 : i32
        %dma_start3A_395 = tpu.memref_slice %arg2[%add3A_381, %dma_start3A_393, %dma_start3A_394] : memref<5120x2x128xi32, #tpu.memory_space<hbm>> -> memref<1x2x128xi32, #tpu.memory_space<hbm>>
        tpu.enqueue_dma source(%dma_start3A_395 : memref<1x2x128xi32, #tpu.memory_space<hbm>>) target(%dma_start3A_392 : memref<1x2x128xi32, #tpu.memory_space<vmem>>) target_semaphore(%arg21 : memref<!tpu.dma_semaphore, #tpu.memory_space<semaphore_mem>>)
      } else {
      }
      %add3A_299 = arith.constant 2 : i32
      %add3A_300 = arith.addi %add3A_271, %add3A_299 : i32
      %lt3A_301 = arith.cmpi slt, %add3A_300, %select_n3A_3 : i32
      %convert_element_type3A_302 = arith.extui %lt3A_301 : i1 to i32
      %cond3A_303 = arith.constant 0 : i32
      %cond3A_304 = arith.cmpi ne, %convert_element_type3A_302, %cond3A_303 : i32
      scf.if %cond3A_304 {
        %ge3A_379 = arith.constant 2 : i32
        %ge3A_380 = arith.cmpi sge, %add3A_271, %ge3A_379 : i32
        %convert_element_type3A_381 = arith.extui %ge3A_380 : i1 to i32
        %cond3A_382 = arith.constant 0 : i32
        %cond3A_383 = arith.cmpi ne, %convert_element_type3A_381, %cond3A_382 : i32
        scf.if %cond3A_383 {
          %dma_wait3A_397 = arith.constant 0 : i32
          %dma_wait3A_398 = arith.constant 0 : i32
          %dma_wait3A_399 = arith.constant 0 : i32
          %dma_wait3A_400 = tpu.memref_slice %arg7[%dma_wait3A_397, %dma_wait3A_398, %dma_wait3A_399] : memref<8x2x128xi32, #tpu.memory_space<vmem>> -> memref<1x1x128xi32, #tpu.memory_space<vmem>>
          %dma_wait3A_401 = tpu.memref_squeeze %dma_wait3A_400 : memref<1x1x128xi32, #tpu.memory_space<vmem>> -> memref<128xi32, #tpu.memory_space<vmem>>
          %dma_wait3A_402 = arith.constant 0 : i32
          %dma_wait3A_403 = arith.constant 0 : i32
          %dma_wait3A_404 = tpu.memref_slice %arg3[%dma_wait3A_402, %dma_wait3A_403] : memref<10000x32xf32, #tpu.memory_space<hbm>> -> memref<10000x32xf32, #tpu.memory_space<hbm>>
          tpu.wait_indirect_dma semaphore(%arg19 : memref<!tpu.dma_semaphore, #tpu.memory_space<semaphore_mem>>) src(%dma_wait3A_404 : memref<10000x32xf32, #tpu.memory_space<hbm>>) dst(%arg11 : memref<128x32xf32, #tpu.memory_space<vmem>>)
        } else {
        }
        %ge3A_384 = arith.constant 8 : i32
        %ge3A_385 = arith.cmpi sge, %add3A_300, %ge3A_384 : i32
        %convert_element_type3A_386 = arith.extui %ge3A_385 : i1 to i32
        %cond3A_387 = arith.constant 0 : i32
        %cond3A_388 = arith.cmpi ne, %convert_element_type3A_386, %cond3A_387 : i32
        scf.if %cond3A_388 {
          %dma_wait3A_397 = arith.constant 7 : i32
          %dma_wait3A_398 = arith.constant 0 : i32
          %dma_wait3A_399 = arith.constant 0 : i32
          %dma_wait3A_400 = tpu.memref_slice %arg7[%dma_wait3A_397, %dma_wait3A_398, %dma_wait3A_399] : memref<8x2x128xi32, #tpu.memory_space<vmem>> -> memref<1x2x128xi32, #tpu.memory_space<vmem>>
          %dma_wait3A_401 = arith.constant 0 : i32
          %dma_wait3A_402 = arith.constant 0 : i32
          %dma_wait3A_403 = tpu.memref_slice %arg2[%multiple_of3A, %dma_wait3A_401, %dma_wait3A_402] : memref<5120x2x128xi32, #tpu.memory_space<hbm>> -> memref<1x2x128xi32, #tpu.memory_space<hbm>>
          %dma_wait3A_404 = arith.constant 7 : i32
          %dma_wait3A_405 = arith.constant 0 : i32
          %dma_wait3A_406 = arith.constant 0 : i32
          %dma_wait3A_407 = tpu.memref_slice %arg7[%dma_wait3A_404, %dma_wait3A_405, %dma_wait3A_406] : memref<8x2x128xi32, #tpu.memory_space<vmem>> -> memref<1x2x128xi32, #tpu.memory_space<vmem>>
          %dma_wait3A_408 = arith.constant 0 : i32
          %dma_wait3A_409 = arith.constant 0 : i32
          %dma_wait3A_410 = tpu.memref_slice %arg2[%multiple_of3A, %dma_wait3A_408, %dma_wait3A_409] : memref<5120x2x128xi32, #tpu.memory_space<hbm>> -> memref<1x2x128xi32, #tpu.memory_space<hbm>>
          tpu.wait_dma2 semaphore(%arg23 : memref<!tpu.dma_semaphore, #tpu.memory_space<semaphore_mem>>) src(%dma_wait3A_410 : memref<1x2x128xi32, #tpu.memory_space<hbm>>) dst(%dma_wait3A_407 : memref<1x2x128xi32, #tpu.memory_space<vmem>>)
        } else {
        }
        %dma_start3A_389 = arith.constant 7 : i32
        %dma_start3A_390 = arith.constant 0 : i32
        %dma_start3A_391 = arith.constant 0 : i32
        %dma_start3A_392 = tpu.memref_slice %arg7[%dma_start3A_389, %dma_start3A_390, %dma_start3A_391] : memref<8x2x128xi32, #tpu.memory_space<vmem>> -> memref<1x1x128xi32, #tpu.memory_space<vmem>>
        %dma_start3A_393 = tpu.memref_squeeze %dma_start3A_392 : memref<1x1x128xi32, #tpu.memory_space<vmem>> -> memref<128xi32, #tpu.memory_space<vmem>>
        %dma_start3A_394 = arith.constant 0 : i32
        %dma_start3A_395 = arith.constant 0 : i32
        %dma_start3A_396 = tpu.memref_slice %arg3[%dma_start3A_394, %dma_start3A_395] : memref<10000x32xf32, #tpu.memory_space<hbm>> -> memref<10000x32xf32, #tpu.memory_space<hbm>>
        tpu.enqueue_indirect_dma source(%dma_start3A_396 : memref<10000x32xf32, #tpu.memory_space<hbm>>) target(%arg11 : memref<128x32xf32, #tpu.memory_space<vmem>>) offsets(%dma_start3A_393 : memref<128xi32, #tpu.memory_space<vmem>>) semaphore(%arg15 : memref<!tpu.dma_semaphore, #tpu.memory_space<semaphore_mem>>)
      } else {
      }
      %mul3A_305 = arith.constant 8 : i32
      %mul3A_306 = arith.muli %while3A_86, %mul3A_305 : i32
      %add3A_307 = arith.constant 6 : i32
      %add3A_308 = arith.addi %mul3A_306, %add3A_307 : i32
      %dma_wait3A_309 = arith.constant 0 : i32
      %dma_wait3A_310 = arith.constant 0 : i32
      %dma_wait3A_311 = arith.constant 0 : i32
      %dma_wait3A_312 = tpu.memref_slice %arg7[%dma_wait3A_309, %dma_wait3A_310, %dma_wait3A_311] : memref<8x2x128xi32, #tpu.memory_space<vmem>> -> memref<1x1x128xi32, #tpu.memory_space<vmem>>
      %dma_wait3A_313 = tpu.memref_squeeze %dma_wait3A_312 : memref<1x1x128xi32, #tpu.memory_space<vmem>> -> memref<128xi32, #tpu.memory_space<vmem>>
      %dma_wait3A_314 = arith.constant 0 : i32
      %dma_wait3A_315 = arith.constant 0 : i32
      %dma_wait3A_316 = tpu.memref_slice %arg3[%dma_wait3A_314, %dma_wait3A_315] : memref<10000x32xf32, #tpu.memory_space<hbm>> -> memref<10000x32xf32, #tpu.memory_space<hbm>>
      tpu.wait_indirect_dma semaphore(%arg14 : memref<!tpu.dma_semaphore, #tpu.memory_space<semaphore_mem>>) src(%dma_wait3A_316 : memref<10000x32xf32, #tpu.memory_space<hbm>>) dst(%arg10 : memref<128x32xf32, #tpu.memory_space<vmem>>)
      %dma_start3A_317 = arith.constant 6 : i32
      %dma_start3A_318 = arith.constant 1 : i32
      %dma_start3A_319 = arith.constant 0 : i32
      %dma_start3A_320 = tpu.memref_slice %arg7[%dma_start3A_317, %dma_start3A_318, %dma_start3A_319] : memref<8x2x128xi32, #tpu.memory_space<vmem>> -> memref<1x1x128xi32, #tpu.memory_space<vmem>>
      %dma_start3A_321 = tpu.memref_squeeze %dma_start3A_320 : memref<1x1x128xi32, #tpu.memory_space<vmem>> -> memref<128xi32, #tpu.memory_space<vmem>>
      %dma_start3A_322 = arith.constant 0 : i32
      %dma_start3A_323 = arith.constant 0 : i32
      %dma_start3A_324 = tpu.memref_slice %arg6[%dma_start3A_322, %dma_start3A_323] : memref<10240x32xf32, #tpu.memory_space<vmem_shared>> -> memref<10240x32xf32, #tpu.memory_space<vmem_shared>>
      tpu.enqueue_indirect_dma source(%arg10 : memref<128x32xf32, #tpu.memory_space<vmem>>) target(%dma_start3A_324 : memref<10240x32xf32, #tpu.memory_space<vmem_shared>>) offsets(%dma_start3A_321 : memref<128xi32, #tpu.memory_space<vmem>>) semaphore(%arg18 : memref<!tpu.dma_semaphore, #tpu.memory_space<semaphore_mem>>) {add = true}
      %add3A_325 = arith.constant 4 : i32
      %add3A_326 = arith.addi %add3A_308, %add3A_325 : i32
      %lt3A_327 = arith.cmpi slt, %add3A_326, %select_n3A_3 : i32
      %add3A_328 = arith.constant 4 : i32
      %add3A_329 = arith.addi %add3A_308, %add3A_328 : i32
      %ge3A_330 = arith.constant 8 : i32
      %ge3A_331 = arith.cmpi sge, %add3A_329, %ge3A_330 : i32
      %and3A_332 = arith.andi %lt3A_327, %ge3A_331 : i1
      %convert_element_type3A_333 = arith.extui %and3A_332 : i1 to i32
      %cond3A_334 = arith.constant 0 : i32
      %cond3A_335 = arith.cmpi ne, %convert_element_type3A_333, %cond3A_334 : i32
      scf.if %cond3A_335 {
        %add3A_379 = arith.addi %multiple_of3A, %add3A_308 : i32
        %add3A_380 = arith.constant 4 : i32
        %add3A_381 = arith.addi %add3A_379, %add3A_380 : i32
        %dma_start3A_382 = arith.constant 2 : i32
        %dma_start3A_383 = arith.constant 0 : i32
        %dma_start3A_384 = arith.constant 0 : i32
        %dma_start3A_385 = tpu.memref_slice %arg7[%dma_start3A_382, %dma_start3A_383, %dma_start3A_384] : memref<8x2x128xi32, #tpu.memory_space<vmem>> -> memref<1x2x128xi32, #tpu.memory_space<vmem>>
        %dma_start3A_386 = arith.constant 0 : i32
        %dma_start3A_387 = arith.constant 0 : i32
        %dma_start3A_388 = tpu.memref_slice %arg2[%add3A_381, %dma_start3A_386, %dma_start3A_387] : memref<5120x2x128xi32, #tpu.memory_space<hbm>> -> memref<1x2x128xi32, #tpu.memory_space<hbm>>
        %dma_start3A_389 = arith.constant 2 : i32
        %dma_start3A_390 = arith.constant 0 : i32
        %dma_start3A_391 = arith.constant 0 : i32
        %dma_start3A_392 = tpu.memref_slice %arg7[%dma_start3A_389, %dma_start3A_390, %dma_start3A_391] : memref<8x2x128xi32, #tpu.memory_space<vmem>> -> memref<1x2x128xi32, #tpu.memory_space<vmem>>
        %dma_start3A_393 = arith.constant 0 : i32
        %dma_start3A_394 = arith.constant 0 : i32
        %dma_start3A_395 = tpu.memref_slice %arg2[%add3A_381, %dma_start3A_393, %dma_start3A_394] : memref<5120x2x128xi32, #tpu.memory_space<hbm>> -> memref<1x2x128xi32, #tpu.memory_space<hbm>>
        tpu.enqueue_dma source(%dma_start3A_395 : memref<1x2x128xi32, #tpu.memory_space<hbm>>) target(%dma_start3A_392 : memref<1x2x128xi32, #tpu.memory_space<vmem>>) target_semaphore(%arg22 : memref<!tpu.dma_semaphore, #tpu.memory_space<semaphore_mem>>)
      } else {
      }
      %add3A_336 = arith.constant 2 : i32
      %add3A_337 = arith.addi %add3A_308, %add3A_336 : i32
      %lt3A_338 = arith.cmpi slt, %add3A_337, %select_n3A_3 : i32
      %convert_element_type3A_339 = arith.extui %lt3A_338 : i1 to i32
      %cond3A_340 = arith.constant 0 : i32
      %cond3A_341 = arith.cmpi ne, %convert_element_type3A_339, %cond3A_340 : i32
      scf.if %cond3A_341 {
        %ge3A_379 = arith.constant 2 : i32
        %ge3A_380 = arith.cmpi sge, %add3A_308, %ge3A_379 : i32
        %convert_element_type3A_381 = arith.extui %ge3A_380 : i1 to i32
        %cond3A_382 = arith.constant 0 : i32
        %cond3A_383 = arith.cmpi ne, %convert_element_type3A_381, %cond3A_382 : i32
        scf.if %cond3A_383 {
          %dma_wait3A_397 = arith.constant 0 : i32
          %dma_wait3A_398 = arith.constant 0 : i32
          %dma_wait3A_399 = arith.constant 0 : i32
          %dma_wait3A_400 = tpu.memref_slice %arg7[%dma_wait3A_397, %dma_wait3A_398, %dma_wait3A_399] : memref<8x2x128xi32, #tpu.memory_space<vmem>> -> memref<1x1x128xi32, #tpu.memory_space<vmem>>
          %dma_wait3A_401 = tpu.memref_squeeze %dma_wait3A_400 : memref<1x1x128xi32, #tpu.memory_space<vmem>> -> memref<128xi32, #tpu.memory_space<vmem>>
          %dma_wait3A_402 = arith.constant 0 : i32
          %dma_wait3A_403 = arith.constant 0 : i32
          %dma_wait3A_404 = tpu.memref_slice %arg3[%dma_wait3A_402, %dma_wait3A_403] : memref<10000x32xf32, #tpu.memory_space<hbm>> -> memref<10000x32xf32, #tpu.memory_space<hbm>>
          tpu.wait_indirect_dma semaphore(%arg16 : memref<!tpu.dma_semaphore, #tpu.memory_space<semaphore_mem>>) src(%dma_wait3A_404 : memref<10000x32xf32, #tpu.memory_space<hbm>>) dst(%arg8 : memref<128x32xf32, #tpu.memory_space<vmem>>)
        } else {
        }
        %ge3A_384 = arith.constant 8 : i32
        %ge3A_385 = arith.cmpi sge, %add3A_337, %ge3A_384 : i32
        %convert_element_type3A_386 = arith.extui %ge3A_385 : i1 to i32
        %cond3A_387 = arith.constant 0 : i32
        %cond3A_388 = arith.cmpi ne, %convert_element_type3A_386, %cond3A_387 : i32
        scf.if %cond3A_388 {
          %dma_wait3A_397 = arith.constant 0 : i32
          %dma_wait3A_398 = arith.constant 0 : i32
          %dma_wait3A_399 = arith.constant 0 : i32
          %dma_wait3A_400 = tpu.memref_slice %arg7[%dma_wait3A_397, %dma_wait3A_398, %dma_wait3A_399] : memref<8x2x128xi32, #tpu.memory_space<vmem>> -> memref<1x2x128xi32, #tpu.memory_space<vmem>>
          %dma_wait3A_401 = arith.constant 0 : i32
          %dma_wait3A_402 = arith.constant 0 : i32
          %dma_wait3A_403 = tpu.memref_slice %arg2[%multiple_of3A, %dma_wait3A_401, %dma_wait3A_402] : memref<5120x2x128xi32, #tpu.memory_space<hbm>> -> memref<1x2x128xi32, #tpu.memory_space<hbm>>
          %dma_wait3A_404 = arith.constant 0 : i32
          %dma_wait3A_405 = arith.constant 0 : i32
          %dma_wait3A_406 = arith.constant 0 : i32
          %dma_wait3A_407 = tpu.memref_slice %arg7[%dma_wait3A_404, %dma_wait3A_405, %dma_wait3A_406] : memref<8x2x128xi32, #tpu.memory_space<vmem>> -> memref<1x2x128xi32, #tpu.memory_space<vmem>>
          %dma_wait3A_408 = arith.constant 0 : i32
          %dma_wait3A_409 = arith.constant 0 : i32
          %dma_wait3A_410 = tpu.memref_slice %arg2[%multiple_of3A, %dma_wait3A_408, %dma_wait3A_409] : memref<5120x2x128xi32, #tpu.memory_space<hbm>> -> memref<1x2x128xi32, #tpu.memory_space<hbm>>
          tpu.wait_dma2 semaphore(%arg20 : memref<!tpu.dma_semaphore, #tpu.memory_space<semaphore_mem>>) src(%dma_wait3A_410 : memref<1x2x128xi32, #tpu.memory_space<hbm>>) dst(%dma_wait3A_407 : memref<1x2x128xi32, #tpu.memory_space<vmem>>)
        } else {
        }
        %dma_start3A_389 = arith.constant 0 : i32
        %dma_start3A_390 = arith.constant 0 : i32
        %dma_start3A_391 = arith.constant 0 : i32
        %dma_start3A_392 = tpu.memref_slice %arg7[%dma_start3A_389, %dma_start3A_390, %dma_start3A_391] : memref<8x2x128xi32, #tpu.memory_space<vmem>> -> memref<1x1x128xi32, #tpu.memory_space<vmem>>
        %dma_start3A_393 = tpu.memref_squeeze %dma_start3A_392 : memref<1x1x128xi32, #tpu.memory_space<vmem>> -> memref<128xi32, #tpu.memory_space<vmem>>
        %dma_start3A_394 = arith.constant 0 : i32
        %dma_start3A_395 = arith.constant 0 : i32
        %dma_start3A_396 = tpu.memref_slice %arg3[%dma_start3A_394, %dma_start3A_395] : memref<10000x32xf32, #tpu.memory_space<hbm>> -> memref<10000x32xf32, #tpu.memory_space<hbm>>
        tpu.enqueue_indirect_dma source(%dma_start3A_396 : memref<10000x32xf32, #tpu.memory_space<hbm>>) target(%arg8 : memref<128x32xf32, #tpu.memory_space<vmem>>) offsets(%dma_start3A_393 : memref<128xi32, #tpu.memory_space<vmem>>) semaphore(%arg12 : memref<!tpu.dma_semaphore, #tpu.memory_space<semaphore_mem>>)
      } else {
      }
      %mul3A_342 = arith.constant 8 : i32
      %mul3A_343 = arith.muli %while3A_86, %mul3A_342 : i32
      %add3A_344 = arith.constant 7 : i32
      %add3A_345 = arith.addi %mul3A_343, %add3A_344 : i32
      %dma_wait3A_346 = arith.constant 0 : i32
      %dma_wait3A_347 = arith.constant 0 : i32
      %dma_wait3A_348 = arith.constant 0 : i32
      %dma_wait3A_349 = tpu.memref_slice %arg7[%dma_wait3A_346, %dma_wait3A_347, %dma_wait3A_348] : memref<8x2x128xi32, #tpu.memory_space<vmem>> -> memref<1x1x128xi32, #tpu.memory_space<vmem>>
      %dma_wait3A_350 = tpu.memref_squeeze %dma_wait3A_349 : memref<1x1x128xi32, #tpu.memory_space<vmem>> -> memref<128xi32, #tpu.memory_space<vmem>>
      %dma_wait3A_351 = arith.constant 0 : i32
      %dma_wait3A_352 = arith.constant 0 : i32
      %dma_wait3A_353 = tpu.memref_slice %arg3[%dma_wait3A_351, %dma_wait3A_352] : memref<10000x32xf32, #tpu.memory_space<hbm>> -> memref<10000x32xf32, #tpu.memory_space<hbm>>
      tpu.wait_indirect_dma semaphore(%arg15 : memref<!tpu.dma_semaphore, #tpu.memory_space<semaphore_mem>>) src(%dma_wait3A_353 : memref<10000x32xf32, #tpu.memory_space<hbm>>) dst(%arg11 : memref<128x32xf32, #tpu.memory_space<vmem>>)
      %dma_start3A_354 = arith.constant 7 : i32
      %dma_start3A_355 = arith.constant 1 : i32
      %dma_start3A_356 = arith.constant 0 : i32
      %dma_start3A_357 = tpu.memref_slice %arg7[%dma_start3A_354, %dma_start3A_355, %dma_start3A_356] : memref<8x2x128xi32, #tpu.memory_space<vmem>> -> memref<1x1x128xi32, #tpu.memory_space<vmem>>
      %dma_start3A_358 = tpu.memref_squeeze %dma_start3A_357 : memref<1x1x128xi32, #tpu.memory_space<vmem>> -> memref<128xi32, #tpu.memory_space<vmem>>
      %dma_start3A_359 = arith.constant 0 : i32
      %dma_start3A_360 = arith.constant 0 : i32
      %dma_start3A_361 = tpu.memref_slice %arg6[%dma_start3A_359, %dma_start3A_360] : memref<10240x32xf32, #tpu.memory_space<vmem_shared>> -> memref<10240x32xf32, #tpu.memory_space<vmem_shared>>
      tpu.enqueue_indirect_dma source(%arg11 : memref<128x32xf32, #tpu.memory_space<vmem>>) target(%dma_start3A_361 : memref<10240x32xf32, #tpu.memory_space<vmem_shared>>) offsets(%dma_start3A_358 : memref<128xi32, #tpu.memory_space<vmem>>) semaphore(%arg19 : memref<!tpu.dma_semaphore, #tpu.memory_space<semaphore_mem>>) {add = true}
      %add3A_362 = arith.constant 4 : i32
      %add3A_363 = arith.addi %add3A_345, %add3A_362 : i32
      %lt3A_364 = arith.cmpi slt, %add3A_363, %select_n3A_3 : i32
      %add3A_365 = arith.constant 4 : i32
      %add3A_366 = arith.addi %add3A_345, %add3A_365 : i32
      %ge3A_367 = arith.constant 8 : i32
      %ge3A_368 = arith.cmpi sge, %add3A_366, %ge3A_367 : i32
      %and3A_369 = arith.andi %lt3A_364, %ge3A_368 : i1
      %convert_element_type3A_370 = arith.extui %and3A_369 : i1 to i32
      %cond3A_371 = arith.constant 0 : i32
      %cond3A_372 = arith.cmpi ne, %convert_element_type3A_370, %cond3A_371 : i32
      scf.if %cond3A_372 {
        %add3A_379 = arith.addi %multiple_of3A, %add3A_345 : i32
        %add3A_380 = arith.constant 4 : i32
        %add3A_381 = arith.addi %add3A_379, %add3A_380 : i32
        %dma_start3A_382 = arith.constant 3 : i32
        %dma_start3A_383 = arith.constant 0 : i32
        %dma_start3A_384 = arith.constant 0 : i32
        %dma_start3A_385 = tpu.memref_slice %arg7[%dma_start3A_382, %dma_start3A_383, %dma_start3A_384] : memref<8x2x128xi32, #tpu.memory_space<vmem>> -> memref<1x2x128xi32, #tpu.memory_space<vmem>>
        %dma_start3A_386 = arith.constant 0 : i32
        %dma_start3A_387 = arith.constant 0 : i32
        %dma_start3A_388 = tpu.memref_slice %arg2[%add3A_381, %dma_start3A_386, %dma_start3A_387] : memref<5120x2x128xi32, #tpu.memory_space<hbm>> -> memref<1x2x128xi32, #tpu.memory_space<hbm>>
        %dma_start3A_389 = arith.constant 3 : i32
        %dma_start3A_390 = arith.constant 0 : i32
        %dma_start3A_391 = arith.constant 0 : i32
        %dma_start3A_392 = tpu.memref_slice %arg7[%dma_start3A_389, %dma_start3A_390, %dma_start3A_391] : memref<8x2x128xi32, #tpu.memory_space<vmem>> -> memref<1x2x128xi32, #tpu.memory_space<vmem>>
        %dma_start3A_393 = arith.constant 0 : i32
        %dma_start3A_394 = arith.constant 0 : i32
        %dma_start3A_395 = tpu.memref_slice %arg2[%add3A_381, %dma_start3A_393, %dma_start3A_394] : memref<5120x2x128xi32, #tpu.memory_space<hbm>> -> memref<1x2x128xi32, #tpu.memory_space<hbm>>
        tpu.enqueue_dma source(%dma_start3A_395 : memref<1x2x128xi32, #tpu.memory_space<hbm>>) target(%dma_start3A_392 : memref<1x2x128xi32, #tpu.memory_space<vmem>>) target_semaphore(%arg23 : memref<!tpu.dma_semaphore, #tpu.memory_space<semaphore_mem>>)
      } else {
      }
      %add3A_373 = arith.constant 2 : i32
      %add3A_374 = arith.addi %add3A_345, %add3A_373 : i32
      %lt3A_375 = arith.cmpi slt, %add3A_374, %select_n3A_3 : i32
      %convert_element_type3A_376 = arith.extui %lt3A_375 : i1 to i32
      %cond3A_377 = arith.constant 0 : i32
      %cond3A_378 = arith.cmpi ne, %convert_element_type3A_376, %cond3A_377 : i32
      scf.if %cond3A_378 {
        %ge3A_379 = arith.constant 2 : i32
        %ge3A_380 = arith.cmpi sge, %add3A_345, %ge3A_379 : i32
        %convert_element_type3A_381 = arith.extui %ge3A_380 : i1 to i32
        %cond3A_382 = arith.constant 0 : i32
        %cond3A_383 = arith.cmpi ne, %convert_element_type3A_381, %cond3A_382 : i32
        scf.if %cond3A_383 {
          %dma_wait3A_397 = arith.constant 0 : i32
          %dma_wait3A_398 = arith.constant 0 : i32
          %dma_wait3A_399 = arith.constant 0 : i32
          %dma_wait3A_400 = tpu.memref_slice %arg7[%dma_wait3A_397, %dma_wait3A_398, %dma_wait3A_399] : memref<8x2x128xi32, #tpu.memory_space<vmem>> -> memref<1x1x128xi32, #tpu.memory_space<vmem>>
          %dma_wait3A_401 = tpu.memref_squeeze %dma_wait3A_400 : memref<1x1x128xi32, #tpu.memory_space<vmem>> -> memref<128xi32, #tpu.memory_space<vmem>>
          %dma_wait3A_402 = arith.constant 0 : i32
          %dma_wait3A_403 = arith.constant 0 : i32
          %dma_wait3A_404 = tpu.memref_slice %arg3[%dma_wait3A_402, %dma_wait3A_403] : memref<10000x32xf32, #tpu.memory_space<hbm>> -> memref<10000x32xf32, #tpu.memory_space<hbm>>
          tpu.wait_indirect_dma semaphore(%arg17 : memref<!tpu.dma_semaphore, #tpu.memory_space<semaphore_mem>>) src(%dma_wait3A_404 : memref<10000x32xf32, #tpu.memory_space<hbm>>) dst(%arg9 : memref<128x32xf32, #tpu.memory_space<vmem>>)
        } else {
        }
        %ge3A_384 = arith.constant 8 : i32
        %ge3A_385 = arith.cmpi sge, %add3A_374, %ge3A_384 : i32
        %convert_element_type3A_386 = arith.extui %ge3A_385 : i1 to i32
        %cond3A_387 = arith.constant 0 : i32
        %cond3A_388 = arith.cmpi ne, %convert_element_type3A_386, %cond3A_387 : i32
        scf.if %cond3A_388 {
          %dma_wait3A_397 = arith.constant 1 : i32
          %dma_wait3A_398 = arith.constant 0 : i32
          %dma_wait3A_399 = arith.constant 0 : i32
          %dma_wait3A_400 = tpu.memref_slice %arg7[%dma_wait3A_397, %dma_wait3A_398, %dma_wait3A_399] : memref<8x2x128xi32, #tpu.memory_space<vmem>> -> memref<1x2x128xi32, #tpu.memory_space<vmem>>
          %dma_wait3A_401 = arith.constant 0 : i32
          %dma_wait3A_402 = arith.constant 0 : i32
          %dma_wait3A_403 = tpu.memref_slice %arg2[%multiple_of3A, %dma_wait3A_401, %dma_wait3A_402] : memref<5120x2x128xi32, #tpu.memory_space<hbm>> -> memref<1x2x128xi32, #tpu.memory_space<hbm>>
          %dma_wait3A_404 = arith.constant 1 : i32
          %dma_wait3A_405 = arith.constant 0 : i32
          %dma_wait3A_406 = arith.constant 0 : i32
          %dma_wait3A_407 = tpu.memref_slice %arg7[%dma_wait3A_404, %dma_wait3A_405, %dma_wait3A_406] : memref<8x2x128xi32, #tpu.memory_space<vmem>> -> memref<1x2x128xi32, #tpu.memory_space<vmem>>
          %dma_wait3A_408 = arith.constant 0 : i32
          %dma_wait3A_409 = arith.constant 0 : i32
          %dma_wait3A_410 = tpu.memref_slice %arg2[%multiple_of3A, %dma_wait3A_408, %dma_wait3A_409] : memref<5120x2x128xi32, #tpu.memory_space<hbm>> -> memref<1x2x128xi32, #tpu.memory_space<hbm>>
          tpu.wait_dma2 semaphore(%arg21 : memref<!tpu.dma_semaphore, #tpu.memory_space<semaphore_mem>>) src(%dma_wait3A_410 : memref<1x2x128xi32, #tpu.memory_space<hbm>>) dst(%dma_wait3A_407 : memref<1x2x128xi32, #tpu.memory_space<vmem>>)
        } else {
        }
        %dma_start3A_389 = arith.constant 1 : i32
        %dma_start3A_390 = arith.constant 0 : i32
        %dma_start3A_391 = arith.constant 0 : i32
        %dma_start3A_392 = tpu.memref_slice %arg7[%dma_start3A_389, %dma_start3A_390, %dma_start3A_391] : memref<8x2x128xi32, #tpu.memory_space<vmem>> -> memref<1x1x128xi32, #tpu.memory_space<vmem>>
        %dma_start3A_393 = tpu.memref_squeeze %dma_start3A_392 : memref<1x1x128xi32, #tpu.memory_space<vmem>> -> memref<128xi32, #tpu.memory_space<vmem>>
        %dma_start3A_394 = arith.constant 0 : i32
        %dma_start3A_395 = arith.constant 0 : i32
        %dma_start3A_396 = tpu.memref_slice %arg3[%dma_start3A_394, %dma_start3A_395] : memref<10000x32xf32, #tpu.memory_space<hbm>> -> memref<10000x32xf32, #tpu.memory_space<hbm>>
        tpu.enqueue_indirect_dma source(%dma_start3A_396 : memref<10000x32xf32, #tpu.memory_space<hbm>>) target(%arg9 : memref<128x32xf32, #tpu.memory_space<vmem>>) offsets(%dma_start3A_393 : memref<128xi32, #tpu.memory_space<vmem>>) semaphore(%arg13 : memref<!tpu.dma_semaphore, #tpu.memory_space<semaphore_mem>>)
      } else {
      }
    }
    %dma_wait3A = arith.constant 0 : i32
    %dma_wait3A_54 = arith.constant 0 : i32
    %dma_wait3A_55 = arith.constant 0 : i32
    %dma_wait3A_56 = tpu.memref_slice %arg7[%dma_wait3A, %dma_wait3A_54, %dma_wait3A_55] : memref<8x2x128xi32, #tpu.memory_space<vmem>> -> memref<1x1x128xi32, #tpu.memory_space<vmem>>
    %dma_wait3A_57 = tpu.memref_squeeze %dma_wait3A_56 : memref<1x1x128xi32, #tpu.memory_space<vmem>> -> memref<128xi32, #tpu.memory_space<vmem>>
    %dma_wait3A_58 = arith.constant 0 : i32
    %dma_wait3A_59 = arith.constant 0 : i32
    %dma_wait3A_60 = tpu.memref_slice %arg3[%dma_wait3A_58, %dma_wait3A_59] : memref<10000x32xf32, #tpu.memory_space<hbm>> -> memref<10000x32xf32, #tpu.memory_space<hbm>>
    tpu.wait_indirect_dma semaphore(%arg16 : memref<!tpu.dma_semaphore, #tpu.memory_space<semaphore_mem>>) src(%dma_wait3A_60 : memref<10000x32xf32, #tpu.memory_space<hbm>>) dst(%arg8 : memref<128x32xf32, #tpu.memory_space<vmem>>)
    %dma_wait3A_61 = arith.constant 0 : i32
    %dma_wait3A_62 = arith.constant 0 : i32
    %dma_wait3A_63 = arith.constant 0 : i32
    %dma_wait3A_64 = tpu.memref_slice %arg7[%dma_wait3A_61, %dma_wait3A_62, %dma_wait3A_63] : memref<8x2x128xi32, #tpu.memory_space<vmem>> -> memref<1x1x128xi32, #tpu.memory_space<vmem>>
    %dma_wait3A_65 = tpu.memref_squeeze %dma_wait3A_64 : memref<1x1x128xi32, #tpu.memory_space<vmem>> -> memref<128xi32, #tpu.memory_space<vmem>>
    %dma_wait3A_66 = arith.constant 0 : i32
    %dma_wait3A_67 = arith.constant 0 : i32
    %dma_wait3A_68 = tpu.memref_slice %arg3[%dma_wait3A_66, %dma_wait3A_67] : memref<10000x32xf32, #tpu.memory_space<hbm>> -> memref<10000x32xf32, #tpu.memory_space<hbm>>
    tpu.wait_indirect_dma semaphore(%arg17 : memref<!tpu.dma_semaphore, #tpu.memory_space<semaphore_mem>>) src(%dma_wait3A_68 : memref<10000x32xf32, #tpu.memory_space<hbm>>) dst(%arg9 : memref<128x32xf32, #tpu.memory_space<vmem>>)
    %dma_wait3A_69 = arith.constant 0 : i32
    %dma_wait3A_70 = arith.constant 0 : i32
    %dma_wait3A_71 = arith.constant 0 : i32
    %dma_wait3A_72 = tpu.memref_slice %arg7[%dma_wait3A_69, %dma_wait3A_70, %dma_wait3A_71] : memref<8x2x128xi32, #tpu.memory_space<vmem>> -> memref<1x1x128xi32, #tpu.memory_space<vmem>>
    %dma_wait3A_73 = tpu.memref_squeeze %dma_wait3A_72 : memref<1x1x128xi32, #tpu.memory_space<vmem>> -> memref<128xi32, #tpu.memory_space<vmem>>
    %dma_wait3A_74 = arith.constant 0 : i32
    %dma_wait3A_75 = arith.constant 0 : i32
    %dma_wait3A_76 = tpu.memref_slice %arg3[%dma_wait3A_74, %dma_wait3A_75] : memref<10000x32xf32, #tpu.memory_space<hbm>> -> memref<10000x32xf32, #tpu.memory_space<hbm>>
    tpu.wait_indirect_dma semaphore(%arg18 : memref<!tpu.dma_semaphore, #tpu.memory_space<semaphore_mem>>) src(%dma_wait3A_76 : memref<10000x32xf32, #tpu.memory_space<hbm>>) dst(%arg10 : memref<128x32xf32, #tpu.memory_space<vmem>>)
    %dma_wait3A_77 = arith.constant 0 : i32
    %dma_wait3A_78 = arith.constant 0 : i32
    %dma_wait3A_79 = arith.constant 0 : i32
    %dma_wait3A_80 = tpu.memref_slice %arg7[%dma_wait3A_77, %dma_wait3A_78, %dma_wait3A_79] : memref<8x2x128xi32, #tpu.memory_space<vmem>> -> memref<1x1x128xi32, #tpu.memory_space<vmem>>
    %dma_wait3A_81 = tpu.memref_squeeze %dma_wait3A_80 : memref<1x1x128xi32, #tpu.memory_space<vmem>> -> memref<128xi32, #tpu.memory_space<vmem>>
    %dma_wait3A_82 = arith.constant 0 : i32
    %dma_wait3A_83 = arith.constant 0 : i32
    %dma_wait3A_84 = tpu.memref_slice %arg3[%dma_wait3A_82, %dma_wait3A_83] : memref<10000x32xf32, #tpu.memory_space<hbm>> -> memref<10000x32xf32, #tpu.memory_space<hbm>>
    tpu.wait_indirect_dma semaphore(%arg19 : memref<!tpu.dma_semaphore, #tpu.memory_space<semaphore_mem>>) src(%dma_wait3A_84 : memref<10000x32xf32, #tpu.memory_space<hbm>>) dst(%arg11 : memref<128x32xf32, #tpu.memory_space<vmem>>)
    %barrier3A_85 = arith.constant 0 : index
    tpu.barrier barrier_id(%barrier3A_85)
    "tpu.region"() ({
      %run_scoped3A = tpu.sem_alloc : memref<!tpu.dma_semaphore, #tpu.memory_space<semaphore_mem>>
      %dma_start3A_86 = arith.constant 0 : i32
      %dma_start3A_87 = tpu.memref_slice %arg5[%arg0, %mul3A_0, %dma_start3A_86] : memref<2x10240x32xf32, #tpu.memory_space<hbm>> -> memref<1x640x32xf32, #tpu.memory_space<hbm>>
      %dma_start3A_88 = tpu.memref_squeeze %dma_start3A_87 : memref<1x640x32xf32, #tpu.memory_space<hbm>> -> memref<640x32xf32, #tpu.memory_space<hbm>>
      %dma_start3A_89 = arith.constant 0 : i32
      %dma_start3A_90 = tpu.memref_slice %arg6[%mul3A_0, %dma_start3A_89] : memref<10240x32xf32, #tpu.memory_space<vmem_shared>> -> memref<640x32xf32, #tpu.memory_space<vmem_shared>>
      tpu.enqueue_dma source(%dma_start3A_90 : memref<640x32xf32, #tpu.memory_space<vmem_shared>>) target(%dma_start3A_88 : memref<640x32xf32, #tpu.memory_space<hbm>>) target_semaphore(%run_scoped3A : memref<!tpu.dma_semaphore, #tpu.memory_space<semaphore_mem>>)
      %dma_wait3A_91 = arith.constant 0 : i32
      %dma_wait3A_92 = tpu.memref_slice %arg5[%arg0, %mul3A_0, %dma_wait3A_91] : memref<2x10240x32xf32, #tpu.memory_space<hbm>> -> memref<1x640x32xf32, #tpu.memory_space<hbm>>
      %dma_wait3A_93 = tpu.memref_squeeze %dma_wait3A_92 : memref<1x640x32xf32, #tpu.memory_space<hbm>> -> memref<640x32xf32, #tpu.memory_space<hbm>>
      %dma_wait3A_94 = arith.constant 0 : i32
      %dma_wait3A_95 = tpu.memref_slice %arg6[%mul3A_0, %dma_wait3A_94] : memref<10240x32xf32, #tpu.memory_space<vmem_shared>> -> memref<640x32xf32, #tpu.memory_space<vmem_shared>>
      tpu.wait_dma2 semaphore(%run_scoped3A : memref<!tpu.dma_semaphore, #tpu.memory_space<semaphore_mem>>) src(%dma_wait3A_95 : memref<640x32xf32, #tpu.memory_space<vmem_shared>>) dst(%dma_wait3A_93 : memref<640x32xf32, #tpu.memory_space<hbm>>)
      tpu.yield
    }) : () -> ()
    return
  }
}

module attributes {stable_mosaic.version = 14 : i64} {
  func.func @_tc_pre_body(%arg0: i32, %arg1: memref<2000x128xf32, #tpu.memory_space<vmem>>, %arg2: memref<128x128xf32, #tpu.memory_space<vmem>>, %arg3: memref<1x128xf32, #tpu.memory_space<vmem>>, %arg4: memref<128x64xf32, #tpu.memory_space<vmem>>, %arg5: memref<128x32xf32, #tpu.memory_space<vmem>>, %arg6: memref<1x32xf32, #tpu.memory_space<vmem>>, %arg7: memref<2000x32xf32, #tpu.memory_space<vmem>>, %arg8: memref<2000x64xf32, #tpu.memory_space<vmem>>, %arg9: memref<2000x32xf32, #tpu.memory_space<vmem>>, %arg10: memref<2000x8xf32, #tpu.memory_space<vmem>>) attributes {dimension_semantics = [#tpu.dimension_semantics<arbitrary>], iteration_bounds = array<i64: 5>, scalar_prefetch = 0 : i64, scratch_operands = 0 : i64, tpu.core_type = #tpu.core_type<tc>, window_params = [{transform_indices = @transform_0, window_bounds = array<i64: 2000, 128>}, {pipeline_mode = #tpu.pipeline_mode<synchronous>, transform_indices = @transform_1, window_bounds = array<i64: 128, 128>}, {pipeline_mode = #tpu.pipeline_mode<synchronous>, transform_indices = @transform_2, window_bounds = array<i64: 1, 128>}, {pipeline_mode = #tpu.pipeline_mode<synchronous>, transform_indices = @transform_3, window_bounds = array<i64: 128, 64>}, {pipeline_mode = #tpu.pipeline_mode<synchronous>, transform_indices = @transform_4, window_bounds = array<i64: 128, 32>}, {pipeline_mode = #tpu.pipeline_mode<synchronous>, transform_indices = @transform_5, window_bounds = array<i64: 1, 32>}, {transform_indices = @transform_6, window_bounds = array<i64: 2000, 32>}, {transform_indices = @transform_7, window_bounds = array<i64: 2000, 64>}, {transform_indices = @transform_8, window_bounds = array<i64: 2000, 32>}, {transform_indices = @transform_9, window_bounds = array<i64: 2000, 8>}]} {
    %get3A = arith.constant 0 : index
    %get3A_0 = arith.constant 0 : index
    %get3A_1 = vector.load %arg7[%get3A, %get3A_0] : memref<2000x32xf32, #tpu.memory_space<vmem>>, vector<2000x32xf32>
    %broadcast_in_dim3A = arith.constant 1.000000e+00 : f32
    %broadcast_in_dim3A_2 = vector.broadcast %broadcast_in_dim3A : f32 to vector<32x1xf32>
    %dot_general3A = arith.constant dense<0.000000e+00> : vector<2000x1xf32>
    %dot_general3A_3 = tpu.matmul %get3A_1, %broadcast_in_dim3A_2, %dot_general3A {dimension_numbers = #tpu.dot_dimension_numbers<[1], [0], [0], [1], [0, 0, 1, 1], [], []>, transpose_lhs_hint = false} : vector<2000x32xf32>, vector<32x1xf32>, vector<2000x1xf32> -> vector<2000x1xf32>
    %add3A = arith.constant 1.000000e+00 : f32
    %add3A_4 = vector.broadcast %add3A : f32 to vector<2000x1xf32>
    %add3A_5 = arith.addf %dot_general3A_3, %add3A_4 : vector<2000x1xf32>
    %gt3A = arith.constant 0.000000e+00 : f32
    %gt3A_6 = vector.broadcast %gt3A : f32 to vector<2000x1xf32>
    %gt3A_7 = arith.cmpf ogt, %add3A_5, %gt3A_6 : vector<2000x1xf32>
    %max3A = arith.constant 9.99999996E-13 : f32
    %max3A_8 = vector.broadcast %max3A : f32 to vector<2000x1xf32>
    %max3A_9 = arith.maximumf %add3A_5, %max3A_8 : vector<2000x1xf32>
    %rsqrt3A = math.rsqrt %max3A_9 : vector<2000x1xf32>
    %jit3A = arith.constant 0.000000e+00 : f32
    %broadcast_in_dim3A_10 = vector.broadcast %jit3A : f32 to vector<2000x1xf32>
    %select_n3A = arith.select %gt3A_7, %rsqrt3A, %broadcast_in_dim3A_10 : vector<2000x1xi1>, vector<2000x1xf32>
    %get3A_11 = arith.constant 0 : index
    %get3A_12 = arith.constant 0 : index
    %get3A_13 = vector.load %arg1[%get3A_11, %get3A_12] : memref<2000x128xf32, #tpu.memory_space<vmem>>, vector<2000x128xf32>
    %get3A_14 = arith.constant 0 : index
    %get3A_15 = arith.constant 0 : index
    %get3A_16 = vector.load %arg2[%get3A_14, %get3A_15] : memref<128x128xf32, #tpu.memory_space<vmem>>, vector<128x128xf32>
    %dot_general3A_17 = arith.constant dense<0.000000e+00> : vector<2000x128xf32>
    %dot_general3A_18 = tpu.matmul %get3A_13, %get3A_16, %dot_general3A_17 {dimension_numbers = #tpu.dot_dimension_numbers<[1], [0], [0], [1], [0, 0, 1, 1], [], []>, transpose_lhs_hint = false} : vector<2000x128xf32>, vector<128x128xf32>, vector<2000x128xf32> -> vector<2000x128xf32>
    %get3A_19 = arith.constant 0 : index
    %get3A_20 = arith.constant 0 : index
    %get3A_21 = vector.load %arg3[%get3A_19, %get3A_20] : memref<1x128xf32, #tpu.memory_space<vmem>>, vector<1x128xf32>
    %add3A_22 = vector.broadcast %get3A_21 : vector<1x128xf32> to vector<2000x128xf32>
    %add3A_23 = arith.addf %dot_general3A_18, %add3A_22 : vector<2000x128xf32>
    %gt3A_24 = arith.constant 0.000000e+00 : f32
    %gt3A_25 = vector.broadcast %gt3A_24 : f32 to vector<2000x128xf32>
    %gt3A_26 = arith.cmpf ogt, %add3A_23, %gt3A_25 : vector<2000x128xf32>
    %exp3A = math.exp %add3A_23 : vector<2000x128xf32>
    %sub3A = arith.constant 1.000000e+00 : f32
    %sub3A_27 = vector.broadcast %sub3A : f32 to vector<2000x128xf32>
    %sub3A_28 = arith.subf %exp3A, %sub3A_27 : vector<2000x128xf32>
    %select_n3A_29 = arith.select %gt3A_26, %add3A_23, %sub3A_28 : vector<2000x128xi1>, vector<2000x128xf32>
    %get3A_30 = arith.constant 0 : index
    %get3A_31 = arith.constant 0 : index
    %get3A_32 = vector.load %arg4[%get3A_30, %get3A_31] : memref<128x64xf32, #tpu.memory_space<vmem>>, vector<128x64xf32>
    %dot_general3A_33 = arith.constant dense<0.000000e+00> : vector<2000x64xf32>
    %dot_general3A_34 = tpu.matmul %select_n3A_29, %get3A_32, %dot_general3A_33 {dimension_numbers = #tpu.dot_dimension_numbers<[1], [0], [0], [1], [0, 0, 1, 1], [], []>, transpose_lhs_hint = false} : vector<2000x128xf32>, vector<128x64xf32>, vector<2000x64xf32> -> vector<2000x64xf32>
    %mul3A = vector.broadcast %select_n3A : vector<2000x1xf32> to vector<2000x64xf32>
    %mul3A_35 = arith.mulf %dot_general3A_34, %mul3A : vector<2000x64xf32>
    %swap3A = arith.constant 0 : index
    %swap3A_36 = arith.constant 0 : index
    %swap3A_37 = vector.load %arg8[%swap3A, %swap3A_36] : memref<2000x64xf32, #tpu.memory_space<vmem>>, vector<2000x64xf32>
    tpu.vector_store %arg8[%swap3A, %swap3A_36], %mul3A_35 {strides = array<i32>} : memref<2000x64xf32, #tpu.memory_space<vmem>>, vector<2000x64xf32>,
    %get3A_38 = arith.constant 0 : index
    %get3A_39 = arith.constant 0 : index
    %get3A_40 = vector.load %arg5[%get3A_38, %get3A_39] : memref<128x32xf32, #tpu.memory_space<vmem>>, vector<128x32xf32>
    %dot_general3A_41 = arith.constant dense<0.000000e+00> : vector<2000x32xf32>
    %dot_general3A_42 = tpu.matmul %select_n3A_29, %get3A_40, %dot_general3A_41 {dimension_numbers = #tpu.dot_dimension_numbers<[1], [0], [0], [1], [0, 0, 1, 1], [], []>, transpose_lhs_hint = false} : vector<2000x128xf32>, vector<128x32xf32>, vector<2000x32xf32> -> vector<2000x32xf32>
    %get3A_43 = arith.constant 0 : index
    %get3A_44 = arith.constant 0 : index
    %get3A_45 = vector.load %arg6[%get3A_43, %get3A_44] : memref<1x32xf32, #tpu.memory_space<vmem>>, vector<1x32xf32>
    %add3A_46 = vector.broadcast %get3A_45 : vector<1x32xf32> to vector<2000x32xf32>
    %add3A_47 = arith.addf %dot_general3A_42, %add3A_46 : vector<2000x32xf32>
    %swap3A_48 = arith.constant 0 : index
    %swap3A_49 = arith.constant 0 : index
    %swap3A_50 = vector.load %arg9[%swap3A_48, %swap3A_49] : memref<2000x32xf32, #tpu.memory_space<vmem>>, vector<2000x32xf32>
    tpu.vector_store %arg9[%swap3A_48, %swap3A_49], %add3A_47 {strides = array<i32>} : memref<2000x32xf32, #tpu.memory_space<vmem>>, vector<2000x32xf32>,
    %broadcast_in_dim3A_51 = vector.shape_cast %select_n3A : vector<2000x1xf32> to vector<2000x1xf32>
    %broadcast_in_dim3A_52 = vector.broadcast %broadcast_in_dim3A_51 : vector<2000x1xf32> to vector<2000x8xf32>
    %swap3A_53 = arith.constant 0 : index
    %swap3A_54 = arith.constant 0 : index
    %swap3A_55 = vector.load %arg10[%swap3A_53, %swap3A_54] : memref<2000x8xf32, #tpu.memory_space<vmem>>, vector<2000x8xf32>
    tpu.vector_store %arg10[%swap3A_53, %swap3A_54], %broadcast_in_dim3A_52 {strides = array<i32>} : memref<2000x8xf32, #tpu.memory_space<vmem>>, vector<2000x8xf32>,
    return
  }
  func.func @transform_0(%arg0: i32) -> (i32, i32) {
    %c0_i32 = arith.constant 0 : i32
    %c0_i32_0 = arith.constant 0 : i32
    return %arg0, %c0_i32 : i32, i32
  }
  func.func @transform_1(%arg0: i32) -> (i32, i32) {
    %c0_i32 = arith.constant 0 : i32
    %c0_i32_0 = arith.constant 0 : i32
    %c0_i32_1 = arith.constant 0 : i32
    return %c0_i32, %c0_i32_0 : i32, i32
  }
  func.func @transform_2(%arg0: i32) -> (i32, i32) {
    %c0_i32 = arith.constant 0 : i32
    %c0_i32_0 = arith.constant 0 : i32
    %c0_i32_1 = arith.constant 0 : i32
    return %c0_i32, %c0_i32_0 : i32, i32
  }
  func.func @transform_3(%arg0: i32) -> (i32, i32) {
    %c0_i32 = arith.constant 0 : i32
    %c0_i32_0 = arith.constant 0 : i32
    %c0_i32_1 = arith.constant 0 : i32
    return %c0_i32, %c0_i32_0 : i32, i32
  }
  func.func @transform_4(%arg0: i32) -> (i32, i32) {
    %c0_i32 = arith.constant 0 : i32
    %c0_i32_0 = arith.constant 0 : i32
    %c0_i32_1 = arith.constant 0 : i32
    return %c0_i32, %c0_i32_0 : i32, i32
  }
  func.func @transform_5(%arg0: i32) -> (i32, i32) {
    %c0_i32 = arith.constant 0 : i32
    %c0_i32_0 = arith.constant 0 : i32
    %c0_i32_1 = arith.constant 0 : i32
    return %c0_i32, %c0_i32_0 : i32, i32
  }
  func.func @transform_6(%arg0: i32) -> (i32, i32) {
    %c0_i32 = arith.constant 0 : i32
    %c0_i32_0 = arith.constant 0 : i32
    return %arg0, %c0_i32 : i32, i32
  }
  func.func @transform_7(%arg0: i32) -> (i32, i32) {
    %c0_i32 = arith.constant 0 : i32
    %c0_i32_0 = arith.constant 0 : i32
    return %arg0, %c0_i32 : i32, i32
  }
  func.func @transform_8(%arg0: i32) -> (i32, i32) {
    %c0_i32 = arith.constant 0 : i32
    %c0_i32_0 = arith.constant 0 : i32
    return %arg0, %c0_i32 : i32, i32
  }
  func.func @transform_9(%arg0: i32) -> (i32, i32) {
    %c0_i32 = arith.constant 0 : i32
    %c0_i32_0 = arith.constant 0 : i32
    return %arg0, %c0_i32 : i32, i32
  }
}

module attributes {stable_mosaic.version = 14 : i64} {
  func.func @_tc_mid_body(%arg0: i32, %arg1: memref<2x2000x64xf32, #tpu.memory_space<vmem>>, %arg2: memref<2000x64xf32, #tpu.memory_space<vmem>>, %arg3: memref<2000x32xf32, #tpu.memory_space<vmem>>, %arg4: memref<2000x8xf32, #tpu.memory_space<vmem>>, %arg5: memref<1x128xf32, #tpu.memory_space<vmem>>, %arg6: memref<128x32xf32, #tpu.memory_space<vmem>>, %arg7: memref<128x32xf32, #tpu.memory_space<vmem>>, %arg8: memref<1x32xf32, #tpu.memory_space<vmem>>, %arg9: memref<2000x32xf32, #tpu.memory_space<vmem>>, %arg10: memref<2000x32xf32, #tpu.memory_space<vmem>>) attributes {dimension_semantics = [#tpu.dimension_semantics<arbitrary>], iteration_bounds = array<i64: 5>, scalar_prefetch = 0 : i64, scratch_operands = 0 : i64, tpu.core_type = #tpu.core_type<tc>, window_params = [{transform_indices = @transform_0, window_bounds = array<i64: 2, 2000, 64>}, {transform_indices = @transform_1, window_bounds = array<i64: 2000, 64>}, {transform_indices = @transform_2, window_bounds = array<i64: 2000, 32>}, {transform_indices = @transform_3, window_bounds = array<i64: 2000, 8>}, {pipeline_mode = #tpu.pipeline_mode<synchronous>, transform_indices = @transform_4, window_bounds = array<i64: 1, 128>}, {pipeline_mode = #tpu.pipeline_mode<synchronous>, transform_indices = @transform_5, window_bounds = array<i64: 128, 32>}, {pipeline_mode = #tpu.pipeline_mode<synchronous>, transform_indices = @transform_6, window_bounds = array<i64: 128, 32>}, {pipeline_mode = #tpu.pipeline_mode<synchronous>, transform_indices = @transform_7, window_bounds = array<i64: 1, 32>}, {transform_indices = @transform_8, window_bounds = array<i64: 2000, 32>}, {transform_indices = @transform_9, window_bounds = array<i64: 2000, 32>}]} {
    %get3A = arith.constant 0 : index
    %get3A_0 = arith.constant 0 : index
    %get3A_1 = vector.load %arg4[%get3A, %get3A_0] : memref<2000x8xf32, #tpu.memory_space<vmem>>, vector<2000x1xf32>
    %get3A_2 = arith.constant 0 : index
    %get3A_3 = arith.constant 0 : index
    %get3A_4 = arith.constant 0 : index
    %get3A_5 = vector.load %arg1[%get3A_2, %get3A_3, %get3A_4] : memref<2x2000x64xf32, #tpu.memory_space<vmem>>, vector<1x2000x64xf32>
    %get3A_6 = vector.shape_cast %get3A_5 : vector<1x2000x64xf32> to vector<2000x64xf32>
    %get3A_7 = arith.constant 1 : index
    %get3A_8 = arith.constant 0 : index
    %get3A_9 = arith.constant 0 : index
    %get3A_10 = vector.load %arg1[%get3A_7, %get3A_8, %get3A_9] : memref<2x2000x64xf32, #tpu.memory_space<vmem>>, vector<1x2000x64xf32>
    %get3A_11 = vector.shape_cast %get3A_10 : vector<1x2000x64xf32> to vector<2000x64xf32>
    %add3A = arith.addf %get3A_6, %get3A_11 : vector<2000x64xf32>
    %get3A_12 = arith.constant 0 : index
    %get3A_13 = arith.constant 0 : index
    %get3A_14 = vector.load %arg2[%get3A_12, %get3A_13] : memref<2000x64xf32, #tpu.memory_space<vmem>>, vector<2000x64xf32>
    %add3A_15 = arith.addf %add3A, %get3A_14 : vector<2000x64xf32>
    %mul3A = vector.broadcast %get3A_1 : vector<2000x1xf32> to vector<2000x64xf32>
    %mul3A_16 = arith.mulf %add3A_15, %mul3A : vector<2000x64xf32>
    %get3A_17 = arith.constant 0 : index
    %get3A_18 = arith.constant 0 : index
    %get3A_19 = vector.load %arg3[%get3A_17, %get3A_18] : memref<2000x32xf32, #tpu.memory_space<vmem>>, vector<2000x32xf32>
    %iota3A = tpu.iota {dimensions = array<i32: 0>} : vector<32x128xi32>
    %iota3A_20 = tpu.iota {dimensions = array<i32: 1>} : vector<32x128xi32>
    %iota3A_21 = tpu.iota {dimensions = array<i32: 0>} : vector<64x128xi32>
    %iota3A_22 = tpu.iota {dimensions = array<i32: 1>} : vector<64x128xi32>
    %jit3A = arith.constant 16 : i32
    %div3A = vector.broadcast %jit3A : i32 to vector<32x128xi32>
    %div3A_23 = arith.divsi %iota3A_20, %div3A : vector<32x128xi32>
    %sign3A = arith.constant 0 : i32
    %sign3A_24 = vector.broadcast %sign3A : i32 to vector<32x128xi32>
    %sign3A_25 = arith.cmpi sgt, %iota3A_20, %sign3A_24 : vector<32x128xi32>
    %sign3A_26 = arith.extui %sign3A_25 : vector<32x128xi1> to vector<32x128xi32>
    %sign3A_27 = arith.constant 0 : i32
    %sign3A_28 = vector.broadcast %sign3A_27 : i32 to vector<32x128xi32>
    %sign3A_29 = arith.cmpi slt, %iota3A_20, %sign3A_28 : vector<32x128xi32>
    %sign3A_30 = arith.extui %sign3A_29 : vector<32x128xi1> to vector<32x128xi32>
    %sign3A_31 = arith.subi %sign3A_26, %sign3A_30 : vector<32x128xi32>
    %sign3A_32 = arith.constant 0 : i32
    %sign3A_33 = arith.cmpi sgt, %jit3A, %sign3A_32 : i32
    %sign3A_34 = arith.extui %sign3A_33 : i1 to i32
    %sign3A_35 = arith.constant 0 : i32
    %sign3A_36 = arith.cmpi slt, %jit3A, %sign3A_35 : i32
    %sign3A_37 = arith.extui %sign3A_36 : i1 to i32
    %sign3A_38 = arith.subi %sign3A_34, %sign3A_37 : i32
    %ne3A = vector.broadcast %sign3A_38 : i32 to vector<32x128xi32>
    %ne3A_39 = arith.cmpi ne, %sign3A_31, %ne3A : vector<32x128xi32>
    %rem3A = vector.broadcast %jit3A : i32 to vector<32x128xi32>
    %rem3A_40 = arith.remsi %iota3A_20, %rem3A : vector<32x128xi32>
    %ne3A_41 = arith.constant 0 : i32
    %ne3A_42 = vector.broadcast %ne3A_41 : i32 to vector<32x128xi32>
    %ne3A_43 = arith.cmpi ne, %rem3A_40, %ne3A_42 : vector<32x128xi32>
    %and3A = arith.andi %ne3A_39, %ne3A_43 : vector<32x128xi1>
    %sub3A = arith.constant 1 : i32
    %sub3A_44 = vector.broadcast %sub3A : i32 to vector<32x128xi32>
    %sub3A_45 = arith.subi %div3A_23, %sub3A_44 : vector<32x128xi32>
    %select_n3A = arith.select %and3A, %sub3A_45, %div3A_23 : vector<32x128xi1>, vector<32x128xi32>
    %mul3A_46 = arith.constant 4 : i32
    %mul3A_47 = vector.broadcast %mul3A_46 : i32 to vector<32x128xi32>
    %mul3A_48 = arith.muli %select_n3A, %mul3A_47 : vector<32x128xi32>
    %add3A_49 = arith.constant 0 : i32
    %add3A_50 = vector.broadcast %add3A_49 : i32 to vector<32x128xi32>
    %add3A_51 = arith.addi %mul3A_48, %add3A_50 : vector<32x128xi32>
    %eq3A = arith.cmpi eq, %add3A_51, %iota3A : vector<32x128xi32>
    %convert_element_type3A = arith.extui %eq3A : vector<32x128xi1> to vector<32x128xi32>
    %convert_element_type3A_52 = arith.sitofp %convert_element_type3A : vector<32x128xi32> to vector<32x128xf32>
    %jit3A_53 = arith.constant 16 : i32
    %eq3A_54 = arith.constant 0 : i32
    %eq3A_55 = arith.cmpi eq, %jit3A_53, %eq3A_54 : i32
    %jit3A_56 = arith.constant 1 : i32
    %select_n3A_57 = arith.select %eq3A_55, %jit3A_56, %jit3A_53 : i32
    %rem3A_58 = vector.broadcast %select_n3A_57 : i32 to vector<64x128xi32>
    %rem3A_59 = arith.remsi %iota3A_22, %rem3A_58 : vector<64x128xi32>
    %ne3A_60 = arith.constant 0 : i32
    %ne3A_61 = vector.broadcast %ne3A_60 : i32 to vector<64x128xi32>
    %ne3A_62 = arith.cmpi ne, %rem3A_59, %ne3A_61 : vector<64x128xi32>
    %lt3A = arith.constant 0 : i32
    %lt3A_63 = vector.broadcast %lt3A : i32 to vector<64x128xi32>
    %lt3A_64 = arith.cmpi slt, %rem3A_59, %lt3A_63 : vector<64x128xi32>
    %lt3A_65 = arith.constant 0 : i32
    %lt3A_66 = arith.cmpi slt, %select_n3A_57, %lt3A_65 : i32
    %ne3A_67 = vector.broadcast %lt3A_66 : i1 to vector<64x128xi1>
    %ne3A_68 = vector.broadcast %ne3A_67 : vector<64x128xi1> to vector<64x128xi1>
    %ne3A_69 = arith.xori %lt3A_64, %ne3A_68 : vector<64x128xi1>
    %and3A_70 = arith.andi %ne3A_69, %ne3A_62 : vector<64x128xi1>
    %add3A_71 = vector.broadcast %select_n3A_57 : i32 to vector<64x128xi32>
    %add3A_72 = arith.addi %rem3A_59, %add3A_71 : vector<64x128xi32>
    %select_n3A_73 = arith.select %and3A_70, %add3A_72, %rem3A_59 : vector<64x128xi1>, vector<64x128xi32>
    %add3A_74 = arith.constant 0 : i32
    %add3A_75 = vector.broadcast %add3A_74 : i32 to vector<64x128xi32>
    %add3A_76 = arith.addi %add3A_75, %select_n3A_73 : vector<64x128xi32>
    %eq3A_77 = arith.cmpi eq, %add3A_76, %iota3A_21 : vector<64x128xi32>
    %convert_element_type3A_78 = arith.extui %eq3A_77 : vector<64x128xi1> to vector<64x128xi32>
    %convert_element_type3A_79 = arith.sitofp %convert_element_type3A_78 : vector<64x128xi32> to vector<64x128xf32>
    %dot_general3A = arith.constant dense<0.000000e+00> : vector<2000x128xf32>
    %dot_general3A_80 = tpu.matmul %get3A_19, %convert_element_type3A_52, %dot_general3A {dimension_numbers = #tpu.dot_dimension_numbers<[1], [0], [0], [1], [0, 0, 1, 1], [], []>, precision = #tpu.contract_precision<fp32>, transpose_lhs_hint = false} : vector<2000x32xf32>, vector<32x128xf32>, vector<2000x128xf32> -> vector<2000x128xf32>
    %dot_general3A_81 = arith.constant dense<0.000000e+00> : vector<2000x128xf32>
    %dot_general3A_82 = tpu.matmul %mul3A_16, %convert_element_type3A_79, %dot_general3A_81 {dimension_numbers = #tpu.dot_dimension_numbers<[1], [0], [0], [1], [0, 0, 1, 1], [], []>, precision = #tpu.contract_precision<fp32>, transpose_lhs_hint = false} : vector<2000x64xf32>, vector<64x128xf32>, vector<2000x128xf32> -> vector<2000x128xf32>
    %mul3A_83 = arith.mulf %dot_general3A_80, %dot_general3A_82 : vector<2000x128xf32>
    %jit3A_84 = arith.constant 16 : i32
    %div3A_85 = vector.broadcast %jit3A_84 : i32 to vector<32x128xi32>
    %div3A_86 = arith.divsi %iota3A_20, %div3A_85 : vector<32x128xi32>
    %sign3A_87 = arith.constant 0 : i32
    %sign3A_88 = vector.broadcast %sign3A_87 : i32 to vector<32x128xi32>
    %sign3A_89 = arith.cmpi sgt, %iota3A_20, %sign3A_88 : vector<32x128xi32>
    %sign3A_90 = arith.extui %sign3A_89 : vector<32x128xi1> to vector<32x128xi32>
    %sign3A_91 = arith.constant 0 : i32
    %sign3A_92 = vector.broadcast %sign3A_91 : i32 to vector<32x128xi32>
    %sign3A_93 = arith.cmpi slt, %iota3A_20, %sign3A_92 : vector<32x128xi32>
    %sign3A_94 = arith.extui %sign3A_93 : vector<32x128xi1> to vector<32x128xi32>
    %sign3A_95 = arith.subi %sign3A_90, %sign3A_94 : vector<32x128xi32>
    %sign3A_96 = arith.constant 0 : i32
    %sign3A_97 = arith.cmpi sgt, %jit3A_84, %sign3A_96 : i32
    %sign3A_98 = arith.extui %sign3A_97 : i1 to i32
    %sign3A_99 = arith.constant 0 : i32
    %sign3A_100 = arith.cmpi slt, %jit3A_84, %sign3A_99 : i32
    %sign3A_101 = arith.extui %sign3A_100 : i1 to i32
    %sign3A_102 = arith.subi %sign3A_98, %sign3A_101 : i32
    %ne3A_103 = vector.broadcast %sign3A_102 : i32 to vector<32x128xi32>
    %ne3A_104 = arith.cmpi ne, %sign3A_95, %ne3A_103 : vector<32x128xi32>
    %rem3A_105 = vector.broadcast %jit3A_84 : i32 to vector<32x128xi32>
    %rem3A_106 = arith.remsi %iota3A_20, %rem3A_105 : vector<32x128xi32>
    %ne3A_107 = arith.constant 0 : i32
    %ne3A_108 = vector.broadcast %ne3A_107 : i32 to vector<32x128xi32>
    %ne3A_109 = arith.cmpi ne, %rem3A_106, %ne3A_108 : vector<32x128xi32>
    %and3A_110 = arith.andi %ne3A_104, %ne3A_109 : vector<32x128xi1>
    %sub3A_111 = arith.constant 1 : i32
    %sub3A_112 = vector.broadcast %sub3A_111 : i32 to vector<32x128xi32>
    %sub3A_113 = arith.subi %div3A_86, %sub3A_112 : vector<32x128xi32>
    %select_n3A_114 = arith.select %and3A_110, %sub3A_113, %div3A_86 : vector<32x128xi1>, vector<32x128xi32>
    %mul3A_115 = arith.constant 4 : i32
    %mul3A_116 = vector.broadcast %mul3A_115 : i32 to vector<32x128xi32>
    %mul3A_117 = arith.muli %select_n3A_114, %mul3A_116 : vector<32x128xi32>
    %add3A_118 = arith.constant 1 : i32
    %add3A_119 = vector.broadcast %add3A_118 : i32 to vector<32x128xi32>
    %add3A_120 = arith.addi %mul3A_117, %add3A_119 : vector<32x128xi32>
    %eq3A_121 = arith.cmpi eq, %add3A_120, %iota3A : vector<32x128xi32>
    %convert_element_type3A_122 = arith.extui %eq3A_121 : vector<32x128xi1> to vector<32x128xi32>
    %convert_element_type3A_123 = arith.sitofp %convert_element_type3A_122 : vector<32x128xi32> to vector<32x128xf32>
    %jit3A_124 = arith.constant 16 : i32
    %eq3A_125 = arith.constant 0 : i32
    %eq3A_126 = arith.cmpi eq, %jit3A_124, %eq3A_125 : i32
    %jit3A_127 = arith.constant 1 : i32
    %select_n3A_128 = arith.select %eq3A_126, %jit3A_127, %jit3A_124 : i32
    %rem3A_129 = vector.broadcast %select_n3A_128 : i32 to vector<64x128xi32>
    %rem3A_130 = arith.remsi %iota3A_22, %rem3A_129 : vector<64x128xi32>
    %ne3A_131 = arith.constant 0 : i32
    %ne3A_132 = vector.broadcast %ne3A_131 : i32 to vector<64x128xi32>
    %ne3A_133 = arith.cmpi ne, %rem3A_130, %ne3A_132 : vector<64x128xi32>
    %lt3A_134 = arith.constant 0 : i32
    %lt3A_135 = vector.broadcast %lt3A_134 : i32 to vector<64x128xi32>
    %lt3A_136 = arith.cmpi slt, %rem3A_130, %lt3A_135 : vector<64x128xi32>
    %lt3A_137 = arith.constant 0 : i32
    %lt3A_138 = arith.cmpi slt, %select_n3A_128, %lt3A_137 : i32
    %ne3A_139 = vector.broadcast %lt3A_138 : i1 to vector<64x128xi1>
    %ne3A_140 = vector.broadcast %ne3A_139 : vector<64x128xi1> to vector<64x128xi1>
    %ne3A_141 = arith.xori %lt3A_136, %ne3A_140 : vector<64x128xi1>
    %and3A_142 = arith.andi %ne3A_141, %ne3A_133 : vector<64x128xi1>
    %add3A_143 = vector.broadcast %select_n3A_128 : i32 to vector<64x128xi32>
    %add3A_144 = arith.addi %rem3A_130, %add3A_143 : vector<64x128xi32>
    %select_n3A_145 = arith.select %and3A_142, %add3A_144, %rem3A_130 : vector<64x128xi1>, vector<64x128xi32>
    %add3A_146 = arith.constant 16 : i32
    %add3A_147 = vector.broadcast %add3A_146 : i32 to vector<64x128xi32>
    %add3A_148 = arith.addi %add3A_147, %select_n3A_145 : vector<64x128xi32>
    %eq3A_149 = arith.cmpi eq, %add3A_148, %iota3A_21 : vector<64x128xi32>
    %convert_element_type3A_150 = arith.extui %eq3A_149 : vector<64x128xi1> to vector<64x128xi32>
    %convert_element_type3A_151 = arith.sitofp %convert_element_type3A_150 : vector<64x128xi32> to vector<64x128xf32>
    %dot_general3A_152 = arith.constant dense<0.000000e+00> : vector<2000x128xf32>
    %dot_general3A_153 = tpu.matmul %get3A_19, %convert_element_type3A_123, %dot_general3A_152 {dimension_numbers = #tpu.dot_dimension_numbers<[1], [0], [0], [1], [0, 0, 1, 1], [], []>, precision = #tpu.contract_precision<fp32>, transpose_lhs_hint = false} : vector<2000x32xf32>, vector<32x128xf32>, vector<2000x128xf32> -> vector<2000x128xf32>
    %dot_general3A_154 = arith.constant dense<0.000000e+00> : vector<2000x128xf32>
    %dot_general3A_155 = tpu.matmul %mul3A_16, %convert_element_type3A_151, %dot_general3A_154 {dimension_numbers = #tpu.dot_dimension_numbers<[1], [0], [0], [1], [0, 0, 1, 1], [], []>, precision = #tpu.contract_precision<fp32>, transpose_lhs_hint = false} : vector<2000x64xf32>, vector<64x128xf32>, vector<2000x128xf32> -> vector<2000x128xf32>
    %mul3A_156 = arith.mulf %dot_general3A_153, %dot_general3A_155 : vector<2000x128xf32>
    %add3A_157 = arith.addf %mul3A_83, %mul3A_156 : vector<2000x128xf32>
    %jit3A_158 = arith.constant 16 : i32
    %div3A_159 = vector.broadcast %jit3A_158 : i32 to vector<32x128xi32>
    %div3A_160 = arith.divsi %iota3A_20, %div3A_159 : vector<32x128xi32>
    %sign3A_161 = arith.constant 0 : i32
    %sign3A_162 = vector.broadcast %sign3A_161 : i32 to vector<32x128xi32>
    %sign3A_163 = arith.cmpi sgt, %iota3A_20, %sign3A_162 : vector<32x128xi32>
    %sign3A_164 = arith.extui %sign3A_163 : vector<32x128xi1> to vector<32x128xi32>
    %sign3A_165 = arith.constant 0 : i32
    %sign3A_166 = vector.broadcast %sign3A_165 : i32 to vector<32x128xi32>
    %sign3A_167 = arith.cmpi slt, %iota3A_20, %sign3A_166 : vector<32x128xi32>
    %sign3A_168 = arith.extui %sign3A_167 : vector<32x128xi1> to vector<32x128xi32>
    %sign3A_169 = arith.subi %sign3A_164, %sign3A_168 : vector<32x128xi32>
    %sign3A_170 = arith.constant 0 : i32
    %sign3A_171 = arith.cmpi sgt, %jit3A_158, %sign3A_170 : i32
    %sign3A_172 = arith.extui %sign3A_171 : i1 to i32
    %sign3A_173 = arith.constant 0 : i32
    %sign3A_174 = arith.cmpi slt, %jit3A_158, %sign3A_173 : i32
    %sign3A_175 = arith.extui %sign3A_174 : i1 to i32
    %sign3A_176 = arith.subi %sign3A_172, %sign3A_175 : i32
    %ne3A_177 = vector.broadcast %sign3A_176 : i32 to vector<32x128xi32>
    %ne3A_178 = arith.cmpi ne, %sign3A_169, %ne3A_177 : vector<32x128xi32>
    %rem3A_179 = vector.broadcast %jit3A_158 : i32 to vector<32x128xi32>
    %rem3A_180 = arith.remsi %iota3A_20, %rem3A_179 : vector<32x128xi32>
    %ne3A_181 = arith.constant 0 : i32
    %ne3A_182 = vector.broadcast %ne3A_181 : i32 to vector<32x128xi32>
    %ne3A_183 = arith.cmpi ne, %rem3A_180, %ne3A_182 : vector<32x128xi32>
    %and3A_184 = arith.andi %ne3A_178, %ne3A_183 : vector<32x128xi1>
    %sub3A_185 = arith.constant 1 : i32
    %sub3A_186 = vector.broadcast %sub3A_185 : i32 to vector<32x128xi32>
    %sub3A_187 = arith.subi %div3A_160, %sub3A_186 : vector<32x128xi32>
    %select_n3A_188 = arith.select %and3A_184, %sub3A_187, %div3A_160 : vector<32x128xi1>, vector<32x128xi32>
    %mul3A_189 = arith.constant 4 : i32
    %mul3A_190 = vector.broadcast %mul3A_189 : i32 to vector<32x128xi32>
    %mul3A_191 = arith.muli %select_n3A_188, %mul3A_190 : vector<32x128xi32>
    %add3A_192 = arith.constant 2 : i32
    %add3A_193 = vector.broadcast %add3A_192 : i32 to vector<32x128xi32>
    %add3A_194 = arith.addi %mul3A_191, %add3A_193 : vector<32x128xi32>
    %eq3A_195 = arith.cmpi eq, %add3A_194, %iota3A : vector<32x128xi32>
    %convert_element_type3A_196 = arith.extui %eq3A_195 : vector<32x128xi1> to vector<32x128xi32>
    %convert_element_type3A_197 = arith.sitofp %convert_element_type3A_196 : vector<32x128xi32> to vector<32x128xf32>
    %jit3A_198 = arith.constant 16 : i32
    %eq3A_199 = arith.constant 0 : i32
    %eq3A_200 = arith.cmpi eq, %jit3A_198, %eq3A_199 : i32
    %jit3A_201 = arith.constant 1 : i32
    %select_n3A_202 = arith.select %eq3A_200, %jit3A_201, %jit3A_198 : i32
    %rem3A_203 = vector.broadcast %select_n3A_202 : i32 to vector<64x128xi32>
    %rem3A_204 = arith.remsi %iota3A_22, %rem3A_203 : vector<64x128xi32>
    %ne3A_205 = arith.constant 0 : i32
    %ne3A_206 = vector.broadcast %ne3A_205 : i32 to vector<64x128xi32>
    %ne3A_207 = arith.cmpi ne, %rem3A_204, %ne3A_206 : vector<64x128xi32>
    %lt3A_208 = arith.constant 0 : i32
    %lt3A_209 = vector.broadcast %lt3A_208 : i32 to vector<64x128xi32>
    %lt3A_210 = arith.cmpi slt, %rem3A_204, %lt3A_209 : vector<64x128xi32>
    %lt3A_211 = arith.constant 0 : i32
    %lt3A_212 = arith.cmpi slt, %select_n3A_202, %lt3A_211 : i32
    %ne3A_213 = vector.broadcast %lt3A_212 : i1 to vector<64x128xi1>
    %ne3A_214 = vector.broadcast %ne3A_213 : vector<64x128xi1> to vector<64x128xi1>
    %ne3A_215 = arith.xori %lt3A_210, %ne3A_214 : vector<64x128xi1>
    %and3A_216 = arith.andi %ne3A_215, %ne3A_207 : vector<64x128xi1>
    %add3A_217 = vector.broadcast %select_n3A_202 : i32 to vector<64x128xi32>
    %add3A_218 = arith.addi %rem3A_204, %add3A_217 : vector<64x128xi32>
    %select_n3A_219 = arith.select %and3A_216, %add3A_218, %rem3A_204 : vector<64x128xi1>, vector<64x128xi32>
    %add3A_220 = arith.constant 32 : i32
    %add3A_221 = vector.broadcast %add3A_220 : i32 to vector<64x128xi32>
    %add3A_222 = arith.addi %add3A_221, %select_n3A_219 : vector<64x128xi32>
    %eq3A_223 = arith.cmpi eq, %add3A_222, %iota3A_21 : vector<64x128xi32>
    %convert_element_type3A_224 = arith.extui %eq3A_223 : vector<64x128xi1> to vector<64x128xi32>
    %convert_element_type3A_225 = arith.sitofp %convert_element_type3A_224 : vector<64x128xi32> to vector<64x128xf32>
    %dot_general3A_226 = arith.constant dense<0.000000e+00> : vector<2000x128xf32>
    %dot_general3A_227 = tpu.matmul %get3A_19, %convert_element_type3A_197, %dot_general3A_226 {dimension_numbers = #tpu.dot_dimension_numbers<[1], [0], [0], [1], [0, 0, 1, 1], [], []>, precision = #tpu.contract_precision<fp32>, transpose_lhs_hint = false} : vector<2000x32xf32>, vector<32x128xf32>, vector<2000x128xf32> -> vector<2000x128xf32>
    %dot_general3A_228 = arith.constant dense<0.000000e+00> : vector<2000x128xf32>
    %dot_general3A_229 = tpu.matmul %mul3A_16, %convert_element_type3A_225, %dot_general3A_228 {dimension_numbers = #tpu.dot_dimension_numbers<[1], [0], [0], [1], [0, 0, 1, 1], [], []>, precision = #tpu.contract_precision<fp32>, transpose_lhs_hint = false} : vector<2000x64xf32>, vector<64x128xf32>, vector<2000x128xf32> -> vector<2000x128xf32>
    %mul3A_230 = arith.mulf %dot_general3A_227, %dot_general3A_229 : vector<2000x128xf32>
    %add3A_231 = arith.addf %add3A_157, %mul3A_230 : vector<2000x128xf32>
    %jit3A_232 = arith.constant 16 : i32
    %div3A_233 = vector.broadcast %jit3A_232 : i32 to vector<32x128xi32>
    %div3A_234 = arith.divsi %iota3A_20, %div3A_233 : vector<32x128xi32>
    %sign3A_235 = arith.constant 0 : i32
    %sign3A_236 = vector.broadcast %sign3A_235 : i32 to vector<32x128xi32>
    %sign3A_237 = arith.cmpi sgt, %iota3A_20, %sign3A_236 : vector<32x128xi32>
    %sign3A_238 = arith.extui %sign3A_237 : vector<32x128xi1> to vector<32x128xi32>
    %sign3A_239 = arith.constant 0 : i32
    %sign3A_240 = vector.broadcast %sign3A_239 : i32 to vector<32x128xi32>
    %sign3A_241 = arith.cmpi slt, %iota3A_20, %sign3A_240 : vector<32x128xi32>
    %sign3A_242 = arith.extui %sign3A_241 : vector<32x128xi1> to vector<32x128xi32>
    %sign3A_243 = arith.subi %sign3A_238, %sign3A_242 : vector<32x128xi32>
    %sign3A_244 = arith.constant 0 : i32
    %sign3A_245 = arith.cmpi sgt, %jit3A_232, %sign3A_244 : i32
    %sign3A_246 = arith.extui %sign3A_245 : i1 to i32
    %sign3A_247 = arith.constant 0 : i32
    %sign3A_248 = arith.cmpi slt, %jit3A_232, %sign3A_247 : i32
    %sign3A_249 = arith.extui %sign3A_248 : i1 to i32
    %sign3A_250 = arith.subi %sign3A_246, %sign3A_249 : i32
    %ne3A_251 = vector.broadcast %sign3A_250 : i32 to vector<32x128xi32>
    %ne3A_252 = arith.cmpi ne, %sign3A_243, %ne3A_251 : vector<32x128xi32>
    %rem3A_253 = vector.broadcast %jit3A_232 : i32 to vector<32x128xi32>
    %rem3A_254 = arith.remsi %iota3A_20, %rem3A_253 : vector<32x128xi32>
    %ne3A_255 = arith.constant 0 : i32
    %ne3A_256 = vector.broadcast %ne3A_255 : i32 to vector<32x128xi32>
    %ne3A_257 = arith.cmpi ne, %rem3A_254, %ne3A_256 : vector<32x128xi32>
    %and3A_258 = arith.andi %ne3A_252, %ne3A_257 : vector<32x128xi1>
    %sub3A_259 = arith.constant 1 : i32
    %sub3A_260 = vector.broadcast %sub3A_259 : i32 to vector<32x128xi32>
    %sub3A_261 = arith.subi %div3A_234, %sub3A_260 : vector<32x128xi32>
    %select_n3A_262 = arith.select %and3A_258, %sub3A_261, %div3A_234 : vector<32x128xi1>, vector<32x128xi32>
    %mul3A_263 = arith.constant 4 : i32
    %mul3A_264 = vector.broadcast %mul3A_263 : i32 to vector<32x128xi32>
    %mul3A_265 = arith.muli %select_n3A_262, %mul3A_264 : vector<32x128xi32>
    %add3A_266 = arith.constant 3 : i32
    %add3A_267 = vector.broadcast %add3A_266 : i32 to vector<32x128xi32>
    %add3A_268 = arith.addi %mul3A_265, %add3A_267 : vector<32x128xi32>
    %eq3A_269 = arith.cmpi eq, %add3A_268, %iota3A : vector<32x128xi32>
    %convert_element_type3A_270 = arith.extui %eq3A_269 : vector<32x128xi1> to vector<32x128xi32>
    %convert_element_type3A_271 = arith.sitofp %convert_element_type3A_270 : vector<32x128xi32> to vector<32x128xf32>
    %jit3A_272 = arith.constant 16 : i32
    %eq3A_273 = arith.constant 0 : i32
    %eq3A_274 = arith.cmpi eq, %jit3A_272, %eq3A_273 : i32
    %jit3A_275 = arith.constant 1 : i32
    %select_n3A_276 = arith.select %eq3A_274, %jit3A_275, %jit3A_272 : i32
    %rem3A_277 = vector.broadcast %select_n3A_276 : i32 to vector<64x128xi32>
    %rem3A_278 = arith.remsi %iota3A_22, %rem3A_277 : vector<64x128xi32>
    %ne3A_279 = arith.constant 0 : i32
    %ne3A_280 = vector.broadcast %ne3A_279 : i32 to vector<64x128xi32>
    %ne3A_281 = arith.cmpi ne, %rem3A_278, %ne3A_280 : vector<64x128xi32>
    %lt3A_282 = arith.constant 0 : i32
    %lt3A_283 = vector.broadcast %lt3A_282 : i32 to vector<64x128xi32>
    %lt3A_284 = arith.cmpi slt, %rem3A_278, %lt3A_283 : vector<64x128xi32>
    %lt3A_285 = arith.constant 0 : i32
    %lt3A_286 = arith.cmpi slt, %select_n3A_276, %lt3A_285 : i32
    %ne3A_287 = vector.broadcast %lt3A_286 : i1 to vector<64x128xi1>
    %ne3A_288 = vector.broadcast %ne3A_287 : vector<64x128xi1> to vector<64x128xi1>
    %ne3A_289 = arith.xori %lt3A_284, %ne3A_288 : vector<64x128xi1>
    %and3A_290 = arith.andi %ne3A_289, %ne3A_281 : vector<64x128xi1>
    %add3A_291 = vector.broadcast %select_n3A_276 : i32 to vector<64x128xi32>
    %add3A_292 = arith.addi %rem3A_278, %add3A_291 : vector<64x128xi32>
    %select_n3A_293 = arith.select %and3A_290, %add3A_292, %rem3A_278 : vector<64x128xi1>, vector<64x128xi32>
    %add3A_294 = arith.constant 48 : i32
    %add3A_295 = vector.broadcast %add3A_294 : i32 to vector<64x128xi32>
    %add3A_296 = arith.addi %add3A_295, %select_n3A_293 : vector<64x128xi32>
    %eq3A_297 = arith.cmpi eq, %add3A_296, %iota3A_21 : vector<64x128xi32>
    %convert_element_type3A_298 = arith.extui %eq3A_297 : vector<64x128xi1> to vector<64x128xi32>
    %convert_element_type3A_299 = arith.sitofp %convert_element_type3A_298 : vector<64x128xi32> to vector<64x128xf32>
    %dot_general3A_300 = arith.constant dense<0.000000e+00> : vector<2000x128xf32>
    %dot_general3A_301 = tpu.matmul %get3A_19, %convert_element_type3A_271, %dot_general3A_300 {dimension_numbers = #tpu.dot_dimension_numbers<[1], [0], [0], [1], [0, 0, 1, 1], [], []>, precision = #tpu.contract_precision<fp32>, transpose_lhs_hint = false} : vector<2000x32xf32>, vector<32x128xf32>, vector<2000x128xf32> -> vector<2000x128xf32>
    %dot_general3A_302 = arith.constant dense<0.000000e+00> : vector<2000x128xf32>
    %dot_general3A_303 = tpu.matmul %mul3A_16, %convert_element_type3A_299, %dot_general3A_302 {dimension_numbers = #tpu.dot_dimension_numbers<[1], [0], [0], [1], [0, 0, 1, 1], [], []>, precision = #tpu.contract_precision<fp32>, transpose_lhs_hint = false} : vector<2000x64xf32>, vector<64x128xf32>, vector<2000x128xf32> -> vector<2000x128xf32>
    %mul3A_304 = arith.mulf %dot_general3A_301, %dot_general3A_303 : vector<2000x128xf32>
    %add3A_305 = arith.addf %add3A_231, %mul3A_304 : vector<2000x128xf32>
    %get3A_306 = arith.constant 0 : index
    %get3A_307 = arith.constant 0 : index
    %get3A_308 = vector.load %arg5[%get3A_306, %get3A_307] : memref<1x128xf32, #tpu.memory_space<vmem>>, vector<1x128xf32>
    %add3A_309 = vector.broadcast %get3A_308 : vector<1x128xf32> to vector<2000x128xf32>
    %add3A_310 = arith.addf %add3A_305, %add3A_309 : vector<2000x128xf32>
    %gt3A = arith.constant 0.000000e+00 : f32
    %gt3A_311 = vector.broadcast %gt3A : f32 to vector<2000x128xf32>
    %gt3A_312 = arith.cmpf ogt, %add3A_310, %gt3A_311 : vector<2000x128xf32>
    %exp3A = math.exp %add3A_310 : vector<2000x128xf32>
    %sub3A_313 = arith.constant 1.000000e+00 : f32
    %sub3A_314 = vector.broadcast %sub3A_313 : f32 to vector<2000x128xf32>
    %sub3A_315 = arith.subf %exp3A, %sub3A_314 : vector<2000x128xf32>
    %select_n3A_316 = arith.select %gt3A_312, %add3A_310, %sub3A_315 : vector<2000x128xi1>, vector<2000x128xf32>
    %get3A_317 = arith.constant 0 : index
    %get3A_318 = arith.constant 0 : index
    %get3A_319 = vector.load %arg6[%get3A_317, %get3A_318] : memref<128x32xf32, #tpu.memory_space<vmem>>, vector<128x32xf32>
    %dot_general3A_320 = arith.constant dense<0.000000e+00> : vector<2000x32xf32>
    %dot_general3A_321 = tpu.matmul %select_n3A_316, %get3A_319, %dot_general3A_320 {dimension_numbers = #tpu.dot_dimension_numbers<[1], [0], [0], [1], [0, 0, 1, 1], [], []>, transpose_lhs_hint = false} : vector<2000x128xf32>, vector<128x32xf32>, vector<2000x32xf32> -> vector<2000x32xf32>
    %mul3A_322 = vector.broadcast %get3A_1 : vector<2000x1xf32> to vector<2000x32xf32>
    %mul3A_323 = arith.mulf %dot_general3A_321, %mul3A_322 : vector<2000x32xf32>
    %swap3A = arith.constant 0 : index
    %swap3A_324 = arith.constant 0 : index
    %swap3A_325 = vector.load %arg9[%swap3A, %swap3A_324] : memref<2000x32xf32, #tpu.memory_space<vmem>>, vector<2000x32xf32>
    tpu.vector_store %arg9[%swap3A, %swap3A_324], %mul3A_323 {strides = array<i32>} : memref<2000x32xf32, #tpu.memory_space<vmem>>, vector<2000x32xf32>,
    %get3A_326 = arith.constant 0 : index
    %get3A_327 = arith.constant 0 : index
    %get3A_328 = vector.load %arg7[%get3A_326, %get3A_327] : memref<128x32xf32, #tpu.memory_space<vmem>>, vector<128x32xf32>
    %dot_general3A_329 = arith.constant dense<0.000000e+00> : vector<2000x32xf32>
    %dot_general3A_330 = tpu.matmul %select_n3A_316, %get3A_328, %dot_general3A_329 {dimension_numbers = #tpu.dot_dimension_numbers<[1], [0], [0], [1], [0, 0, 1, 1], [], []>, transpose_lhs_hint = false} : vector<2000x128xf32>, vector<128x32xf32>, vector<2000x32xf32> -> vector<2000x32xf32>
    %get3A_331 = arith.constant 0 : index
    %get3A_332 = arith.constant 0 : index
    %get3A_333 = vector.load %arg8[%get3A_331, %get3A_332] : memref<1x32xf32, #tpu.memory_space<vmem>>, vector<1x32xf32>
    %add3A_334 = vector.broadcast %get3A_333 : vector<1x32xf32> to vector<2000x32xf32>
    %add3A_335 = arith.addf %dot_general3A_330, %add3A_334 : vector<2000x32xf32>
    %swap3A_336 = arith.constant 0 : index
    %swap3A_337 = arith.constant 0 : index
    %swap3A_338 = vector.load %arg10[%swap3A_336, %swap3A_337] : memref<2000x32xf32, #tpu.memory_space<vmem>>, vector<2000x32xf32>
    tpu.vector_store %arg10[%swap3A_336, %swap3A_337], %add3A_335 {strides = array<i32>} : memref<2000x32xf32, #tpu.memory_space<vmem>>, vector<2000x32xf32>,
    return
  }
  func.func @transform_0(%arg0: i32) -> (i32, i32, i32) {
    %c0_i32 = arith.constant 0 : i32
    %c0_i32_0 = arith.constant 0 : i32
    %c0_i32_1 = arith.constant 0 : i32
    return %c0_i32, %arg0, %c0_i32_0 : i32, i32, i32
  }
  func.func @transform_1(%arg0: i32) -> (i32, i32) {
    %c0_i32 = arith.constant 0 : i32
    %c0_i32_0 = arith.constant 0 : i32
    return %arg0, %c0_i32 : i32, i32
  }
  func.func @transform_2(%arg0: i32) -> (i32, i32) {
    %c0_i32 = arith.constant 0 : i32
    %c0_i32_0 = arith.constant 0 : i32
    return %arg0, %c0_i32 : i32, i32
  }
  func.func @transform_3(%arg0: i32) -> (i32, i32) {
    %c0_i32 = arith.constant 0 : i32
    %c0_i32_0 = arith.constant 0 : i32
    return %arg0, %c0_i32 : i32, i32
  }
  func.func @transform_4(%arg0: i32) -> (i32, i32) {
    %c0_i32 = arith.constant 0 : i32
    %c0_i32_0 = arith.constant 0 : i32
    %c0_i32_1 = arith.constant 0 : i32
    return %c0_i32, %c0_i32_0 : i32, i32
  }
  func.func @transform_5(%arg0: i32) -> (i32, i32) {
    %c0_i32 = arith.constant 0 : i32
    %c0_i32_0 = arith.constant 0 : i32
    %c0_i32_1 = arith.constant 0 : i32
    return %c0_i32, %c0_i32_0 : i32, i32
  }
  func.func @transform_6(%arg0: i32) -> (i32, i32) {
    %c0_i32 = arith.constant 0 : i32
    %c0_i32_0 = arith.constant 0 : i32
    %c0_i32_1 = arith.constant 0 : i32
    return %c0_i32, %c0_i32_0 : i32, i32
  }
  func.func @transform_7(%arg0: i32) -> (i32, i32) {
    %c0_i32 = arith.constant 0 : i32
    %c0_i32_0 = arith.constant 0 : i32
    %c0_i32_1 = arith.constant 0 : i32
    return %c0_i32, %c0_i32_0 : i32, i32
  }
  func.func @transform_8(%arg0: i32) -> (i32, i32) {
    %c0_i32 = arith.constant 0 : i32
    %c0_i32_0 = arith.constant 0 : i32
    return %arg0, %c0_i32 : i32, i32
  }
  func.func @transform_9(%arg0: i32) -> (i32, i32) {
    %c0_i32 = arith.constant 0 : i32
    %c0_i32_0 = arith.constant 0 : i32
    return %arg0, %c0_i32 : i32, i32
  }
}

module attributes {stable_mosaic.version = 14 : i64} {
  func.func @_tc_post_body(%arg0: i32, %arg1: memref<2x2000x32xf32, #tpu.memory_space<vmem>>, %arg2: memref<2000x32xf32, #tpu.memory_space<vmem>>, %arg3: memref<2000x32xf32, #tpu.memory_space<vmem>>, %arg4: memref<2000x8xf32, #tpu.memory_space<vmem>>, %arg5: memref<1x64xf32, #tpu.memory_space<vmem>>, %arg6: memref<50x16xf32, #tpu.memory_space<vmem>>, %arg7: memref<64x1xf32, #tpu.memory_space<vmem>>, %arg8: memref<16x1xf32, #tpu.memory_space<vmem>>, %arg9: memref<1x1xf32, #tpu.memory_space<vmem>>, %arg10: memref<64x32xf32, #tpu.memory_space<vmem>>, %arg11: memref<1x32xf32, #tpu.memory_space<vmem>>, %arg12: memref<64x32xf32, #tpu.memory_space<vmem>>, %arg13: memref<1x32xf32, #tpu.memory_space<vmem>>, %arg14: memref<50x32xf32, #tpu.memory_space<vmem>>, %arg15: memref<50x32xf32, #tpu.memory_space<vmem>>, %arg16: memref<2000x64xf32, #tpu.memory_space<vmem>>, %arg17: memref<50x64xf32, #tpu.memory_space<vmem>>, %arg18: memref<50x64xf32, #tpu.memory_space<vmem>>) attributes {dimension_semantics = [#tpu.dimension_semantics<arbitrary>], iteration_bounds = array<i64: 5>, scalar_prefetch = 0 : i64, scratch_operands = 2 : i64, tpu.core_type = #tpu.core_type<tc>, window_params = [{transform_indices = @transform_0, window_bounds = array<i64: 2, 2000, 32>}, {transform_indices = @transform_1, window_bounds = array<i64: 2000, 32>}, {transform_indices = @transform_2, window_bounds = array<i64: 2000, 32>}, {transform_indices = @transform_3, window_bounds = array<i64: 2000, 8>}, {pipeline_mode = #tpu.pipeline_mode<synchronous>, transform_indices = @transform_4, window_bounds = array<i64: 1, 64>}, {pipeline_mode = #tpu.pipeline_mode<synchronous>, transform_indices = @transform_5, window_bounds = array<i64: 50, 16>}, {pipeline_mode = #tpu.pipeline_mode<synchronous>, transform_indices = @transform_6, window_bounds = array<i64: 64, 1>}, {pipeline_mode = #tpu.pipeline_mode<synchronous>, transform_indices = @transform_7, window_bounds = array<i64: 16, 1>}, {pipeline_mode = #tpu.pipeline_mode<synchronous>, transform_indices = @transform_8, window_bounds = array<i64: 1, 1>}, {pipeline_mode = #tpu.pipeline_mode<synchronous>, transform_indices = @transform_9, window_bounds = array<i64: 64, 32>}, {pipeline_mode = #tpu.pipeline_mode<synchronous>, transform_indices = @transform_10, window_bounds = array<i64: 1, 32>}, {pipeline_mode = #tpu.pipeline_mode<synchronous>, transform_indices = @transform_11, window_bounds = array<i64: 64, 32>}, {pipeline_mode = #tpu.pipeline_mode<synchronous>, transform_indices = @transform_12, window_bounds = array<i64: 1, 32>}, {pipeline_mode = #tpu.pipeline_mode<synchronous>, transform_indices = @transform_13, window_bounds = array<i64: 50, 32>}, {pipeline_mode = #tpu.pipeline_mode<synchronous>, transform_indices = @transform_14, window_bounds = array<i64: 50, 32>}, {transform_indices = @transform_15, window_bounds = array<i64: 2000, 64>}]} {
    %get3A = arith.constant 0 : index
    %get3A_0 = arith.constant 0 : index
    %get3A_1 = vector.load %arg4[%get3A, %get3A_0] : memref<2000x8xf32, #tpu.memory_space<vmem>>, vector<2000x1xf32>
    %get3A_2 = arith.constant 0 : index
    %get3A_3 = arith.constant 0 : index
    %get3A_4 = arith.constant 0 : index
    %get3A_5 = vector.load %arg1[%get3A_2, %get3A_3, %get3A_4] : memref<2x2000x32xf32, #tpu.memory_space<vmem>>, vector<1x2000x32xf32>
    %get3A_6 = vector.shape_cast %get3A_5 : vector<1x2000x32xf32> to vector<2000x32xf32>
    %get3A_7 = arith.constant 1 : index
    %get3A_8 = arith.constant 0 : index
    %get3A_9 = arith.constant 0 : index
    %get3A_10 = vector.load %arg1[%get3A_7, %get3A_8, %get3A_9] : memref<2x2000x32xf32, #tpu.memory_space<vmem>>, vector<1x2000x32xf32>
    %get3A_11 = vector.shape_cast %get3A_10 : vector<1x2000x32xf32> to vector<2000x32xf32>
    %add3A = arith.addf %get3A_6, %get3A_11 : vector<2000x32xf32>
    %get3A_12 = arith.constant 0 : index
    %get3A_13 = arith.constant 0 : index
    %get3A_14 = vector.load %arg2[%get3A_12, %get3A_13] : memref<2000x32xf32, #tpu.memory_space<vmem>>, vector<2000x32xf32>
    %add3A_15 = arith.addf %add3A, %get3A_14 : vector<2000x32xf32>
    %mul3A = vector.broadcast %get3A_1 : vector<2000x1xf32> to vector<2000x32xf32>
    %mul3A_16 = arith.mulf %add3A_15, %mul3A : vector<2000x32xf32>
    %get3A_17 = arith.constant 0 : index
    %get3A_18 = arith.constant 0 : index
    %get3A_19 = vector.load %arg3[%get3A_17, %get3A_18] : memref<2000x32xf32, #tpu.memory_space<vmem>>, vector<2000x32xf32>
    %iota3A = tpu.iota {dimensions = array<i32: 0>} : vector<32x64xi32>
    %iota3A_20 = tpu.iota {dimensions = array<i32: 1>} : vector<32x64xi32>
    %iota3A_21 = tpu.iota {dimensions = array<i32: 0>} : vector<32x64xi32>
    %iota3A_22 = tpu.iota {dimensions = array<i32: 1>} : vector<32x64xi32>
    %jit3A = arith.constant 8 : i32
    %div3A = vector.broadcast %jit3A : i32 to vector<32x64xi32>
    %div3A_23 = arith.divsi %iota3A_20, %div3A : vector<32x64xi32>
    %sign3A = arith.constant 0 : i32
    %sign3A_24 = vector.broadcast %sign3A : i32 to vector<32x64xi32>
    %sign3A_25 = arith.cmpi sgt, %iota3A_20, %sign3A_24 : vector<32x64xi32>
    %sign3A_26 = arith.extui %sign3A_25 : vector<32x64xi1> to vector<32x64xi32>
    %sign3A_27 = arith.constant 0 : i32
    %sign3A_28 = vector.broadcast %sign3A_27 : i32 to vector<32x64xi32>
    %sign3A_29 = arith.cmpi slt, %iota3A_20, %sign3A_28 : vector<32x64xi32>
    %sign3A_30 = arith.extui %sign3A_29 : vector<32x64xi1> to vector<32x64xi32>
    %sign3A_31 = arith.subi %sign3A_26, %sign3A_30 : vector<32x64xi32>
    %sign3A_32 = arith.constant 0 : i32
    %sign3A_33 = arith.cmpi sgt, %jit3A, %sign3A_32 : i32
    %sign3A_34 = arith.extui %sign3A_33 : i1 to i32
    %sign3A_35 = arith.constant 0 : i32
    %sign3A_36 = arith.cmpi slt, %jit3A, %sign3A_35 : i32
    %sign3A_37 = arith.extui %sign3A_36 : i1 to i32
    %sign3A_38 = arith.subi %sign3A_34, %sign3A_37 : i32
    %ne3A = vector.broadcast %sign3A_38 : i32 to vector<32x64xi32>
    %ne3A_39 = arith.cmpi ne, %sign3A_31, %ne3A : vector<32x64xi32>
    %rem3A = vector.broadcast %jit3A : i32 to vector<32x64xi32>
    %rem3A_40 = arith.remsi %iota3A_20, %rem3A : vector<32x64xi32>
    %ne3A_41 = arith.constant 0 : i32
    %ne3A_42 = vector.broadcast %ne3A_41 : i32 to vector<32x64xi32>
    %ne3A_43 = arith.cmpi ne, %rem3A_40, %ne3A_42 : vector<32x64xi32>
    %and3A = arith.andi %ne3A_39, %ne3A_43 : vector<32x64xi1>
    %sub3A = arith.constant 1 : i32
    %sub3A_44 = vector.broadcast %sub3A : i32 to vector<32x64xi32>
    %sub3A_45 = arith.subi %div3A_23, %sub3A_44 : vector<32x64xi32>
    %select_n3A = arith.select %and3A, %sub3A_45, %div3A_23 : vector<32x64xi1>, vector<32x64xi32>
    %mul3A_46 = arith.constant 4 : i32
    %mul3A_47 = vector.broadcast %mul3A_46 : i32 to vector<32x64xi32>
    %mul3A_48 = arith.muli %select_n3A, %mul3A_47 : vector<32x64xi32>
    %add3A_49 = arith.constant 0 : i32
    %add3A_50 = vector.broadcast %add3A_49 : i32 to vector<32x64xi32>
    %add3A_51 = arith.addi %mul3A_48, %add3A_50 : vector<32x64xi32>
    %eq3A = arith.cmpi eq, %add3A_51, %iota3A : vector<32x64xi32>
    %convert_element_type3A = arith.extui %eq3A : vector<32x64xi1> to vector<32x64xi32>
    %convert_element_type3A_52 = arith.sitofp %convert_element_type3A : vector<32x64xi32> to vector<32x64xf32>
    %jit3A_53 = arith.constant 8 : i32
    %eq3A_54 = arith.constant 0 : i32
    %eq3A_55 = arith.cmpi eq, %jit3A_53, %eq3A_54 : i32
    %jit3A_56 = arith.constant 1 : i32
    %select_n3A_57 = arith.select %eq3A_55, %jit3A_56, %jit3A_53 : i32
    %rem3A_58 = vector.broadcast %select_n3A_57 : i32 to vector<32x64xi32>
    %rem3A_59 = arith.remsi %iota3A_22, %rem3A_58 : vector<32x64xi32>
    %ne3A_60 = arith.constant 0 : i32
    %ne3A_61 = vector.broadcast %ne3A_60 : i32 to vector<32x64xi32>
    %ne3A_62 = arith.cmpi ne, %rem3A_59, %ne3A_61 : vector<32x64xi32>
    %lt3A = arith.constant 0 : i32
    %lt3A_63 = vector.broadcast %lt3A : i32 to vector<32x64xi32>
    %lt3A_64 = arith.cmpi slt, %rem3A_59, %lt3A_63 : vector<32x64xi32>
    %lt3A_65 = arith.constant 0 : i32
    %lt3A_66 = arith.cmpi slt, %select_n3A_57, %lt3A_65 : i32
    %ne3A_67 = vector.broadcast %lt3A_66 : i1 to vector<32x64xi1>
    %ne3A_68 = vector.broadcast %ne3A_67 : vector<32x64xi1> to vector<32x64xi1>
    %ne3A_69 = arith.xori %lt3A_64, %ne3A_68 : vector<32x64xi1>
    %and3A_70 = arith.andi %ne3A_69, %ne3A_62 : vector<32x64xi1>
    %add3A_71 = vector.broadcast %select_n3A_57 : i32 to vector<32x64xi32>
    %add3A_72 = arith.addi %rem3A_59, %add3A_71 : vector<32x64xi32>
    %select_n3A_73 = arith.select %and3A_70, %add3A_72, %rem3A_59 : vector<32x64xi1>, vector<32x64xi32>
    %add3A_74 = arith.constant 0 : i32
    %add3A_75 = vector.broadcast %add3A_74 : i32 to vector<32x64xi32>
    %add3A_76 = arith.addi %add3A_75, %select_n3A_73 : vector<32x64xi32>
    %eq3A_77 = arith.cmpi eq, %add3A_76, %iota3A_21 : vector<32x64xi32>
    %convert_element_type3A_78 = arith.extui %eq3A_77 : vector<32x64xi1> to vector<32x64xi32>
    %convert_element_type3A_79 = arith.sitofp %convert_element_type3A_78 : vector<32x64xi32> to vector<32x64xf32>
    %dot_general3A = arith.constant dense<0.000000e+00> : vector<2000x64xf32>
    %dot_general3A_80 = tpu.matmul %get3A_19, %convert_element_type3A_52, %dot_general3A {dimension_numbers = #tpu.dot_dimension_numbers<[1], [0], [0], [1], [0, 0, 1, 1], [], []>, precision = #tpu.contract_precision<fp32>, transpose_lhs_hint = false} : vector<2000x32xf32>, vector<32x64xf32>, vector<2000x64xf32> -> vector<2000x64xf32>
    %dot_general3A_81 = arith.constant dense<0.000000e+00> : vector<2000x64xf32>
    %dot_general3A_82 = tpu.matmul %mul3A_16, %convert_element_type3A_79, %dot_general3A_81 {dimension_numbers = #tpu.dot_dimension_numbers<[1], [0], [0], [1], [0, 0, 1, 1], [], []>, precision = #tpu.contract_precision<fp32>, transpose_lhs_hint = false} : vector<2000x32xf32>, vector<32x64xf32>, vector<2000x64xf32> -> vector<2000x64xf32>
    %mul3A_83 = arith.mulf %dot_general3A_80, %dot_general3A_82 : vector<2000x64xf32>
    %jit3A_84 = arith.constant 8 : i32
    %div3A_85 = vector.broadcast %jit3A_84 : i32 to vector<32x64xi32>
    %div3A_86 = arith.divsi %iota3A_20, %div3A_85 : vector<32x64xi32>
    %sign3A_87 = arith.constant 0 : i32
    %sign3A_88 = vector.broadcast %sign3A_87 : i32 to vector<32x64xi32>
    %sign3A_89 = arith.cmpi sgt, %iota3A_20, %sign3A_88 : vector<32x64xi32>
    %sign3A_90 = arith.extui %sign3A_89 : vector<32x64xi1> to vector<32x64xi32>
    %sign3A_91 = arith.constant 0 : i32
    %sign3A_92 = vector.broadcast %sign3A_91 : i32 to vector<32x64xi32>
    %sign3A_93 = arith.cmpi slt, %iota3A_20, %sign3A_92 : vector<32x64xi32>
    %sign3A_94 = arith.extui %sign3A_93 : vector<32x64xi1> to vector<32x64xi32>
    %sign3A_95 = arith.subi %sign3A_90, %sign3A_94 : vector<32x64xi32>
    %sign3A_96 = arith.constant 0 : i32
    %sign3A_97 = arith.cmpi sgt, %jit3A_84, %sign3A_96 : i32
    %sign3A_98 = arith.extui %sign3A_97 : i1 to i32
    %sign3A_99 = arith.constant 0 : i32
    %sign3A_100 = arith.cmpi slt, %jit3A_84, %sign3A_99 : i32
    %sign3A_101 = arith.extui %sign3A_100 : i1 to i32
    %sign3A_102 = arith.subi %sign3A_98, %sign3A_101 : i32
    %ne3A_103 = vector.broadcast %sign3A_102 : i32 to vector<32x64xi32>
    %ne3A_104 = arith.cmpi ne, %sign3A_95, %ne3A_103 : vector<32x64xi32>
    %rem3A_105 = vector.broadcast %jit3A_84 : i32 to vector<32x64xi32>
    %rem3A_106 = arith.remsi %iota3A_20, %rem3A_105 : vector<32x64xi32>
    %ne3A_107 = arith.constant 0 : i32
    %ne3A_108 = vector.broadcast %ne3A_107 : i32 to vector<32x64xi32>
    %ne3A_109 = arith.cmpi ne, %rem3A_106, %ne3A_108 : vector<32x64xi32>
    %and3A_110 = arith.andi %ne3A_104, %ne3A_109 : vector<32x64xi1>
    %sub3A_111 = arith.constant 1 : i32
    %sub3A_112 = vector.broadcast %sub3A_111 : i32 to vector<32x64xi32>
    %sub3A_113 = arith.subi %div3A_86, %sub3A_112 : vector<32x64xi32>
    %select_n3A_114 = arith.select %and3A_110, %sub3A_113, %div3A_86 : vector<32x64xi1>, vector<32x64xi32>
    %mul3A_115 = arith.constant 4 : i32
    %mul3A_116 = vector.broadcast %mul3A_115 : i32 to vector<32x64xi32>
    %mul3A_117 = arith.muli %select_n3A_114, %mul3A_116 : vector<32x64xi32>
    %add3A_118 = arith.constant 1 : i32
    %add3A_119 = vector.broadcast %add3A_118 : i32 to vector<32x64xi32>
    %add3A_120 = arith.addi %mul3A_117, %add3A_119 : vector<32x64xi32>
    %eq3A_121 = arith.cmpi eq, %add3A_120, %iota3A : vector<32x64xi32>
    %convert_element_type3A_122 = arith.extui %eq3A_121 : vector<32x64xi1> to vector<32x64xi32>
    %convert_element_type3A_123 = arith.sitofp %convert_element_type3A_122 : vector<32x64xi32> to vector<32x64xf32>
    %jit3A_124 = arith.constant 8 : i32
    %eq3A_125 = arith.constant 0 : i32
    %eq3A_126 = arith.cmpi eq, %jit3A_124, %eq3A_125 : i32
    %jit3A_127 = arith.constant 1 : i32
    %select_n3A_128 = arith.select %eq3A_126, %jit3A_127, %jit3A_124 : i32
    %rem3A_129 = vector.broadcast %select_n3A_128 : i32 to vector<32x64xi32>
    %rem3A_130 = arith.remsi %iota3A_22, %rem3A_129 : vector<32x64xi32>
    %ne3A_131 = arith.constant 0 : i32
    %ne3A_132 = vector.broadcast %ne3A_131 : i32 to vector<32x64xi32>
    %ne3A_133 = arith.cmpi ne, %rem3A_130, %ne3A_132 : vector<32x64xi32>
    %lt3A_134 = arith.constant 0 : i32
    %lt3A_135 = vector.broadcast %lt3A_134 : i32 to vector<32x64xi32>
    %lt3A_136 = arith.cmpi slt, %rem3A_130, %lt3A_135 : vector<32x64xi32>
    %lt3A_137 = arith.constant 0 : i32
    %lt3A_138 = arith.cmpi slt, %select_n3A_128, %lt3A_137 : i32
    %ne3A_139 = vector.broadcast %lt3A_138 : i1 to vector<32x64xi1>
    %ne3A_140 = vector.broadcast %ne3A_139 : vector<32x64xi1> to vector<32x64xi1>
    %ne3A_141 = arith.xori %lt3A_136, %ne3A_140 : vector<32x64xi1>
    %and3A_142 = arith.andi %ne3A_141, %ne3A_133 : vector<32x64xi1>
    %add3A_143 = vector.broadcast %select_n3A_128 : i32 to vector<32x64xi32>
    %add3A_144 = arith.addi %rem3A_130, %add3A_143 : vector<32x64xi32>
    %select_n3A_145 = arith.select %and3A_142, %add3A_144, %rem3A_130 : vector<32x64xi1>, vector<32x64xi32>
    %add3A_146 = arith.constant 8 : i32
    %add3A_147 = vector.broadcast %add3A_146 : i32 to vector<32x64xi32>
    %add3A_148 = arith.addi %add3A_147, %select_n3A_145 : vector<32x64xi32>
    %eq3A_149 = arith.cmpi eq, %add3A_148, %iota3A_21 : vector<32x64xi32>
    %convert_element_type3A_150 = arith.extui %eq3A_149 : vector<32x64xi1> to vector<32x64xi32>
    %convert_element_type3A_151 = arith.sitofp %convert_element_type3A_150 : vector<32x64xi32> to vector<32x64xf32>
    %dot_general3A_152 = arith.constant dense<0.000000e+00> : vector<2000x64xf32>
    %dot_general3A_153 = tpu.matmul %get3A_19, %convert_element_type3A_123, %dot_general3A_152 {dimension_numbers = #tpu.dot_dimension_numbers<[1], [0], [0], [1], [0, 0, 1, 1], [], []>, precision = #tpu.contract_precision<fp32>, transpose_lhs_hint = false} : vector<2000x32xf32>, vector<32x64xf32>, vector<2000x64xf32> -> vector<2000x64xf32>
    %dot_general3A_154 = arith.constant dense<0.000000e+00> : vector<2000x64xf32>
    %dot_general3A_155 = tpu.matmul %mul3A_16, %convert_element_type3A_151, %dot_general3A_154 {dimension_numbers = #tpu.dot_dimension_numbers<[1], [0], [0], [1], [0, 0, 1, 1], [], []>, precision = #tpu.contract_precision<fp32>, transpose_lhs_hint = false} : vector<2000x32xf32>, vector<32x64xf32>, vector<2000x64xf32> -> vector<2000x64xf32>
    %mul3A_156 = arith.mulf %dot_general3A_153, %dot_general3A_155 : vector<2000x64xf32>
    %add3A_157 = arith.addf %mul3A_83, %mul3A_156 : vector<2000x64xf32>
    %jit3A_158 = arith.constant 8 : i32
    %div3A_159 = vector.broadcast %jit3A_158 : i32 to vector<32x64xi32>
    %div3A_160 = arith.divsi %iota3A_20, %div3A_159 : vector<32x64xi32>
    %sign3A_161 = arith.constant 0 : i32
    %sign3A_162 = vector.broadcast %sign3A_161 : i32 to vector<32x64xi32>
    %sign3A_163 = arith.cmpi sgt, %iota3A_20, %sign3A_162 : vector<32x64xi32>
    %sign3A_164 = arith.extui %sign3A_163 : vector<32x64xi1> to vector<32x64xi32>
    %sign3A_165 = arith.constant 0 : i32
    %sign3A_166 = vector.broadcast %sign3A_165 : i32 to vector<32x64xi32>
    %sign3A_167 = arith.cmpi slt, %iota3A_20, %sign3A_166 : vector<32x64xi32>
    %sign3A_168 = arith.extui %sign3A_167 : vector<32x64xi1> to vector<32x64xi32>
    %sign3A_169 = arith.subi %sign3A_164, %sign3A_168 : vector<32x64xi32>
    %sign3A_170 = arith.constant 0 : i32
    %sign3A_171 = arith.cmpi sgt, %jit3A_158, %sign3A_170 : i32
    %sign3A_172 = arith.extui %sign3A_171 : i1 to i32
    %sign3A_173 = arith.constant 0 : i32
    %sign3A_174 = arith.cmpi slt, %jit3A_158, %sign3A_173 : i32
    %sign3A_175 = arith.extui %sign3A_174 : i1 to i32
    %sign3A_176 = arith.subi %sign3A_172, %sign3A_175 : i32
    %ne3A_177 = vector.broadcast %sign3A_176 : i32 to vector<32x64xi32>
    %ne3A_178 = arith.cmpi ne, %sign3A_169, %ne3A_177 : vector<32x64xi32>
    %rem3A_179 = vector.broadcast %jit3A_158 : i32 to vector<32x64xi32>
    %rem3A_180 = arith.remsi %iota3A_20, %rem3A_179 : vector<32x64xi32>
    %ne3A_181 = arith.constant 0 : i32
    %ne3A_182 = vector.broadcast %ne3A_181 : i32 to vector<32x64xi32>
    %ne3A_183 = arith.cmpi ne, %rem3A_180, %ne3A_182 : vector<32x64xi32>
    %and3A_184 = arith.andi %ne3A_178, %ne3A_183 : vector<32x64xi1>
    %sub3A_185 = arith.constant 1 : i32
    %sub3A_186 = vector.broadcast %sub3A_185 : i32 to vector<32x64xi32>
    %sub3A_187 = arith.subi %div3A_160, %sub3A_186 : vector<32x64xi32>
    %select_n3A_188 = arith.select %and3A_184, %sub3A_187, %div3A_160 : vector<32x64xi1>, vector<32x64xi32>
    %mul3A_189 = arith.constant 4 : i32
    %mul3A_190 = vector.broadcast %mul3A_189 : i32 to vector<32x64xi32>
    %mul3A_191 = arith.muli %select_n3A_188, %mul3A_190 : vector<32x64xi32>
    %add3A_192 = arith.constant 2 : i32
    %add3A_193 = vector.broadcast %add3A_192 : i32 to vector<32x64xi32>
    %add3A_194 = arith.addi %mul3A_191, %add3A_193 : vector<32x64xi32>
    %eq3A_195 = arith.cmpi eq, %add3A_194, %iota3A : vector<32x64xi32>
    %convert_element_type3A_196 = arith.extui %eq3A_195 : vector<32x64xi1> to vector<32x64xi32>
    %convert_element_type3A_197 = arith.sitofp %convert_element_type3A_196 : vector<32x64xi32> to vector<32x64xf32>
    %jit3A_198 = arith.constant 8 : i32
    %eq3A_199 = arith.constant 0 : i32
    %eq3A_200 = arith.cmpi eq, %jit3A_198, %eq3A_199 : i32
    %jit3A_201 = arith.constant 1 : i32
    %select_n3A_202 = arith.select %eq3A_200, %jit3A_201, %jit3A_198 : i32
    %rem3A_203 = vector.broadcast %select_n3A_202 : i32 to vector<32x64xi32>
    %rem3A_204 = arith.remsi %iota3A_22, %rem3A_203 : vector<32x64xi32>
    %ne3A_205 = arith.constant 0 : i32
    %ne3A_206 = vector.broadcast %ne3A_205 : i32 to vector<32x64xi32>
    %ne3A_207 = arith.cmpi ne, %rem3A_204, %ne3A_206 : vector<32x64xi32>
    %lt3A_208 = arith.constant 0 : i32
    %lt3A_209 = vector.broadcast %lt3A_208 : i32 to vector<32x64xi32>
    %lt3A_210 = arith.cmpi slt, %rem3A_204, %lt3A_209 : vector<32x64xi32>
    %lt3A_211 = arith.constant 0 : i32
    %lt3A_212 = arith.cmpi slt, %select_n3A_202, %lt3A_211 : i32
    %ne3A_213 = vector.broadcast %lt3A_212 : i1 to vector<32x64xi1>
    %ne3A_214 = vector.broadcast %ne3A_213 : vector<32x64xi1> to vector<32x64xi1>
    %ne3A_215 = arith.xori %lt3A_210, %ne3A_214 : vector<32x64xi1>
    %and3A_216 = arith.andi %ne3A_215, %ne3A_207 : vector<32x64xi1>
    %add3A_217 = vector.broadcast %select_n3A_202 : i32 to vector<32x64xi32>
    %add3A_218 = arith.addi %rem3A_204, %add3A_217 : vector<32x64xi32>
    %select_n3A_219 = arith.select %and3A_216, %add3A_218, %rem3A_204 : vector<32x64xi1>, vector<32x64xi32>
    %add3A_220 = arith.constant 16 : i32
    %add3A_221 = vector.broadcast %add3A_220 : i32 to vector<32x64xi32>
    %add3A_222 = arith.addi %add3A_221, %select_n3A_219 : vector<32x64xi32>
    %eq3A_223 = arith.cmpi eq, %add3A_222, %iota3A_21 : vector<32x64xi32>
    %convert_element_type3A_224 = arith.extui %eq3A_223 : vector<32x64xi1> to vector<32x64xi32>
    %convert_element_type3A_225 = arith.sitofp %convert_element_type3A_224 : vector<32x64xi32> to vector<32x64xf32>
    %dot_general3A_226 = arith.constant dense<0.000000e+00> : vector<2000x64xf32>
    %dot_general3A_227 = tpu.matmul %get3A_19, %convert_element_type3A_197, %dot_general3A_226 {dimension_numbers = #tpu.dot_dimension_numbers<[1], [0], [0], [1], [0, 0, 1, 1], [], []>, precision = #tpu.contract_precision<fp32>, transpose_lhs_hint = false} : vector<2000x32xf32>, vector<32x64xf32>, vector<2000x64xf32> -> vector<2000x64xf32>
    %dot_general3A_228 = arith.constant dense<0.000000e+00> : vector<2000x64xf32>
    %dot_general3A_229 = tpu.matmul %mul3A_16, %convert_element_type3A_225, %dot_general3A_228 {dimension_numbers = #tpu.dot_dimension_numbers<[1], [0], [0], [1], [0, 0, 1, 1], [], []>, precision = #tpu.contract_precision<fp32>, transpose_lhs_hint = false} : vector<2000x32xf32>, vector<32x64xf32>, vector<2000x64xf32> -> vector<2000x64xf32>
    %mul3A_230 = arith.mulf %dot_general3A_227, %dot_general3A_229 : vector<2000x64xf32>
    %add3A_231 = arith.addf %add3A_157, %mul3A_230 : vector<2000x64xf32>
    %jit3A_232 = arith.constant 8 : i32
    %div3A_233 = vector.broadcast %jit3A_232 : i32 to vector<32x64xi32>
    %div3A_234 = arith.divsi %iota3A_20, %div3A_233 : vector<32x64xi32>
    %sign3A_235 = arith.constant 0 : i32
    %sign3A_236 = vector.broadcast %sign3A_235 : i32 to vector<32x64xi32>
    %sign3A_237 = arith.cmpi sgt, %iota3A_20, %sign3A_236 : vector<32x64xi32>
    %sign3A_238 = arith.extui %sign3A_237 : vector<32x64xi1> to vector<32x64xi32>
    %sign3A_239 = arith.constant 0 : i32
    %sign3A_240 = vector.broadcast %sign3A_239 : i32 to vector<32x64xi32>
    %sign3A_241 = arith.cmpi slt, %iota3A_20, %sign3A_240 : vector<32x64xi32>
    %sign3A_242 = arith.extui %sign3A_241 : vector<32x64xi1> to vector<32x64xi32>
    %sign3A_243 = arith.subi %sign3A_238, %sign3A_242 : vector<32x64xi32>
    %sign3A_244 = arith.constant 0 : i32
    %sign3A_245 = arith.cmpi sgt, %jit3A_232, %sign3A_244 : i32
    %sign3A_246 = arith.extui %sign3A_245 : i1 to i32
    %sign3A_247 = arith.constant 0 : i32
    %sign3A_248 = arith.cmpi slt, %jit3A_232, %sign3A_247 : i32
    %sign3A_249 = arith.extui %sign3A_248 : i1 to i32
    %sign3A_250 = arith.subi %sign3A_246, %sign3A_249 : i32
    %ne3A_251 = vector.broadcast %sign3A_250 : i32 to vector<32x64xi32>
    %ne3A_252 = arith.cmpi ne, %sign3A_243, %ne3A_251 : vector<32x64xi32>
    %rem3A_253 = vector.broadcast %jit3A_232 : i32 to vector<32x64xi32>
    %rem3A_254 = arith.remsi %iota3A_20, %rem3A_253 : vector<32x64xi32>
    %ne3A_255 = arith.constant 0 : i32
    %ne3A_256 = vector.broadcast %ne3A_255 : i32 to vector<32x64xi32>
    %ne3A_257 = arith.cmpi ne, %rem3A_254, %ne3A_256 : vector<32x64xi32>
    %and3A_258 = arith.andi %ne3A_252, %ne3A_257 : vector<32x64xi1>
    %sub3A_259 = arith.constant 1 : i32
    %sub3A_260 = vector.broadcast %sub3A_259 : i32 to vector<32x64xi32>
    %sub3A_261 = arith.subi %div3A_234, %sub3A_260 : vector<32x64xi32>
    %select_n3A_262 = arith.select %and3A_258, %sub3A_261, %div3A_234 : vector<32x64xi1>, vector<32x64xi32>
    %mul3A_263 = arith.constant 4 : i32
    %mul3A_264 = vector.broadcast %mul3A_263 : i32 to vector<32x64xi32>
    %mul3A_265 = arith.muli %select_n3A_262, %mul3A_264 : vector<32x64xi32>
    %add3A_266 = arith.constant 3 : i32
    %add3A_267 = vector.broadcast %add3A_266 : i32 to vector<32x64xi32>
    %add3A_268 = arith.addi %mul3A_265, %add3A_267 : vector<32x64xi32>
    %eq3A_269 = arith.cmpi eq, %add3A_268, %iota3A : vector<32x64xi32>
    %convert_element_type3A_270 = arith.extui %eq3A_269 : vector<32x64xi1> to vector<32x64xi32>
    %convert_element_type3A_271 = arith.sitofp %convert_element_type3A_270 : vector<32x64xi32> to vector<32x64xf32>
    %jit3A_272 = arith.constant 8 : i32
    %eq3A_273 = arith.constant 0 : i32
    %eq3A_274 = arith.cmpi eq, %jit3A_272, %eq3A_273 : i32
    %jit3A_275 = arith.constant 1 : i32
    %select_n3A_276 = arith.select %eq3A_274, %jit3A_275, %jit3A_272 : i32
    %rem3A_277 = vector.broadcast %select_n3A_276 : i32 to vector<32x64xi32>
    %rem3A_278 = arith.remsi %iota3A_22, %rem3A_277 : vector<32x64xi32>
    %ne3A_279 = arith.constant 0 : i32
    %ne3A_280 = vector.broadcast %ne3A_279 : i32 to vector<32x64xi32>
    %ne3A_281 = arith.cmpi ne, %rem3A_278, %ne3A_280 : vector<32x64xi32>
    %lt3A_282 = arith.constant 0 : i32
    %lt3A_283 = vector.broadcast %lt3A_282 : i32 to vector<32x64xi32>
    %lt3A_284 = arith.cmpi slt, %rem3A_278, %lt3A_283 : vector<32x64xi32>
    %lt3A_285 = arith.constant 0 : i32
    %lt3A_286 = arith.cmpi slt, %select_n3A_276, %lt3A_285 : i32
    %ne3A_287 = vector.broadcast %lt3A_286 : i1 to vector<32x64xi1>
    %ne3A_288 = vector.broadcast %ne3A_287 : vector<32x64xi1> to vector<32x64xi1>
    %ne3A_289 = arith.xori %lt3A_284, %ne3A_288 : vector<32x64xi1>
    %and3A_290 = arith.andi %ne3A_289, %ne3A_281 : vector<32x64xi1>
    %add3A_291 = vector.broadcast %select_n3A_276 : i32 to vector<32x64xi32>
    %add3A_292 = arith.addi %rem3A_278, %add3A_291 : vector<32x64xi32>
    %select_n3A_293 = arith.select %and3A_290, %add3A_292, %rem3A_278 : vector<32x64xi1>, vector<32x64xi32>
    %add3A_294 = arith.constant 24 : i32
    %add3A_295 = vector.broadcast %add3A_294 : i32 to vector<32x64xi32>
    %add3A_296 = arith.addi %add3A_295, %select_n3A_293 : vector<32x64xi32>
    %eq3A_297 = arith.cmpi eq, %add3A_296, %iota3A_21 : vector<32x64xi32>
    %convert_element_type3A_298 = arith.extui %eq3A_297 : vector<32x64xi1> to vector<32x64xi32>
    %convert_element_type3A_299 = arith.sitofp %convert_element_type3A_298 : vector<32x64xi32> to vector<32x64xf32>
    %dot_general3A_300 = arith.constant dense<0.000000e+00> : vector<2000x64xf32>
    %dot_general3A_301 = tpu.matmul %get3A_19, %convert_element_type3A_271, %dot_general3A_300 {dimension_numbers = #tpu.dot_dimension_numbers<[1], [0], [0], [1], [0, 0, 1, 1], [], []>, precision = #tpu.contract_precision<fp32>, transpose_lhs_hint = false} : vector<2000x32xf32>, vector<32x64xf32>, vector<2000x64xf32> -> vector<2000x64xf32>
    %dot_general3A_302 = arith.constant dense<0.000000e+00> : vector<2000x64xf32>
    %dot_general3A_303 = tpu.matmul %mul3A_16, %convert_element_type3A_299, %dot_general3A_302 {dimension_numbers = #tpu.dot_dimension_numbers<[1], [0], [0], [1], [0, 0, 1, 1], [], []>, precision = #tpu.contract_precision<fp32>, transpose_lhs_hint = false} : vector<2000x32xf32>, vector<32x64xf32>, vector<2000x64xf32> -> vector<2000x64xf32>
    %mul3A_304 = arith.mulf %dot_general3A_301, %dot_general3A_303 : vector<2000x64xf32>
    %add3A_305 = arith.addf %add3A_231, %mul3A_304 : vector<2000x64xf32>
    %get3A_306 = arith.constant 0 : index
    %get3A_307 = arith.constant 0 : index
    %get3A_308 = vector.load %arg5[%get3A_306, %get3A_307] : memref<1x64xf32, #tpu.memory_space<vmem>>, vector<1x64xf32>
    %add3A_309 = vector.broadcast %get3A_308 : vector<1x64xf32> to vector<2000x64xf32>
    %add3A_310 = arith.addf %add3A_305, %add3A_309 : vector<2000x64xf32>
    %gt3A = arith.constant 0.000000e+00 : f32
    %gt3A_311 = vector.broadcast %gt3A : f32 to vector<2000x64xf32>
    %gt3A_312 = arith.cmpf ogt, %add3A_310, %gt3A_311 : vector<2000x64xf32>
    %exp3A = math.exp %add3A_310 : vector<2000x64xf32>
    %sub3A_313 = arith.constant 1.000000e+00 : f32
    %sub3A_314 = vector.broadcast %sub3A_313 : f32 to vector<2000x64xf32>
    %sub3A_315 = arith.subf %exp3A, %sub3A_314 : vector<2000x64xf32>
    %select_n3A_316 = arith.select %gt3A_312, %add3A_310, %sub3A_315 : vector<2000x64xi1>, vector<2000x64xf32>
    %mul3A_317 = arith.mulf %select_n3A_316, %select_n3A_316 : vector<2000x64xf32>
    %reduce_sum3A = arith.constant dense<0.000000e+00> : vector<2000xf32>
    %reduce_sum3A_318 = vector.multi_reduction <add>, %mul3A_317, %reduce_sum3A [1] : vector<2000x64xf32> to vector<2000xf32>
    %broadcast_in_dim3A = vector.shape_cast %reduce_sum3A_318 : vector<2000xf32> to vector<2000x1xf32>
    %sqrt3A = math.sqrt %broadcast_in_dim3A : vector<2000x1xf32>
    %max3A = arith.constant 9.99999996E-13 : f32
    %max3A_319 = vector.broadcast %max3A : f32 to vector<2000x1xf32>
    %max3A_320 = arith.maximumf %sqrt3A, %max3A_319 : vector<2000x1xf32>
    %div3A_321 = vector.broadcast %max3A_320 : vector<2000x1xf32> to vector<2000x64xf32>
    %div3A_322 = arith.divf %select_n3A_316, %div3A_321 : vector<2000x64xf32>
    %swap3A = arith.constant 0 : index
    %swap3A_323 = arith.constant 0 : index
    %swap3A_324 = vector.load %arg16[%swap3A, %swap3A_323] : memref<2000x64xf32, #tpu.memory_space<vmem>>, vector<2000x64xf32>
    tpu.vector_store %arg16[%swap3A, %swap3A_323], %div3A_322 {strides = array<i32>} : memref<2000x64xf32, #tpu.memory_space<vmem>>, vector<2000x64xf32>,
    %iota3A_325 = tpu.iota {dimensions = array<i32: 1>} : vector<50x2000xi32>
    %mul3A_326 = arith.constant 2000 : i32
    %mul3A_327 = arith.muli %arg0, %mul3A_326 : i32
    %add3A_328 = vector.broadcast %mul3A_327 : i32 to vector<50x2000xi32>
    %add3A_329 = arith.addi %iota3A_325, %add3A_328 : vector<50x2000xi32>
    %jit3A_330 = arith.constant 200 : i32
    %div3A_331 = vector.broadcast %jit3A_330 : i32 to vector<50x2000xi32>
    %div3A_332 = arith.divsi %add3A_329, %div3A_331 : vector<50x2000xi32>
    %sign3A_333 = arith.constant 0 : i32
    %sign3A_334 = vector.broadcast %sign3A_333 : i32 to vector<50x2000xi32>
    %sign3A_335 = arith.cmpi sgt, %add3A_329, %sign3A_334 : vector<50x2000xi32>
    %sign3A_336 = arith.extui %sign3A_335 : vector<50x2000xi1> to vector<50x2000xi32>
    %sign3A_337 = arith.constant 0 : i32
    %sign3A_338 = vector.broadcast %sign3A_337 : i32 to vector<50x2000xi32>
    %sign3A_339 = arith.cmpi slt, %add3A_329, %sign3A_338 : vector<50x2000xi32>
    %sign3A_340 = arith.extui %sign3A_339 : vector<50x2000xi1> to vector<50x2000xi32>
    %sign3A_341 = arith.subi %sign3A_336, %sign3A_340 : vector<50x2000xi32>
    %sign3A_342 = arith.constant 0 : i32
    %sign3A_343 = arith.cmpi sgt, %jit3A_330, %sign3A_342 : i32
    %sign3A_344 = arith.extui %sign3A_343 : i1 to i32
    %sign3A_345 = arith.constant 0 : i32
    %sign3A_346 = arith.cmpi slt, %jit3A_330, %sign3A_345 : i32
    %sign3A_347 = arith.extui %sign3A_346 : i1 to i32
    %sign3A_348 = arith.subi %sign3A_344, %sign3A_347 : i32
    %ne3A_349 = vector.broadcast %sign3A_348 : i32 to vector<50x2000xi32>
    %ne3A_350 = arith.cmpi ne, %sign3A_341, %ne3A_349 : vector<50x2000xi32>
    %rem3A_351 = vector.broadcast %jit3A_330 : i32 to vector<50x2000xi32>
    %rem3A_352 = arith.remsi %add3A_329, %rem3A_351 : vector<50x2000xi32>
    %ne3A_353 = arith.constant 0 : i32
    %ne3A_354 = vector.broadcast %ne3A_353 : i32 to vector<50x2000xi32>
    %ne3A_355 = arith.cmpi ne, %rem3A_352, %ne3A_354 : vector<50x2000xi32>
    %and3A_356 = arith.andi %ne3A_350, %ne3A_355 : vector<50x2000xi1>
    %sub3A_357 = arith.constant 1 : i32
    %sub3A_358 = vector.broadcast %sub3A_357 : i32 to vector<50x2000xi32>
    %sub3A_359 = arith.subi %div3A_332, %sub3A_358 : vector<50x2000xi32>
    %select_n3A_360 = arith.select %and3A_356, %sub3A_359, %div3A_332 : vector<50x2000xi1>, vector<50x2000xi32>
    %iota3A_361 = tpu.iota {dimensions = array<i32: 0>} : vector<50x2000xi32>
    %eq3A_362 = arith.cmpi eq, %select_n3A_360, %iota3A_361 : vector<50x2000xi32>
    %convert_element_type3A_363 = arith.extui %eq3A_362 : vector<50x2000xi1> to vector<50x2000xi32>
    %convert_element_type3A_364 = arith.sitofp %convert_element_type3A_363 : vector<50x2000xi32> to vector<50x2000xf32>
    %iota3A_365 = tpu.iota {dimensions = array<i32: 0>} : vector<2000x50xi32>
    %mul3A_366 = arith.constant 2000 : i32
    %mul3A_367 = arith.muli %arg0, %mul3A_366 : i32
    %add3A_368 = vector.broadcast %mul3A_367 : i32 to vector<2000x50xi32>
    %add3A_369 = arith.addi %iota3A_365, %add3A_368 : vector<2000x50xi32>
    %jit3A_370 = arith.constant 200 : i32
    %div3A_371 = vector.broadcast %jit3A_370 : i32 to vector<2000x50xi32>
    %div3A_372 = arith.divsi %add3A_369, %div3A_371 : vector<2000x50xi32>
    %sign3A_373 = arith.constant 0 : i32
    %sign3A_374 = vector.broadcast %sign3A_373 : i32 to vector<2000x50xi32>
    %sign3A_375 = arith.cmpi sgt, %add3A_369, %sign3A_374 : vector<2000x50xi32>
    %sign3A_376 = arith.extui %sign3A_375 : vector<2000x50xi1> to vector<2000x50xi32>
    %sign3A_377 = arith.constant 0 : i32
    %sign3A_378 = vector.broadcast %sign3A_377 : i32 to vector<2000x50xi32>
    %sign3A_379 = arith.cmpi slt, %add3A_369, %sign3A_378 : vector<2000x50xi32>
    %sign3A_380 = arith.extui %sign3A_379 : vector<2000x50xi1> to vector<2000x50xi32>
    %sign3A_381 = arith.subi %sign3A_376, %sign3A_380 : vector<2000x50xi32>
    %sign3A_382 = arith.constant 0 : i32
    %sign3A_383 = arith.cmpi sgt, %jit3A_370, %sign3A_382 : i32
    %sign3A_384 = arith.extui %sign3A_383 : i1 to i32
    %sign3A_385 = arith.constant 0 : i32
    %sign3A_386 = arith.cmpi slt, %jit3A_370, %sign3A_385 : i32
    %sign3A_387 = arith.extui %sign3A_386 : i1 to i32
    %sign3A_388 = arith.subi %sign3A_384, %sign3A_387 : i32
    %ne3A_389 = vector.broadcast %sign3A_388 : i32 to vector<2000x50xi32>
    %ne3A_390 = arith.cmpi ne, %sign3A_381, %ne3A_389 : vector<2000x50xi32>
    %rem3A_391 = vector.broadcast %jit3A_370 : i32 to vector<2000x50xi32>
    %rem3A_392 = arith.remsi %add3A_369, %rem3A_391 : vector<2000x50xi32>
    %ne3A_393 = arith.constant 0 : i32
    %ne3A_394 = vector.broadcast %ne3A_393 : i32 to vector<2000x50xi32>
    %ne3A_395 = arith.cmpi ne, %rem3A_392, %ne3A_394 : vector<2000x50xi32>
    %and3A_396 = arith.andi %ne3A_390, %ne3A_395 : vector<2000x50xi1>
    %sub3A_397 = arith.constant 1 : i32
    %sub3A_398 = vector.broadcast %sub3A_397 : i32 to vector<2000x50xi32>
    %sub3A_399 = arith.subi %div3A_372, %sub3A_398 : vector<2000x50xi32>
    %select_n3A_400 = arith.select %and3A_396, %sub3A_399, %div3A_372 : vector<2000x50xi1>, vector<2000x50xi32>
    %iota3A_401 = tpu.iota {dimensions = array<i32: 1>} : vector<2000x50xi32>
    %eq3A_402 = arith.cmpi eq, %select_n3A_400, %iota3A_401 : vector<2000x50xi32>
    %convert_element_type3A_403 = arith.extui %eq3A_402 : vector<2000x50xi1> to vector<2000x50xi32>
    %convert_element_type3A_404 = arith.sitofp %convert_element_type3A_403 : vector<2000x50xi32> to vector<2000x50xf32>
    %get3A_405 = arith.constant 0 : index
    %get3A_406 = arith.constant 0 : index
    %get3A_407 = vector.load %arg7[%get3A_405, %get3A_406] : memref<64x1xf32, #tpu.memory_space<vmem>>, vector<64x1xf32>
    %dot_general3A_408 = arith.constant dense<0.000000e+00> : vector<2000x1xf32>
    %dot_general3A_409 = tpu.matmul %div3A_322, %get3A_407, %dot_general3A_408 {dimension_numbers = #tpu.dot_dimension_numbers<[1], [0], [0], [1], [0, 0, 1, 1], [], []>, transpose_lhs_hint = false} : vector<2000x64xf32>, vector<64x1xf32>, vector<2000x1xf32> -> vector<2000x1xf32>
    %get3A_410 = arith.constant 0 : index
    %get3A_411 = arith.constant 0 : index
    %get3A_412 = vector.load %arg6[%get3A_410, %get3A_411] : memref<50x16xf32, #tpu.memory_space<vmem>>, vector<50x16xf32>
    %get3A_413 = arith.constant 0 : index
    %get3A_414 = arith.constant 0 : index
    %get3A_415 = vector.load %arg8[%get3A_413, %get3A_414] : memref<16x1xf32, #tpu.memory_space<vmem>>, vector<16x1xf32>
    %dot_general3A_416 = arith.constant dense<0.000000e+00> : vector<50x1xf32>
    %dot_general3A_417 = tpu.matmul %get3A_412, %get3A_415, %dot_general3A_416 {dimension_numbers = #tpu.dot_dimension_numbers<[1], [0], [0], [1], [0, 0, 1, 1], [], []>, transpose_lhs_hint = false} : vector<50x16xf32>, vector<16x1xf32>, vector<50x1xf32> -> vector<50x1xf32>
    %dot_general3A_418 = arith.constant dense<0.000000e+00> : vector<2000x1xf32>
    %dot_general3A_419 = tpu.matmul %convert_element_type3A_404, %dot_general3A_417, %dot_general3A_418 {dimension_numbers = #tpu.dot_dimension_numbers<[1], [0], [0], [1], [0, 0, 1, 1], [], []>, transpose_lhs_hint = false} : vector<2000x50xf32>, vector<50x1xf32>, vector<2000x1xf32> -> vector<2000x1xf32>
    %add3A_420 = arith.addf %dot_general3A_409, %dot_general3A_419 : vector<2000x1xf32>
    %get3A_421 = arith.constant 0 : index
    %get3A_422 = arith.constant 0 : index
    %get3A_423 = vector.load %arg9[%get3A_421, %get3A_422] : memref<1x1xf32, #tpu.memory_space<vmem>>, vector<1x1xf32>
    %add3A_424 = vector.broadcast %get3A_423 : vector<1x1xf32> to vector<2000x1xf32>
    %add3A_425 = arith.addf %add3A_420, %add3A_424 : vector<2000x1xf32>
    %add3A_426 = arith.constant 1.000000e-16 : f32
    %add3A_427 = vector.broadcast %add3A_426 : f32 to vector<2000x1xf32>
    %add3A_428 = arith.addf %add3A_425, %add3A_427 : vector<2000x1xf32>
    %reduce_max3A = vector.shape_cast %add3A_428 : vector<2000x1xf32> to vector<1x2000x1xf32>
    %reduce_max3A_429 = arith.constant dense<0xFF800000> : vector<1xf32>
    %reduce_max3A_430 = vector.multi_reduction <maximumf>, %reduce_max3A, %reduce_max3A_429 [1, 2] : vector<1x2000x1xf32> to vector<1xf32>
    %reduce_max3A_431 = vector.shape_cast %reduce_max3A_430 : vector<1xf32> to vector<1x1x1xf32>
    %reduce_max3A_432 = vector.extract %reduce_max3A_431[0, 0, 0] : f32 from vector<1x1x1xf32>
    %sub3A_433 = vector.broadcast %reduce_max3A_432 : f32 to vector<2000x1xf32>
    %sub3A_434 = arith.subf %add3A_428, %sub3A_433 : vector<2000x1xf32>
    %exp3A_435 = math.exp %sub3A_434 : vector<2000x1xf32>
    %dot_general3A_436 = arith.constant dense<0.000000e+00> : vector<50x1xf32>
    %dot_general3A_437 = tpu.matmul %convert_element_type3A_364, %exp3A_435, %dot_general3A_436 {dimension_numbers = #tpu.dot_dimension_numbers<[1], [0], [0], [1], [0, 0, 1, 1], [], []>, transpose_lhs_hint = false} : vector<50x2000xf32>, vector<2000x1xf32>, vector<50x1xf32> -> vector<50x1xf32>
    %dot_general3A_438 = arith.constant dense<0.000000e+00> : vector<2000x1xf32>
    %dot_general3A_439 = tpu.matmul %convert_element_type3A_404, %dot_general3A_437, %dot_general3A_438 {dimension_numbers = #tpu.dot_dimension_numbers<[1], [0], [0], [1], [0, 0, 1, 1], [], []>, transpose_lhs_hint = false} : vector<2000x50xf32>, vector<50x1xf32>, vector<2000x1xf32> -> vector<2000x1xf32>
    %div3A_440 = arith.divf %exp3A_435, %dot_general3A_439 : vector<2000x1xf32>
    %dot_general3A_441 = arith.constant dense<0.000000e+00> : vector<50x64xf32>
    %dot_general3A_442 = tpu.matmul %convert_element_type3A_364, %div3A_322, %dot_general3A_441 {dimension_numbers = #tpu.dot_dimension_numbers<[1], [0], [0], [1], [0, 0, 1, 1], [], []>, transpose_lhs_hint = false} : vector<50x2000xf32>, vector<2000x64xf32>, vector<50x64xf32> -> vector<50x64xf32>
    %mul3A_443 = vector.broadcast %div3A_440 : vector<2000x1xf32> to vector<2000x64xf32>
    %mul3A_444 = arith.mulf %mul3A_443, %div3A_322 : vector<2000x64xf32>
    %dot_general3A_445 = arith.constant dense<0.000000e+00> : vector<50x64xf32>
    %dot_general3A_446 = tpu.matmul %convert_element_type3A_364, %mul3A_444, %dot_general3A_445 {dimension_numbers = #tpu.dot_dimension_numbers<[1], [0], [0], [1], [0, 0, 1, 1], [], []>, transpose_lhs_hint = false} : vector<50x2000xf32>, vector<2000x64xf32>, vector<50x64xf32> -> vector<50x64xf32>
    %eq3A_447 = arith.constant 0 : i32
    %eq3A_448 = arith.cmpi eq, %arg0, %eq3A_447 : i32
    %convert_element_type3A_449 = arith.extui %eq3A_448 : i1 to i32
    %cond3A = arith.constant 0 : i32
    %cond3A_450 = arith.cmpi ne, %convert_element_type3A_449, %cond3A : i32
    scf.if %cond3A_450 {
      %swap3A_461 = arith.constant 0 : index
      %swap3A_462 = arith.constant 0 : index
      %swap3A_463 = vector.load %arg17[%swap3A_461, %swap3A_462] : memref<50x64xf32, #tpu.memory_space<vmem>>, vector<50x64xf32>
      tpu.vector_store %arg17[%swap3A_461, %swap3A_462], %dot_general3A_442 {strides = array<i32>} : memref<50x64xf32, #tpu.memory_space<vmem>>, vector<50x64xf32>,
      %swap3A_464 = arith.constant 0 : index
      %swap3A_465 = arith.constant 0 : index
      %swap3A_466 = vector.load %arg18[%swap3A_464, %swap3A_465] : memref<50x64xf32, #tpu.memory_space<vmem>>, vector<50x64xf32>
      tpu.vector_store %arg18[%swap3A_464, %swap3A_465], %dot_general3A_446 {strides = array<i32>} : memref<50x64xf32, #tpu.memory_space<vmem>>, vector<50x64xf32>,
    } else {
    }
    %gt3A_451 = arith.constant 0 : i32
    %gt3A_452 = arith.cmpi sgt, %arg0, %gt3A_451 : i32
    %convert_element_type3A_453 = arith.extui %gt3A_452 : i1 to i32
    %cond3A_454 = arith.constant 0 : i32
    %cond3A_455 = arith.cmpi ne, %convert_element_type3A_453, %cond3A_454 : i32
    scf.if %cond3A_455 {
      %get3A_461 = arith.constant 0 : index
      %get3A_462 = arith.constant 0 : index
      %get3A_463 = vector.load %arg17[%get3A_461, %get3A_462] : memref<50x64xf32, #tpu.memory_space<vmem>>, vector<50x64xf32>
      %add3A_464 = arith.addf %get3A_463, %dot_general3A_442 : vector<50x64xf32>
      %swap3A_465 = arith.constant 0 : index
      %swap3A_466 = arith.constant 0 : index
      %swap3A_467 = vector.load %arg17[%swap3A_465, %swap3A_466] : memref<50x64xf32, #tpu.memory_space<vmem>>, vector<50x64xf32>
      tpu.vector_store %arg17[%swap3A_465, %swap3A_466], %add3A_464 {strides = array<i32>} : memref<50x64xf32, #tpu.memory_space<vmem>>, vector<50x64xf32>,
      %get3A_468 = arith.constant 0 : index
      %get3A_469 = arith.constant 0 : index
      %get3A_470 = vector.load %arg18[%get3A_468, %get3A_469] : memref<50x64xf32, #tpu.memory_space<vmem>>, vector<50x64xf32>
      %add3A_471 = arith.addf %get3A_470, %dot_general3A_446 : vector<50x64xf32>
      %swap3A_472 = arith.constant 0 : index
      %swap3A_473 = arith.constant 0 : index
      %swap3A_474 = vector.load %arg18[%swap3A_472, %swap3A_473] : memref<50x64xf32, #tpu.memory_space<vmem>>, vector<50x64xf32>
      tpu.vector_store %arg18[%swap3A_472, %swap3A_473], %add3A_471 {strides = array<i32>} : memref<50x64xf32, #tpu.memory_space<vmem>>, vector<50x64xf32>,
    } else {
    }
    %eq3A_456 = arith.constant 4 : i32
    %eq3A_457 = arith.cmpi eq, %arg0, %eq3A_456 : i32
    %convert_element_type3A_458 = arith.extui %eq3A_457 : i1 to i32
    %cond3A_459 = arith.constant 0 : i32
    %cond3A_460 = arith.cmpi ne, %convert_element_type3A_458, %cond3A_459 : i32
    scf.if %cond3A_460 {
      %get3A_461 = arith.constant 0 : index
      %get3A_462 = arith.constant 0 : index
      %get3A_463 = vector.load %arg17[%get3A_461, %get3A_462] : memref<50x64xf32, #tpu.memory_space<vmem>>, vector<50x64xf32>
      %get3A_464 = arith.constant 0 : index
      %get3A_465 = arith.constant 0 : index
      %get3A_466 = vector.load %arg10[%get3A_464, %get3A_465] : memref<64x32xf32, #tpu.memory_space<vmem>>, vector<64x32xf32>
      %dot_general3A_467 = arith.constant dense<0.000000e+00> : vector<50x32xf32>
      %dot_general3A_468 = tpu.matmul %get3A_463, %get3A_466, %dot_general3A_467 {dimension_numbers = #tpu.dot_dimension_numbers<[1], [0], [0], [1], [0, 0, 1, 1], [], []>, transpose_lhs_hint = false} : vector<50x64xf32>, vector<64x32xf32>, vector<50x32xf32> -> vector<50x32xf32>
      %get3A_469 = arith.constant 0 : index
      %get3A_470 = arith.constant 0 : index
      %get3A_471 = vector.load %arg11[%get3A_469, %get3A_470] : memref<1x32xf32, #tpu.memory_space<vmem>>, vector<1x32xf32>
      %add3A_472 = vector.broadcast %get3A_471 : vector<1x32xf32> to vector<50x32xf32>
      %add3A_473 = arith.addf %dot_general3A_468, %add3A_472 : vector<50x32xf32>
      %swap3A_474 = arith.constant 0 : index
      %swap3A_475 = arith.constant 0 : index
      %swap3A_476 = vector.load %arg14[%swap3A_474, %swap3A_475] : memref<50x32xf32, #tpu.memory_space<vmem>>, vector<50x32xf32>
      tpu.vector_store %arg14[%swap3A_474, %swap3A_475], %add3A_473 {strides = array<i32>} : memref<50x32xf32, #tpu.memory_space<vmem>>, vector<50x32xf32>,
      %get3A_477 = arith.constant 0 : index
      %get3A_478 = arith.constant 0 : index
      %get3A_479 = vector.load %arg18[%get3A_477, %get3A_478] : memref<50x64xf32, #tpu.memory_space<vmem>>, vector<50x64xf32>
      %get3A_480 = arith.constant 0 : index
      %get3A_481 = arith.constant 0 : index
      %get3A_482 = vector.load %arg12[%get3A_480, %get3A_481] : memref<64x32xf32, #tpu.memory_space<vmem>>, vector<64x32xf32>
      %dot_general3A_483 = arith.constant dense<0.000000e+00> : vector<50x32xf32>
      %dot_general3A_484 = tpu.matmul %get3A_479, %get3A_482, %dot_general3A_483 {dimension_numbers = #tpu.dot_dimension_numbers<[1], [0], [0], [1], [0, 0, 1, 1], [], []>, transpose_lhs_hint = false} : vector<50x64xf32>, vector<64x32xf32>, vector<50x32xf32> -> vector<50x32xf32>
      %get3A_485 = arith.constant 0 : index
      %get3A_486 = arith.constant 0 : index
      %get3A_487 = vector.load %arg13[%get3A_485, %get3A_486] : memref<1x32xf32, #tpu.memory_space<vmem>>, vector<1x32xf32>
      %add3A_488 = vector.broadcast %get3A_487 : vector<1x32xf32> to vector<50x32xf32>
      %add3A_489 = arith.addf %dot_general3A_484, %add3A_488 : vector<50x32xf32>
      %swap3A_490 = arith.constant 0 : index
      %swap3A_491 = arith.constant 0 : index
      %swap3A_492 = vector.load %arg15[%swap3A_490, %swap3A_491] : memref<50x32xf32, #tpu.memory_space<vmem>>, vector<50x32xf32>
      tpu.vector_store %arg15[%swap3A_490, %swap3A_491], %add3A_489 {strides = array<i32>} : memref<50x32xf32, #tpu.memory_space<vmem>>, vector<50x32xf32>,
    } else {
    }
    return
  }
  func.func @transform_0(%arg0: i32) -> (i32, i32, i32) {
    %c0_i32 = arith.constant 0 : i32
    %c0_i32_0 = arith.constant 0 : i32
    %c0_i32_1 = arith.constant 0 : i32
    return %c0_i32, %arg0, %c0_i32_0 : i32, i32, i32
  }
  func.func @transform_1(%arg0: i32) -> (i32, i32) {
    %c0_i32 = arith.constant 0 : i32
    %c0_i32_0 = arith.constant 0 : i32
    return %arg0, %c0_i32 : i32, i32
  }
  func.func @transform_2(%arg0: i32) -> (i32, i32) {
    %c0_i32 = arith.constant 0 : i32
    %c0_i32_0 = arith.constant 0 : i32
    return %arg0, %c0_i32 : i32, i32
  }
  func.func @transform_3(%arg0: i32) -> (i32, i32) {
    %c0_i32 = arith.constant 0 : i32
    %c0_i32_0 = arith.constant 0 : i32
    return %arg0, %c0_i32 : i32, i32
  }
  func.func @transform_4(%arg0: i32) -> (i32, i32) {
    %c0_i32 = arith.constant 0 : i32
    %c0_i32_0 = arith.constant 0 : i32
    %c0_i32_1 = arith.constant 0 : i32
    return %c0_i32, %c0_i32_0 : i32, i32
  }
  func.func @transform_5(%arg0: i32) -> (i32, i32) {
    %c0_i32 = arith.constant 0 : i32
    %c0_i32_0 = arith.constant 0 : i32
    %c0_i32_1 = arith.constant 0 : i32
    return %c0_i32, %c0_i32_0 : i32, i32
  }
  func.func @transform_6(%arg0: i32) -> (i32, i32) {
    %c0_i32 = arith.constant 0 : i32
    %c0_i32_0 = arith.constant 0 : i32
    %c0_i32_1 = arith.constant 0 : i32
    return %c0_i32, %c0_i32_0 : i32, i32
  }
  func.func @transform_7(%arg0: i32) -> (i32, i32) {
    %c0_i32 = arith.constant 0 : i32
    %c0_i32_0 = arith.constant 0 : i32
    %c0_i32_1 = arith.constant 0 : i32
    return %c0_i32, %c0_i32_0 : i32, i32
  }
  func.func @transform_8(%arg0: i32) -> (i32, i32) {
    %c0_i32 = arith.constant 0 : i32
    %c0_i32_0 = arith.constant 0 : i32
    %c0_i32_1 = arith.constant 0 : i32
    return %c0_i32, %c0_i32_0 : i32, i32
  }
  func.func @transform_9(%arg0: i32) -> (i32, i32) {
    %c0_i32 = arith.constant 0 : i32
    %c0_i32_0 = arith.constant 0 : i32
    %c0_i32_1 = arith.constant 0 : i32
    return %c0_i32, %c0_i32_0 : i32, i32
  }
  func.func @transform_10(%arg0: i32) -> (i32, i32) {
    %c0_i32 = arith.constant 0 : i32
    %c0_i32_0 = arith.constant 0 : i32
    %c0_i32_1 = arith.constant 0 : i32
    return %c0_i32, %c0_i32_0 : i32, i32
  }
  func.func @transform_11(%arg0: i32) -> (i32, i32) {
    %c0_i32 = arith.constant 0 : i32
    %c0_i32_0 = arith.constant 0 : i32
    %c0_i32_1 = arith.constant 0 : i32
    return %c0_i32, %c0_i32_0 : i32, i32
  }
  func.func @transform_12(%arg0: i32) -> (i32, i32) {
    %c0_i32 = arith.constant 0 : i32
    %c0_i32_0 = arith.constant 0 : i32
    %c0_i32_1 = arith.constant 0 : i32
    return %c0_i32, %c0_i32_0 : i32, i32
  }
  func.func @transform_13(%arg0: i32) -> (i32, i32) {
    %c0_i32 = arith.constant 0 : i32
    %c0_i32_0 = arith.constant 0 : i32
    %c0_i32_1 = arith.constant 0 : i32
    return %c0_i32, %c0_i32_0 : i32, i32
  }
  func.func @transform_14(%arg0: i32) -> (i32, i32) {
    %c0_i32 = arith.constant 0 : i32
    %c0_i32_0 = arith.constant 0 : i32
    %c0_i32_1 = arith.constant 0 : i32
    return %c0_i32, %c0_i32_0 : i32, i32
  }
  func.func @transform_15(%arg0: i32) -> (i32, i32) {
    %c0_i32 = arith.constant 0 : i32
    %c0_i32_0 = arith.constant 0 : i32
    return %arg0, %c0_i32 : i32, i32
  }
}

</mosaic_0001>

<sc_bundles>
// kernel: kernel.11.cloned.1.call-start
scs
__scs_entry_jumppad:
0x0: {  	(pc) =	sbr.rel $0x88, $3  }
0x1: {  	(tag) =	ssettag $0x0;
	lr =	simm.s32 $0x1  }
0x2: {  	[smem:$0x3F8E] =	sst lr;
	_ =	strace $0xD0000000  }
0x3: {  	_ = 	snop  }
0x4: {  	_ = 	snop  }
0x5: {  	_ = 	snop  }
0x6: {  	_ = 	snop  }
0x7: {  	_ = 	snop  }
__scs_overlays_trampoline_lowered:
0x8: {  	[smem:$0x3F9D] =	sst s0  }
0x9: {  	[smem:$0x3F9E] =	sst s1  }
0xa: {  	[smem:$0x3F9F] =	sst s2  }
0xb: {  	[smem:$0x3FA0] =	sst s3  }
0xc: {  	[smem:$0x3FA1] =	sst s4  }
0xd: {  	[smem:$0x3FA2] =	sst s5  }
0xe: {  	[smem:$0x3FA3] =	sst s6  }
0xf: {  	[smem:$0x3FA4] =	sst s7  }
0x10: {  	[smem:$0x3FA5] =	sst s8  }
0x11: {  	[smem:$0x3FA6] =	sst s9;
	s0 =	simm.s32 @!p0 $0x0  }
0x12: {  	s1 =	sld [smem:$0x3F8C];
	s0 =	simm.s32 @p0 $0x1  }
0x13: {  	[smem:$0x3FA7] =	sst s0;
	s0 =	simm.s32 @!p1 $0x0  }
0x14: {  	s2 =	sld [smem:$0x3F8B];
	s0 =	simm.s32 @p1 $0x1  }
0x15: {  	[smem:$0x3FA8] =	sst s0;
	s0 =	simm.s32 @!p2 $0x0  }
0x16: {  	s3 =	sld [smem:$0x3FDB];
	s0 =	simm.s32 @p2 $0x1  }
0x17: {  	s4 =	simm.s32 $0x1BF5;
	[smem:$0x3FAA] =	sst s0  }
0x18: {  	s0 =	sld [smem:$0x3F8D];
	_ =	swait.ge [sflag:s4], $0x0  }
0x19: {  	s7 =	sld [smem:$0x3F8E]  }
0x1a: {  	s8 =	sadd.s32 $0xFFFFE003, lr  }
0x1b: {  	s9 =	sadd.s32 $0xFFFFFEF7, lr;
	s5 =	simm.s32 $0xFFFFFFFF;
	p2 =	slt.u32 s8, $0xFFFFF086  }
0x1c: {  	p1 =	slt.u32 s9, $0xF7A;
	s5 =	simm.s32 @!p2 $0x0  }
0x1d: {  	s5 =	simm.s32 @p1 $0x1;
	p0 =	seq.s32 s7, s2  }
0x1e: {  	s7 =	smul.u32 @!p0 $0xF7A, s2;
	p2 =	seq.s32 @!p0 s5, $0x0  }
0x1f: {  	s9 =	smul.u32 $0xF7A, s1;
	s8 =	simm.s32 @!p0 $0x1BF5;
	p2 =	por !p2, p0  }
0x20: {  	[sflag:s8] =	ssyncset.s32 @!p0 $0xFFFFF086;
	s6 =	sadd.s32 @!p0 s3, s7;
	s7 =	simm.s32 @!p0 $0x108  }
0x21: {  	s3 =	sadd.s32 s3, s9;
	s6 =	sadd.s32 @!p0 $0x88, s6;
	s7 =	simm.s32 @p2 $0x1082  }
0x22: {  	[simem:s7], [sflag:s8] =	dma.local @!p0 [hbm:s6], $0xF7A  }
0x23: {  	s9 =	sor.u32 $0xD0000000, s2;
	s6 =	simm.s32 $0x108;
	_ =	swait.ge @!p0 [sflag:s8], $0x0  }
0x24: {  	s3 =	sadd.s32 $0x88, s3;
	s6 =	simm.s32 @!p1 $0x1082;
	[sflag:s4] =	ssyncset.s32 $0xFFFFF086  }
0x25: {  	[simem:s6], [sflag:s4] =	dma.local [hbm:s3], $0xF7A  }
0x26: {  	[smem:$0x3F8E] =	sst s1;
	(tag) =	ssettag s2;
	_ =	strace s9  }
0x27: {  	s1 =	sld [smem:$0x3F9E]  }
0x28: {  	s2 =	sld [smem:$0x3F9F]  }
0x29: {  	s4 =	sld [smem:$0x3FA1]  }
0x2a: {  	p0 =	seq.s32 s5, $0x0;
	s5 =	sld [smem:$0x3FA2]  }
0x2b: {  	s6 =	sld [smem:$0x3FA3]  }
0x2c: {  	s7 =	sld [smem:$0x3FA4]  }
0x2d: {  	s3 =	simm.s32 $0x108;
	s8 =	sld [smem:$0x3FA5]  }
0x2e: {  	s3 =	simm.s32 @!p0 $0x1082;
	s9 =	sld [smem:$0x3FA6]  }
0x2f: {  	lr =	sadd.s32 s0, s3;
	s0 =	sld [smem:$0x3F9D]  }
0x30: {  	s3 =	sld [smem:$0x3FA0]  }
0x31: {  	[smem:$0x3FA9] =	sst s10  }
0x32: {  	s10 =	sld [smem:$0x3FA7];
	_ =	sdelay $0x3  }
0x33: {  	p0 =	seq.s32 s10, $0x1;
	s10 =	sld [smem:$0x3FA9];
	_ =	sdelay $0x3  }
0x34: {  	[smem:$0x3FA9] =	sst s10  }
0x35: {  	s10 =	sld [smem:$0x3FA8];
	_ =	sdelay $0x3  }
0x36: {  	p1 =	seq.s32 s10, $0x1;
	s10 =	sld [smem:$0x3FA9];
	_ =	sdelay $0x3  }
0x37: {  	[smem:$0x3FA9] =	sst s10  }
0x38: {  	s10 =	sld [smem:$0x3FAA]  }
0x39: {  	_ = 	snop;
	(pc) =	sbr.ind lr, $3  }
0x3a: {  	_ = 	snop  }
0x3b: {  	_ = 	snop  }
0x3c: {  	p2 =	seq.s32 s10, $0x1;
	s10 =	sld [smem:$0x3FA9]  }
0x3d: {  	_ =	shalt  }
0x3e: {  	_ =	shalt  }
0x3f: {  	_ =	shalt  }
0x40: {  	_ =	shalt  }
0x41: {  	_ =	shalt  }
0x42: {  	_ =	shalt  }
0x43: {  	_ =	shalt  }
0x44: {  	_ =	shalt  }
0x45: {  	_ =	shalt  }
0x46: {  	_ =	shalt  }
0x47: {  	_ =	shalt  }
0x48: {  	_ =	shalt  }
0x49: {  	_ =	shalt  }
0x4a: {  	_ =	shalt  }
0x4b: {  	_ =	shalt  }
0x4c: {  	_ =	shalt  }
0x4d: {  	_ =	shalt  }
0x4e: {  	_ =	shalt  }
0x4f: {  	_ =	shalt  }
0x50: {  	_ =	shalt  }
0x51: {  	_ =	shalt  }
0x52: {  	_ =	shalt  }
0x53: {  	_ =	shalt  }
0x54: {  	_ =	shalt  }
0x55: {  	_ =	shalt  }
0x56: {  	_ =	shalt  }
0x57: {  	_ =	shalt  }
0x58: {  	_ =	shalt  }
0x59: {  	_ =	shalt  }
0x5a: {  	_ =	shalt  }
0x5b: {  	_ =	shalt  }
0x5c: {  	_ =	shalt  }
0x5d: {  	_ =	shalt  }
0x5e: {  	_ =	shalt  }
0x5f: {  	_ =	shalt  }
0x60: {  	_ =	shalt  }
0x61: {  	_ =	shalt  }
0x62: {  	_ =	shalt  }
0x63: {  	_ =	shalt  }
0x64: {  	_ =	shalt  }
0x65: {  	_ =	shalt  }
0x66: {  	_ =	shalt  }
0x67: {  	_ =	shalt  }
0x68: {  	_ =	shalt  }
0x69: {  	_ =	shalt  }
0x6a: {  	_ =	shalt  }
0x6b: {  	_ =	shalt  }
0x6c: {  	_ =	shalt  }
0x6d: {  	_ =	shalt  }
0x6e: {  	_ =	shalt  }
0x6f: {  	_ =	shalt  }
0x70: {  	_ =	shalt  }
0x71: {  	_ =	shalt  }
0x72: {  	_ =	shalt  }
0x73: {  	_ =	shalt  }
0x74: {  	_ =	shalt  }
0x75: {  	_ =	shalt  }
0x76: {  	_ =	shalt  }
0x77: {  	_ =	shalt  }
0x78: {  	_ =	shalt  }
0x79: {  	_ =	shalt  }
0x7a: {  	_ =	shalt  }
0x7b: {  	_ =	shalt  }
0x7c: {  	_ =	shalt  }
0x7d: {  	_ =	shalt  }
0x7e: {  	_ =	shalt  }
0x7f: {  	_ =	shalt  }
0x80: {  	_ =	shalt  }
0x81: {  	_ =	shalt  }
0x82: {  	_ =	shalt  }
0x83: {  	_ =	shalt  }
0x84: {  	_ =	shalt  }
0x85: {  	_ =	shalt  }
0x86: {  	_ =	shalt  }
0x87: {  	_ =	shalt  }
.Lfunc_end0:
.L_simem_size_0:
called_computation.1_lowered:
.L_overlay_start_0:
0x88: {  	s2 =	sld [smem:$0x3FD9]  }
0x89: {  	s3 =	sld [smem:$0x3FFE];
	_ =	sdelay $0x1  }
0x8a: {  	s1 =	srdreg.scid  }
0x8b: {  	s0 =	sand.u32 $0x1, s1  }
0x8c: {  	s14 =	sshll.u32 s0, $0xA;
	s2 =	sadd.s32 s3, s2  }
0x8d: {  	s2 =	sadd.s32 s2, s14  }
0x8e: {  	[smem:$0x3FB5] =	sst s2  }
0x8f: {  	_ = 	snop  }
0x90: {  	s2 =	sld [smem:$0x3FD0];
	_ =	sdelay $0x2  }
0x91: {  	s15 =	simm.s32 $0xA;
	s4 =	simm.s32 $0x10  }
0x92: {  	[smem:s4], [sflag:s15] =	dma.local [hbm:s2], $0x1  }
0x93: {  	_ =	swait.eq [sflag:s15], $0x1  }
0x94: {  	[sflag:s15] =	ssyncset.done $0x0  }
0x95: {  	[sflag:s15] =	ssyncadd.s32 $0xFFFFFFFF  }
0x96: {  	s16 =	sld [smem:$0x12];
	(tm) =	ssettm $0x1  }
0x97: {  	s17 =	sld [smem:$0x3FFB];
	_ =	sdelay $0x3  }
0x98: {  	_ =	strace s17  }
0x99: {  	s3 =	sld [smem:$0x3FFC];
	_ =	sdelay $0x3  }
0x9a: {  	_ =	strace s3  }
0x9b: {  	s3 =	sld [smem:$0x3FFD];
	_ =	sdelay $0x3  }
0x9c: {  	_ =	strace s3  }
0x9d: {  	_ =	strace $0x8FFFFFFF  }
0x9e: {  	s18 =	sld [smem:$0x3FDB];
	_ =	sdelay $0x1  }
0x9f: {  	s19 =	simm.s32 $_scs_section_size  }
0xa0: {  	s5 =	simm.s32 $_size__tile_overlayer_lowered;
	s6 =	simm.s32 $_tile_overlayer_lowered  }
0xa1: {  	s22 =	simm.s32 $0x1BFF;
	s21 =	sshll.u32 s6, $0x1;
	s3 =	sadd.s32 s19, s18  }
0xa2: {  	s7 =	simm.s32 $0x0;
	s20 =	sshll.u32 s5, $0x1;
	s5 =	sadd.s32 s21, s3  }
0xa3: {  	[timem:s7], [sflag:s22] =	dma.local [hbm:s5], s20  }
0xa4: {  	_ =	swait.ge [sflag:s22], s20  }
0xa5: {  	s4 =	ssub.s32 $0x0, s20;
	[sflag:s22] =	ssyncset.done $0x0  }
0xa6: {  	[sflag:s22] =	ssyncadd.s32 s4;
	_ =	sdelay $0x1  }
0xa7: {  	s23 =	simm.s32 $0x1B8B  }
0xa8: {  	_ =	swait.ge [sflag:s23], $0x1  }
0xa9: {  	[sflag:s23] =	ssyncset.done $0x0  }
0xaa: {  	s25 =	simm.s32 $0x1B8E;
	s24 =	sld [smem:$0x3FFE];
	[sflag:s23] =	ssyncadd.s32 $0xFFFFFFFF  }
0xab: {  	s26 =	simm.s32 $execute0_lowered;
	[smem:$0x3FD2] =	sst s25  }
0xac: {  	s5 =	sshll.u32 s26, $0x1;
	_ =	strace $0x80000049;
	[dreg:$0x1] =	wrdreg $0xFFFFFFFF  }
0xad: {  	s28 =	simm.s32 $_size_execute0_lowered;
	s3 =	sadd.s32 s3, s5;
	[dreg:$0x0] =	wrdreg $0x0  }
0xae: {  	s5 =	sshll.u32 s28, $0x1;
	[dreg:$0x2] =	wrdreg s3  }
0xaf: {  	[dreg:$0x3] =	wrdreg s5  }
0xb0: {  	[dreg:$0x4] =	wrdreg $0xC0  }
0xb1: {  	_ =	task [dreg:s7], $0x5FFFF  }
0xb2: {  	[dreg:$0x1] =	wrdreg $0xFFFFFFFF  }
0xb3: {  	[dreg:$0x0] =	wrdreg $0x60  }
0xb4: {  	[dreg:$0x2] =	wrdreg s24  }
0xb5: {  	[dreg:$0x3] =	wrdreg s16  }
0xb6: {  	[dreg:$0x4] =	wrdreg $0x0  }
0xb7: {  	[dreg:$0x5] =	wrdreg $0x9  }
0xb8: {  	_ =	task.clear_ibuf [dreg:s7], $0x6FFFF;
	_ =	strace $0x90000049  }
0xb9: {  	s29 =	simm.s32 $0x9;
	_ =	strace $0x8000004B  }
0xba: {  	_ =	swait.ge [sflag:s29], $0x1  }
0xbb: {  	[sflag:s29] =	ssyncadd.s32 $0xFFFFFFFF  }
0xbc: {  	_ =	strace $0x9000004B  }
0xbd: {  	_ =	sfence  }
0xbe: {  	s30 =	sld [smem:$0x0];
	_ =	sdelay $0x2  }
0xbf: {  	s31 =	sshll.u32 s1, $0xD;
	s1 =	sshrl.u32 s1, $0x2  }
0xc0: {  	s3 =	sand.u32 $0x4000, s31;
	s1 =	sadd.s32 s1, s30  }
0xc1: {  	s0 =	sor.u32 s3, s0;
	s1 =	sshll.u32 s1, $0x11  }
0xc2: {  	s0 =	sor.u32 s1, s0  }
0xc3: {  	s0 =	sadd.s32 $0x8F2B, s0  }
0xc4: {  	[sflag:s0] =	ssyncadd.remote.s32 $0x1  }
0xc5: {  	_ =	sfence.sel $0xFFFF  }
0xc6: {  	[dreg:$0x0] =	wrdreg $0xFFFFFFFF;
	(pc) =	sbr.abs _section_cstart, $3  }
0xc7: {  	[dreg:$0x1] =	wrdreg $0xFFFFFFFF  }
0xc8: {  	_ =	task.clear_ibuf [dreg:s7], $0x2FFFF;
	_ =	strace $0x9FFFFFFF  }
0xc9: {  	(tm) =	ssettm $0x7FFFFFFF  }
tec
execute0_lowered:
.L_overlay_start_1:
0x0: {  	(tag) =	ssettag $0x1  }
0x1: {  	s0 =	rddreg [dreg:$0x0]  }
0x2: {  	s1 =	srdreg.scid;
	s2 =	rddreg [dreg:$0x1]  }
0x3: {  	s4 =	stileid.u32;
	s3 =	rddreg [dreg:$0x2]  }
0x4: {  	s6 =	simm.s32 $0x0;
	s28 =	simm.s32 $0x8;
	s7 =	smul.u32 $0xA000, s4  }
0x5: {  	s29 =	simm.s32 $0x0;
	s1 =	sand.u32 $0x1, s1;
	s12 =	smul.u32 $0x140, s4  }
0x6: {  	[smem:$0x7FF] =	sst s6;
	s9 =	sadd.s32 $0x19200, s0;
	s13 =	smul.u32 $0x14000, s4  }
0x7: {  	s8 =	sadd.s32 $0x5200, s0;
	s6 =	simm.s32 $0xE0;
	s17 =	smul.u32 $0x2800, s4  }
0x8: {  	s22 =	sshll.u32 s4, $0x6;
	s5 =	smul.u32 $0xA0000, s1;
	_ =	strace $0x8000004A  }
0x9: {  	[dreg:$0x17] =	wrdreg s8;
	s8 =	ssub.s32 $0x2, s1;
	s10 =	ssub.s32 $0x0, s1  }
0xa: {  	p0 =	seq.s32 s1, $0x0;
	s11 =	sshrl.u32 s8, $0x1;
	s10 =	sand.u32 $0xE0, s10  }
0xb: {  	s6 =	simm.s32 @!p0 $0x60;
	s21 =	sadd.s32 s7, s3;
	s5 =	sadd.s32 s7, s5  }
0xc: {  	s11 =	ssub.s32 s8, s11;
	s20 =	sadd.s32 s12, s10;
	s7 =	sor.u32 $0x1C0D, s22  }
0xd: {  	s23 =	sadd.s32 $0xFFFFFFF8, s6;
	s24 =	sadd.s32 $0xFFFFFFF7, s6;
	s25 =	sadd.s32 $0xFFFFFFF6, s6  }
0xe: {  	s14 =	sshll.u32 s10, $0x8;
	s26 =	sadd.s32 $0xFFFFFFF5, s6;
	[dreg:$0x4] =	wrdreg s23  }
0xf: {  	s30 =	sshll.u32 s6, $0x5;
	s1 =	sshll.u32 s10, $0x5;
	[dreg:$0x5] =	wrdreg s24  }
0x10: {  	s22 =	simm.s32 $0xA180;
	s31 =	sshrl.u32 s5, $0x3;
	[dreg:$0x6] =	wrdreg s25  }
0x11: {  	s8 =	sshll.u32 s20, $0x5;
	s13 =	sadd.s32 s14, s13;
	[dreg:$0x7] =	wrdreg s26  }
0x12: {  	[dreg:$0x8] =	wrdreg s30;
	s10 =	smax.u32 s11, $0x1;
	s11 =	sshrl.u32 s21, $0x3  }
0x13: {  	s21 =	simm.s32 $0xA080;
	[dreg:$0x10] =	wrdreg s22;
	s23 =	simm.s32 $0xA280  }
0x14: {  	s24 =	simm.s32 $0xA380;
	s25 =	simm.s32 $0xA480;
	s26 =	simm.s32 $0xA580  }
0x15: {  	s22 =	simm.s32 $0x4;
	s30 =	simm.s32 $0xA680;
	[dreg:$0xf] =	wrdreg s21  }
0x16: {  	s0 =	sadd.s32 s31, s0;
	s8 =	sadd.s32 s9, s8;
	[dreg:$0x11] =	wrdreg s23  }
0x17: {  	s14 =	sor.u32 $0xB00, s13;
	s5 =	sor.u32 $0xA00, s13;
	[dreg:$0x12] =	wrdreg s24  }
0x18: {  	s15 =	sor.u32 $0x900, s13;
	s13 =	sor.u32 $0x800, s13;
	[dreg:$0x13] =	wrdreg s25  }
0x19: {  	s21 =	simm.s32 $0xE800;
	[dreg:$0x14] =	wrdreg s26;
	s23 =	simm.s32 $0x10800  }
0x1a: {  	[dreg:$0x15] =	wrdreg s30;
	s24 =	simm.s32 $0x5;
	s25 =	simm.s32 $0x6  }
0x1b: {  	s26 =	simm.s32 $0x7;
	s31 =	sshrl.u32 s14, $0x3;
	s14 =	sshrl.u32 s5, $0x3  }
0x1c: {  	s15 =	sshrl.u32 s15, $0x3;
	s18 =	sadd.s32 $0xC0, s8;
	s13 =	sshrl.u32 s13, $0x3  }
0x1d: {  	s12 =	sadd.s32 s31, s9;
	s14 =	sadd.s32 s14, s9;
	[dreg:$0xc] =	wrdreg s18  }
0x1e: {  	s16 =	sadd.s32 s15, s9;
	s19 =	sadd.s32 s13, s9;
	[dreg:$0x9] =	wrdreg s12  }
0x1f: {  	s13 =	simm.s32 $0xA000;
	s15 =	simm.s32 $0xA800;
	[dreg:$0xa] =	wrdreg s14  }
0x20: {  	s18 =	simm.s32 $0x1;
	s31 =	simm.s32 $0xA780;
	[dreg:$0xb] =	wrdreg s16  }
0x21: {  	s14 =	sadd.s32 s17, s9;
	s9 =	sadd.s32 $0x8F600, s0;
	[dreg:$0xd] =	wrdreg s19  }
0x22: {  	s12 =	simm.s32 $0xD;
	s17 =	simm.s32 $0xC800;
	s1 =	sadd.s32 s1, s14  }
0x23: {  	s19 =	simm.s32 $0x2;
	[dreg:$0x16] =	wrdreg s31;
	s20 =	sadd.s32 $0x80, s1  }
0x24: {  	s14 =	simm.s32 $0x80;
	[dreg:$0xe] =	wrdreg s20;
	s20 =	simm.s32 $0x3  }
.LBB2_1:
0x25: {  	s0 =	rddreg [dreg:$0x17]  }
0x26: {  	[spmem:s11], [sflag:s7] =	dma.local [hbm:s0], $0x1400  }
0x27: {  	_ =	swait.ge [sflag:s12], $0x1400  }
0x28: {  	[sflag:s12] =	ssyncset.done $0x0  }
0x29: {  	s5 =	simm.s32 $0x0;
	[sflag:s12] =	ssyncadd.s32 $0xFFFFEC00  }
0x2a: {  	[tilespmem:s13], [sflag:$0xD] =	stream.linear.gather [hbm4b:s8+s5], $0x800, $0x38;
	[tilespmem:$0x12800] =	vst v63  }
0x2b: {  	_ =	swait.ge [sflag:s12], $0x800  }
0x2c: {  	[sflag:s12] =	ssyncset.done $0x0  }
0x2d: {  	[sflag:s12] =	ssyncadd.s32 $0xFFFFF800  }
0x2e: {  	[bflag:$0x0] =	sbarrier.arrive $0xFFFF  }
0x2f: {  	[tilespmem:s15], [sflag:$0x1] =	stream.indirect.gather [hbm4b:s2+s14], $0x40, s13, s14, $0xb8;
	[tilespmem:$0x12800] =	vst v63  }
0x30: {  	s16 =	simm.s32 $0xA100;
	s30 =	simm.s32 $0x0;
	s31 =	simm.s32 $0x0  }
0x31: {  	[tilespmem:s17], [sflag:$0x2] =	stream.indirect.gather [hbm4b:s2+s14], $0x40, s16, s14, $0xb8;
	[tilespmem:$0x12800] =	vst v63  }
.LBB2_2:
0x32: {  	_ =	swait.ge [sflag:s18], $0x2000;
	s1 =	sadd.s32 $0x4, s30  }
0x33: {  	[sflag:s18] =	ssyncset.done $0x0;
	p0 =	sge.u32 s1, s6  }
0x34: {  	s0 =	rddreg [dreg:$0xf];
	[sflag:s18] =	ssyncadd.s32 $0xFFFFE000;
	p1 =	seq.s32 @!p0 s31, $0x0  }
0x35: {  	[spmem:s3] =	stream.indirect.scatter.add.f32 [tilespmem:s15], [sflag:$0x5], $0x40, s0, s14, $0xb8;
	[tilespmem:$0x12800] =	vst v63  }
0x36: {  	s0 =	rddreg [dreg:$0xe];
	p2 =	por p1, p0  }
0x37: {  	s0 =	sadd.s32 @!p2 s31, s0;
	s1 =	simm.s32 @!p2 $0x0;
	s4 =	simm.s32 @!p2 $0xA400  }
0x38: {  	[tilespmem:s4], [sflag:$0x9] =	stream.linear.gather @!p2 [hbm4b:s0+s1], $0x100, $0x38;
	[tilespmem:$0x12800] =	vst v63  }
0x39: {  	s4 =	sadd.s32 $0x2, s30  }
0x3a: {  	p1 =	sge.u32 s4, s6  }
0x3b: {  	p3 =	seq.s32 @!p1 s31, $0x0  }
0x3c: {  	p3 =	por p3, p1  }
0x3d: {  	s0 =	simm.s32 @!p3 $0x7  }
0x3e: {  	_ =	swait.ge @!p3 [sflag:s0], $0x2000  }
0x3f: {  	[sflag:s0] =	ssyncset.done @!p3 $0x0  }
0x40: {  	[sflag:s0] =	ssyncadd.s32 @!p3 $0xFFFFE000;
	s0 =	simm.s32 @!p3 $0xB  }
0x41: {  	_ =	swait.ge @!p3 [sflag:s0], $0x100  }
0x42: {  	s16 =	sadd.s32 $0x5, s30;
	s1 =	simm.s32 @!p1 $0xA200;
	[sflag:s0] =	ssyncset.done @!p3 $0x0  }
0x43: {  	s4 =	simm.s32 @!p1 $0xE800;
	[sflag:s0] =	ssyncadd.s32 @!p3 $0xFFFFFF00;
	s0 =	simm.s32 @!p1 $0x80  }
0x44: {  	[tilespmem:s4], [sflag:$0x3] =	stream.indirect.gather @!p1 [hbm4b:s2+s0], $0x40, s1, s0, $0xb8;
	[tilespmem:$0x12800] =	vst v63  }
0x45: {  	p1 =	sge.u32 s16, s6  }
0x46: {  	_ =	swait.ge [sflag:s19], $0x2000;
	p3 =	seq.s32 @!p1 s31, $0x0  }
0x47: {  	[sflag:s19] =	ssyncset.done $0x0;
	p4 =	por p3, p1  }
0x48: {  	s5 =	rddreg [dreg:$0x10];
	[sflag:s19] =	ssyncadd.s32 $0xFFFFE000;
	s0 =	sadd.s32 @!p4 s31, s8  }
0x49: {  	[spmem:s3] =	stream.indirect.scatter.add.f32 [tilespmem:s17], [sflag:$0x6], $0x40, s5, s14, $0xb8;
	[tilespmem:$0x12800] =	vst v63  }
0x4a: {  	s1 =	simm.s32 @!p4 $0x0;
	s4 =	simm.s32 @!p4 $0xA500;
	s0 =	sadd.s32 @!p4 $0xA0, s0  }
0x4b: {  	[tilespmem:s4], [sflag:$0xA] =	stream.linear.gather @!p4 [hbm4b:s0+s1], $0x100, $0x38;
	[tilespmem:$0x12800] =	vst v63  }
0x4c: {  	s1 =	sadd.s32 $0x3, s30  }
0x4d: {  	p3 =	sge.u32 s1, s6  }
0x4e: {  	p5 =	seq.s32 @!p3 s31, $0x0  }
0x4f: {  	p5 =	por p5, p3  }
0x50: {  	s0 =	simm.s32 @!p5 $0x8  }
0x51: {  	_ =	swait.ge @!p5 [sflag:s0], $0x2000  }
0x52: {  	[sflag:s0] =	ssyncset.done @!p5 $0x0  }
0x53: {  	[sflag:s0] =	ssyncadd.s32 @!p5 $0xFFFFE000;
	s0 =	simm.s32 @!p5 $0xC  }
0x54: {  	_ =	swait.ge @!p5 [sflag:s0], $0x100  }
0x55: {  	s5 =	sadd.s32 $0x6, s30;
	s1 =	simm.s32 @!p3 $0xA300;
	[sflag:s0] =	ssyncset.done @!p5 $0x0  }
0x56: {  	s4 =	simm.s32 @!p3 $0x10800;
	[sflag:s0] =	ssyncadd.s32 @!p5 $0xFFFFFF00;
	s0 =	simm.s32 @!p3 $0x80  }
0x57: {  	[tilespmem:s4], [sflag:$0x4] =	stream.indirect.gather @!p3 [hbm4b:s2+s0], $0x40, s1, s0, $0xb8;
	[tilespmem:$0x12800] =	vst v63  }
0x58: {  	p3 =	sge.u32 s5, s6;
	_ =	swait.ge [sflag:s20], $0x2000  }
0x59: {  	p5 =	seq.s32 @!p3 s31, $0x0;
	s4 =	rddreg [dreg:$0x11];
	[sflag:s20] =	ssyncset.done $0x0  }
0x5a: {  	s0 =	rddreg [dreg:$0xc];
	p5 =	por p5, p3;
	[sflag:s20] =	ssyncadd.s32 $0xFFFFE000  }
0x5b: {  	[spmem:s3] =	stream.indirect.scatter.add.f32 [tilespmem:s21], [sflag:$0x7], $0x40, s4, s14, $0xb8;
	[tilespmem:$0x12800] =	vst v63  }
0x5c: {  	s0 =	sadd.s32 @!p5 s31, s0;
	s1 =	simm.s32 @!p5 $0x0;
	s4 =	simm.s32 @!p5 $0xA600  }
0x5d: {  	[tilespmem:s4], [sflag:$0xB] =	stream.linear.gather @!p5 [hbm4b:s0+s1], $0x100, $0x38;
	[tilespmem:$0x12800] =	vst v63  }
0x5e: {  	s0 =	simm.s32 @!p0 $0x5  }
0x5f: {  	_ =	swait.ge @!p0 [sflag:s0], $0x2000  }
0x60: {  	[sflag:s0] =	ssyncset.done @!p0 $0x0  }
0x61: {  	[sflag:s0] =	ssyncadd.s32 @!p0 $0xFFFFE000;
	s0 =	simm.s32 @!p2 $0x9  }
0x62: {  	_ =	swait.ge @!p2 [sflag:s0], $0x100  }
0x63: {  	s1 =	simm.s32 @!p0 $0xA400;
	[sflag:s0] =	ssyncset.done @!p2 $0x0  }
0x64: {  	s4 =	simm.s32 @!p0 $0xA800;
	[sflag:s0] =	ssyncadd.s32 @!p2 $0xFFFFFF00;
	s0 =	simm.s32 @!p0 $0x80  }
0x65: {  	[tilespmem:s4], [sflag:$0x1] =	stream.indirect.gather @!p0 [hbm4b:s2+s0], $0x40, s1, s0, $0xb8;
	[tilespmem:$0x12800] =	vst v63  }
0x66: {  	p0 =	seq.s32 s31, $0x0;
	s4 =	sadd.s32 $0x7, s30  }
0x67: {  	_ =	swait.ge [sflag:s22], $0x2000;
	p2 =	sge.u32 @!p0 s4, s6  }
0x68: {  	[sflag:s22] =	ssyncset.done $0x0;
	p0 =	por p2, p0  }
0x69: {  	s16 =	rddreg [dreg:$0x12];
	[sflag:s22] =	ssyncadd.s32 $0xFFFFE000;
	s0 =	sadd.s32 @!p0 s31, s8  }
0x6a: {  	[spmem:s3] =	stream.indirect.scatter.add.f32 [tilespmem:s23], [sflag:$0x8], $0x40, s16, s14, $0xb8;
	[tilespmem:$0x12800] =	vst v63  }
0x6b: {  	s1 =	simm.s32 @!p0 $0x0;
	s0 =	sadd.s32 @!p0 $0xE0, s0;
	s16 =	simm.s32 @!p0 $0xA700  }
0x6c: {  	[tilespmem:s16], [sflag:$0xC] =	stream.linear.gather @!p0 [hbm4b:s0+s1], $0x100, $0x38;
	[tilespmem:$0x12800] =	vst v63  }
0x6d: {  	s0 =	simm.s32 @!p1 $0x6  }
0x6e: {  	_ =	swait.ge @!p1 [sflag:s0], $0x2000  }
0x6f: {  	[sflag:s0] =	ssyncset.done @!p1 $0x0  }
0x70: {  	[sflag:s0] =	ssyncadd.s32 @!p1 $0xFFFFE000;
	s0 =	simm.s32 @!p4 $0xA  }
0x71: {  	_ =	swait.ge @!p4 [sflag:s0], $0x100  }
0x72: {  	s1 =	simm.s32 @!p1 $0xA500;
	[sflag:s0] =	ssyncset.done @!p4 $0x0  }
0x73: {  	s16 =	simm.s32 @!p1 $0xC800;
	[sflag:s0] =	ssyncadd.s32 @!p4 $0xFFFFFF00;
	s0 =	simm.s32 @!p1 $0x80  }
0x74: {  	[tilespmem:s16], [sflag:$0x2] =	stream.indirect.gather @!p1 [hbm4b:s2+s0], $0x40, s1, s0, $0xb8;
	[tilespmem:$0x12800] =	vst v63  }
0x75: {  	_ =	swait.ge [sflag:s18], $0x2000  }
0x76: {  	s1 =	rddreg [dreg:$0x13]  }
0x77: {  	[sflag:s18] =	ssyncset.done $0x0;
	s5 =	rddreg [dreg:$0x4]  }
0x78: {  	s16 =	rddreg [dreg:$0xd];
	[sflag:s18] =	ssyncadd.s32 $0xFFFFE000;
	p0 =	sge.u32 s30, s5  }
0x79: {  	[spmem:s3] =	stream.indirect.scatter.add.f32 [tilespmem:s15], [sflag:$0x5], $0x40, s1, s14, $0xb8;
	[tilespmem:$0x12800] =	vst v63  }
0x7a: {  	s0 =	sadd.s32 @!p0 s31, s16;
	s16 =	simm.s32 @!p0 $0x0;
	s1 =	simm.s32 @!p0 $0xA000  }
0x7b: {  	[tilespmem:s1], [sflag:$0x9] =	stream.linear.gather @!p0 [hbm4b:s0+s16], $0x100, $0x38;
	[tilespmem:$0x12800] =	vst v63  }
0x7c: {  	s0 =	simm.s32 @!p3 $0x7  }
0x7d: {  	_ =	swait.ge @!p3 [sflag:s0], $0x2000  }
0x7e: {  	[sflag:s0] =	ssyncset.done @!p3 $0x0  }
0x7f: {  	[sflag:s0] =	ssyncadd.s32 @!p3 $0xFFFFE000;
	s0 =	simm.s32 @!p5 $0xB  }
0x80: {  	_ =	swait.ge @!p5 [sflag:s0], $0x100  }
0x81: {  	s5 =	simm.s32 @!p3 $0xE800;
	[sflag:s0] =	ssyncset.done @!p5 $0x0  }
0x82: {  	s16 =	simm.s32 @!p3 $0xA600;
	[sflag:s0] =	ssyncadd.s32 @!p5 $0xFFFFFF00;
	s0 =	simm.s32 @!p3 $0x80  }
0x83: {  	[tilespmem:s5], [sflag:$0x3] =	stream.indirect.gather @!p3 [hbm4b:s2+s0], $0x40, s16, s0, $0xb8;
	[tilespmem:$0x12800] =	vst v63  }
0x84: {  	_ =	swait.ge [sflag:s19], $0x2000  }
0x85: {  	p2 =	sge.u32 s4, s6;
	s0 =	rddreg [dreg:$0x14]  }
0x86: {  	s4 =	simm.s32 @!p2 $0x8;
	[sflag:s19] =	ssyncset.done $0x0;
	s5 =	rddreg [dreg:$0x5]  }
0x87: {  	s16 =	rddreg [dreg:$0xb];
	[sflag:s19] =	ssyncadd.s32 $0xFFFFE000;
	p1 =	sge.u32 s30, s5  }
0x88: {  	[spmem:s3] =	stream.indirect.scatter.add.f32 [tilespmem:s17], [sflag:$0x6], $0x40, s0, s14, $0xb8;
	[tilespmem:$0x12800] =	vst v63  }
0x89: {  	s5 =	sadd.s32 @!p1 s31, s16;
	s16 =	simm.s32 @!p1 $0x0;
	s0 =	simm.s32 @!p1 $0xA100  }
0x8a: {  	[tilespmem:s0], [sflag:$0xA] =	stream.linear.gather @!p1 [hbm4b:s5+s16], $0x100, $0x38;
	[tilespmem:$0x12800] =	vst v63  }
0x8b: {  	p3 =	seq.s32 @!p2 s31, $0x0;
	_ =	swait.ge @!p2 [sflag:s4], $0x2000  }
0x8c: {  	p3 =	por p3, p2;
	[sflag:s4] =	ssyncset.done @!p2 $0x0  }
0x8d: {  	[sflag:s4] =	ssyncadd.s32 @!p2 $0xFFFFE000;
	s4 =	simm.s32 @!p3 $0xC  }
0x8e: {  	_ =	swait.ge @!p3 [sflag:s4], $0x100  }
0x8f: {  	s5 =	simm.s32 @!p2 $0xA700;
	[sflag:s4] =	ssyncset.done @!p3 $0x0  }
0x90: {  	s16 =	simm.s32 @!p2 $0x10800;
	[sflag:s4] =	ssyncadd.s32 @!p3 $0xFFFFFF00;
	s4 =	simm.s32 @!p2 $0x80  }
0x91: {  	[tilespmem:s16], [sflag:$0x4] =	stream.indirect.gather @!p2 [hbm4b:s2+s4], $0x40, s5, s4, $0xb8;
	[tilespmem:$0x12800] =	vst v63  }
0x92: {  	_ =	swait.ge [sflag:s20], $0x2000  }
0x93: {  	s4 =	rddreg [dreg:$0x15]  }
0x94: {  	[sflag:s20] =	ssyncset.done $0x0;
	s5 =	rddreg [dreg:$0x6]  }
0x95: {  	s16 =	rddreg [dreg:$0xa];
	[sflag:s20] =	ssyncadd.s32 $0xFFFFE000;
	p2 =	sge.u32 s30, s5  }
0x96: {  	[spmem:s3] =	stream.indirect.scatter.add.f32 [tilespmem:s21], [sflag:$0x7], $0x40, s4, s14, $0xb8;
	[tilespmem:$0x12800] =	vst v63  }
0x97: {  	s4 =	sadd.s32 @!p2 s31, s16;
	s5 =	simm.s32 @!p2 $0x0;
	s16 =	simm.s32 @!p2 $0xA200  }
0x98: {  	[tilespmem:s16], [sflag:$0xB] =	stream.linear.gather @!p2 [hbm4b:s4+s5], $0x100, $0x38;
	[tilespmem:$0x12800] =	vst v63  }
0x99: {  	s4 =	simm.s32 @!p0 $0x5  }
0x9a: {  	_ =	swait.ge @!p0 [sflag:s4], $0x2000  }
0x9b: {  	[sflag:s4] =	ssyncset.done @!p0 $0x0  }
0x9c: {  	[sflag:s4] =	ssyncadd.s32 @!p0 $0xFFFFE000;
	s4 =	simm.s32 @!p0 $0x9  }
0x9d: {  	_ =	swait.ge @!p0 [sflag:s4], $0x100  }
0x9e: {  	[sflag:s4] =	ssyncset.done @!p0 $0x0  }
0x9f: {  	s5 =	simm.s32 @!p0 $0xA800;
	[sflag:s4] =	ssyncadd.s32 @!p0 $0xFFFFFF00;
	s4 =	simm.s32 @!p0 $0x80  }
0xa0: {  	[tilespmem:s5], [sflag:$0x1] =	stream.indirect.gather @!p0 [hbm4b:s2+s4], $0x40, s1, s4, $0xb8;
	[tilespmem:$0x12800] =	vst v63  }
0xa1: {  	_ =	swait.ge [sflag:s22], $0x2000  }
0xa2: {  	s4 =	rddreg [dreg:$0x16]  }
0xa3: {  	[sflag:s22] =	ssyncset.done $0x0;
	s16 =	rddreg [dreg:$0x7]  }
0xa4: {  	s5 =	rddreg [dreg:$0x9];
	[sflag:s22] =	ssyncadd.s32 $0xFFFFE000;
	p0 =	sge.u32 s30, s16  }
0xa5: {  	[spmem:s3] =	stream.indirect.scatter.add.f32 [tilespmem:s23], [sflag:$0x8], $0x40, s4, s14, $0xb8;
	[tilespmem:$0x12800] =	vst v63  }
0xa6: {  	s1 =	sadd.s32 @!p0 s31, s5;
	s4 =	simm.s32 @!p0 $0x0;
	s5 =	simm.s32 @!p0 $0xA300  }
0xa7: {  	[tilespmem:s5], [sflag:$0xC] =	stream.linear.gather @!p0 [hbm4b:s1+s4], $0x100, $0x38;
	[tilespmem:$0x12800] =	vst v63  }
0xa8: {  	s1 =	simm.s32 @!p1 $0x6  }
0xa9: {  	_ =	swait.ge @!p1 [sflag:s1], $0x2000  }
0xaa: {  	[sflag:s1] =	ssyncset.done @!p1 $0x0  }
0xab: {  	[sflag:s1] =	ssyncadd.s32 @!p1 $0xFFFFE000;
	s1 =	simm.s32 @!p1 $0xA  }
0xac: {  	_ =	swait.ge @!p1 [sflag:s1], $0x100  }
0xad: {  	s31 =	sadd.s32 $0x100, s31;
	s16 =	rddreg [dreg:$0x8]  }
0xae: {  	p0 =	sne.s32 s16, s31  }
.Ltmp0:
0xaf: {  	_ = 	snop;
	(pc) =	sbr.rel @p0 .LBB2_2-.Ltmp0, $4  }
0xb0: {  	_ = 	snop  }
0xb1: {  	s30 =	sadd.s32 $0x8, s30;
	[sflag:s1] =	ssyncset.done @!p1 $0x0  }
0xb2: {  	s4 =	simm.s32 @!p1 $0xC800;
	[sflag:s1] =	ssyncadd.s32 @!p1 $0xFFFFFF00;
	s1 =	simm.s32 @!p1 $0x80  }
0xb3: {  	[tilespmem:s4], [sflag:$0x2] =	stream.indirect.gather @!p1 [hbm4b:s2+s1], $0x40, s0, s1, $0xb8;
	[tilespmem:$0x12800] =	vst v63  }
0xb4: {  	_ =	swait.ge [sflag:s24], $0x2000  }
0xb5: {  	[sflag:s24] =	ssyncset.done $0x0  }
0xb6: {  	[sflag:s24] =	ssyncadd.s32 $0xFFFFE000  }
0xb7: {  	_ =	swait.ge [sflag:s25], $0x2000  }
0xb8: {  	[sflag:s25] =	ssyncset.done $0x0  }
0xb9: {  	[sflag:s25] =	ssyncadd.s32 $0xFFFFE000  }
0xba: {  	_ =	swait.ge [sflag:s26], $0x2000  }
0xbb: {  	[sflag:s26] =	ssyncset.done $0x0  }
0xbc: {  	[sflag:s26] =	ssyncadd.s32 $0xFFFFE000  }
0xbd: {  	_ =	swait.ge [sflag:s28], $0x2000  }
0xbe: {  	s29 =	sadd.s32 $0x1, s29;
	[sflag:s28] =	ssyncset.done $0x0  }
0xbf: {  	p0 =	sne.s32 s29, s10;
	[sflag:s28] =	ssyncadd.s32 $0xFFFFE000  }
.Ltmp1:
0xc0: {  	[bflag:$0x0] =	sbarrier.arrive $0xFFFF;
	(pc) =	sbr.rel @p0 .LBB2_1-.Ltmp1, $4  }
0xc1: {  	[hbm:s9], [sflag:s7] =	dma.local [spmem:s11], $0x1400  }
0xc2: {  	_ =	swait.ge [sflag:s12], $0x1400  }
0xc3: {  	[sflag:s12] =	ssyncset.done $0x0  }
0xc4: {  	[sflag:s12] =	ssyncadd.s32 $0xFFFFEC00  }
0xc5: {  	_ =	sfence.sel $0x180000  }
0xc6: {  	[bflag:$0x0] =	sbarrier.arrive $0xFFFF  }
0xc7: {  	_ =	strace $0x9000004A  }
0xc8: {  	s0 =	stileid.u32;
	[bflag:$0x2] =	sbarrier.arrive $0xFFFF  }
0xc9: {  	p0 =	sne.s32 s0, $0x0;
	s0 =	rddreg [dreg:$0x3]  }
0xca: {  	s0 =	sadd.s32 @!p0 $0x100000, s0  }
0xcb: {  	[sflag:s0] =	ssyncadd.tile.s32 @!p0 $0x1;
	_ =	shalt  }
.Lfunc_end2:
_tile_overlayer_lowered:
.L_overlay_start_2:
0xcc: {  	(tag) =	ssettag $0x2  }
0xcd: {  	s0 =	rddreg [dreg:$0x0];
	s2 =	stileid.u32  }
0xce: {  	s1 =	rddreg [dreg:$0x1];
	p0 =	sne.s32 s2, $0x0  }
0xcf: {  	s3 =	rddreg [dreg:$0x2];
	[bflag:$0x3] =	sbarrier.arrive $0xFFFF;
	s2 =	simm.s32 @!p0 $0x1C0D  }
0xd0: {  	[timem:s3], [sflag:s2] =	dma.local @!p0 [hbm:s0], s1  }
0xd1: {  	s0 =	simm.s32 @!p0 $0xD  }
0xd2: {  	_ =	swait.ge @!p0 [sflag:s0], s1  }
0xd3: {  	s1 =	ssub.s32 @!p0 $0x0, s1;
	[sflag:s0] =	ssyncset.done @!p0 $0x0  }
0xd4: {  	[sflag:s0] =	ssyncadd.s32 @!p0 s1  }
0xd5: {  	[bflag:$0x3] =	sbarrier.arrive $0xFFFF  }
0xd6: {  	_ =	shalt  }

// kernel: kernel.14.cloned.1.call-start
scs
__scs_entry_jumppad:
0x0: {  	(pc) =	sbr.rel $0x88, $3  }
0x1: {  	(tag) =	ssettag $0x0;
	lr =	simm.s32 $0x1  }
0x2: {  	[smem:$0x3F8E] =	sst lr;
	_ =	strace $0xD0000000  }
0x3: {  	_ = 	snop  }
0x4: {  	_ = 	snop  }
0x5: {  	_ = 	snop  }
0x6: {  	_ = 	snop  }
0x7: {  	_ = 	snop  }
__scs_overlays_trampoline_lowered:
0x8: {  	[smem:$0x3F9D] =	sst s0  }
0x9: {  	[smem:$0x3F9E] =	sst s1  }
0xa: {  	[smem:$0x3F9F] =	sst s2  }
0xb: {  	[smem:$0x3FA0] =	sst s3  }
0xc: {  	[smem:$0x3FA1] =	sst s4  }
0xd: {  	[smem:$0x3FA2] =	sst s5  }
0xe: {  	[smem:$0x3FA3] =	sst s6  }
0xf: {  	[smem:$0x3FA4] =	sst s7  }
0x10: {  	[smem:$0x3FA5] =	sst s8  }
0x11: {  	[smem:$0x3FA6] =	sst s9;
	s0 =	simm.s32 @!p0 $0x0  }
0x12: {  	s1 =	sld [smem:$0x3F8C];
	s0 =	simm.s32 @p0 $0x1  }
0x13: {  	[smem:$0x3FA7] =	sst s0;
	s0 =	simm.s32 @!p1 $0x0  }
0x14: {  	s2 =	sld [smem:$0x3F8B];
	s0 =	simm.s32 @p1 $0x1  }
0x15: {  	[smem:$0x3FA8] =	sst s0;
	s0 =	simm.s32 @!p2 $0x0  }
0x16: {  	s3 =	sld [smem:$0x3FDB];
	s0 =	simm.s32 @p2 $0x1  }
0x17: {  	s4 =	simm.s32 $0x1BF5;
	[smem:$0x3FAA] =	sst s0  }
0x18: {  	s0 =	sld [smem:$0x3F8D];
	_ =	swait.ge [sflag:s4], $0x0  }
0x19: {  	s7 =	sld [smem:$0x3F8E]  }
0x1a: {  	s8 =	sadd.s32 $0xFFFFE003, lr  }
0x1b: {  	s9 =	sadd.s32 $0xFFFFFEF7, lr;
	s5 =	simm.s32 $0xFFFFFFFF;
	p2 =	slt.u32 s8, $0xFFFFF086  }
0x1c: {  	p1 =	slt.u32 s9, $0xF7A;
	s5 =	simm.s32 @!p2 $0x0  }
0x1d: {  	s5 =	simm.s32 @p1 $0x1;
	p0 =	seq.s32 s7, s2  }
0x1e: {  	s7 =	smul.u32 @!p0 $0xF7A, s2;
	p2 =	seq.s32 @!p0 s5, $0x0  }
0x1f: {  	s9 =	smul.u32 $0xF7A, s1;
	s8 =	simm.s32 @!p0 $0x1BF5;
	p2 =	por !p2, p0  }
0x20: {  	[sflag:s8] =	ssyncset.s32 @!p0 $0xFFFFF086;
	s6 =	sadd.s32 @!p0 s3, s7;
	s7 =	simm.s32 @!p0 $0x108  }
0x21: {  	s3 =	sadd.s32 s3, s9;
	s6 =	sadd.s32 @!p0 $0x88, s6;
	s7 =	simm.s32 @p2 $0x1082  }
0x22: {  	[simem:s7], [sflag:s8] =	dma.local @!p0 [hbm:s6], $0xF7A  }
0x23: {  	s9 =	sor.u32 $0xD0000000, s2;
	s6 =	simm.s32 $0x108;
	_ =	swait.ge @!p0 [sflag:s8], $0x0  }
0x24: {  	s3 =	sadd.s32 $0x88, s3;
	s6 =	simm.s32 @!p1 $0x1082;
	[sflag:s4] =	ssyncset.s32 $0xFFFFF086  }
0x25: {  	[simem:s6], [sflag:s4] =	dma.local [hbm:s3], $0xF7A  }
0x26: {  	[smem:$0x3F8E] =	sst s1;
	(tag) =	ssettag s2;
	_ =	strace s9  }
0x27: {  	s1 =	sld [smem:$0x3F9E]  }
0x28: {  	s2 =	sld [smem:$0x3F9F]  }
0x29: {  	s4 =	sld [smem:$0x3FA1]  }
0x2a: {  	p0 =	seq.s32 s5, $0x0;
	s5 =	sld [smem:$0x3FA2]  }
0x2b: {  	s6 =	sld [smem:$0x3FA3]  }
0x2c: {  	s7 =	sld [smem:$0x3FA4]  }
0x2d: {  	s3 =	simm.s32 $0x108;
	s8 =	sld [smem:$0x3FA5]  }
0x2e: {  	s3 =	simm.s32 @!p0 $0x1082;
	s9 =	sld [smem:$0x3FA6]  }
0x2f: {  	lr =	sadd.s32 s0, s3;
	s0 =	sld [smem:$0x3F9D]  }
0x30: {  	s3 =	sld [smem:$0x3FA0]  }
0x31: {  	[smem:$0x3FA9] =	sst s10  }
0x32: {  	s10 =	sld [smem:$0x3FA7];
	_ =	sdelay $0x3  }
0x33: {  	p0 =	seq.s32 s10, $0x1;
	s10 =	sld [smem:$0x3FA9];
	_ =	sdelay $0x3  }
0x34: {  	[smem:$0x3FA9] =	sst s10  }
0x35: {  	s10 =	sld [smem:$0x3FA8];
	_ =	sdelay $0x3  }
0x36: {  	p1 =	seq.s32 s10, $0x1;
	s10 =	sld [smem:$0x3FA9];
	_ =	sdelay $0x3  }
0x37: {  	[smem:$0x3FA9] =	sst s10  }
0x38: {  	s10 =	sld [smem:$0x3FAA]  }
0x39: {  	_ = 	snop;
	(pc) =	sbr.ind lr, $3  }
0x3a: {  	_ = 	snop  }
0x3b: {  	_ = 	snop  }
0x3c: {  	p2 =	seq.s32 s10, $0x1;
	s10 =	sld [smem:$0x3FA9]  }
0x3d: {  	_ =	shalt  }
0x3e: {  	_ =	shalt  }
0x3f: {  	_ =	shalt  }
0x40: {  	_ =	shalt  }
0x41: {  	_ =	shalt  }
0x42: {  	_ =	shalt  }
0x43: {  	_ =	shalt  }
0x44: {  	_ =	shalt  }
0x45: {  	_ =	shalt  }
0x46: {  	_ =	shalt  }
0x47: {  	_ =	shalt  }
0x48: {  	_ =	shalt  }
0x49: {  	_ =	shalt  }
0x4a: {  	_ =	shalt  }
0x4b: {  	_ =	shalt  }
0x4c: {  	_ =	shalt  }
0x4d: {  	_ =	shalt  }
0x4e: {  	_ =	shalt  }
0x4f: {  	_ =	shalt  }
0x50: {  	_ =	shalt  }
0x51: {  	_ =	shalt  }
0x52: {  	_ =	shalt  }
0x53: {  	_ =	shalt  }
0x54: {  	_ =	shalt  }
0x55: {  	_ =	shalt  }
0x56: {  	_ =	shalt  }
0x57: {  	_ =	shalt  }
0x58: {  	_ =	shalt  }
0x59: {  	_ =	shalt  }
0x5a: {  	_ =	shalt  }
0x5b: {  	_ =	shalt  }
0x5c: {  	_ =	shalt  }
0x5d: {  	_ =	shalt  }
0x5e: {  	_ =	shalt  }
0x5f: {  	_ =	shalt  }
0x60: {  	_ =	shalt  }
0x61: {  	_ =	shalt  }
0x62: {  	_ =	shalt  }
0x63: {  	_ =	shalt  }
0x64: {  	_ =	shalt  }
0x65: {  	_ =	shalt  }
0x66: {  	_ =	shalt  }
0x67: {  	_ =	shalt  }
0x68: {  	_ =	shalt  }
0x69: {  	_ =	shalt  }
0x6a: {  	_ =	shalt  }
0x6b: {  	_ =	shalt  }
0x6c: {  	_ =	shalt  }
0x6d: {  	_ =	shalt  }
0x6e: {  	_ =	shalt  }
0x6f: {  	_ =	shalt  }
0x70: {  	_ =	shalt  }
0x71: {  	_ =	shalt  }
0x72: {  	_ =	shalt  }
0x73: {  	_ =	shalt  }
0x74: {  	_ =	shalt  }
0x75: {  	_ =	shalt  }
0x76: {  	_ =	shalt  }
0x77: {  	_ =	shalt  }
0x78: {  	_ =	shalt  }
0x79: {  	_ =	shalt  }
0x7a: {  	_ =	shalt  }
0x7b: {  	_ =	shalt  }
0x7c: {  	_ =	shalt  }
0x7d: {  	_ =	shalt  }
0x7e: {  	_ =	shalt  }
0x7f: {  	_ =	shalt  }
0x80: {  	_ =	shalt  }
0x81: {  	_ =	shalt  }
0x82: {  	_ =	shalt  }
0x83: {  	_ =	shalt  }
0x84: {  	_ =	shalt  }
0x85: {  	_ =	shalt  }
0x86: {  	_ =	shalt  }
0x87: {  	_ =	shalt  }
.Lfunc_end0:
.L_simem_size_0:
called_computation.2_lowered:
.L_overlay_start_0:
0x88: {  	s2 =	sld [smem:$0x3FD9]  }
0x89: {  	s3 =	sld [smem:$0x3FFE];
	_ =	sdelay $0x1  }
0x8a: {  	s1 =	srdreg.scid  }
0x8b: {  	s0 =	sand.u32 $0x1, s1  }
0x8c: {  	s14 =	sshll.u32 s0, $0xA;
	s2 =	sadd.s32 s3, s2  }
0x8d: {  	s2 =	sadd.s32 s2, s14  }
0x8e: {  	[smem:$0x3FB5] =	sst s2  }
0x8f: {  	_ = 	snop  }
0x90: {  	s2 =	sld [smem:$0x3FD0];
	_ =	sdelay $0x2  }
0x91: {  	s15 =	simm.s32 $0xA;
	s4 =	simm.s32 $0x10  }
0x92: {  	[smem:s4], [sflag:s15] =	dma.local [hbm:s2], $0x1  }
0x93: {  	_ =	swait.eq [sflag:s15], $0x1  }
0x94: {  	[sflag:s15] =	ssyncset.done $0x0  }
0x95: {  	[sflag:s15] =	ssyncadd.s32 $0xFFFFFFFF  }
0x96: {  	s16 =	sld [smem:$0x12];
	(tm) =	ssettm $0x1  }
0x97: {  	s17 =	sld [smem:$0x3FFB];
	_ =	sdelay $0x3  }
0x98: {  	_ =	strace s17  }
0x99: {  	s3 =	sld [smem:$0x3FFC];
	_ =	sdelay $0x3  }
0x9a: {  	_ =	strace s3  }
0x9b: {  	s3 =	sld [smem:$0x3FFD];
	_ =	sdelay $0x3  }
0x9c: {  	_ =	strace s3  }
0x9d: {  	_ =	strace $0x8FFFFFFF  }
0x9e: {  	s18 =	sld [smem:$0x3FDB];
	_ =	sdelay $0x1  }
0x9f: {  	s19 =	simm.s32 $_scs_section_size  }
0xa0: {  	s5 =	simm.s32 $_size__tile_overlayer_lowered;
	s6 =	simm.s32 $_tile_overlayer_lowered  }
0xa1: {  	s22 =	simm.s32 $0x1BFF;
	s21 =	sshll.u32 s6, $0x1;
	s3 =	sadd.s32 s19, s18  }
0xa2: {  	s7 =	simm.s32 $0x0;
	s20 =	sshll.u32 s5, $0x1;
	s5 =	sadd.s32 s21, s3  }
0xa3: {  	[timem:s7], [sflag:s22] =	dma.local [hbm:s5], s20  }
0xa4: {  	_ =	swait.ge [sflag:s22], s20  }
0xa5: {  	s4 =	ssub.s32 $0x0, s20;
	[sflag:s22] =	ssyncset.done $0x0  }
0xa6: {  	[sflag:s22] =	ssyncadd.s32 s4;
	_ =	sdelay $0x1  }
0xa7: {  	s23 =	simm.s32 $0x1B8B  }
0xa8: {  	_ =	swait.ge [sflag:s23], $0x1  }
0xa9: {  	[sflag:s23] =	ssyncset.done $0x0  }
0xaa: {  	s25 =	simm.s32 $0x1B8E;
	s24 =	sld [smem:$0x3FFE];
	[sflag:s23] =	ssyncadd.s32 $0xFFFFFFFF  }
0xab: {  	s26 =	simm.s32 $execute0_lowered;
	[smem:$0x3FD2] =	sst s25  }
0xac: {  	s5 =	sshll.u32 s26, $0x1;
	_ =	strace $0x8000004C;
	[dreg:$0x1] =	wrdreg $0xFFFFFFFF  }
0xad: {  	s28 =	simm.s32 $_size_execute0_lowered;
	s3 =	sadd.s32 s3, s5;
	[dreg:$0x0] =	wrdreg $0x0  }
0xae: {  	s5 =	sshll.u32 s28, $0x1;
	[dreg:$0x2] =	wrdreg s3  }
0xaf: {  	[dreg:$0x3] =	wrdreg s5  }
0xb0: {  	[dreg:$0x4] =	wrdreg $0xC0  }
0xb1: {  	_ =	task [dreg:s7], $0x5FFFF  }
0xb2: {  	[dreg:$0x1] =	wrdreg $0xFFFFFFFF  }
0xb3: {  	[dreg:$0x0] =	wrdreg $0x60  }
0xb4: {  	[dreg:$0x2] =	wrdreg s24  }
0xb5: {  	[dreg:$0x3] =	wrdreg s16  }
0xb6: {  	[dreg:$0x4] =	wrdreg $0x0  }
0xb7: {  	[dreg:$0x5] =	wrdreg $0x9  }
0xb8: {  	_ =	task.clear_ibuf [dreg:s7], $0x6FFFF;
	_ =	strace $0x9000004C  }
0xb9: {  	s29 =	simm.s32 $0x9;
	_ =	strace $0x8000004E  }
0xba: {  	_ =	swait.ge [sflag:s29], $0x1  }
0xbb: {  	[sflag:s29] =	ssyncadd.s32 $0xFFFFFFFF  }
0xbc: {  	_ =	strace $0x9000004E  }
0xbd: {  	_ =	sfence  }
0xbe: {  	s30 =	sld [smem:$0x0];
	_ =	sdelay $0x2  }
0xbf: {  	s31 =	sshll.u32 s1, $0xD;
	s1 =	sshrl.u32 s1, $0x2  }
0xc0: {  	s3 =	sand.u32 $0x4000, s31;
	s1 =	sadd.s32 s1, s30  }
0xc1: {  	s0 =	sor.u32 s3, s0;
	s1 =	sshll.u32 s1, $0x11  }
0xc2: {  	s0 =	sor.u32 s1, s0  }
0xc3: {  	s0 =	sadd.s32 $0x8F2B, s0  }
0xc4: {  	[sflag:s0] =	ssyncadd.remote.s32 $0x1  }
0xc5: {  	_ =	sfence.sel $0xFFFF  }
0xc6: {  	[dreg:$0x0] =	wrdreg $0xFFFFFFFF;
	(pc) =	sbr.abs _section_cstart, $3  }
0xc7: {  	[dreg:$0x1] =	wrdreg $0xFFFFFFFF  }
0xc8: {  	_ =	task.clear_ibuf [dreg:s7], $0x2FFFF;
	_ =	strace $0x9FFFFFFF  }
0xc9: {  	(tm) =	ssettm $0x7FFFFFFF  }
tec
execute0_lowered:
.L_overlay_start_1:
0x0: {  	(tag) =	ssettag $0x1  }
0x1: {  	s0 =	rddreg [dreg:$0x0]  }
0x2: {  	s1 =	srdreg.scid;
	s2 =	rddreg [dreg:$0x1]  }
0x3: {  	s4 =	stileid.u32;
	s3 =	rddreg [dreg:$0x2]  }
0x4: {  	s6 =	simm.s32 $0x0;
	s28 =	simm.s32 $0x8;
	s7 =	smul.u32 $0x5000, s4  }
0x5: {  	s29 =	simm.s32 $0x0;
	s1 =	sand.u32 $0x1, s1;
	s12 =	smul.u32 $0x140, s4  }
0x6: {  	[smem:$0x7FF] =	sst s6;
	s9 =	sadd.s32 $0x19200, s0;
	s13 =	smul.u32 $0x14000, s4  }
0x7: {  	s8 =	sadd.s32 $0x5200, s0;
	s6 =	simm.s32 $0xE0;
	s17 =	smul.u32 $0x2800, s4  }
0x8: {  	s22 =	sshll.u32 s4, $0x6;
	s5 =	smul.u32 $0x50000, s1;
	_ =	strace $0x8000004D  }
0x9: {  	[dreg:$0x17] =	wrdreg s8;
	s8 =	ssub.s32 $0x2, s1;
	s10 =	ssub.s32 $0x0, s1  }
0xa: {  	p0 =	seq.s32 s1, $0x0;
	s11 =	sshrl.u32 s8, $0x1;
	s10 =	sand.u32 $0xE0, s10  }
0xb: {  	s6 =	simm.s32 @!p0 $0x60;
	s21 =	sadd.s32 s7, s3;
	s5 =	sadd.s32 s7, s5  }
0xc: {  	s11 =	ssub.s32 s8, s11;
	s20 =	sadd.s32 s12, s10;
	s7 =	sor.u32 $0x1C0D, s22  }
0xd: {  	s23 =	sadd.s32 $0xFFFFFFF8, s6;
	s24 =	sadd.s32 $0xFFFFFFF7, s6;
	s25 =	sadd.s32 $0xFFFFFFF6, s6  }
0xe: {  	s14 =	sshll.u32 s10, $0x8;
	s26 =	sadd.s32 $0xFFFFFFF5, s6;
	[dreg:$0x4] =	wrdreg s23  }
0xf: {  	s30 =	sshll.u32 s6, $0x5;
	s1 =	sshll.u32 s10, $0x5;
	[dreg:$0x5] =	wrdreg s24  }
0x10: {  	s22 =	simm.s32 $0x5180;
	s31 =	sshrl.u32 s5, $0x3;
	[dreg:$0x6] =	wrdreg s25  }
0x11: {  	s8 =	sshll.u32 s20, $0x5;
	s13 =	sadd.s32 s14, s13;
	[dreg:$0x7] =	wrdreg s26  }
0x12: {  	[dreg:$0x8] =	wrdreg s30;
	s10 =	smax.u32 s11, $0x1;
	s11 =	sshrl.u32 s21, $0x3  }
0x13: {  	s21 =	simm.s32 $0x5080;
	[dreg:$0x10] =	wrdreg s22;
	s23 =	simm.s32 $0x5280  }
0x14: {  	s24 =	simm.s32 $0x5380;
	s25 =	simm.s32 $0x5480;
	s26 =	simm.s32 $0x5580  }
0x15: {  	s22 =	simm.s32 $0x4;
	s30 =	simm.s32 $0x5680;
	[dreg:$0xf] =	wrdreg s21  }
0x16: {  	s0 =	sadd.s32 s31, s0;
	s8 =	sadd.s32 s9, s8;
	[dreg:$0x11] =	wrdreg s23  }
0x17: {  	s14 =	sor.u32 $0xB00, s13;
	s5 =	sor.u32 $0xA00, s13;
	[dreg:$0x12] =	wrdreg s24  }
0x18: {  	s15 =	sor.u32 $0x900, s13;
	s13 =	sor.u32 $0x800, s13;
	[dreg:$0x13] =	wrdreg s25  }
0x19: {  	s21 =	simm.s32 $0x7800;
	[dreg:$0x14] =	wrdreg s26;
	s23 =	simm.s32 $0x8800  }
0x1a: {  	[dreg:$0x15] =	wrdreg s30;
	s24 =	simm.s32 $0x5;
	s25 =	simm.s32 $0x6  }
0x1b: {  	s26 =	simm.s32 $0x7;
	s31 =	sshrl.u32 s14, $0x3;
	s14 =	sshrl.u32 s5, $0x3  }
0x1c: {  	s15 =	sshrl.u32 s15, $0x3;
	s18 =	sadd.s32 $0xC0, s8;
	s13 =	sshrl.u32 s13, $0x3  }
0x1d: {  	s12 =	sadd.s32 s31, s9;
	s14 =	sadd.s32 s14, s9;
	[dreg:$0xc] =	wrdreg s18  }
0x1e: {  	s16 =	sadd.s32 s15, s9;
	s19 =	sadd.s32 s13, s9;
	[dreg:$0x9] =	wrdreg s12  }
0x1f: {  	s13 =	simm.s32 $0x5000;
	s15 =	simm.s32 $0x5800;
	[dreg:$0xa] =	wrdreg s14  }
0x20: {  	s18 =	simm.s32 $0x1;
	s31 =	simm.s32 $0x5780;
	[dreg:$0xb] =	wrdreg s16  }
0x21: {  	s14 =	sadd.s32 s17, s9;
	s9 =	sadd.s32 $0x68400, s0;
	[dreg:$0xd] =	wrdreg s19  }
0x22: {  	s12 =	simm.s32 $0xD;
	s17 =	simm.s32 $0x6800;
	s1 =	sadd.s32 s1, s14  }
0x23: {  	s19 =	simm.s32 $0x2;
	[dreg:$0x16] =	wrdreg s31;
	s20 =	sadd.s32 $0x80, s1  }
0x24: {  	s14 =	simm.s32 $0x80;
	[dreg:$0xe] =	wrdreg s20;
	s20 =	simm.s32 $0x3  }
.LBB2_1:
0x25: {  	s0 =	rddreg [dreg:$0x17]  }
0x26: {  	[spmem:s11], [sflag:s7] =	dma.local [hbm:s0], $0xA00  }
0x27: {  	_ =	swait.ge [sflag:s12], $0xA00  }
0x28: {  	[sflag:s12] =	ssyncset.done $0x0  }
0x29: {  	s5 =	simm.s32 $0x0;
	[sflag:s12] =	ssyncadd.s32 $0xFFFFF600  }
0x2a: {  	[tilespmem:s13], [sflag:$0xD] =	stream.linear.gather [hbm4b:s8+s5], $0x800, $0x38;
	[tilespmem:$0x9800] =	vst v63  }
0x2b: {  	_ =	swait.ge [sflag:s12], $0x800  }
0x2c: {  	[sflag:s12] =	ssyncset.done $0x0  }
0x2d: {  	[sflag:s12] =	ssyncadd.s32 $0xFFFFF800  }
0x2e: {  	[bflag:$0x0] =	sbarrier.arrive $0xFFFF  }
0x2f: {  	[tilespmem:s15], [sflag:$0x1] =	stream.indirect.gather [hbm4b:s2+s14], $0x20, s13, s14, $0xb8;
	[tilespmem:$0x9800] =	vst v63  }
0x30: {  	s16 =	simm.s32 $0x5100;
	s30 =	simm.s32 $0x0;
	s31 =	simm.s32 $0x0  }
0x31: {  	[tilespmem:s17], [sflag:$0x2] =	stream.indirect.gather [hbm4b:s2+s14], $0x20, s16, s14, $0xb8;
	[tilespmem:$0x9800] =	vst v63  }
.LBB2_2:
0x32: {  	_ =	swait.ge [sflag:s18], $0x1000;
	s1 =	sadd.s32 $0x4, s30  }
0x33: {  	[sflag:s18] =	ssyncset.done $0x0;
	p0 =	sge.u32 s1, s6  }
0x34: {  	s0 =	rddreg [dreg:$0xf];
	[sflag:s18] =	ssyncadd.s32 $0xFFFFF000;
	p1 =	seq.s32 @!p0 s31, $0x0  }
0x35: {  	[spmem:s3] =	stream.indirect.scatter.add.f32 [tilespmem:s15], [sflag:$0x5], $0x20, s0, s14, $0xb8;
	[tilespmem:$0x9800] =	vst v63  }
0x36: {  	s0 =	rddreg [dreg:$0xe];
	p2 =	por p1, p0  }
0x37: {  	s0 =	sadd.s32 @!p2 s31, s0;
	s1 =	simm.s32 @!p2 $0x0;
	s4 =	simm.s32 @!p2 $0x5400  }
0x38: {  	[tilespmem:s4], [sflag:$0x9] =	stream.linear.gather @!p2 [hbm4b:s0+s1], $0x100, $0x38;
	[tilespmem:$0x9800] =	vst v63  }
0x39: {  	s4 =	sadd.s32 $0x2, s30  }
0x3a: {  	p1 =	sge.u32 s4, s6  }
0x3b: {  	p3 =	seq.s32 @!p1 s31, $0x0  }
0x3c: {  	p3 =	por p3, p1  }
0x3d: {  	s0 =	simm.s32 @!p3 $0x7  }
0x3e: {  	_ =	swait.ge @!p3 [sflag:s0], $0x1000  }
0x3f: {  	[sflag:s0] =	ssyncset.done @!p3 $0x0  }
0x40: {  	[sflag:s0] =	ssyncadd.s32 @!p3 $0xFFFFF000;
	s0 =	simm.s32 @!p3 $0xB  }
0x41: {  	_ =	swait.ge @!p3 [sflag:s0], $0x100  }
0x42: {  	s16 =	sadd.s32 $0x5, s30;
	s1 =	simm.s32 @!p1 $0x5200;
	[sflag:s0] =	ssyncset.done @!p3 $0x0  }
0x43: {  	s4 =	simm.s32 @!p1 $0x7800;
	[sflag:s0] =	ssyncadd.s32 @!p3 $0xFFFFFF00;
	s0 =	simm.s32 @!p1 $0x80  }
0x44: {  	[tilespmem:s4], [sflag:$0x3] =	stream.indirect.gather @!p1 [hbm4b:s2+s0], $0x20, s1, s0, $0xb8;
	[tilespmem:$0x9800] =	vst v63  }
0x45: {  	p1 =	sge.u32 s16, s6  }
0x46: {  	_ =	swait.ge [sflag:s19], $0x1000;
	p3 =	seq.s32 @!p1 s31, $0x0  }
0x47: {  	[sflag:s19] =	ssyncset.done $0x0;
	p4 =	por p3, p1  }
0x48: {  	s5 =	rddreg [dreg:$0x10];
	[sflag:s19] =	ssyncadd.s32 $0xFFFFF000;
	s0 =	sadd.s32 @!p4 s31, s8  }
0x49: {  	[spmem:s3] =	stream.indirect.scatter.add.f32 [tilespmem:s17], [sflag:$0x6], $0x20, s5, s14, $0xb8;
	[tilespmem:$0x9800] =	vst v63  }
0x4a: {  	s1 =	simm.s32 @!p4 $0x0;
	s4 =	simm.s32 @!p4 $0x5500;
	s0 =	sadd.s32 @!p4 $0xA0, s0  }
0x4b: {  	[tilespmem:s4], [sflag:$0xA] =	stream.linear.gather @!p4 [hbm4b:s0+s1], $0x100, $0x38;
	[tilespmem:$0x9800] =	vst v63  }
0x4c: {  	s1 =	sadd.s32 $0x3, s30  }
0x4d: {  	p3 =	sge.u32 s1, s6  }
0x4e: {  	p5 =	seq.s32 @!p3 s31, $0x0  }
0x4f: {  	p5 =	por p5, p3  }
0x50: {  	s0 =	simm.s32 @!p5 $0x8  }
0x51: {  	_ =	swait.ge @!p5 [sflag:s0], $0x1000  }
0x52: {  	[sflag:s0] =	ssyncset.done @!p5 $0x0  }
0x53: {  	[sflag:s0] =	ssyncadd.s32 @!p5 $0xFFFFF000;
	s0 =	simm.s32 @!p5 $0xC  }
0x54: {  	_ =	swait.ge @!p5 [sflag:s0], $0x100  }
0x55: {  	s5 =	sadd.s32 $0x6, s30;
	s1 =	simm.s32 @!p3 $0x5300;
	[sflag:s0] =	ssyncset.done @!p5 $0x0  }
0x56: {  	s4 =	simm.s32 @!p3 $0x8800;
	[sflag:s0] =	ssyncadd.s32 @!p5 $0xFFFFFF00;
	s0 =	simm.s32 @!p3 $0x80  }
0x57: {  	[tilespmem:s4], [sflag:$0x4] =	stream.indirect.gather @!p3 [hbm4b:s2+s0], $0x20, s1, s0, $0xb8;
	[tilespmem:$0x9800] =	vst v63  }
0x58: {  	p3 =	sge.u32 s5, s6;
	_ =	swait.ge [sflag:s20], $0x1000  }
0x59: {  	p5 =	seq.s32 @!p3 s31, $0x0;
	s4 =	rddreg [dreg:$0x11];
	[sflag:s20] =	ssyncset.done $0x0  }
0x5a: {  	s0 =	rddreg [dreg:$0xc];
	p5 =	por p5, p3;
	[sflag:s20] =	ssyncadd.s32 $0xFFFFF000  }
0x5b: {  	[spmem:s3] =	stream.indirect.scatter.add.f32 [tilespmem:s21], [sflag:$0x7], $0x20, s4, s14, $0xb8;
	[tilespmem:$0x9800] =	vst v63  }
0x5c: {  	s0 =	sadd.s32 @!p5 s31, s0;
	s1 =	simm.s32 @!p5 $0x0;
	s4 =	simm.s32 @!p5 $0x5600  }
0x5d: {  	[tilespmem:s4], [sflag:$0xB] =	stream.linear.gather @!p5 [hbm4b:s0+s1], $0x100, $0x38;
	[tilespmem:$0x9800] =	vst v63  }
0x5e: {  	s0 =	simm.s32 @!p0 $0x5  }
0x5f: {  	_ =	swait.ge @!p0 [sflag:s0], $0x1000  }
0x60: {  	[sflag:s0] =	ssyncset.done @!p0 $0x0  }
0x61: {  	[sflag:s0] =	ssyncadd.s32 @!p0 $0xFFFFF000;
	s0 =	simm.s32 @!p2 $0x9  }
0x62: {  	_ =	swait.ge @!p2 [sflag:s0], $0x100  }
0x63: {  	s1 =	simm.s32 @!p0 $0x5400;
	[sflag:s0] =	ssyncset.done @!p2 $0x0  }
0x64: {  	s4 =	simm.s32 @!p0 $0x5800;
	[sflag:s0] =	ssyncadd.s32 @!p2 $0xFFFFFF00;
	s0 =	simm.s32 @!p0 $0x80  }
0x65: {  	[tilespmem:s4], [sflag:$0x1] =	stream.indirect.gather @!p0 [hbm4b:s2+s0], $0x20, s1, s0, $0xb8;
	[tilespmem:$0x9800] =	vst v63  }
0x66: {  	p0 =	seq.s32 s31, $0x0;
	s4 =	sadd.s32 $0x7, s30  }
0x67: {  	_ =	swait.ge [sflag:s22], $0x1000;
	p2 =	sge.u32 @!p0 s4, s6  }
0x68: {  	[sflag:s22] =	ssyncset.done $0x0;
	p0 =	por p2, p0  }
0x69: {  	s16 =	rddreg [dreg:$0x12];
	[sflag:s22] =	ssyncadd.s32 $0xFFFFF000;
	s0 =	sadd.s32 @!p0 s31, s8  }
0x6a: {  	[spmem:s3] =	stream.indirect.scatter.add.f32 [tilespmem:s23], [sflag:$0x8], $0x20, s16, s14, $0xb8;
	[tilespmem:$0x9800] =	vst v63  }
0x6b: {  	s1 =	simm.s32 @!p0 $0x0;
	s0 =	sadd.s32 @!p0 $0xE0, s0;
	s16 =	simm.s32 @!p0 $0x5700  }
0x6c: {  	[tilespmem:s16], [sflag:$0xC] =	stream.linear.gather @!p0 [hbm4b:s0+s1], $0x100, $0x38;
	[tilespmem:$0x9800] =	vst v63  }
0x6d: {  	s0 =	simm.s32 @!p1 $0x6  }
0x6e: {  	_ =	swait.ge @!p1 [sflag:s0], $0x1000  }
0x6f: {  	[sflag:s0] =	ssyncset.done @!p1 $0x0  }
0x70: {  	[sflag:s0] =	ssyncadd.s32 @!p1 $0xFFFFF000;
	s0 =	simm.s32 @!p4 $0xA  }
0x71: {  	_ =	swait.ge @!p4 [sflag:s0], $0x100  }
0x72: {  	s1 =	simm.s32 @!p1 $0x5500;
	[sflag:s0] =	ssyncset.done @!p4 $0x0  }
0x73: {  	s16 =	simm.s32 @!p1 $0x6800;
	[sflag:s0] =	ssyncadd.s32 @!p4 $0xFFFFFF00;
	s0 =	simm.s32 @!p1 $0x80  }
0x74: {  	[tilespmem:s16], [sflag:$0x2] =	stream.indirect.gather @!p1 [hbm4b:s2+s0], $0x20, s1, s0, $0xb8;
	[tilespmem:$0x9800] =	vst v63  }
0x75: {  	_ =	swait.ge [sflag:s18], $0x1000  }
0x76: {  	s1 =	rddreg [dreg:$0x13]  }
0x77: {  	[sflag:s18] =	ssyncset.done $0x0;
	s5 =	rddreg [dreg:$0x4]  }
0x78: {  	s16 =	rddreg [dreg:$0xd];
	[sflag:s18] =	ssyncadd.s32 $0xFFFFF000;
	p0 =	sge.u32 s30, s5  }
0x79: {  	[spmem:s3] =	stream.indirect.scatter.add.f32 [tilespmem:s15], [sflag:$0x5], $0x20, s1, s14, $0xb8;
	[tilespmem:$0x9800] =	vst v63  }
0x7a: {  	s0 =	sadd.s32 @!p0 s31, s16;
	s16 =	simm.s32 @!p0 $0x0;
	s1 =	simm.s32 @!p0 $0x5000  }
0x7b: {  	[tilespmem:s1], [sflag:$0x9] =	stream.linear.gather @!p0 [hbm4b:s0+s16], $0x100, $0x38;
	[tilespmem:$0x9800] =	vst v63  }
0x7c: {  	s0 =	simm.s32 @!p3 $0x7  }
0x7d: {  	_ =	swait.ge @!p3 [sflag:s0], $0x1000  }
0x7e: {  	[sflag:s0] =	ssyncset.done @!p3 $0x0  }
0x7f: {  	[sflag:s0] =	ssyncadd.s32 @!p3 $0xFFFFF000;
	s0 =	simm.s32 @!p5 $0xB  }
0x80: {  	_ =	swait.ge @!p5 [sflag:s0], $0x100  }
0x81: {  	s5 =	simm.s32 @!p3 $0x7800;
	[sflag:s0] =	ssyncset.done @!p5 $0x0  }
0x82: {  	s16 =	simm.s32 @!p3 $0x5600;
	[sflag:s0] =	ssyncadd.s32 @!p5 $0xFFFFFF00;
	s0 =	simm.s32 @!p3 $0x80  }
0x83: {  	[tilespmem:s5], [sflag:$0x3] =	stream.indirect.gather @!p3 [hbm4b:s2+s0], $0x20, s16, s0, $0xb8;
	[tilespmem:$0x9800] =	vst v63  }
0x84: {  	_ =	swait.ge [sflag:s19], $0x1000  }
0x85: {  	p2 =	sge.u32 s4, s6;
	s0 =	rddreg [dreg:$0x14]  }
0x86: {  	s4 =	simm.s32 @!p2 $0x8;
	[sflag:s19] =	ssyncset.done $0x0;
	s5 =	rddreg [dreg:$0x5]  }
0x87: {  	s16 =	rddreg [dreg:$0xb];
	[sflag:s19] =	ssyncadd.s32 $0xFFFFF000;
	p1 =	sge.u32 s30, s5  }
0x88: {  	[spmem:s3] =	stream.indirect.scatter.add.f32 [tilespmem:s17], [sflag:$0x6], $0x20, s0, s14, $0xb8;
	[tilespmem:$0x9800] =	vst v63  }
0x89: {  	s5 =	sadd.s32 @!p1 s31, s16;
	s16 =	simm.s32 @!p1 $0x0;
	s0 =	simm.s32 @!p1 $0x5100  }
0x8a: {  	[tilespmem:s0], [sflag:$0xA] =	stream.linear.gather @!p1 [hbm4b:s5+s16], $0x100, $0x38;
	[tilespmem:$0x9800] =	vst v63  }
0x8b: {  	p3 =	seq.s32 @!p2 s31, $0x0;
	_ =	swait.ge @!p2 [sflag:s4], $0x1000  }
0x8c: {  	p3 =	por p3, p2;
	[sflag:s4] =	ssyncset.done @!p2 $0x0  }
0x8d: {  	[sflag:s4] =	ssyncadd.s32 @!p2 $0xFFFFF000;
	s4 =	simm.s32 @!p3 $0xC  }
0x8e: {  	_ =	swait.ge @!p3 [sflag:s4], $0x100  }
0x8f: {  	s5 =	simm.s32 @!p2 $0x5700;
	[sflag:s4] =	ssyncset.done @!p3 $0x0  }
0x90: {  	s16 =	simm.s32 @!p2 $0x8800;
	[sflag:s4] =	ssyncadd.s32 @!p3 $0xFFFFFF00;
	s4 =	simm.s32 @!p2 $0x80  }
0x91: {  	[tilespmem:s16], [sflag:$0x4] =	stream.indirect.gather @!p2 [hbm4b:s2+s4], $0x20, s5, s4, $0xb8;
	[tilespmem:$0x9800] =	vst v63  }
0x92: {  	_ =	swait.ge [sflag:s20], $0x1000  }
0x93: {  	s4 =	rddreg [dreg:$0x15]  }
0x94: {  	[sflag:s20] =	ssyncset.done $0x0;
	s5 =	rddreg [dreg:$0x6]  }
0x95: {  	s16 =	rddreg [dreg:$0xa];
	[sflag:s20] =	ssyncadd.s32 $0xFFFFF000;
	p2 =	sge.u32 s30, s5  }
0x96: {  	[spmem:s3] =	stream.indirect.scatter.add.f32 [tilespmem:s21], [sflag:$0x7], $0x20, s4, s14, $0xb8;
	[tilespmem:$0x9800] =	vst v63  }
0x97: {  	s4 =	sadd.s32 @!p2 s31, s16;
	s5 =	simm.s32 @!p2 $0x0;
	s16 =	simm.s32 @!p2 $0x5200  }
0x98: {  	[tilespmem:s16], [sflag:$0xB] =	stream.linear.gather @!p2 [hbm4b:s4+s5], $0x100, $0x38;
	[tilespmem:$0x9800] =	vst v63  }
0x99: {  	s4 =	simm.s32 @!p0 $0x5  }
0x9a: {  	_ =	swait.ge @!p0 [sflag:s4], $0x1000  }
0x9b: {  	[sflag:s4] =	ssyncset.done @!p0 $0x0  }
0x9c: {  	[sflag:s4] =	ssyncadd.s32 @!p0 $0xFFFFF000;
	s4 =	simm.s32 @!p0 $0x9  }
0x9d: {  	_ =	swait.ge @!p0 [sflag:s4], $0x100  }
0x9e: {  	[sflag:s4] =	ssyncset.done @!p0 $0x0  }
0x9f: {  	s5 =	simm.s32 @!p0 $0x5800;
	[sflag:s4] =	ssyncadd.s32 @!p0 $0xFFFFFF00;
	s4 =	simm.s32 @!p0 $0x80  }
0xa0: {  	[tilespmem:s5], [sflag:$0x1] =	stream.indirect.gather @!p0 [hbm4b:s2+s4], $0x20, s1, s4, $0xb8;
	[tilespmem:$0x9800] =	vst v63  }
0xa1: {  	_ =	swait.ge [sflag:s22], $0x1000  }
0xa2: {  	s4 =	rddreg [dreg:$0x16]  }
0xa3: {  	[sflag:s22] =	ssyncset.done $0x0;
	s16 =	rddreg [dreg:$0x7]  }
0xa4: {  	s5 =	rddreg [dreg:$0x9];
	[sflag:s22] =	ssyncadd.s32 $0xFFFFF000;
	p0 =	sge.u32 s30, s16  }
0xa5: {  	[spmem:s3] =	stream.indirect.scatter.add.f32 [tilespmem:s23], [sflag:$0x8], $0x20, s4, s14, $0xb8;
	[tilespmem:$0x9800] =	vst v63  }
0xa6: {  	s1 =	sadd.s32 @!p0 s31, s5;
	s4 =	simm.s32 @!p0 $0x0;
	s5 =	simm.s32 @!p0 $0x5300  }
0xa7: {  	[tilespmem:s5], [sflag:$0xC] =	stream.linear.gather @!p0 [hbm4b:s1+s4], $0x100, $0x38;
	[tilespmem:$0x9800] =	vst v63  }
0xa8: {  	s1 =	simm.s32 @!p1 $0x6  }
0xa9: {  	_ =	swait.ge @!p1 [sflag:s1], $0x1000  }
0xaa: {  	[sflag:s1] =	ssyncset.done @!p1 $0x0  }
0xab: {  	[sflag:s1] =	ssyncadd.s32 @!p1 $0xFFFFF000;
	s1 =	simm.s32 @!p1 $0xA  }
0xac: {  	_ =	swait.ge @!p1 [sflag:s1], $0x100  }
0xad: {  	s31 =	sadd.s32 $0x100, s31;
	s16 =	rddreg [dreg:$0x8]  }
0xae: {  	p0 =	sne.s32 s16, s31  }
.Ltmp0:
0xaf: {  	_ = 	snop;
	(pc) =	sbr.rel @p0 .LBB2_2-.Ltmp0, $4  }
0xb0: {  	_ = 	snop  }
0xb1: {  	s30 =	sadd.s32 $0x8, s30;
	[sflag:s1] =	ssyncset.done @!p1 $0x0  }
0xb2: {  	s4 =	simm.s32 @!p1 $0x6800;
	[sflag:s1] =	ssyncadd.s32 @!p1 $0xFFFFFF00;
	s1 =	simm.s32 @!p1 $0x80  }
0xb3: {  	[tilespmem:s4], [sflag:$0x2] =	stream.indirect.gather @!p1 [hbm4b:s2+s1], $0x20, s0, s1, $0xb8;
	[tilespmem:$0x9800] =	vst v63  }
0xb4: {  	_ =	swait.ge [sflag:s24], $0x1000  }
0xb5: {  	[sflag:s24] =	ssyncset.done $0x0  }
0xb6: {  	[sflag:s24] =	ssyncadd.s32 $0xFFFFF000  }
0xb7: {  	_ =	swait.ge [sflag:s25], $0x1000  }
0xb8: {  	[sflag:s25] =	ssyncset.done $0x0  }
0xb9: {  	[sflag:s25] =	ssyncadd.s32 $0xFFFFF000  }
0xba: {  	_ =	swait.ge [sflag:s26], $0x1000  }
0xbb: {  	[sflag:s26] =	ssyncset.done $0x0  }
0xbc: {  	[sflag:s26] =	ssyncadd.s32 $0xFFFFF000  }
0xbd: {  	_ =	swait.ge [sflag:s28], $0x1000  }
0xbe: {  	s29 =	sadd.s32 $0x1, s29;
	[sflag:s28] =	ssyncset.done $0x0  }
0xbf: {  	p0 =	sne.s32 s29, s10;
	[sflag:s28] =	ssyncadd.s32 $0xFFFFF000  }
.Ltmp1:
0xc0: {  	[bflag:$0x0] =	sbarrier.arrive $0xFFFF;
	(pc) =	sbr.rel @p0 .LBB2_1-.Ltmp1, $4  }
0xc1: {  	[hbm:s9], [sflag:s7] =	dma.local [spmem:s11], $0xA00  }
0xc2: {  	_ =	swait.ge [sflag:s12], $0xA00  }
0xc3: {  	[sflag:s12] =	ssyncset.done $0x0  }
0xc4: {  	[sflag:s12] =	ssyncadd.s32 $0xFFFFF600  }
0xc5: {  	_ =	sfence.sel $0x180000  }
0xc6: {  	[bflag:$0x0] =	sbarrier.arrive $0xFFFF  }
0xc7: {  	_ =	strace $0x9000004D  }
0xc8: {  	s0 =	stileid.u32;
	[bflag:$0x2] =	sbarrier.arrive $0xFFFF  }
0xc9: {  	p0 =	sne.s32 s0, $0x0;
	s0 =	rddreg [dreg:$0x3]  }
0xca: {  	s0 =	sadd.s32 @!p0 $0x100000, s0  }
0xcb: {  	[sflag:s0] =	ssyncadd.tile.s32 @!p0 $0x1;
	_ =	shalt  }
.Lfunc_end2:
_tile_overlayer_lowered:
.L_overlay_start_2:
0xcc: {  	(tag) =	ssettag $0x2  }
0xcd: {  	s0 =	rddreg [dreg:$0x0];
	s2 =	stileid.u32  }
0xce: {  	s1 =	rddreg [dreg:$0x1];
	p0 =	sne.s32 s2, $0x0  }
0xcf: {  	s3 =	rddreg [dreg:$0x2];
	[bflag:$0x3] =	sbarrier.arrive $0xFFFF;
	s2 =	simm.s32 @!p0 $0x1C0D  }
0xd0: {  	[timem:s3], [sflag:s2] =	dma.local @!p0 [hbm:s0], s1  }
0xd1: {  	s0 =	simm.s32 @!p0 $0xD  }
0xd2: {  	_ =	swait.ge @!p0 [sflag:s0], s1  }
0xd3: {  	s1 =	ssub.s32 @!p0 $0x0, s1;
	[sflag:s0] =	ssyncset.done @!p0 $0x0  }
0xd4: {  	[sflag:s0] =	ssyncadd.s32 @!p0 s1  }
0xd5: {  	[bflag:$0x3] =	sbarrier.arrive $0xFFFF  }
0xd6: {  	_ =	shalt  }

// kernel: kernel.8.cloned.1.call-start
scs
__scs_entry_jumppad:
0x0: {  	(pc) =	sbr.rel $0x88, $3  }
0x1: {  	(tag) =	ssettag $0x0;
	lr =	simm.s32 $0x1  }
0x2: {  	[smem:$0x3F8E] =	sst lr;
	_ =	strace $0xD0000000  }
0x3: {  	_ = 	snop  }
0x4: {  	_ = 	snop  }
0x5: {  	_ = 	snop  }
0x6: {  	_ = 	snop  }
0x7: {  	_ = 	snop  }
__scs_overlays_trampoline_lowered:
0x8: {  	[smem:$0x3F9D] =	sst s0  }
0x9: {  	[smem:$0x3F9E] =	sst s1  }
0xa: {  	[smem:$0x3F9F] =	sst s2  }
0xb: {  	[smem:$0x3FA0] =	sst s3  }
0xc: {  	[smem:$0x3FA1] =	sst s4  }
0xd: {  	[smem:$0x3FA2] =	sst s5  }
0xe: {  	[smem:$0x3FA3] =	sst s6  }
0xf: {  	[smem:$0x3FA4] =	sst s7  }
0x10: {  	[smem:$0x3FA5] =	sst s8  }
0x11: {  	[smem:$0x3FA6] =	sst s9;
	s0 =	simm.s32 @!p0 $0x0  }
0x12: {  	s1 =	sld [smem:$0x3F8C];
	s0 =	simm.s32 @p0 $0x1  }
0x13: {  	[smem:$0x3FA7] =	sst s0;
	s0 =	simm.s32 @!p1 $0x0  }
0x14: {  	s2 =	sld [smem:$0x3F8B];
	s0 =	simm.s32 @p1 $0x1  }
0x15: {  	[smem:$0x3FA8] =	sst s0;
	s0 =	simm.s32 @!p2 $0x0  }
0x16: {  	s3 =	sld [smem:$0x3FDB];
	s0 =	simm.s32 @p2 $0x1  }
0x17: {  	s4 =	simm.s32 $0x1BF5;
	[smem:$0x3FAA] =	sst s0  }
0x18: {  	s0 =	sld [smem:$0x3F8D];
	_ =	swait.ge [sflag:s4], $0x0  }
0x19: {  	s7 =	sld [smem:$0x3F8E]  }
0x1a: {  	s8 =	sadd.s32 $0xFFFFE003, lr  }
0x1b: {  	s9 =	sadd.s32 $0xFFFFFEF7, lr;
	s5 =	simm.s32 $0xFFFFFFFF;
	p2 =	slt.u32 s8, $0xFFFFF086  }
0x1c: {  	p1 =	slt.u32 s9, $0xF7A;
	s5 =	simm.s32 @!p2 $0x0  }
0x1d: {  	s5 =	simm.s32 @p1 $0x1;
	p0 =	seq.s32 s7, s2  }
0x1e: {  	s7 =	smul.u32 @!p0 $0xF7A, s2;
	p2 =	seq.s32 @!p0 s5, $0x0  }
0x1f: {  	s9 =	smul.u32 $0xF7A, s1;
	s8 =	simm.s32 @!p0 $0x1BF5;
	p2 =	por !p2, p0  }
0x20: {  	[sflag:s8] =	ssyncset.s32 @!p0 $0xFFFFF086;
	s6 =	sadd.s32 @!p0 s3, s7;
	s7 =	simm.s32 @!p0 $0x108  }
0x21: {  	s3 =	sadd.s32 s3, s9;
	s6 =	sadd.s32 @!p0 $0x88, s6;
	s7 =	simm.s32 @p2 $0x1082  }
0x22: {  	[simem:s7], [sflag:s8] =	dma.local @!p0 [hbm:s6], $0xF7A  }
0x23: {  	s9 =	sor.u32 $0xD0000000, s2;
	s6 =	simm.s32 $0x108;
	_ =	swait.ge @!p0 [sflag:s8], $0x0  }
0x24: {  	s3 =	sadd.s32 $0x88, s3;
	s6 =	simm.s32 @!p1 $0x1082;
	[sflag:s4] =	ssyncset.s32 $0xFFFFF086  }
0x25: {  	[simem:s6], [sflag:s4] =	dma.local [hbm:s3], $0xF7A  }
0x26: {  	[smem:$0x3F8E] =	sst s1;
	(tag) =	ssettag s2;
	_ =	strace s9  }
0x27: {  	s1 =	sld [smem:$0x3F9E]  }
0x28: {  	s2 =	sld [smem:$0x3F9F]  }
0x29: {  	s4 =	sld [smem:$0x3FA1]  }
0x2a: {  	p0 =	seq.s32 s5, $0x0;
	s5 =	sld [smem:$0x3FA2]  }
0x2b: {  	s6 =	sld [smem:$0x3FA3]  }
0x2c: {  	s7 =	sld [smem:$0x3FA4]  }
0x2d: {  	s3 =	simm.s32 $0x108;
	s8 =	sld [smem:$0x3FA5]  }
0x2e: {  	s3 =	simm.s32 @!p0 $0x1082;
	s9 =	sld [smem:$0x3FA6]  }
0x2f: {  	lr =	sadd.s32 s0, s3;
	s0 =	sld [smem:$0x3F9D]  }
0x30: {  	s3 =	sld [smem:$0x3FA0]  }
0x31: {  	[smem:$0x3FA9] =	sst s10  }
0x32: {  	s10 =	sld [smem:$0x3FA7];
	_ =	sdelay $0x3  }
0x33: {  	p0 =	seq.s32 s10, $0x1;
	s10 =	sld [smem:$0x3FA9];
	_ =	sdelay $0x3  }
0x34: {  	[smem:$0x3FA9] =	sst s10  }
0x35: {  	s10 =	sld [smem:$0x3FA8];
	_ =	sdelay $0x3  }
0x36: {  	p1 =	seq.s32 s10, $0x1;
	s10 =	sld [smem:$0x3FA9];
	_ =	sdelay $0x3  }
0x37: {  	[smem:$0x3FA9] =	sst s10  }
0x38: {  	s10 =	sld [smem:$0x3FAA]  }
0x39: {  	_ = 	snop;
	(pc) =	sbr.ind lr, $3  }
0x3a: {  	_ = 	snop  }
0x3b: {  	_ = 	snop  }
0x3c: {  	p2 =	seq.s32 s10, $0x1;
	s10 =	sld [smem:$0x3FA9]  }
0x3d: {  	_ =	shalt  }
0x3e: {  	_ =	shalt  }
0x3f: {  	_ =	shalt  }
0x40: {  	_ =	shalt  }
0x41: {  	_ =	shalt  }
0x42: {  	_ =	shalt  }
0x43: {  	_ =	shalt  }
0x44: {  	_ =	shalt  }
0x45: {  	_ =	shalt  }
0x46: {  	_ =	shalt  }
0x47: {  	_ =	shalt  }
0x48: {  	_ =	shalt  }
0x49: {  	_ =	shalt  }
0x4a: {  	_ =	shalt  }
0x4b: {  	_ =	shalt  }
0x4c: {  	_ =	shalt  }
0x4d: {  	_ =	shalt  }
0x4e: {  	_ =	shalt  }
0x4f: {  	_ =	shalt  }
0x50: {  	_ =	shalt  }
0x51: {  	_ =	shalt  }
0x52: {  	_ =	shalt  }
0x53: {  	_ =	shalt  }
0x54: {  	_ =	shalt  }
0x55: {  	_ =	shalt  }
0x56: {  	_ =	shalt  }
0x57: {  	_ =	shalt  }
0x58: {  	_ =	shalt  }
0x59: {  	_ =	shalt  }
0x5a: {  	_ =	shalt  }
0x5b: {  	_ =	shalt  }
0x5c: {  	_ =	shalt  }
0x5d: {  	_ =	shalt  }
0x5e: {  	_ =	shalt  }
0x5f: {  	_ =	shalt  }
0x60: {  	_ =	shalt  }
0x61: {  	_ =	shalt  }
0x62: {  	_ =	shalt  }
0x63: {  	_ =	shalt  }
0x64: {  	_ =	shalt  }
0x65: {  	_ =	shalt  }
0x66: {  	_ =	shalt  }
0x67: {  	_ =	shalt  }
0x68: {  	_ =	shalt  }
0x69: {  	_ =	shalt  }
0x6a: {  	_ =	shalt  }
0x6b: {  	_ =	shalt  }
0x6c: {  	_ =	shalt  }
0x6d: {  	_ =	shalt  }
0x6e: {  	_ =	shalt  }
0x6f: {  	_ =	shalt  }
0x70: {  	_ =	shalt  }
0x71: {  	_ =	shalt  }
0x72: {  	_ =	shalt  }
0x73: {  	_ =	shalt  }
0x74: {  	_ =	shalt  }
0x75: {  	_ =	shalt  }
0x76: {  	_ =	shalt  }
0x77: {  	_ =	shalt  }
0x78: {  	_ =	shalt  }
0x79: {  	_ =	shalt  }
0x7a: {  	_ =	shalt  }
0x7b: {  	_ =	shalt  }
0x7c: {  	_ =	shalt  }
0x7d: {  	_ =	shalt  }
0x7e: {  	_ =	shalt  }
0x7f: {  	_ =	shalt  }
0x80: {  	_ =	shalt  }
0x81: {  	_ =	shalt  }
0x82: {  	_ =	shalt  }
0x83: {  	_ =	shalt  }
0x84: {  	_ =	shalt  }
0x85: {  	_ =	shalt  }
0x86: {  	_ =	shalt  }
0x87: {  	_ =	shalt  }
.Lfunc_end0:
.L_simem_size_0:
called_computation_lowered:
.L_overlay_start_0:
0x88: {  	s2 =	sld [smem:$0x3FD9]  }
0x89: {  	s3 =	sld [smem:$0x3FFE];
	_ =	sdelay $0x1  }
0x8a: {  	s1 =	srdreg.scid  }
0x8b: {  	s0 =	sand.u32 $0x1, s1  }
0x8c: {  	s14 =	sshll.u32 s0, $0xA;
	s2 =	sadd.s32 s3, s2  }
0x8d: {  	s2 =	sadd.s32 s2, s14  }
0x8e: {  	[smem:$0x3FB5] =	sst s2  }
0x8f: {  	_ = 	snop  }
0x90: {  	s2 =	sld [smem:$0x3FD0];
	_ =	sdelay $0x2  }
0x91: {  	s15 =	simm.s32 $0xA;
	s4 =	simm.s32 $0x10  }
0x92: {  	[smem:s4], [sflag:s15] =	dma.local [hbm:s2], $0x1  }
0x93: {  	_ =	swait.eq [sflag:s15], $0x1  }
0x94: {  	[sflag:s15] =	ssyncset.done $0x0  }
0x95: {  	[sflag:s15] =	ssyncadd.s32 $0xFFFFFFFF  }
0x96: {  	s16 =	sld [smem:$0x12];
	(tm) =	ssettm $0x1  }
0x97: {  	s17 =	sld [smem:$0x3FFB];
	_ =	sdelay $0x3  }
0x98: {  	_ =	strace s17  }
0x99: {  	s3 =	sld [smem:$0x3FFC];
	_ =	sdelay $0x3  }
0x9a: {  	_ =	strace s3  }
0x9b: {  	s3 =	sld [smem:$0x3FFD];
	_ =	sdelay $0x3  }
0x9c: {  	_ =	strace s3  }
0x9d: {  	_ =	strace $0x8FFFFFFF  }
0x9e: {  	s18 =	sld [smem:$0x3FDB];
	_ =	sdelay $0x1  }
0x9f: {  	s19 =	simm.s32 $_scs_section_size  }
0xa0: {  	s5 =	simm.s32 $_size__tile_overlayer_lowered;
	s6 =	simm.s32 $_tile_overlayer_lowered  }
0xa1: {  	s22 =	simm.s32 $0x1BFF;
	s21 =	sshll.u32 s6, $0x1;
	s3 =	sadd.s32 s19, s18  }
0xa2: {  	s7 =	simm.s32 $0x0;
	s20 =	sshll.u32 s5, $0x1;
	s5 =	sadd.s32 s21, s3  }
0xa3: {  	[timem:s7], [sflag:s22] =	dma.local [hbm:s5], s20  }
0xa4: {  	_ =	swait.ge [sflag:s22], s20  }
0xa5: {  	s4 =	ssub.s32 $0x0, s20;
	[sflag:s22] =	ssyncset.done $0x0  }
0xa6: {  	[sflag:s22] =	ssyncadd.s32 s4;
	_ =	sdelay $0x1  }
0xa7: {  	s23 =	simm.s32 $0x1B8B  }
0xa8: {  	_ =	swait.ge [sflag:s23], $0x1  }
0xa9: {  	[sflag:s23] =	ssyncset.done $0x0  }
0xaa: {  	s25 =	simm.s32 $0x1B8E;
	s24 =	sld [smem:$0x3FFE];
	[sflag:s23] =	ssyncadd.s32 $0xFFFFFFFF  }
0xab: {  	s26 =	simm.s32 $execute0_lowered;
	[smem:$0x3FD2] =	sst s25  }
0xac: {  	s5 =	sshll.u32 s26, $0x1;
	_ =	strace $0x80000046;
	[dreg:$0x1] =	wrdreg $0xFFFFFFFF  }
0xad: {  	s28 =	simm.s32 $_size_execute0_lowered;
	s3 =	sadd.s32 s3, s5;
	[dreg:$0x0] =	wrdreg $0x0  }
0xae: {  	s5 =	sshll.u32 s28, $0x1;
	[dreg:$0x2] =	wrdreg s3  }
0xaf: {  	[dreg:$0x3] =	wrdreg s5  }
0xb0: {  	[dreg:$0x4] =	wrdreg $0xC0  }
0xb1: {  	_ =	task [dreg:s7], $0x5FFFF  }
0xb2: {  	[dreg:$0x1] =	wrdreg $0xFFFFFFFF  }
0xb3: {  	[dreg:$0x0] =	wrdreg $0x60  }
0xb4: {  	[dreg:$0x2] =	wrdreg s24  }
0xb5: {  	[dreg:$0x3] =	wrdreg s16  }
0xb6: {  	[dreg:$0x4] =	wrdreg $0x9  }
0xb7: {  	_ =	task.clear_ibuf [dreg:s7], $0x5FFFF;
	_ =	strace $0x90000046  }
0xb8: {  	s29 =	simm.s32 $0x9;
	_ =	strace $0x80000048  }
0xb9: {  	_ =	swait.ge [sflag:s29], $0x1  }
0xba: {  	[sflag:s29] =	ssyncadd.s32 $0xFFFFFFFF  }
0xbb: {  	_ =	strace $0x90000048  }
0xbc: {  	_ =	sfence  }
0xbd: {  	s30 =	sld [smem:$0x0];
	_ =	sdelay $0x2  }
0xbe: {  	s31 =	sshll.u32 s1, $0xD;
	s1 =	sshrl.u32 s1, $0x2  }
0xbf: {  	s3 =	sand.u32 $0x4000, s31;
	s1 =	sadd.s32 s1, s30  }
0xc0: {  	s0 =	sor.u32 s3, s0;
	s1 =	sshll.u32 s1, $0x11  }
0xc1: {  	s0 =	sor.u32 s1, s0  }
0xc2: {  	s0 =	sadd.s32 $0x8F2B, s0  }
0xc3: {  	[sflag:s0] =	ssyncadd.remote.s32 $0x1  }
0xc4: {  	_ =	sfence.sel $0xFFFF  }
0xc5: {  	[dreg:$0x0] =	wrdreg $0xFFFFFFFF;
	(pc) =	sbr.abs _section_cstart, $3  }
0xc6: {  	[dreg:$0x1] =	wrdreg $0xFFFFFFFF  }
0xc7: {  	_ =	task.clear_ibuf [dreg:s7], $0x2FFFF;
	_ =	strace $0x9FFFFFFF  }
0xc8: {  	(tm) =	ssettm $0x7FFFFFFF  }
0xc9: {  	_ =	shalt  }
tec
execute0_lowered:
.L_overlay_start_1:
0x0: {  	(tag) =	ssettag $0x1  }
0x1: {  	s0 =	srdreg.scid  }
0x2: {  	s4 =	rddreg [dreg:$0x0];
	s3 =	sand.u32 $0x1, s0  }
0x3: {  	s5 =	rddreg [dreg:$0x1];
	s0 =	stileid.u32;
	s1 =	sshll.u32 s3, $0x4  }
0x4: {  	s2 =	simm.s32 $0x0;
	s9 =	simm.s32 $0x400;
	s6 =	sor.u32 s0, s1  }
0x5: {  	s10 =	simm.s32 $0x0;
	[smem:$0x7FF] =	sst s2;
	s7 =	sshrl.u32 s6, $0x3  }
0x6: {  	s8 =	sshll.u32 s0, $0x7;
	s3 =	ssub.s32 $0x2, s3;
	s7 =	smul.u32 $0x14000, s7  }
0x7: {  	s1 =	rddreg [dreg:$0x2];
	s8 =	sand.u32 $0x380, s8;
	s6 =	smul.u32 $0xA00, s6  }
0x8: {  	_ =	strace $0x80000047;
	s31 =	sshrl.u32 s3, $0x1;
	s7 =	sor.u32 s8, s7  }
0x9: {  	s4 =	sadd.s32 s6, s4;
	s6 =	ssub.s32 s3, s31;
	s7 =	sshrl.u32 s7, $0x3  }
0xa: {  	s3 =	sadd.s32 $0x5200, s4;
	s8 =	simm.s32 $0x80;
	s4 =	sadd.s32 s5, s7  }
0xb: {  	v0 =	vimm.f32 $0.0e+00;
	s5 =	smax.u32 s6, $0x1;
	s6 =	simm.s32 $0x2800;
	s7 =	simm.s32 $0x1  }
.LBB2_1:
0xc: {  	s11 =	simm.s32 $0x40;
	s12 =	simm.s32 $0x0  }
.LBB2_2:
0xd: {  	p0 =	sne.s32 s11, $0x9FC0;
	[tilespmem:s12+$0x0] =	vst v0;
	s12 =	smov.u32 s11;
	s11 =	sadd.s32 $0x40, s11  }
.Ltmp0:
0xe: {  	(pc) =	sbr.rel @p0 .LBB2_2-.Ltmp0, $2  }
0xf: {  	_ =	sdelay $0x2  }
0x10: {  	s12 =	sshra.s32 s12, $0x2  }
0x11: {  	[tilespmem:s12+$0x0] =	vst v0;
	s11 =	simm.s32 $0x0  }
0x12: {  	[tilespmem:s6], [sflag:$0x1] =	stream.linear.gather [hbm4b:s3+s11], $0x5000, $0x38;
	[tilespmem:$0x7800] =	vst v63  }
0x13: {  	_ =	swait.ge [sflag:s7], $0x5000  }
0x14: {  	[sflag:s7] =	ssyncset.done $0x0  }
0x15: {  	s12 =	simm.s32 $0x0;
	s11 =	simm.s32 $0x40;
	[sflag:s7] =	ssyncadd.s32 $0xFFFFB000  }
.LBB2_4:
0x16: {  	p0 =	sne.s32 s11, $0x13FC0;
	v1 =	vld [tilespmem:s12+$0x2800];
	_ =	sdelay $0x4  }
0x17: {  	(xrf1) =	vunique.msk.u32 $0xffff, v1;
	_ =	sdelay $0xd  }
0x18: {  	_, v2, vm0 =	vpop (xrf1);
	_ =	sdelay $0x1  }
.Ltmp1:
0x19: {  	(pc) =	sbr.rel @p0 .LBB2_4-.Ltmp1, $3  }
0x1a: {  	_ = 	snop  }
0x1b: {  	v2 =	vcvt.s32.f32 v2;
	_ =	sdelay $0x1  }
0x1c: {  	s12 =	sshra.s32 s11, $0x2;
	s11 =	sadd.s32 $0x40, s11;
	[tilespmem:v1+s2+$0x0] =	vst.idx.add.f32.msk vm0, v2  }
0x1d: {  	v1 =	vld [tilespmem:s12+$0x2800];
	_ =	sdelay $0x4  }
0x1e: {  	(xrf1) =	vunique.msk.u32 $0xffff, v1;
	_ =	sdelay $0xd  }
0x1f: {  	_, v2, vm0 =	vpop (xrf1);
	_ =	sdelay $0x3  }
0x20: {  	s10 =	sadd.s32 $0x1, s10;
	v2 =	vcvt.s32.f32 v2  }
0x21: {  	p0 =	sne.s32 s10, s5  }
.Ltmp2:
0x22: {  	[tilespmem:v1+s2+$0x0] =	vst.idx.add.f32.msk vm0, v2;
	(pc) =	sbr.rel @p0 .LBB2_1-.Ltmp2, $4  }
0x23: {  	[hbm4b:s4+s8] =	stream.strided.scatter [tilespmem:s2], [sflag:$0x1], $0x2800, s9, s8, $0x38;
	[tilespmem:$0x7800] =	vst v63  }
0x24: {  	_ =	swait.ge [sflag:s7], $0x2800  }
0x25: {  	[sflag:s7] =	ssyncset.done $0x0  }
0x26: {  	[sflag:s7] =	ssyncadd.s32 $0xFFFFD800  }
0x27: {  	_ =	sfence.sel $0x180000  }
0x28: {  	[bflag:$0x0] =	sbarrier.arrive $0xFFFF  }
0x29: {  	p0 =	sne.s32 s0, $0x0;
	_ =	strace $0x90000047  }
0x2a: {  	s0 =	sadd.s32 @!p0 $0x100000, s1;
	[bflag:$0x2] =	sbarrier.arrive $0xFFFF  }
0x2b: {  	[sflag:s0] =	ssyncadd.tile.s32 @!p0 $0x1;
	_ =	shalt  }
.Lfunc_end2:
_tile_overlayer_lowered:
.L_overlay_start_2:
0x2c: {  	(tag) =	ssettag $0x2  }
0x2d: {  	s0 =	rddreg [dreg:$0x0];
	s2 =	stileid.u32  }
0x2e: {  	s1 =	rddreg [dreg:$0x1];
	p0 =	sne.s32 s2, $0x0  }
0x2f: {  	s3 =	rddreg [dreg:$0x2];
	[bflag:$0x3] =	sbarrier.arrive $0xFFFF;
	s2 =	simm.s32 @!p0 $0x1C01  }
0x30: {  	[timem:s3], [sflag:s2] =	dma.local @!p0 [hbm:s0], s1  }
0x31: {  	s0 =	simm.s32 @!p0 $0x1  }
0x32: {  	_ =	swait.ge @!p0 [sflag:s0], s1  }
0x33: {  	s1 =	ssub.s32 @!p0 $0x0, s1;
	[sflag:s0] =	ssyncset.done @!p0 $0x0  }
0x34: {  	[sflag:s0] =	ssyncadd.s32 @!p0 s1  }
0x35: {  	[bflag:$0x3] =	sbarrier.arrive $0xFFFF  }
0x36: {  	_ =	shalt  }

</sc_bundles>
